<compile_context>
chip_gen: v7x
topology: tpu7x:2x2x1
jax: 0.10.2.dev20260603
libtpu: 0.0.44.dev20260713+nightly
codegen_flags: <defaults>
</compile_context>

<pallas_src>
import functools
import jax
import jax.numpy as jnp
import numpy as np
from jax import lax
from jax.experimental import pallas as pl
from jax.experimental.pallas import tpu as pltpu
from jax.experimental.pallas import tpu_sc as plsc

FFT_LEN = 512
HALF = FFT_LEN // 2
OUT_LEN = 96
ROW_PAD = 128
EPS = 1e-5
NEXP = 8
B = 4096
R = 1024
LANES = 16
NWORK = 32
TPW = B // NWORK


def _dft_bases():
    t = np.arange(FFT_LEN)[:, None].astype(np.float64)
    j = np.arange(HALF)[None, :].astype(np.float64)
    ang = 2.0 * np.pi * t * j / FFT_LEN
    scale = 1.0 / np.sqrt(FFT_LEN)
    fc = (np.cos(ang) * scale).astype(np.float32)
    fs = (np.sin(ang) * scale).astype(np.float32)
    return jnp.asarray(fc), jnp.asarray(fs)


def _tc_body(x_ref, fc_ref, fs_ref, wall_ref, ball_ref, gwt_ref, gb_ref,
             gate_ref, table_ref):
    x = x_ref[...]
    m = jnp.mean(x, axis=1, keepdims=True)
    x0 = x - m
    var = jnp.mean(x0 * x0, axis=1, keepdims=True)
    s = jnp.sqrt(var + EPS)
    re = jnp.dot(x0, fc_ref[...], preferred_element_type=jnp.float32,
                 precision=jax.lax.Precision.HIGHEST)
    im = jnp.dot(x0, fs_ref[...], preferred_element_type=jnp.float32,
                 precision=jax.lax.Precision.HIGHEST)
    p = re * re + im * im
    sp = jnp.sum(p, axis=1, keepdims=True)
    sp = jnp.where(sp == 0.0, 1.0, sp)
    inorm = p / sp
    q = jnp.dot(inorm, gwt_ref[...], preferred_element_type=jnp.float32)
    gate_ref[:, 0:NEXP] = q + gb_ref[...]
    xn = x0 / s
    y = jnp.dot(xn, wall_ref[...], preferred_element_type=jnp.float32)
    ball = ball_ref[...]
    table_ref[0, :, 0:OUT_LEN] = jnp.broadcast_to(m, (R, OUT_LEN))
    table_ref[1, :, 0:OUT_LEN] = jnp.broadcast_to(
        x[:, FFT_LEN - 1:FFT_LEN], (R, OUT_LEN))
    for e in range(6):
        table_ref[2 + e, :, 0:OUT_LEN] = (
            y[:, e * OUT_LEN:(e + 1) * OUT_LEN] + ball[e:e + 1, :]) * s + m


def _tc_stage(x, gate_W, gate_b, expert_W, expert_b):
    fc, fs = _dft_bases()
    wall = expert_W.reshape(6 * OUT_LEN, FFT_LEN).T
    gwt = gate_W.T
    gb = gate_b.reshape(1, NEXP)
    gate_t, table = pl.pallas_call(
        _tc_body,
        grid=(B // R,),
        in_specs=[
            pl.BlockSpec((R, FFT_LEN), lambda i: (i, 0)),
            pl.BlockSpec((FFT_LEN, HALF), lambda i: (0, 0)),
            pl.BlockSpec((FFT_LEN, HALF), lambda i: (0, 0)),
            pl.BlockSpec((FFT_LEN, 6 * OUT_LEN), lambda i: (0, 0)),
            pl.BlockSpec((6, OUT_LEN), lambda i: (0, 0)),
            pl.BlockSpec((HALF, NEXP), lambda i: (0, 0)),
            pl.BlockSpec((1, NEXP), lambda i: (0, 0)),
        ],
        out_specs=[
            pl.BlockSpec((R, ROW_PAD), lambda i: (i, 0)),
            pl.BlockSpec((NEXP, R, ROW_PAD), lambda i: (0, i, 0)),
        ],
        out_shape=[
            jax.ShapeDtypeStruct((B, ROW_PAD), jnp.float32),
            jax.ShapeDtypeStruct((NEXP, B, ROW_PAD), jnp.float32),
        ],
    )(x, fc, fs, wall, expert_b, gwt, gb)
    return gate_t, table


_SC_MESH = plsc.VectorSubcoreMesh(core_axis_name="c", subcore_axis_name="s")


@functools.partial(
    pl.kernel,
    mesh=_SC_MESH,
    compiler_params=pltpu.CompilerParams(needs_layout_passes=False),
    out_type=jax.ShapeDtypeStruct((B, OUT_LEN), jnp.float32),
    scratch_types=[
        pltpu.VMEM((TPW, ROW_PAD), jnp.float32),
        pltpu.VMEM((TPW,), jnp.float32),
        pltpu.VMEM((TPW,), jnp.float32),
        pltpu.VMEM((TPW, ROW_PAD), jnp.float32),
        pltpu.VMEM((TPW, ROW_PAD), jnp.float32),
        pltpu.VMEM((TPW, OUT_LEN), jnp.float32),
        pltpu.SemaphoreType.DMA,
    ],
)
def _sc_route(gate_hbm, table_hbm, out_hbm, gate_v,
              w1_v, w2_v, rows1_v, rows2_v, out_v, sem):
    wid = lax.axis_index("s") * 2 + lax.axis_index("c")
    base = wid * TPW
    pltpu.sync_copy(gate_hbm.at[pl.ds(base, TPW)], gate_v)
    lane = lax.iota(jnp.int32, LANES)
    cps = []
    for g in range(TPW // LANES):
        t = lane + g * LANES
        gv = [plsc.load_gather(gate_v, [t, jnp.full((LANES,), e, jnp.int32)])
              for e in range(NEXP)]
        m1 = gv[0]
        i1 = jnp.zeros((LANES,), jnp.int32)
        for e in range(1, NEXP):
            upd = gv[e] > m1
            m1 = jnp.where(upd, gv[e], m1)
            i1 = jnp.where(upd, jnp.full((LANES,), e, jnp.int32), i1)
        m2 = jnp.full((LANES,), -3.0e38, jnp.float32)
        i2 = jnp.zeros((LANES,), jnp.int32)
        for e in range(NEXP):
            c = jnp.where(i1 == e, jnp.full((LANES,), -3.0e38, jnp.float32),
                          gv[e])
            upd = c > m2
            m2 = jnp.where(upd, c, m2)
            i2 = jnp.where(upd, jnp.full((LANES,), e, jnp.int32), i2)
        w1 = 1.0 / (1.0 + jnp.exp(m2 - m1))
        tok = base + t
        cps.append(pltpu.async_copy(
            table_hbm.at[i1 * B + tok], rows1_v.at[pl.ds(g * LANES, LANES)],
            sem))
        cps.append(pltpu.async_copy(
            table_hbm.at[i2 * B + tok], rows2_v.at[pl.ds(g * LANES, LANES)],
            sem))
        w1_v[pl.ds(g * LANES, LANES)] = w1
        w2_v[pl.ds(g * LANES, LANES)] = 1.0 - w1
    for cp in cps:
        cp.wait()
    def combine_group(g, carry):
        w1g = w1_v[pl.ds(g * LANES, LANES)]
        w2g = w2_v[pl.ds(g * LANES, LANES)]
        for lt in range(LANES):
            msk = lane == lt
            w1s = jnp.sum(jnp.where(msk, w1g, 0.0))
            w2s = jnp.sum(jnp.where(msk, w2g, 0.0))
            tok = g * LANES + lt
            for k in range(OUT_LEN // LANES):
                r1 = rows1_v[tok, pl.ds(k * LANES, LANES)]
                r2 = rows2_v[tok, pl.ds(k * LANES, LANES)]
                out_v[tok, pl.ds(k * LANES, LANES)] = w1s * r1 + w2s * r2
        return carry

    lax.fori_loop(0, TPW // LANES, combine_group, 0)
    pltpu.sync_copy(out_v, out_hbm.at[pl.ds(base, TPW)])


def kernel(x, gate_W, gate_b, expert_W, expert_b):
    gate, table = _tc_stage(x, gate_W, gate_b, expert_W, expert_b)
    return _sc_route(gate, table.reshape(B * NEXP, ROW_PAD))

# --- scband reference (transcript-rebuilt; emitter-appended) ---
"""Pipeline reference for scband-model-48928267436601 (READ-ONLY COPY).

The authoritative reference and input builder live on the scoring server;
editing this copy changes nothing except your own understanding.
"""

import jax, jax.numpy as jnp
import numpy as np

FFT_LEN = 512
TOPK = 2
MOE_TEMP = 1.0
OUT_LEN = 96
EPS = 1e-5
NUM_RLINEAR = 6  # experts: [Mean, Naive, RLinear x6] -> 8 total


def setup_inputs(seed: int = 0) -> dict:
    key = jax.random.key(seed)
    k1, k2, k3, k4 = jax.random.split(key, 4)
    x = jax.random.normal(k1, (4096, 512), dtype=jnp.float32)
    # gating_network: nn.Linear(fft_len//2, num_experts) -> weight [E, 256]
    gate_W = jax.random.normal(k2, (8, FFT_LEN // 2), dtype=jnp.float32) * 0.05
    gate_b = jnp.zeros((8,), dtype=jnp.float32)
    # 6 RLinear experts, each nn.Linear(512, 96): weight [out, in]
    expert_W = jax.random.normal(k3, (NUM_RLINEAR, OUT_LEN, 512), dtype=jnp.float32) * 0.04
    expert_b = jax.random.normal(k4, (NUM_RLINEAR, OUT_LEN), dtype=jnp.float32) * 0.01
    return {"x": x, "gate_W": gate_W, "gate_b": gate_b,
            "expert_W": expert_W, "expert_b": expert_b}


def _periodogram(x, n):
    x0 = x - jnp.mean(x, axis=1, keepdims=True)
    dft = jnp.fft.fft(x0, n=n, axis=1) / np.sqrt(n)
    dft = dft[:, : n // 2]
    I = jnp.abs(dft) ** 2
    s = jnp.sum(I, axis=1, keepdims=True)
    s = jnp.where(s == 0, 1.0, s)
    return I / s


def _rlinear(x, W, b):
    # RevIN (affine=False) on [B, L] (channel dim of size 1); stats are detached
    m = jax.lax.stop_gradient(jnp.mean(x, axis=1, keepdims=True))
    s = jax.lax.stop_gradient(jnp.sqrt(jnp.var(x, axis=1, keepdims=True) + EPS))
    xn = (x - m) / s
    out = xn @ W.T + b
    return out * s + m


def reference(x, gate_W, gate_b, expert_W, expert_b):
    # gating on periodogram (use_fft=True)
    I = _periodogram(x, FFT_LEN)
    gate = I @ gate_W.T + gate_b
    gate = gate / MOE_TEMP  # eval-mode temperature scaling
    vals, idx = jax.lax.top_k(gate, TOPK)
    gates = jax.nn.softmax(vals, axis=1)
    # experts
    e_mean = jnp.repeat(jnp.mean(x, axis=1, keepdims=True), OUT_LEN, axis=1)
    e_naive = jnp.repeat(x[:, -1:], OUT_LEN, axis=1)
    rl = [_rlinear(x, expert_W[i], expert_b[i]) for i in range(NUM_RLINEAR)]
    expert_out = jnp.stack([e_mean, e_naive] + rl, axis=1)  # [B, E, OUT_LEN]
    gathered = jnp.take_along_axis(expert_out, idx[:, :, None], axis=1)  # [B, k, OUT_LEN]
    return jnp.sum(gates[:, :, None] * gathered, axis=1)

if __name__ == "__main__":
    import jax
    _d = setup_inputs()
    print(jax.jit(kernel)(*tuple(_d.values())))

</pallas_src>

<mosaic_0001>
#map = affine_map<(d0, d1) -> (0, 0)>
module attributes {stable_mosaic.version = 14 : i64} {
  func.func @_sc_route(%arg0: i32, %arg1: i32, %arg2: memref<4096x128xf32, #tpu.memory_space<hbm>>, %arg3: memref<32768x128xf32, #tpu.memory_space<hbm>>, %arg4: memref<4096x96xf32, #tpu.memory_space<hbm>>, %arg5: memref<128x128xf32, #tpu.memory_space<vmem>>, %arg6: memref<128xf32, #tpu.memory_space<vmem>>, %arg7: memref<128xf32, #tpu.memory_space<vmem>>, %arg8: memref<128x128xf32, #tpu.memory_space<vmem>>, %arg9: memref<128x128xf32, #tpu.memory_space<vmem>>, %arg10: memref<128x96xf32, #tpu.memory_space<vmem>>, %arg11: memref<!tpu.dma_semaphore, #tpu.memory_space<semaphore_mem>>) attributes {dimension_semantics = [#tpu.dimension_semantics<core_parallel>, #tpu.dimension_semantics<subcore_parallel>], iteration_bounds = array<i64: 2, 16>, scalar_prefetch = 0 : i64, scratch_operands = 7 : i64, tpu.core_type = #tpu.core_type<sc_vector_subcore>, window_params = [{transform_indices = #map}, {transform_indices = #map}, {transform_indices = #map}]} {
    %mul3A = arith.constant 2 : i32
    %mul3A_0 = arith.muli %arg1, %mul3A : i32
    %add3A = arith.addi %mul3A_0, %arg0 : i32
    %mul3A_1 = arith.constant 128 : i32
    %mul3A_2 = arith.muli %add3A, %mul3A_1 : i32
    "tpu.region"() ({
      %run_scoped3A = tpu.sem_alloc : memref<!tpu.dma_semaphore, #tpu.memory_space<semaphore_mem>>
      %dma_start3A_1637 = arith.constant 0 : i32
      %dma_start3A_1638 = tpu.memref_slice %arg2[%mul3A_2, %dma_start3A_1637] : memref<4096x128xf32, #tpu.memory_space<hbm>> -> memref<128x128xf32, #tpu.memory_space<hbm>>
      %dma_start3A_1639 = arith.constant 0 : i32
      %dma_start3A_1640 = tpu.memref_slice %arg2[%mul3A_2, %dma_start3A_1639] : memref<4096x128xf32, #tpu.memory_space<hbm>> -> memref<128x128xf32, #tpu.memory_space<hbm>>
      tpu.enqueue_dma source(%dma_start3A_1640 : memref<128x128xf32, #tpu.memory_space<hbm>>) target(%arg5 : memref<128x128xf32, #tpu.memory_space<vmem>>) target_semaphore(%run_scoped3A : memref<!tpu.dma_semaphore, #tpu.memory_space<semaphore_mem>>)
      %dma_wait3A_1641 = arith.constant 0 : i32
      %dma_wait3A_1642 = tpu.memref_slice %arg2[%mul3A_2, %dma_wait3A_1641] : memref<4096x128xf32, #tpu.memory_space<hbm>> -> memref<128x128xf32, #tpu.memory_space<hbm>>
      %dma_wait3A_1643 = arith.constant 0 : i32
      %dma_wait3A_1644 = tpu.memref_slice %arg2[%mul3A_2, %dma_wait3A_1643] : memref<4096x128xf32, #tpu.memory_space<hbm>> -> memref<128x128xf32, #tpu.memory_space<hbm>>
      tpu.wait_dma2 semaphore(%run_scoped3A : memref<!tpu.dma_semaphore, #tpu.memory_space<semaphore_mem>>) src(%dma_wait3A_1644 : memref<128x128xf32, #tpu.memory_space<hbm>>) dst(%arg5 : memref<128x128xf32, #tpu.memory_space<vmem>>)
      tpu.yield
    }) : () -> ()
    %iota3A = tpu.iota {dimensions = array<i32: 0>} : vector<16xi32>
    %add3A_3 = arith.constant 0 : i32
    %add3A_4 = vector.broadcast %add3A_3 : i32 to vector<16xi32>
    %add3A_5 = arith.addi %iota3A, %add3A_4 : vector<16xi32>
    %broadcast_in_dim3A = arith.constant 0 : i32
    %broadcast_in_dim3A_6 = vector.broadcast %broadcast_in_dim3A : i32 to vector<16xi32>
    %gather3A = tpu.vector_load_idx %arg5[%add3A_5, %broadcast_in_dim3A_6] : memref<128x128xf32, #tpu.memory_space<vmem>>[vector<16xi32>, vector<16xi32>], vector<16xf32>,
    %broadcast_in_dim3A_7 = arith.constant 1 : i32
    %broadcast_in_dim3A_8 = vector.broadcast %broadcast_in_dim3A_7 : i32 to vector<16xi32>
    %gather3A_9 = tpu.vector_load_idx %arg5[%add3A_5, %broadcast_in_dim3A_8] : memref<128x128xf32, #tpu.memory_space<vmem>>[vector<16xi32>, vector<16xi32>], vector<16xf32>,
    %broadcast_in_dim3A_10 = arith.constant 2 : i32
    %broadcast_in_dim3A_11 = vector.broadcast %broadcast_in_dim3A_10 : i32 to vector<16xi32>
    %gather3A_12 = tpu.vector_load_idx %arg5[%add3A_5, %broadcast_in_dim3A_11] : memref<128x128xf32, #tpu.memory_space<vmem>>[vector<16xi32>, vector<16xi32>], vector<16xf32>,
    %broadcast_in_dim3A_13 = arith.constant 3 : i32
    %broadcast_in_dim3A_14 = vector.broadcast %broadcast_in_dim3A_13 : i32 to vector<16xi32>
    %gather3A_15 = tpu.vector_load_idx %arg5[%add3A_5, %broadcast_in_dim3A_14] : memref<128x128xf32, #tpu.memory_space<vmem>>[vector<16xi32>, vector<16xi32>], vector<16xf32>,
    %broadcast_in_dim3A_16 = arith.constant 4 : i32
    %broadcast_in_dim3A_17 = vector.broadcast %broadcast_in_dim3A_16 : i32 to vector<16xi32>
    %gather3A_18 = tpu.vector_load_idx %arg5[%add3A_5, %broadcast_in_dim3A_17] : memref<128x128xf32, #tpu.memory_space<vmem>>[vector<16xi32>, vector<16xi32>], vector<16xf32>,
    %broadcast_in_dim3A_19 = arith.constant 5 : i32
    %broadcast_in_dim3A_20 = vector.broadcast %broadcast_in_dim3A_19 : i32 to vector<16xi32>
    %gather3A_21 = tpu.vector_load_idx %arg5[%add3A_5, %broadcast_in_dim3A_20] : memref<128x128xf32, #tpu.memory_space<vmem>>[vector<16xi32>, vector<16xi32>], vector<16xf32>,
    %broadcast_in_dim3A_22 = arith.constant 6 : i32
    %broadcast_in_dim3A_23 = vector.broadcast %broadcast_in_dim3A_22 : i32 to vector<16xi32>
    %gather3A_24 = tpu.vector_load_idx %arg5[%add3A_5, %broadcast_in_dim3A_23] : memref<128x128xf32, #tpu.memory_space<vmem>>[vector<16xi32>, vector<16xi32>], vector<16xf32>,
    %broadcast_in_dim3A_25 = arith.constant 7 : i32
    %broadcast_in_dim3A_26 = vector.broadcast %broadcast_in_dim3A_25 : i32 to vector<16xi32>
    %gather3A_27 = tpu.vector_load_idx %arg5[%add3A_5, %broadcast_in_dim3A_26] : memref<128x128xf32, #tpu.memory_space<vmem>>[vector<16xi32>, vector<16xi32>], vector<16xf32>,
    %broadcast_in_dim3A_28 = arith.constant 0 : i32
    %broadcast_in_dim3A_29 = vector.broadcast %broadcast_in_dim3A_28 : i32 to vector<16xi32>
    %gt3A = arith.cmpf ogt, %gather3A_9, %gather3A : vector<16xf32>
    %select_n3A = arith.select %gt3A, %gather3A_9, %gather3A : vector<16xi1>, vector<16xf32>
    %broadcast_in_dim3A_30 = arith.constant 1 : i32
    %broadcast_in_dim3A_31 = vector.broadcast %broadcast_in_dim3A_30 : i32 to vector<16xi32>
    %select_n3A_32 = arith.select %gt3A, %broadcast_in_dim3A_31, %broadcast_in_dim3A_29 : vector<16xi1>, vector<16xi32>
    %gt3A_33 = arith.cmpf ogt, %gather3A_12, %select_n3A : vector<16xf32>
    %select_n3A_34 = arith.select %gt3A_33, %gather3A_12, %select_n3A : vector<16xi1>, vector<16xf32>
    %broadcast_in_dim3A_35 = arith.constant 2 : i32
    %broadcast_in_dim3A_36 = vector.broadcast %broadcast_in_dim3A_35 : i32 to vector<16xi32>
    %select_n3A_37 = arith.select %gt3A_33, %broadcast_in_dim3A_36, %select_n3A_32 : vector<16xi1>, vector<16xi32>
    %gt3A_38 = arith.cmpf ogt, %gather3A_15, %select_n3A_34 : vector<16xf32>
    %select_n3A_39 = arith.select %gt3A_38, %gather3A_15, %select_n3A_34 : vector<16xi1>, vector<16xf32>
    %broadcast_in_dim3A_40 = arith.constant 3 : i32
    %broadcast_in_dim3A_41 = vector.broadcast %broadcast_in_dim3A_40 : i32 to vector<16xi32>
    %select_n3A_42 = arith.select %gt3A_38, %broadcast_in_dim3A_41, %select_n3A_37 : vector<16xi1>, vector<16xi32>
    %gt3A_43 = arith.cmpf ogt, %gather3A_18, %select_n3A_39 : vector<16xf32>
    %select_n3A_44 = arith.select %gt3A_43, %gather3A_18, %select_n3A_39 : vector<16xi1>, vector<16xf32>
    %broadcast_in_dim3A_45 = arith.constant 4 : i32
    %broadcast_in_dim3A_46 = vector.broadcast %broadcast_in_dim3A_45 : i32 to vector<16xi32>
    %select_n3A_47 = arith.select %gt3A_43, %broadcast_in_dim3A_46, %select_n3A_42 : vector<16xi1>, vector<16xi32>
    %gt3A_48 = arith.cmpf ogt, %gather3A_21, %select_n3A_44 : vector<16xf32>
    %select_n3A_49 = arith.select %gt3A_48, %gather3A_21, %select_n3A_44 : vector<16xi1>, vector<16xf32>
    %broadcast_in_dim3A_50 = arith.constant 5 : i32
    %broadcast_in_dim3A_51 = vector.broadcast %broadcast_in_dim3A_50 : i32 to vector<16xi32>
    %select_n3A_52 = arith.select %gt3A_48, %broadcast_in_dim3A_51, %select_n3A_47 : vector<16xi1>, vector<16xi32>
    %gt3A_53 = arith.cmpf ogt, %gather3A_24, %select_n3A_49 : vector<16xf32>
    %select_n3A_54 = arith.select %gt3A_53, %gather3A_24, %select_n3A_49 : vector<16xi1>, vector<16xf32>
    %broadcast_in_dim3A_55 = arith.constant 6 : i32
    %broadcast_in_dim3A_56 = vector.broadcast %broadcast_in_dim3A_55 : i32 to vector<16xi32>
    %select_n3A_57 = arith.select %gt3A_53, %broadcast_in_dim3A_56, %select_n3A_52 : vector<16xi1>, vector<16xi32>
    %gt3A_58 = arith.cmpf ogt, %gather3A_27, %select_n3A_54 : vector<16xf32>
    %select_n3A_59 = arith.select %gt3A_58, %gather3A_27, %select_n3A_54 : vector<16xi1>, vector<16xf32>
    %broadcast_in_dim3A_60 = arith.constant 7 : i32
    %broadcast_in_dim3A_61 = vector.broadcast %broadcast_in_dim3A_60 : i32 to vector<16xi32>
    %select_n3A_62 = arith.select %gt3A_58, %broadcast_in_dim3A_61, %select_n3A_57 : vector<16xi1>, vector<16xi32>
    %broadcast_in_dim3A_63 = arith.constant -3.000000e+38 : f32
    %broadcast_in_dim3A_64 = vector.broadcast %broadcast_in_dim3A_63 : f32 to vector<16xf32>
    %broadcast_in_dim3A_65 = arith.constant 0 : i32
    %broadcast_in_dim3A_66 = vector.broadcast %broadcast_in_dim3A_65 : i32 to vector<16xi32>
    %eq3A = arith.constant 0 : i32
    %eq3A_67 = vector.broadcast %eq3A : i32 to vector<16xi32>
    %eq3A_68 = arith.cmpi eq, %select_n3A_62, %eq3A_67 : vector<16xi32>
    %broadcast_in_dim3A_69 = arith.constant -3.000000e+38 : f32
    %broadcast_in_dim3A_70 = vector.broadcast %broadcast_in_dim3A_69 : f32 to vector<16xf32>
    %select_n3A_71 = arith.select %eq3A_68, %broadcast_in_dim3A_70, %gather3A : vector<16xi1>, vector<16xf32>
    %gt3A_72 = arith.cmpf ogt, %select_n3A_71, %broadcast_in_dim3A_64 : vector<16xf32>
    %select_n3A_73 = arith.select %gt3A_72, %select_n3A_71, %broadcast_in_dim3A_64 : vector<16xi1>, vector<16xf32>
    %broadcast_in_dim3A_74 = arith.constant 0 : i32
    %broadcast_in_dim3A_75 = vector.broadcast %broadcast_in_dim3A_74 : i32 to vector<16xi32>
    %select_n3A_76 = arith.select %gt3A_72, %broadcast_in_dim3A_75, %broadcast_in_dim3A_66 : vector<16xi1>, vector<16xi32>
    %eq3A_77 = arith.constant 1 : i32
    %eq3A_78 = vector.broadcast %eq3A_77 : i32 to vector<16xi32>
    %eq3A_79 = arith.cmpi eq, %select_n3A_62, %eq3A_78 : vector<16xi32>
    %broadcast_in_dim3A_80 = arith.constant -3.000000e+38 : f32
    %broadcast_in_dim3A_81 = vector.broadcast %broadcast_in_dim3A_80 : f32 to vector<16xf32>
    %select_n3A_82 = arith.select %eq3A_79, %broadcast_in_dim3A_81, %gather3A_9 : vector<16xi1>, vector<16xf32>
    %gt3A_83 = arith.cmpf ogt, %select_n3A_82, %select_n3A_73 : vector<16xf32>
    %select_n3A_84 = arith.select %gt3A_83, %select_n3A_82, %select_n3A_73 : vector<16xi1>, vector<16xf32>
    %broadcast_in_dim3A_85 = arith.constant 1 : i32
    %broadcast_in_dim3A_86 = vector.broadcast %broadcast_in_dim3A_85 : i32 to vector<16xi32>
    %select_n3A_87 = arith.select %gt3A_83, %broadcast_in_dim3A_86, %select_n3A_76 : vector<16xi1>, vector<16xi32>
    %eq3A_88 = arith.constant 2 : i32
    %eq3A_89 = vector.broadcast %eq3A_88 : i32 to vector<16xi32>
    %eq3A_90 = arith.cmpi eq, %select_n3A_62, %eq3A_89 : vector<16xi32>
    %broadcast_in_dim3A_91 = arith.constant -3.000000e+38 : f32
    %broadcast_in_dim3A_92 = vector.broadcast %broadcast_in_dim3A_91 : f32 to vector<16xf32>
    %select_n3A_93 = arith.select %eq3A_90, %broadcast_in_dim3A_92, %gather3A_12 : vector<16xi1>, vector<16xf32>
    %gt3A_94 = arith.cmpf ogt, %select_n3A_93, %select_n3A_84 : vector<16xf32>
    %select_n3A_95 = arith.select %gt3A_94, %select_n3A_93, %select_n3A_84 : vector<16xi1>, vector<16xf32>
    %broadcast_in_dim3A_96 = arith.constant 2 : i32
    %broadcast_in_dim3A_97 = vector.broadcast %broadcast_in_dim3A_96 : i32 to vector<16xi32>
    %select_n3A_98 = arith.select %gt3A_94, %broadcast_in_dim3A_97, %select_n3A_87 : vector<16xi1>, vector<16xi32>
    %eq3A_99 = arith.constant 3 : i32
    %eq3A_100 = vector.broadcast %eq3A_99 : i32 to vector<16xi32>
    %eq3A_101 = arith.cmpi eq, %select_n3A_62, %eq3A_100 : vector<16xi32>
    %broadcast_in_dim3A_102 = arith.constant -3.000000e+38 : f32
    %broadcast_in_dim3A_103 = vector.broadcast %broadcast_in_dim3A_102 : f32 to vector<16xf32>
    %select_n3A_104 = arith.select %eq3A_101, %broadcast_in_dim3A_103, %gather3A_15 : vector<16xi1>, vector<16xf32>
    %gt3A_105 = arith.cmpf ogt, %select_n3A_104, %select_n3A_95 : vector<16xf32>
    %select_n3A_106 = arith.select %gt3A_105, %select_n3A_104, %select_n3A_95 : vector<16xi1>, vector<16xf32>
    %broadcast_in_dim3A_107 = arith.constant 3 : i32
    %broadcast_in_dim3A_108 = vector.broadcast %broadcast_in_dim3A_107 : i32 to vector<16xi32>
    %select_n3A_109 = arith.select %gt3A_105, %broadcast_in_dim3A_108, %select_n3A_98 : vector<16xi1>, vector<16xi32>
    %eq3A_110 = arith.constant 4 : i32
    %eq3A_111 = vector.broadcast %eq3A_110 : i32 to vector<16xi32>
    %eq3A_112 = arith.cmpi eq, %select_n3A_62, %eq3A_111 : vector<16xi32>
    %broadcast_in_dim3A_113 = arith.constant -3.000000e+38 : f32
    %broadcast_in_dim3A_114 = vector.broadcast %broadcast_in_dim3A_113 : f32 to vector<16xf32>
    %select_n3A_115 = arith.select %eq3A_112, %broadcast_in_dim3A_114, %gather3A_18 : vector<16xi1>, vector<16xf32>
    %gt3A_116 = arith.cmpf ogt, %select_n3A_115, %select_n3A_106 : vector<16xf32>
    %select_n3A_117 = arith.select %gt3A_116, %select_n3A_115, %select_n3A_106 : vector<16xi1>, vector<16xf32>
    %broadcast_in_dim3A_118 = arith.constant 4 : i32
    %broadcast_in_dim3A_119 = vector.broadcast %broadcast_in_dim3A_118 : i32 to vector<16xi32>
    %select_n3A_120 = arith.select %gt3A_116, %broadcast_in_dim3A_119, %select_n3A_109 : vector<16xi1>, vector<16xi32>
    %eq3A_121 = arith.constant 5 : i32
    %eq3A_122 = vector.broadcast %eq3A_121 : i32 to vector<16xi32>
    %eq3A_123 = arith.cmpi eq, %select_n3A_62, %eq3A_122 : vector<16xi32>
    %broadcast_in_dim3A_124 = arith.constant -3.000000e+38 : f32
    %broadcast_in_dim3A_125 = vector.broadcast %broadcast_in_dim3A_124 : f32 to vector<16xf32>
    %select_n3A_126 = arith.select %eq3A_123, %broadcast_in_dim3A_125, %gather3A_21 : vector<16xi1>, vector<16xf32>
    %gt3A_127 = arith.cmpf ogt, %select_n3A_126, %select_n3A_117 : vector<16xf32>
    %select_n3A_128 = arith.select %gt3A_127, %select_n3A_126, %select_n3A_117 : vector<16xi1>, vector<16xf32>
    %broadcast_in_dim3A_129 = arith.constant 5 : i32
    %broadcast_in_dim3A_130 = vector.broadcast %broadcast_in_dim3A_129 : i32 to vector<16xi32>
    %select_n3A_131 = arith.select %gt3A_127, %broadcast_in_dim3A_130, %select_n3A_120 : vector<16xi1>, vector<16xi32>
    %eq3A_132 = arith.constant 6 : i32
    %eq3A_133 = vector.broadcast %eq3A_132 : i32 to vector<16xi32>
    %eq3A_134 = arith.cmpi eq, %select_n3A_62, %eq3A_133 : vector<16xi32>
    %broadcast_in_dim3A_135 = arith.constant -3.000000e+38 : f32
    %broadcast_in_dim3A_136 = vector.broadcast %broadcast_in_dim3A_135 : f32 to vector<16xf32>
    %select_n3A_137 = arith.select %eq3A_134, %broadcast_in_dim3A_136, %gather3A_24 : vector<16xi1>, vector<16xf32>
    %gt3A_138 = arith.cmpf ogt, %select_n3A_137, %select_n3A_128 : vector<16xf32>
    %select_n3A_139 = arith.select %gt3A_138, %select_n3A_137, %select_n3A_128 : vector<16xi1>, vector<16xf32>
    %broadcast_in_dim3A_140 = arith.constant 6 : i32
    %broadcast_in_dim3A_141 = vector.broadcast %broadcast_in_dim3A_140 : i32 to vector<16xi32>
    %select_n3A_142 = arith.select %gt3A_138, %broadcast_in_dim3A_141, %select_n3A_131 : vector<16xi1>, vector<16xi32>
    %eq3A_143 = arith.constant 7 : i32
    %eq3A_144 = vector.broadcast %eq3A_143 : i32 to vector<16xi32>
    %eq3A_145 = arith.cmpi eq, %select_n3A_62, %eq3A_144 : vector<16xi32>
    %broadcast_in_dim3A_146 = arith.constant -3.000000e+38 : f32
    %broadcast_in_dim3A_147 = vector.broadcast %broadcast_in_dim3A_146 : f32 to vector<16xf32>
    %select_n3A_148 = arith.select %eq3A_145, %broadcast_in_dim3A_147, %gather3A_27 : vector<16xi1>, vector<16xf32>
    %gt3A_149 = arith.cmpf ogt, %select_n3A_148, %select_n3A_139 : vector<16xf32>
    %select_n3A_150 = arith.select %gt3A_149, %select_n3A_148, %select_n3A_139 : vector<16xi1>, vector<16xf32>
    %broadcast_in_dim3A_151 = arith.constant 7 : i32
    %broadcast_in_dim3A_152 = vector.broadcast %broadcast_in_dim3A_151 : i32 to vector<16xi32>
    %select_n3A_153 = arith.select %gt3A_149, %broadcast_in_dim3A_152, %select_n3A_142 : vector<16xi1>, vector<16xi32>
    %sub3A = arith.subf %select_n3A_150, %select_n3A_59 : vector<16xf32>
    %exp3A = math.exp %sub3A : vector<16xf32>
    %add3A_154 = arith.constant 1.000000e+00 : f32
    %add3A_155 = vector.broadcast %add3A_154 : f32 to vector<16xf32>
    %add3A_156 = arith.addf %add3A_155, %exp3A : vector<16xf32>
    %div3A = arith.constant 1.000000e+00 : f32
    %div3A_157 = vector.broadcast %div3A : f32 to vector<16xf32>
    %div3A_158 = arith.divf %div3A_157, %add3A_156 : vector<16xf32>
    %add3A_159 = vector.broadcast %mul3A_2 : i32 to vector<16xi32>
    %add3A_160 = arith.addi %add3A_159, %add3A_5 : vector<16xi32>
    %mul3A_161 = arith.constant 4096 : i32
    %mul3A_162 = vector.broadcast %mul3A_161 : i32 to vector<16xi32>
    %mul3A_163 = arith.muli %select_n3A_62, %mul3A_162 : vector<16xi32>
    %add3A_164 = arith.addi %mul3A_163, %add3A_160 : vector<16xi32>
    %dma_start3A = arith.constant 0 : i32
    %dma_start3A_165 = arith.constant 0 : i32
    %dma_start3A_166 = tpu.memref_slice %arg8[%dma_start3A, %dma_start3A_165] : memref<128x128xf32, #tpu.memory_space<vmem>> -> memref<16x128xf32, #tpu.memory_space<vmem>>
    %dma_start3A_167 = arith.constant 0 : i32
    %dma_start3A_168 = arith.constant 0 : i32
    %dma_start3A_169 = tpu.memref_slice %arg3[%dma_start3A_167, %dma_start3A_168] : memref<32768x128xf32, #tpu.memory_space<hbm>> -> memref<32768x128xf32, #tpu.memory_space<hbm>>
    tpu.enqueue_indirect_dma source(%dma_start3A_169 : memref<32768x128xf32, #tpu.memory_space<hbm>>) target(%dma_start3A_166 : memref<16x128xf32, #tpu.memory_space<vmem>>) offsets(%add3A_164 : vector<16xi32>) semaphore(%arg11 : memref<!tpu.dma_semaphore, #tpu.memory_space<semaphore_mem>>)
    %mul3A_170 = arith.constant 4096 : i32
    %mul3A_171 = vector.broadcast %mul3A_170 : i32 to vector<16xi32>
    %mul3A_172 = arith.muli %select_n3A_153, %mul3A_171 : vector<16xi32>
    %add3A_173 = arith.addi %mul3A_172, %add3A_160 : vector<16xi32>
    %dma_start3A_174 = arith.constant 0 : i32
    %dma_start3A_175 = arith.constant 0 : i32
    %dma_start3A_176 = tpu.memref_slice %arg9[%dma_start3A_174, %dma_start3A_175] : memref<128x128xf32, #tpu.memory_space<vmem>> -> memref<16x128xf32, #tpu.memory_space<vmem>>
    %dma_start3A_177 = arith.constant 0 : i32
    %dma_start3A_178 = arith.constant 0 : i32
    %dma_start3A_179 = tpu.memref_slice %arg3[%dma_start3A_177, %dma_start3A_178] : memref<32768x128xf32, #tpu.memory_space<hbm>> -> memref<32768x128xf32, #tpu.memory_space<hbm>>
    tpu.enqueue_indirect_dma source(%dma_start3A_179 : memref<32768x128xf32, #tpu.memory_space<hbm>>) target(%dma_start3A_176 : memref<16x128xf32, #tpu.memory_space<vmem>>) offsets(%add3A_173 : vector<16xi32>) semaphore(%arg11 : memref<!tpu.dma_semaphore, #tpu.memory_space<semaphore_mem>>)
    %swap3A = arith.constant 0 : index
    %swap3A_180 = tpu.vector_load %arg6[%swap3A] {strides = array<i32>} : memref<128xf32, #tpu.memory_space<vmem>>, vector<16xf32>,
    tpu.vector_store %arg6[%swap3A], %div3A_158 {strides = array<i32>} : memref<128xf32, #tpu.memory_space<vmem>>, vector<16xf32>,
    %sub3A_181 = arith.constant 1.000000e+00 : f32
    %sub3A_182 = vector.broadcast %sub3A_181 : f32 to vector<16xf32>
    %sub3A_183 = arith.subf %sub3A_182, %div3A_158 : vector<16xf32>
    %swap3A_184 = arith.constant 0 : index
    %swap3A_185 = tpu.vector_load %arg7[%swap3A_184] {strides = array<i32>} : memref<128xf32, #tpu.memory_space<vmem>>, vector<16xf32>,
    tpu.vector_store %arg7[%swap3A_184], %sub3A_183 {strides = array<i32>} : memref<128xf32, #tpu.memory_space<vmem>>, vector<16xf32>,
    %add3A_186 = arith.constant 16 : i32
    %add3A_187 = vector.broadcast %add3A_186 : i32 to vector<16xi32>
    %add3A_188 = arith.addi %iota3A, %add3A_187 : vector<16xi32>
    %broadcast_in_dim3A_189 = arith.constant 0 : i32
    %broadcast_in_dim3A_190 = vector.broadcast %broadcast_in_dim3A_189 : i32 to vector<16xi32>
    %gather3A_191 = tpu.vector_load_idx %arg5[%add3A_188, %broadcast_in_dim3A_190] : memref<128x128xf32, #tpu.memory_space<vmem>>[vector<16xi32>, vector<16xi32>], vector<16xf32>,
    %broadcast_in_dim3A_192 = arith.constant 1 : i32
    %broadcast_in_dim3A_193 = vector.broadcast %broadcast_in_dim3A_192 : i32 to vector<16xi32>
    %gather3A_194 = tpu.vector_load_idx %arg5[%add3A_188, %broadcast_in_dim3A_193] : memref<128x128xf32, #tpu.memory_space<vmem>>[vector<16xi32>, vector<16xi32>], vector<16xf32>,
    %broadcast_in_dim3A_195 = arith.constant 2 : i32
    %broadcast_in_dim3A_196 = vector.broadcast %broadcast_in_dim3A_195 : i32 to vector<16xi32>
    %gather3A_197 = tpu.vector_load_idx %arg5[%add3A_188, %broadcast_in_dim3A_196] : memref<128x128xf32, #tpu.memory_space<vmem>>[vector<16xi32>, vector<16xi32>], vector<16xf32>,
    %broadcast_in_dim3A_198 = arith.constant 3 : i32
    %broadcast_in_dim3A_199 = vector.broadcast %broadcast_in_dim3A_198 : i32 to vector<16xi32>
    %gather3A_200 = tpu.vector_load_idx %arg5[%add3A_188, %broadcast_in_dim3A_199] : memref<128x128xf32, #tpu.memory_space<vmem>>[vector<16xi32>, vector<16xi32>], vector<16xf32>,
    %broadcast_in_dim3A_201 = arith.constant 4 : i32
    %broadcast_in_dim3A_202 = vector.broadcast %broadcast_in_dim3A_201 : i32 to vector<16xi32>
    %gather3A_203 = tpu.vector_load_idx %arg5[%add3A_188, %broadcast_in_dim3A_202] : memref<128x128xf32, #tpu.memory_space<vmem>>[vector<16xi32>, vector<16xi32>], vector<16xf32>,
    %broadcast_in_dim3A_204 = arith.constant 5 : i32
    %broadcast_in_dim3A_205 = vector.broadcast %broadcast_in_dim3A_204 : i32 to vector<16xi32>
    %gather3A_206 = tpu.vector_load_idx %arg5[%add3A_188, %broadcast_in_dim3A_205] : memref<128x128xf32, #tpu.memory_space<vmem>>[vector<16xi32>, vector<16xi32>], vector<16xf32>,
    %broadcast_in_dim3A_207 = arith.constant 6 : i32
    %broadcast_in_dim3A_208 = vector.broadcast %broadcast_in_dim3A_207 : i32 to vector<16xi32>
    %gather3A_209 = tpu.vector_load_idx %arg5[%add3A_188, %broadcast_in_dim3A_208] : memref<128x128xf32, #tpu.memory_space<vmem>>[vector<16xi32>, vector<16xi32>], vector<16xf32>,
    %broadcast_in_dim3A_210 = arith.constant 7 : i32
    %broadcast_in_dim3A_211 = vector.broadcast %broadcast_in_dim3A_210 : i32 to vector<16xi32>
    %gather3A_212 = tpu.vector_load_idx %arg5[%add3A_188, %broadcast_in_dim3A_211] : memref<128x128xf32, #tpu.memory_space<vmem>>[vector<16xi32>, vector<16xi32>], vector<16xf32>,
    %broadcast_in_dim3A_213 = arith.constant 0 : i32
    %broadcast_in_dim3A_214 = vector.broadcast %broadcast_in_dim3A_213 : i32 to vector<16xi32>
    %gt3A_215 = arith.cmpf ogt, %gather3A_194, %gather3A_191 : vector<16xf32>
    %select_n3A_216 = arith.select %gt3A_215, %gather3A_194, %gather3A_191 : vector<16xi1>, vector<16xf32>
    %broadcast_in_dim3A_217 = arith.constant 1 : i32
    %broadcast_in_dim3A_218 = vector.broadcast %broadcast_in_dim3A_217 : i32 to vector<16xi32>
    %select_n3A_219 = arith.select %gt3A_215, %broadcast_in_dim3A_218, %broadcast_in_dim3A_214 : vector<16xi1>, vector<16xi32>
    %gt3A_220 = arith.cmpf ogt, %gather3A_197, %select_n3A_216 : vector<16xf32>
    %select_n3A_221 = arith.select %gt3A_220, %gather3A_197, %select_n3A_216 : vector<16xi1>, vector<16xf32>
    %broadcast_in_dim3A_222 = arith.constant 2 : i32
    %broadcast_in_dim3A_223 = vector.broadcast %broadcast_in_dim3A_222 : i32 to vector<16xi32>
    %select_n3A_224 = arith.select %gt3A_220, %broadcast_in_dim3A_223, %select_n3A_219 : vector<16xi1>, vector<16xi32>
    %gt3A_225 = arith.cmpf ogt, %gather3A_200, %select_n3A_221 : vector<16xf32>
    %select_n3A_226 = arith.select %gt3A_225, %gather3A_200, %select_n3A_221 : vector<16xi1>, vector<16xf32>
    %broadcast_in_dim3A_227 = arith.constant 3 : i32
    %broadcast_in_dim3A_228 = vector.broadcast %broadcast_in_dim3A_227 : i32 to vector<16xi32>
    %select_n3A_229 = arith.select %gt3A_225, %broadcast_in_dim3A_228, %select_n3A_224 : vector<16xi1>, vector<16xi32>
    %gt3A_230 = arith.cmpf ogt, %gather3A_203, %select_n3A_226 : vector<16xf32>
    %select_n3A_231 = arith.select %gt3A_230, %gather3A_203, %select_n3A_226 : vector<16xi1>, vector<16xf32>
    %broadcast_in_dim3A_232 = arith.constant 4 : i32
    %broadcast_in_dim3A_233 = vector.broadcast %broadcast_in_dim3A_232 : i32 to vector<16xi32>
    %select_n3A_234 = arith.select %gt3A_230, %broadcast_in_dim3A_233, %select_n3A_229 : vector<16xi1>, vector<16xi32>
    %gt3A_235 = arith.cmpf ogt, %gather3A_206, %select_n3A_231 : vector<16xf32>
    %select_n3A_236 = arith.select %gt3A_235, %gather3A_206, %select_n3A_231 : vector<16xi1>, vector<16xf32>
    %broadcast_in_dim3A_237 = arith.constant 5 : i32
    %broadcast_in_dim3A_238 = vector.broadcast %broadcast_in_dim3A_237 : i32 to vector<16xi32>
    %select_n3A_239 = arith.select %gt3A_235, %broadcast_in_dim3A_238, %select_n3A_234 : vector<16xi1>, vector<16xi32>
    %gt3A_240 = arith.cmpf ogt, %gather3A_209, %select_n3A_236 : vector<16xf32>
    %select_n3A_241 = arith.select %gt3A_240, %gather3A_209, %select_n3A_236 : vector<16xi1>, vector<16xf32>
    %broadcast_in_dim3A_242 = arith.constant 6 : i32
    %broadcast_in_dim3A_243 = vector.broadcast %broadcast_in_dim3A_242 : i32 to vector<16xi32>
    %select_n3A_244 = arith.select %gt3A_240, %broadcast_in_dim3A_243, %select_n3A_239 : vector<16xi1>, vector<16xi32>
    %gt3A_245 = arith.cmpf ogt, %gather3A_212, %select_n3A_241 : vector<16xf32>
    %select_n3A_246 = arith.select %gt3A_245, %gather3A_212, %select_n3A_241 : vector<16xi1>, vector<16xf32>
    %broadcast_in_dim3A_247 = arith.constant 7 : i32
    %broadcast_in_dim3A_248 = vector.broadcast %broadcast_in_dim3A_247 : i32 to vector<16xi32>
    %select_n3A_249 = arith.select %gt3A_245, %broadcast_in_dim3A_248, %select_n3A_244 : vector<16xi1>, vector<16xi32>
    %broadcast_in_dim3A_250 = arith.constant -3.000000e+38 : f32
    %broadcast_in_dim3A_251 = vector.broadcast %broadcast_in_dim3A_250 : f32 to vector<16xf32>
    %broadcast_in_dim3A_252 = arith.constant 0 : i32
    %broadcast_in_dim3A_253 = vector.broadcast %broadcast_in_dim3A_252 : i32 to vector<16xi32>
    %eq3A_254 = arith.constant 0 : i32
    %eq3A_255 = vector.broadcast %eq3A_254 : i32 to vector<16xi32>
    %eq3A_256 = arith.cmpi eq, %select_n3A_249, %eq3A_255 : vector<16xi32>
    %broadcast_in_dim3A_257 = arith.constant -3.000000e+38 : f32
    %broadcast_in_dim3A_258 = vector.broadcast %broadcast_in_dim3A_257 : f32 to vector<16xf32>
    %select_n3A_259 = arith.select %eq3A_256, %broadcast_in_dim3A_258, %gather3A_191 : vector<16xi1>, vector<16xf32>
    %gt3A_260 = arith.cmpf ogt, %select_n3A_259, %broadcast_in_dim3A_251 : vector<16xf32>
    %select_n3A_261 = arith.select %gt3A_260, %select_n3A_259, %broadcast_in_dim3A_251 : vector<16xi1>, vector<16xf32>
    %broadcast_in_dim3A_262 = arith.constant 0 : i32
    %broadcast_in_dim3A_263 = vector.broadcast %broadcast_in_dim3A_262 : i32 to vector<16xi32>
    %select_n3A_264 = arith.select %gt3A_260, %broadcast_in_dim3A_263, %broadcast_in_dim3A_253 : vector<16xi1>, vector<16xi32>
    %eq3A_265 = arith.constant 1 : i32
    %eq3A_266 = vector.broadcast %eq3A_265 : i32 to vector<16xi32>
    %eq3A_267 = arith.cmpi eq, %select_n3A_249, %eq3A_266 : vector<16xi32>
    %broadcast_in_dim3A_268 = arith.constant -3.000000e+38 : f32
    %broadcast_in_dim3A_269 = vector.broadcast %broadcast_in_dim3A_268 : f32 to vector<16xf32>
    %select_n3A_270 = arith.select %eq3A_267, %broadcast_in_dim3A_269, %gather3A_194 : vector<16xi1>, vector<16xf32>
    %gt3A_271 = arith.cmpf ogt, %select_n3A_270, %select_n3A_261 : vector<16xf32>
    %select_n3A_272 = arith.select %gt3A_271, %select_n3A_270, %select_n3A_261 : vector<16xi1>, vector<16xf32>
    %broadcast_in_dim3A_273 = arith.constant 1 : i32
    %broadcast_in_dim3A_274 = vector.broadcast %broadcast_in_dim3A_273 : i32 to vector<16xi32>
    %select_n3A_275 = arith.select %gt3A_271, %broadcast_in_dim3A_274, %select_n3A_264 : vector<16xi1>, vector<16xi32>
    %eq3A_276 = arith.constant 2 : i32
    %eq3A_277 = vector.broadcast %eq3A_276 : i32 to vector<16xi32>
    %eq3A_278 = arith.cmpi eq, %select_n3A_249, %eq3A_277 : vector<16xi32>
    %broadcast_in_dim3A_279 = arith.constant -3.000000e+38 : f32
    %broadcast_in_dim3A_280 = vector.broadcast %broadcast_in_dim3A_279 : f32 to vector<16xf32>
    %select_n3A_281 = arith.select %eq3A_278, %broadcast_in_dim3A_280, %gather3A_197 : vector<16xi1>, vector<16xf32>
    %gt3A_282 = arith.cmpf ogt, %select_n3A_281, %select_n3A_272 : vector<16xf32>
    %select_n3A_283 = arith.select %gt3A_282, %select_n3A_281, %select_n3A_272 : vector<16xi1>, vector<16xf32>
    %broadcast_in_dim3A_284 = arith.constant 2 : i32
    %broadcast_in_dim3A_285 = vector.broadcast %broadcast_in_dim3A_284 : i32 to vector<16xi32>
    %select_n3A_286 = arith.select %gt3A_282, %broadcast_in_dim3A_285, %select_n3A_275 : vector<16xi1>, vector<16xi32>
    %eq3A_287 = arith.constant 3 : i32
    %eq3A_288 = vector.broadcast %eq3A_287 : i32 to vector<16xi32>
    %eq3A_289 = arith.cmpi eq, %select_n3A_249, %eq3A_288 : vector<16xi32>
    %broadcast_in_dim3A_290 = arith.constant -3.000000e+38 : f32
    %broadcast_in_dim3A_291 = vector.broadcast %broadcast_in_dim3A_290 : f32 to vector<16xf32>
    %select_n3A_292 = arith.select %eq3A_289, %broadcast_in_dim3A_291, %gather3A_200 : vector<16xi1>, vector<16xf32>
    %gt3A_293 = arith.cmpf ogt, %select_n3A_292, %select_n3A_283 : vector<16xf32>
    %select_n3A_294 = arith.select %gt3A_293, %select_n3A_292, %select_n3A_283 : vector<16xi1>, vector<16xf32>
    %broadcast_in_dim3A_295 = arith.constant 3 : i32
    %broadcast_in_dim3A_296 = vector.broadcast %broadcast_in_dim3A_295 : i32 to vector<16xi32>
    %select_n3A_297 = arith.select %gt3A_293, %broadcast_in_dim3A_296, %select_n3A_286 : vector<16xi1>, vector<16xi32>
    %eq3A_298 = arith.constant 4 : i32
    %eq3A_299 = vector.broadcast %eq3A_298 : i32 to vector<16xi32>
    %eq3A_300 = arith.cmpi eq, %select_n3A_249, %eq3A_299 : vector<16xi32>
    %broadcast_in_dim3A_301 = arith.constant -3.000000e+38 : f32
    %broadcast_in_dim3A_302 = vector.broadcast %broadcast_in_dim3A_301 : f32 to vector<16xf32>
    %select_n3A_303 = arith.select %eq3A_300, %broadcast_in_dim3A_302, %gather3A_203 : vector<16xi1>, vector<16xf32>
    %gt3A_304 = arith.cmpf ogt, %select_n3A_303, %select_n3A_294 : vector<16xf32>
    %select_n3A_305 = arith.select %gt3A_304, %select_n3A_303, %select_n3A_294 : vector<16xi1>, vector<16xf32>
    %broadcast_in_dim3A_306 = arith.constant 4 : i32
    %broadcast_in_dim3A_307 = vector.broadcast %broadcast_in_dim3A_306 : i32 to vector<16xi32>
    %select_n3A_308 = arith.select %gt3A_304, %broadcast_in_dim3A_307, %select_n3A_297 : vector<16xi1>, vector<16xi32>
    %eq3A_309 = arith.constant 5 : i32
    %eq3A_310 = vector.broadcast %eq3A_309 : i32 to vector<16xi32>
    %eq3A_311 = arith.cmpi eq, %select_n3A_249, %eq3A_310 : vector<16xi32>
    %broadcast_in_dim3A_312 = arith.constant -3.000000e+38 : f32
    %broadcast_in_dim3A_313 = vector.broadcast %broadcast_in_dim3A_312 : f32 to vector<16xf32>
    %select_n3A_314 = arith.select %eq3A_311, %broadcast_in_dim3A_313, %gather3A_206 : vector<16xi1>, vector<16xf32>
    %gt3A_315 = arith.cmpf ogt, %select_n3A_314, %select_n3A_305 : vector<16xf32>
    %select_n3A_316 = arith.select %gt3A_315, %select_n3A_314, %select_n3A_305 : vector<16xi1>, vector<16xf32>
    %broadcast_in_dim3A_317 = arith.constant 5 : i32
    %broadcast_in_dim3A_318 = vector.broadcast %broadcast_in_dim3A_317 : i32 to vector<16xi32>
    %select_n3A_319 = arith.select %gt3A_315, %broadcast_in_dim3A_318, %select_n3A_308 : vector<16xi1>, vector<16xi32>
    %eq3A_320 = arith.constant 6 : i32
    %eq3A_321 = vector.broadcast %eq3A_320 : i32 to vector<16xi32>
    %eq3A_322 = arith.cmpi eq, %select_n3A_249, %eq3A_321 : vector<16xi32>
    %broadcast_in_dim3A_323 = arith.constant -3.000000e+38 : f32
    %broadcast_in_dim3A_324 = vector.broadcast %broadcast_in_dim3A_323 : f32 to vector<16xf32>
    %select_n3A_325 = arith.select %eq3A_322, %broadcast_in_dim3A_324, %gather3A_209 : vector<16xi1>, vector<16xf32>
    %gt3A_326 = arith.cmpf ogt, %select_n3A_325, %select_n3A_316 : vector<16xf32>
    %select_n3A_327 = arith.select %gt3A_326, %select_n3A_325, %select_n3A_316 : vector<16xi1>, vector<16xf32>
    %broadcast_in_dim3A_328 = arith.constant 6 : i32
    %broadcast_in_dim3A_329 = vector.broadcast %broadcast_in_dim3A_328 : i32 to vector<16xi32>
    %select_n3A_330 = arith.select %gt3A_326, %broadcast_in_dim3A_329, %select_n3A_319 : vector<16xi1>, vector<16xi32>
    %eq3A_331 = arith.constant 7 : i32
    %eq3A_332 = vector.broadcast %eq3A_331 : i32 to vector<16xi32>
    %eq3A_333 = arith.cmpi eq, %select_n3A_249, %eq3A_332 : vector<16xi32>
    %broadcast_in_dim3A_334 = arith.constant -3.000000e+38 : f32
    %broadcast_in_dim3A_335 = vector.broadcast %broadcast_in_dim3A_334 : f32 to vector<16xf32>
    %select_n3A_336 = arith.select %eq3A_333, %broadcast_in_dim3A_335, %gather3A_212 : vector<16xi1>, vector<16xf32>
    %gt3A_337 = arith.cmpf ogt, %select_n3A_336, %select_n3A_327 : vector<16xf32>
    %select_n3A_338 = arith.select %gt3A_337, %select_n3A_336, %select_n3A_327 : vector<16xi1>, vector<16xf32>
    %broadcast_in_dim3A_339 = arith.constant 7 : i32
    %broadcast_in_dim3A_340 = vector.broadcast %broadcast_in_dim3A_339 : i32 to vector<16xi32>
    %select_n3A_341 = arith.select %gt3A_337, %broadcast_in_dim3A_340, %select_n3A_330 : vector<16xi1>, vector<16xi32>
    %sub3A_342 = arith.subf %select_n3A_338, %select_n3A_246 : vector<16xf32>
    %exp3A_343 = math.exp %sub3A_342 : vector<16xf32>
    %add3A_344 = arith.constant 1.000000e+00 : f32
    %add3A_345 = vector.broadcast %add3A_344 : f32 to vector<16xf32>
    %add3A_346 = arith.addf %add3A_345, %exp3A_343 : vector<16xf32>
    %div3A_347 = arith.constant 1.000000e+00 : f32
    %div3A_348 = vector.broadcast %div3A_347 : f32 to vector<16xf32>
    %div3A_349 = arith.divf %div3A_348, %add3A_346 : vector<16xf32>
    %add3A_350 = vector.broadcast %mul3A_2 : i32 to vector<16xi32>
    %add3A_351 = arith.addi %add3A_350, %add3A_188 : vector<16xi32>
    %mul3A_352 = arith.constant 4096 : i32
    %mul3A_353 = vector.broadcast %mul3A_352 : i32 to vector<16xi32>
    %mul3A_354 = arith.muli %select_n3A_249, %mul3A_353 : vector<16xi32>
    %add3A_355 = arith.addi %mul3A_354, %add3A_351 : vector<16xi32>
    %dma_start3A_356 = arith.constant 16 : i32
    %dma_start3A_357 = arith.constant 0 : i32
    %dma_start3A_358 = tpu.memref_slice %arg8[%dma_start3A_356, %dma_start3A_357] : memref<128x128xf32, #tpu.memory_space<vmem>> -> memref<16x128xf32, #tpu.memory_space<vmem>>
    %dma_start3A_359 = arith.constant 0 : i32
    %dma_start3A_360 = arith.constant 0 : i32
    %dma_start3A_361 = tpu.memref_slice %arg3[%dma_start3A_359, %dma_start3A_360] : memref<32768x128xf32, #tpu.memory_space<hbm>> -> memref<32768x128xf32, #tpu.memory_space<hbm>>
    tpu.enqueue_indirect_dma source(%dma_start3A_361 : memref<32768x128xf32, #tpu.memory_space<hbm>>) target(%dma_start3A_358 : memref<16x128xf32, #tpu.memory_space<vmem>>) offsets(%add3A_355 : vector<16xi32>) semaphore(%arg11 : memref<!tpu.dma_semaphore, #tpu.memory_space<semaphore_mem>>)
    %mul3A_362 = arith.constant 4096 : i32
    %mul3A_363 = vector.broadcast %mul3A_362 : i32 to vector<16xi32>
    %mul3A_364 = arith.muli %select_n3A_341, %mul3A_363 : vector<16xi32>
    %add3A_365 = arith.addi %mul3A_364, %add3A_351 : vector<16xi32>
    %dma_start3A_366 = arith.constant 16 : i32
    %dma_start3A_367 = arith.constant 0 : i32
    %dma_start3A_368 = tpu.memref_slice %arg9[%dma_start3A_366, %dma_start3A_367] : memref<128x128xf32, #tpu.memory_space<vmem>> -> memref<16x128xf32, #tpu.memory_space<vmem>>
    %dma_start3A_369 = arith.constant 0 : i32
    %dma_start3A_370 = arith.constant 0 : i32
    %dma_start3A_371 = tpu.memref_slice %arg3[%dma_start3A_369, %dma_start3A_370] : memref<32768x128xf32, #tpu.memory_space<hbm>> -> memref<32768x128xf32, #tpu.memory_space<hbm>>
    tpu.enqueue_indirect_dma source(%dma_start3A_371 : memref<32768x128xf32, #tpu.memory_space<hbm>>) target(%dma_start3A_368 : memref<16x128xf32, #tpu.memory_space<vmem>>) offsets(%add3A_365 : vector<16xi32>) semaphore(%arg11 : memref<!tpu.dma_semaphore, #tpu.memory_space<semaphore_mem>>)
    %swap3A_372 = arith.constant 16 : index
    %swap3A_373 = tpu.vector_load %arg6[%swap3A_372] {strides = array<i32>} : memref<128xf32, #tpu.memory_space<vmem>>, vector<16xf32>,
    tpu.vector_store %arg6[%swap3A_372], %div3A_349 {strides = array<i32>} : memref<128xf32, #tpu.memory_space<vmem>>, vector<16xf32>,
    %sub3A_374 = arith.constant 1.000000e+00 : f32
    %sub3A_375 = vector.broadcast %sub3A_374 : f32 to vector<16xf32>
    %sub3A_376 = arith.subf %sub3A_375, %div3A_349 : vector<16xf32>
    %swap3A_377 = arith.constant 16 : index
    %swap3A_378 = tpu.vector_load %arg7[%swap3A_377] {strides = array<i32>} : memref<128xf32, #tpu.memory_space<vmem>>, vector<16xf32>,
    tpu.vector_store %arg7[%swap3A_377], %sub3A_376 {strides = array<i32>} : memref<128xf32, #tpu.memory_space<vmem>>, vector<16xf32>,
    %add3A_379 = arith.constant 32 : i32
    %add3A_380 = vector.broadcast %add3A_379 : i32 to vector<16xi32>
    %add3A_381 = arith.addi %iota3A, %add3A_380 : vector<16xi32>
    %broadcast_in_dim3A_382 = arith.constant 0 : i32
    %broadcast_in_dim3A_383 = vector.broadcast %broadcast_in_dim3A_382 : i32 to vector<16xi32>
    %gather3A_384 = tpu.vector_load_idx %arg5[%add3A_381, %broadcast_in_dim3A_383] : memref<128x128xf32, #tpu.memory_space<vmem>>[vector<16xi32>, vector<16xi32>], vector<16xf32>,
    %broadcast_in_dim3A_385 = arith.constant 1 : i32
    %broadcast_in_dim3A_386 = vector.broadcast %broadcast_in_dim3A_385 : i32 to vector<16xi32>
    %gather3A_387 = tpu.vector_load_idx %arg5[%add3A_381, %broadcast_in_dim3A_386] : memref<128x128xf32, #tpu.memory_space<vmem>>[vector<16xi32>, vector<16xi32>], vector<16xf32>,
    %broadcast_in_dim3A_388 = arith.constant 2 : i32
    %broadcast_in_dim3A_389 = vector.broadcast %broadcast_in_dim3A_388 : i32 to vector<16xi32>
    %gather3A_390 = tpu.vector_load_idx %arg5[%add3A_381, %broadcast_in_dim3A_389] : memref<128x128xf32, #tpu.memory_space<vmem>>[vector<16xi32>, vector<16xi32>], vector<16xf32>,
    %broadcast_in_dim3A_391 = arith.constant 3 : i32
    %broadcast_in_dim3A_392 = vector.broadcast %broadcast_in_dim3A_391 : i32 to vector<16xi32>
    %gather3A_393 = tpu.vector_load_idx %arg5[%add3A_381, %broadcast_in_dim3A_392] : memref<128x128xf32, #tpu.memory_space<vmem>>[vector<16xi32>, vector<16xi32>], vector<16xf32>,
    %broadcast_in_dim3A_394 = arith.constant 4 : i32
    %broadcast_in_dim3A_395 = vector.broadcast %broadcast_in_dim3A_394 : i32 to vector<16xi32>
    %gather3A_396 = tpu.vector_load_idx %arg5[%add3A_381, %broadcast_in_dim3A_395] : memref<128x128xf32, #tpu.memory_space<vmem>>[vector<16xi32>, vector<16xi32>], vector<16xf32>,
    %broadcast_in_dim3A_397 = arith.constant 5 : i32
    %broadcast_in_dim3A_398 = vector.broadcast %broadcast_in_dim3A_397 : i32 to vector<16xi32>
    %gather3A_399 = tpu.vector_load_idx %arg5[%add3A_381, %broadcast_in_dim3A_398] : memref<128x128xf32, #tpu.memory_space<vmem>>[vector<16xi32>, vector<16xi32>], vector<16xf32>,
    %broadcast_in_dim3A_400 = arith.constant 6 : i32
    %broadcast_in_dim3A_401 = vector.broadcast %broadcast_in_dim3A_400 : i32 to vector<16xi32>
    %gather3A_402 = tpu.vector_load_idx %arg5[%add3A_381, %broadcast_in_dim3A_401] : memref<128x128xf32, #tpu.memory_space<vmem>>[vector<16xi32>, vector<16xi32>], vector<16xf32>,
    %broadcast_in_dim3A_403 = arith.constant 7 : i32
    %broadcast_in_dim3A_404 = vector.broadcast %broadcast_in_dim3A_403 : i32 to vector<16xi32>
    %gather3A_405 = tpu.vector_load_idx %arg5[%add3A_381, %broadcast_in_dim3A_404] : memref<128x128xf32, #tpu.memory_space<vmem>>[vector<16xi32>, vector<16xi32>], vector<16xf32>,
    %broadcast_in_dim3A_406 = arith.constant 0 : i32
    %broadcast_in_dim3A_407 = vector.broadcast %broadcast_in_dim3A_406 : i32 to vector<16xi32>
    %gt3A_408 = arith.cmpf ogt, %gather3A_387, %gather3A_384 : vector<16xf32>
    %select_n3A_409 = arith.select %gt3A_408, %gather3A_387, %gather3A_384 : vector<16xi1>, vector<16xf32>
    %broadcast_in_dim3A_410 = arith.constant 1 : i32
    %broadcast_in_dim3A_411 = vector.broadcast %broadcast_in_dim3A_410 : i32 to vector<16xi32>
    %select_n3A_412 = arith.select %gt3A_408, %broadcast_in_dim3A_411, %broadcast_in_dim3A_407 : vector<16xi1>, vector<16xi32>
    %gt3A_413 = arith.cmpf ogt, %gather3A_390, %select_n3A_409 : vector<16xf32>
    %select_n3A_414 = arith.select %gt3A_413, %gather3A_390, %select_n3A_409 : vector<16xi1>, vector<16xf32>
    %broadcast_in_dim3A_415 = arith.constant 2 : i32
    %broadcast_in_dim3A_416 = vector.broadcast %broadcast_in_dim3A_415 : i32 to vector<16xi32>
    %select_n3A_417 = arith.select %gt3A_413, %broadcast_in_dim3A_416, %select_n3A_412 : vector<16xi1>, vector<16xi32>
    %gt3A_418 = arith.cmpf ogt, %gather3A_393, %select_n3A_414 : vector<16xf32>
    %select_n3A_419 = arith.select %gt3A_418, %gather3A_393, %select_n3A_414 : vector<16xi1>, vector<16xf32>
    %broadcast_in_dim3A_420 = arith.constant 3 : i32
    %broadcast_in_dim3A_421 = vector.broadcast %broadcast_in_dim3A_420 : i32 to vector<16xi32>
    %select_n3A_422 = arith.select %gt3A_418, %broadcast_in_dim3A_421, %select_n3A_417 : vector<16xi1>, vector<16xi32>
    %gt3A_423 = arith.cmpf ogt, %gather3A_396, %select_n3A_419 : vector<16xf32>
    %select_n3A_424 = arith.select %gt3A_423, %gather3A_396, %select_n3A_419 : vector<16xi1>, vector<16xf32>
    %broadcast_in_dim3A_425 = arith.constant 4 : i32
    %broadcast_in_dim3A_426 = vector.broadcast %broadcast_in_dim3A_425 : i32 to vector<16xi32>
    %select_n3A_427 = arith.select %gt3A_423, %broadcast_in_dim3A_426, %select_n3A_422 : vector<16xi1>, vector<16xi32>
    %gt3A_428 = arith.cmpf ogt, %gather3A_399, %select_n3A_424 : vector<16xf32>
    %select_n3A_429 = arith.select %gt3A_428, %gather3A_399, %select_n3A_424 : vector<16xi1>, vector<16xf32>
    %broadcast_in_dim3A_430 = arith.constant 5 : i32
    %broadcast_in_dim3A_431 = vector.broadcast %broadcast_in_dim3A_430 : i32 to vector<16xi32>
    %select_n3A_432 = arith.select %gt3A_428, %broadcast_in_dim3A_431, %select_n3A_427 : vector<16xi1>, vector<16xi32>
    %gt3A_433 = arith.cmpf ogt, %gather3A_402, %select_n3A_429 : vector<16xf32>
    %select_n3A_434 = arith.select %gt3A_433, %gather3A_402, %select_n3A_429 : vector<16xi1>, vector<16xf32>
    %broadcast_in_dim3A_435 = arith.constant 6 : i32
    %broadcast_in_dim3A_436 = vector.broadcast %broadcast_in_dim3A_435 : i32 to vector<16xi32>
    %select_n3A_437 = arith.select %gt3A_433, %broadcast_in_dim3A_436, %select_n3A_432 : vector<16xi1>, vector<16xi32>
    %gt3A_438 = arith.cmpf ogt, %gather3A_405, %select_n3A_434 : vector<16xf32>
    %select_n3A_439 = arith.select %gt3A_438, %gather3A_405, %select_n3A_434 : vector<16xi1>, vector<16xf32>
    %broadcast_in_dim3A_440 = arith.constant 7 : i32
    %broadcast_in_dim3A_441 = vector.broadcast %broadcast_in_dim3A_440 : i32 to vector<16xi32>
    %select_n3A_442 = arith.select %gt3A_438, %broadcast_in_dim3A_441, %select_n3A_437 : vector<16xi1>, vector<16xi32>
    %broadcast_in_dim3A_443 = arith.constant -3.000000e+38 : f32
    %broadcast_in_dim3A_444 = vector.broadcast %broadcast_in_dim3A_443 : f32 to vector<16xf32>
    %broadcast_in_dim3A_445 = arith.constant 0 : i32
    %broadcast_in_dim3A_446 = vector.broadcast %broadcast_in_dim3A_445 : i32 to vector<16xi32>
    %eq3A_447 = arith.constant 0 : i32
    %eq3A_448 = vector.broadcast %eq3A_447 : i32 to vector<16xi32>
    %eq3A_449 = arith.cmpi eq, %select_n3A_442, %eq3A_448 : vector<16xi32>
    %broadcast_in_dim3A_450 = arith.constant -3.000000e+38 : f32
    %broadcast_in_dim3A_451 = vector.broadcast %broadcast_in_dim3A_450 : f32 to vector<16xf32>
    %select_n3A_452 = arith.select %eq3A_449, %broadcast_in_dim3A_451, %gather3A_384 : vector<16xi1>, vector<16xf32>
    %gt3A_453 = arith.cmpf ogt, %select_n3A_452, %broadcast_in_dim3A_444 : vector<16xf32>
    %select_n3A_454 = arith.select %gt3A_453, %select_n3A_452, %broadcast_in_dim3A_444 : vector<16xi1>, vector<16xf32>
    %broadcast_in_dim3A_455 = arith.constant 0 : i32
    %broadcast_in_dim3A_456 = vector.broadcast %broadcast_in_dim3A_455 : i32 to vector<16xi32>
    %select_n3A_457 = arith.select %gt3A_453, %broadcast_in_dim3A_456, %broadcast_in_dim3A_446 : vector<16xi1>, vector<16xi32>
    %eq3A_458 = arith.constant 1 : i32
    %eq3A_459 = vector.broadcast %eq3A_458 : i32 to vector<16xi32>
    %eq3A_460 = arith.cmpi eq, %select_n3A_442, %eq3A_459 : vector<16xi32>
    %broadcast_in_dim3A_461 = arith.constant -3.000000e+38 : f32
    %broadcast_in_dim3A_462 = vector.broadcast %broadcast_in_dim3A_461 : f32 to vector<16xf32>
    %select_n3A_463 = arith.select %eq3A_460, %broadcast_in_dim3A_462, %gather3A_387 : vector<16xi1>, vector<16xf32>
    %gt3A_464 = arith.cmpf ogt, %select_n3A_463, %select_n3A_454 : vector<16xf32>
    %select_n3A_465 = arith.select %gt3A_464, %select_n3A_463, %select_n3A_454 : vector<16xi1>, vector<16xf32>
    %broadcast_in_dim3A_466 = arith.constant 1 : i32
    %broadcast_in_dim3A_467 = vector.broadcast %broadcast_in_dim3A_466 : i32 to vector<16xi32>
    %select_n3A_468 = arith.select %gt3A_464, %broadcast_in_dim3A_467, %select_n3A_457 : vector<16xi1>, vector<16xi32>
    %eq3A_469 = arith.constant 2 : i32
    %eq3A_470 = vector.broadcast %eq3A_469 : i32 to vector<16xi32>
    %eq3A_471 = arith.cmpi eq, %select_n3A_442, %eq3A_470 : vector<16xi32>
    %broadcast_in_dim3A_472 = arith.constant -3.000000e+38 : f32
    %broadcast_in_dim3A_473 = vector.broadcast %broadcast_in_dim3A_472 : f32 to vector<16xf32>
    %select_n3A_474 = arith.select %eq3A_471, %broadcast_in_dim3A_473, %gather3A_390 : vector<16xi1>, vector<16xf32>
    %gt3A_475 = arith.cmpf ogt, %select_n3A_474, %select_n3A_465 : vector<16xf32>
    %select_n3A_476 = arith.select %gt3A_475, %select_n3A_474, %select_n3A_465 : vector<16xi1>, vector<16xf32>
    %broadcast_in_dim3A_477 = arith.constant 2 : i32
    %broadcast_in_dim3A_478 = vector.broadcast %broadcast_in_dim3A_477 : i32 to vector<16xi32>
    %select_n3A_479 = arith.select %gt3A_475, %broadcast_in_dim3A_478, %select_n3A_468 : vector<16xi1>, vector<16xi32>
    %eq3A_480 = arith.constant 3 : i32
    %eq3A_481 = vector.broadcast %eq3A_480 : i32 to vector<16xi32>
    %eq3A_482 = arith.cmpi eq, %select_n3A_442, %eq3A_481 : vector<16xi32>
    %broadcast_in_dim3A_483 = arith.constant -3.000000e+38 : f32
    %broadcast_in_dim3A_484 = vector.broadcast %broadcast_in_dim3A_483 : f32 to vector<16xf32>
    %select_n3A_485 = arith.select %eq3A_482, %broadcast_in_dim3A_484, %gather3A_393 : vector<16xi1>, vector<16xf32>
    %gt3A_486 = arith.cmpf ogt, %select_n3A_485, %select_n3A_476 : vector<16xf32>
    %select_n3A_487 = arith.select %gt3A_486, %select_n3A_485, %select_n3A_476 : vector<16xi1>, vector<16xf32>
    %broadcast_in_dim3A_488 = arith.constant 3 : i32
    %broadcast_in_dim3A_489 = vector.broadcast %broadcast_in_dim3A_488 : i32 to vector<16xi32>
    %select_n3A_490 = arith.select %gt3A_486, %broadcast_in_dim3A_489, %select_n3A_479 : vector<16xi1>, vector<16xi32>
    %eq3A_491 = arith.constant 4 : i32
    %eq3A_492 = vector.broadcast %eq3A_491 : i32 to vector<16xi32>
    %eq3A_493 = arith.cmpi eq, %select_n3A_442, %eq3A_492 : vector<16xi32>
    %broadcast_in_dim3A_494 = arith.constant -3.000000e+38 : f32
    %broadcast_in_dim3A_495 = vector.broadcast %broadcast_in_dim3A_494 : f32 to vector<16xf32>
    %select_n3A_496 = arith.select %eq3A_493, %broadcast_in_dim3A_495, %gather3A_396 : vector<16xi1>, vector<16xf32>
    %gt3A_497 = arith.cmpf ogt, %select_n3A_496, %select_n3A_487 : vector<16xf32>
    %select_n3A_498 = arith.select %gt3A_497, %select_n3A_496, %select_n3A_487 : vector<16xi1>, vector<16xf32>
    %broadcast_in_dim3A_499 = arith.constant 4 : i32
    %broadcast_in_dim3A_500 = vector.broadcast %broadcast_in_dim3A_499 : i32 to vector<16xi32>
    %select_n3A_501 = arith.select %gt3A_497, %broadcast_in_dim3A_500, %select_n3A_490 : vector<16xi1>, vector<16xi32>
    %eq3A_502 = arith.constant 5 : i32
    %eq3A_503 = vector.broadcast %eq3A_502 : i32 to vector<16xi32>
    %eq3A_504 = arith.cmpi eq, %select_n3A_442, %eq3A_503 : vector<16xi32>
    %broadcast_in_dim3A_505 = arith.constant -3.000000e+38 : f32
    %broadcast_in_dim3A_506 = vector.broadcast %broadcast_in_dim3A_505 : f32 to vector<16xf32>
    %select_n3A_507 = arith.select %eq3A_504, %broadcast_in_dim3A_506, %gather3A_399 : vector<16xi1>, vector<16xf32>
    %gt3A_508 = arith.cmpf ogt, %select_n3A_507, %select_n3A_498 : vector<16xf32>
    %select_n3A_509 = arith.select %gt3A_508, %select_n3A_507, %select_n3A_498 : vector<16xi1>, vector<16xf32>
    %broadcast_in_dim3A_510 = arith.constant 5 : i32
    %broadcast_in_dim3A_511 = vector.broadcast %broadcast_in_dim3A_510 : i32 to vector<16xi32>
    %select_n3A_512 = arith.select %gt3A_508, %broadcast_in_dim3A_511, %select_n3A_501 : vector<16xi1>, vector<16xi32>
    %eq3A_513 = arith.constant 6 : i32
    %eq3A_514 = vector.broadcast %eq3A_513 : i32 to vector<16xi32>
    %eq3A_515 = arith.cmpi eq, %select_n3A_442, %eq3A_514 : vector<16xi32>
    %broadcast_in_dim3A_516 = arith.constant -3.000000e+38 : f32
    %broadcast_in_dim3A_517 = vector.broadcast %broadcast_in_dim3A_516 : f32 to vector<16xf32>
    %select_n3A_518 = arith.select %eq3A_515, %broadcast_in_dim3A_517, %gather3A_402 : vector<16xi1>, vector<16xf32>
    %gt3A_519 = arith.cmpf ogt, %select_n3A_518, %select_n3A_509 : vector<16xf32>
    %select_n3A_520 = arith.select %gt3A_519, %select_n3A_518, %select_n3A_509 : vector<16xi1>, vector<16xf32>
    %broadcast_in_dim3A_521 = arith.constant 6 : i32
    %broadcast_in_dim3A_522 = vector.broadcast %broadcast_in_dim3A_521 : i32 to vector<16xi32>
    %select_n3A_523 = arith.select %gt3A_519, %broadcast_in_dim3A_522, %select_n3A_512 : vector<16xi1>, vector<16xi32>
    %eq3A_524 = arith.constant 7 : i32
    %eq3A_525 = vector.broadcast %eq3A_524 : i32 to vector<16xi32>
    %eq3A_526 = arith.cmpi eq, %select_n3A_442, %eq3A_525 : vector<16xi32>
    %broadcast_in_dim3A_527 = arith.constant -3.000000e+38 : f32
    %broadcast_in_dim3A_528 = vector.broadcast %broadcast_in_dim3A_527 : f32 to vector<16xf32>
    %select_n3A_529 = arith.select %eq3A_526, %broadcast_in_dim3A_528, %gather3A_405 : vector<16xi1>, vector<16xf32>
    %gt3A_530 = arith.cmpf ogt, %select_n3A_529, %select_n3A_520 : vector<16xf32>
    %select_n3A_531 = arith.select %gt3A_530, %select_n3A_529, %select_n3A_520 : vector<16xi1>, vector<16xf32>
    %broadcast_in_dim3A_532 = arith.constant 7 : i32
    %broadcast_in_dim3A_533 = vector.broadcast %broadcast_in_dim3A_532 : i32 to vector<16xi32>
    %select_n3A_534 = arith.select %gt3A_530, %broadcast_in_dim3A_533, %select_n3A_523 : vector<16xi1>, vector<16xi32>
    %sub3A_535 = arith.subf %select_n3A_531, %select_n3A_439 : vector<16xf32>
    %exp3A_536 = math.exp %sub3A_535 : vector<16xf32>
    %add3A_537 = arith.constant 1.000000e+00 : f32
    %add3A_538 = vector.broadcast %add3A_537 : f32 to vector<16xf32>
    %add3A_539 = arith.addf %add3A_538, %exp3A_536 : vector<16xf32>
    %div3A_540 = arith.constant 1.000000e+00 : f32
    %div3A_541 = vector.broadcast %div3A_540 : f32 to vector<16xf32>
    %div3A_542 = arith.divf %div3A_541, %add3A_539 : vector<16xf32>
    %add3A_543 = vector.broadcast %mul3A_2 : i32 to vector<16xi32>
    %add3A_544 = arith.addi %add3A_543, %add3A_381 : vector<16xi32>
    %mul3A_545 = arith.constant 4096 : i32
    %mul3A_546 = vector.broadcast %mul3A_545 : i32 to vector<16xi32>
    %mul3A_547 = arith.muli %select_n3A_442, %mul3A_546 : vector<16xi32>
    %add3A_548 = arith.addi %mul3A_547, %add3A_544 : vector<16xi32>
    %dma_start3A_549 = arith.constant 32 : i32
    %dma_start3A_550 = arith.constant 0 : i32
    %dma_start3A_551 = tpu.memref_slice %arg8[%dma_start3A_549, %dma_start3A_550] : memref<128x128xf32, #tpu.memory_space<vmem>> -> memref<16x128xf32, #tpu.memory_space<vmem>>
    %dma_start3A_552 = arith.constant 0 : i32
    %dma_start3A_553 = arith.constant 0 : i32
    %dma_start3A_554 = tpu.memref_slice %arg3[%dma_start3A_552, %dma_start3A_553] : memref<32768x128xf32, #tpu.memory_space<hbm>> -> memref<32768x128xf32, #tpu.memory_space<hbm>>
    tpu.enqueue_indirect_dma source(%dma_start3A_554 : memref<32768x128xf32, #tpu.memory_space<hbm>>) target(%dma_start3A_551 : memref<16x128xf32, #tpu.memory_space<vmem>>) offsets(%add3A_548 : vector<16xi32>) semaphore(%arg11 : memref<!tpu.dma_semaphore, #tpu.memory_space<semaphore_mem>>)
    %mul3A_555 = arith.constant 4096 : i32
    %mul3A_556 = vector.broadcast %mul3A_555 : i32 to vector<16xi32>
    %mul3A_557 = arith.muli %select_n3A_534, %mul3A_556 : vector<16xi32>
    %add3A_558 = arith.addi %mul3A_557, %add3A_544 : vector<16xi32>
    %dma_start3A_559 = arith.constant 32 : i32
    %dma_start3A_560 = arith.constant 0 : i32
    %dma_start3A_561 = tpu.memref_slice %arg9[%dma_start3A_559, %dma_start3A_560] : memref<128x128xf32, #tpu.memory_space<vmem>> -> memref<16x128xf32, #tpu.memory_space<vmem>>
    %dma_start3A_562 = arith.constant 0 : i32
    %dma_start3A_563 = arith.constant 0 : i32
    %dma_start3A_564 = tpu.memref_slice %arg3[%dma_start3A_562, %dma_start3A_563] : memref<32768x128xf32, #tpu.memory_space<hbm>> -> memref<32768x128xf32, #tpu.memory_space<hbm>>
    tpu.enqueue_indirect_dma source(%dma_start3A_564 : memref<32768x128xf32, #tpu.memory_space<hbm>>) target(%dma_start3A_561 : memref<16x128xf32, #tpu.memory_space<vmem>>) offsets(%add3A_558 : vector<16xi32>) semaphore(%arg11 : memref<!tpu.dma_semaphore, #tpu.memory_space<semaphore_mem>>)
    %swap3A_565 = arith.constant 32 : index
    %swap3A_566 = tpu.vector_load %arg6[%swap3A_565] {strides = array<i32>} : memref<128xf32, #tpu.memory_space<vmem>>, vector<16xf32>,
    tpu.vector_store %arg6[%swap3A_565], %div3A_542 {strides = array<i32>} : memref<128xf32, #tpu.memory_space<vmem>>, vector<16xf32>,
    %sub3A_567 = arith.constant 1.000000e+00 : f32
    %sub3A_568 = vector.broadcast %sub3A_567 : f32 to vector<16xf32>
    %sub3A_569 = arith.subf %sub3A_568, %div3A_542 : vector<16xf32>
    %swap3A_570 = arith.constant 32 : index
    %swap3A_571 = tpu.vector_load %arg7[%swap3A_570] {strides = array<i32>} : memref<128xf32, #tpu.memory_space<vmem>>, vector<16xf32>,
    tpu.vector_store %arg7[%swap3A_570], %sub3A_569 {strides = array<i32>} : memref<128xf32, #tpu.memory_space<vmem>>, vector<16xf32>,
    %add3A_572 = arith.constant 48 : i32
    %add3A_573 = vector.broadcast %add3A_572 : i32 to vector<16xi32>
    %add3A_574 = arith.addi %iota3A, %add3A_573 : vector<16xi32>
    %broadcast_in_dim3A_575 = arith.constant 0 : i32
    %broadcast_in_dim3A_576 = vector.broadcast %broadcast_in_dim3A_575 : i32 to vector<16xi32>
    %gather3A_577 = tpu.vector_load_idx %arg5[%add3A_574, %broadcast_in_dim3A_576] : memref<128x128xf32, #tpu.memory_space<vmem>>[vector<16xi32>, vector<16xi32>], vector<16xf32>,
    %broadcast_in_dim3A_578 = arith.constant 1 : i32
    %broadcast_in_dim3A_579 = vector.broadcast %broadcast_in_dim3A_578 : i32 to vector<16xi32>
    %gather3A_580 = tpu.vector_load_idx %arg5[%add3A_574, %broadcast_in_dim3A_579] : memref<128x128xf32, #tpu.memory_space<vmem>>[vector<16xi32>, vector<16xi32>], vector<16xf32>,
    %broadcast_in_dim3A_581 = arith.constant 2 : i32
    %broadcast_in_dim3A_582 = vector.broadcast %broadcast_in_dim3A_581 : i32 to vector<16xi32>
    %gather3A_583 = tpu.vector_load_idx %arg5[%add3A_574, %broadcast_in_dim3A_582] : memref<128x128xf32, #tpu.memory_space<vmem>>[vector<16xi32>, vector<16xi32>], vector<16xf32>,
    %broadcast_in_dim3A_584 = arith.constant 3 : i32
    %broadcast_in_dim3A_585 = vector.broadcast %broadcast_in_dim3A_584 : i32 to vector<16xi32>
    %gather3A_586 = tpu.vector_load_idx %arg5[%add3A_574, %broadcast_in_dim3A_585] : memref<128x128xf32, #tpu.memory_space<vmem>>[vector<16xi32>, vector<16xi32>], vector<16xf32>,
    %broadcast_in_dim3A_587 = arith.constant 4 : i32
    %broadcast_in_dim3A_588 = vector.broadcast %broadcast_in_dim3A_587 : i32 to vector<16xi32>
    %gather3A_589 = tpu.vector_load_idx %arg5[%add3A_574, %broadcast_in_dim3A_588] : memref<128x128xf32, #tpu.memory_space<vmem>>[vector<16xi32>, vector<16xi32>], vector<16xf32>,
    %broadcast_in_dim3A_590 = arith.constant 5 : i32
    %broadcast_in_dim3A_591 = vector.broadcast %broadcast_in_dim3A_590 : i32 to vector<16xi32>
    %gather3A_592 = tpu.vector_load_idx %arg5[%add3A_574, %broadcast_in_dim3A_591] : memref<128x128xf32, #tpu.memory_space<vmem>>[vector<16xi32>, vector<16xi32>], vector<16xf32>,
    %broadcast_in_dim3A_593 = arith.constant 6 : i32
    %broadcast_in_dim3A_594 = vector.broadcast %broadcast_in_dim3A_593 : i32 to vector<16xi32>
    %gather3A_595 = tpu.vector_load_idx %arg5[%add3A_574, %broadcast_in_dim3A_594] : memref<128x128xf32, #tpu.memory_space<vmem>>[vector<16xi32>, vector<16xi32>], vector<16xf32>,
    %broadcast_in_dim3A_596 = arith.constant 7 : i32
    %broadcast_in_dim3A_597 = vector.broadcast %broadcast_in_dim3A_596 : i32 to vector<16xi32>
    %gather3A_598 = tpu.vector_load_idx %arg5[%add3A_574, %broadcast_in_dim3A_597] : memref<128x128xf32, #tpu.memory_space<vmem>>[vector<16xi32>, vector<16xi32>], vector<16xf32>,
    %broadcast_in_dim3A_599 = arith.constant 0 : i32
    %broadcast_in_dim3A_600 = vector.broadcast %broadcast_in_dim3A_599 : i32 to vector<16xi32>
    %gt3A_601 = arith.cmpf ogt, %gather3A_580, %gather3A_577 : vector<16xf32>
    %select_n3A_602 = arith.select %gt3A_601, %gather3A_580, %gather3A_577 : vector<16xi1>, vector<16xf32>
    %broadcast_in_dim3A_603 = arith.constant 1 : i32
    %broadcast_in_dim3A_604 = vector.broadcast %broadcast_in_dim3A_603 : i32 to vector<16xi32>
    %select_n3A_605 = arith.select %gt3A_601, %broadcast_in_dim3A_604, %broadcast_in_dim3A_600 : vector<16xi1>, vector<16xi32>
    %gt3A_606 = arith.cmpf ogt, %gather3A_583, %select_n3A_602 : vector<16xf32>
    %select_n3A_607 = arith.select %gt3A_606, %gather3A_583, %select_n3A_602 : vector<16xi1>, vector<16xf32>
    %broadcast_in_dim3A_608 = arith.constant 2 : i32
    %broadcast_in_dim3A_609 = vector.broadcast %broadcast_in_dim3A_608 : i32 to vector<16xi32>
    %select_n3A_610 = arith.select %gt3A_606, %broadcast_in_dim3A_609, %select_n3A_605 : vector<16xi1>, vector<16xi32>
    %gt3A_611 = arith.cmpf ogt, %gather3A_586, %select_n3A_607 : vector<16xf32>
    %select_n3A_612 = arith.select %gt3A_611, %gather3A_586, %select_n3A_607 : vector<16xi1>, vector<16xf32>
    %broadcast_in_dim3A_613 = arith.constant 3 : i32
    %broadcast_in_dim3A_614 = vector.broadcast %broadcast_in_dim3A_613 : i32 to vector<16xi32>
    %select_n3A_615 = arith.select %gt3A_611, %broadcast_in_dim3A_614, %select_n3A_610 : vector<16xi1>, vector<16xi32>
    %gt3A_616 = arith.cmpf ogt, %gather3A_589, %select_n3A_612 : vector<16xf32>
    %select_n3A_617 = arith.select %gt3A_616, %gather3A_589, %select_n3A_612 : vector<16xi1>, vector<16xf32>
    %broadcast_in_dim3A_618 = arith.constant 4 : i32
    %broadcast_in_dim3A_619 = vector.broadcast %broadcast_in_dim3A_618 : i32 to vector<16xi32>
    %select_n3A_620 = arith.select %gt3A_616, %broadcast_in_dim3A_619, %select_n3A_615 : vector<16xi1>, vector<16xi32>
    %gt3A_621 = arith.cmpf ogt, %gather3A_592, %select_n3A_617 : vector<16xf32>
    %select_n3A_622 = arith.select %gt3A_621, %gather3A_592, %select_n3A_617 : vector<16xi1>, vector<16xf32>
    %broadcast_in_dim3A_623 = arith.constant 5 : i32
    %broadcast_in_dim3A_624 = vector.broadcast %broadcast_in_dim3A_623 : i32 to vector<16xi32>
    %select_n3A_625 = arith.select %gt3A_621, %broadcast_in_dim3A_624, %select_n3A_620 : vector<16xi1>, vector<16xi32>
    %gt3A_626 = arith.cmpf ogt, %gather3A_595, %select_n3A_622 : vector<16xf32>
    %select_n3A_627 = arith.select %gt3A_626, %gather3A_595, %select_n3A_622 : vector<16xi1>, vector<16xf32>
    %broadcast_in_dim3A_628 = arith.constant 6 : i32
    %broadcast_in_dim3A_629 = vector.broadcast %broadcast_in_dim3A_628 : i32 to vector<16xi32>
    %select_n3A_630 = arith.select %gt3A_626, %broadcast_in_dim3A_629, %select_n3A_625 : vector<16xi1>, vector<16xi32>
    %gt3A_631 = arith.cmpf ogt, %gather3A_598, %select_n3A_627 : vector<16xf32>
    %select_n3A_632 = arith.select %gt3A_631, %gather3A_598, %select_n3A_627 : vector<16xi1>, vector<16xf32>
    %broadcast_in_dim3A_633 = arith.constant 7 : i32
    %broadcast_in_dim3A_634 = vector.broadcast %broadcast_in_dim3A_633 : i32 to vector<16xi32>
    %select_n3A_635 = arith.select %gt3A_631, %broadcast_in_dim3A_634, %select_n3A_630 : vector<16xi1>, vector<16xi32>
    %broadcast_in_dim3A_636 = arith.constant -3.000000e+38 : f32
    %broadcast_in_dim3A_637 = vector.broadcast %broadcast_in_dim3A_636 : f32 to vector<16xf32>
    %broadcast_in_dim3A_638 = arith.constant 0 : i32
    %broadcast_in_dim3A_639 = vector.broadcast %broadcast_in_dim3A_638 : i32 to vector<16xi32>
    %eq3A_640 = arith.constant 0 : i32
    %eq3A_641 = vector.broadcast %eq3A_640 : i32 to vector<16xi32>
    %eq3A_642 = arith.cmpi eq, %select_n3A_635, %eq3A_641 : vector<16xi32>
    %broadcast_in_dim3A_643 = arith.constant -3.000000e+38 : f32
    %broadcast_in_dim3A_644 = vector.broadcast %broadcast_in_dim3A_643 : f32 to vector<16xf32>
    %select_n3A_645 = arith.select %eq3A_642, %broadcast_in_dim3A_644, %gather3A_577 : vector<16xi1>, vector<16xf32>
    %gt3A_646 = arith.cmpf ogt, %select_n3A_645, %broadcast_in_dim3A_637 : vector<16xf32>
    %select_n3A_647 = arith.select %gt3A_646, %select_n3A_645, %broadcast_in_dim3A_637 : vector<16xi1>, vector<16xf32>
    %broadcast_in_dim3A_648 = arith.constant 0 : i32
    %broadcast_in_dim3A_649 = vector.broadcast %broadcast_in_dim3A_648 : i32 to vector<16xi32>
    %select_n3A_650 = arith.select %gt3A_646, %broadcast_in_dim3A_649, %broadcast_in_dim3A_639 : vector<16xi1>, vector<16xi32>
    %eq3A_651 = arith.constant 1 : i32
    %eq3A_652 = vector.broadcast %eq3A_651 : i32 to vector<16xi32>
    %eq3A_653 = arith.cmpi eq, %select_n3A_635, %eq3A_652 : vector<16xi32>
    %broadcast_in_dim3A_654 = arith.constant -3.000000e+38 : f32
    %broadcast_in_dim3A_655 = vector.broadcast %broadcast_in_dim3A_654 : f32 to vector<16xf32>
    %select_n3A_656 = arith.select %eq3A_653, %broadcast_in_dim3A_655, %gather3A_580 : vector<16xi1>, vector<16xf32>
    %gt3A_657 = arith.cmpf ogt, %select_n3A_656, %select_n3A_647 : vector<16xf32>
    %select_n3A_658 = arith.select %gt3A_657, %select_n3A_656, %select_n3A_647 : vector<16xi1>, vector<16xf32>
    %broadcast_in_dim3A_659 = arith.constant 1 : i32
    %broadcast_in_dim3A_660 = vector.broadcast %broadcast_in_dim3A_659 : i32 to vector<16xi32>
    %select_n3A_661 = arith.select %gt3A_657, %broadcast_in_dim3A_660, %select_n3A_650 : vector<16xi1>, vector<16xi32>
    %eq3A_662 = arith.constant 2 : i32
    %eq3A_663 = vector.broadcast %eq3A_662 : i32 to vector<16xi32>
    %eq3A_664 = arith.cmpi eq, %select_n3A_635, %eq3A_663 : vector<16xi32>
    %broadcast_in_dim3A_665 = arith.constant -3.000000e+38 : f32
    %broadcast_in_dim3A_666 = vector.broadcast %broadcast_in_dim3A_665 : f32 to vector<16xf32>
    %select_n3A_667 = arith.select %eq3A_664, %broadcast_in_dim3A_666, %gather3A_583 : vector<16xi1>, vector<16xf32>
    %gt3A_668 = arith.cmpf ogt, %select_n3A_667, %select_n3A_658 : vector<16xf32>
    %select_n3A_669 = arith.select %gt3A_668, %select_n3A_667, %select_n3A_658 : vector<16xi1>, vector<16xf32>
    %broadcast_in_dim3A_670 = arith.constant 2 : i32
    %broadcast_in_dim3A_671 = vector.broadcast %broadcast_in_dim3A_670 : i32 to vector<16xi32>
    %select_n3A_672 = arith.select %gt3A_668, %broadcast_in_dim3A_671, %select_n3A_661 : vector<16xi1>, vector<16xi32>
    %eq3A_673 = arith.constant 3 : i32
    %eq3A_674 = vector.broadcast %eq3A_673 : i32 to vector<16xi32>
    %eq3A_675 = arith.cmpi eq, %select_n3A_635, %eq3A_674 : vector<16xi32>
    %broadcast_in_dim3A_676 = arith.constant -3.000000e+38 : f32
    %broadcast_in_dim3A_677 = vector.broadcast %broadcast_in_dim3A_676 : f32 to vector<16xf32>
    %select_n3A_678 = arith.select %eq3A_675, %broadcast_in_dim3A_677, %gather3A_586 : vector<16xi1>, vector<16xf32>
    %gt3A_679 = arith.cmpf ogt, %select_n3A_678, %select_n3A_669 : vector<16xf32>
    %select_n3A_680 = arith.select %gt3A_679, %select_n3A_678, %select_n3A_669 : vector<16xi1>, vector<16xf32>
    %broadcast_in_dim3A_681 = arith.constant 3 : i32
    %broadcast_in_dim3A_682 = vector.broadcast %broadcast_in_dim3A_681 : i32 to vector<16xi32>
    %select_n3A_683 = arith.select %gt3A_679, %broadcast_in_dim3A_682, %select_n3A_672 : vector<16xi1>, vector<16xi32>
    %eq3A_684 = arith.constant 4 : i32
    %eq3A_685 = vector.broadcast %eq3A_684 : i32 to vector<16xi32>
    %eq3A_686 = arith.cmpi eq, %select_n3A_635, %eq3A_685 : vector<16xi32>
    %broadcast_in_dim3A_687 = arith.constant -3.000000e+38 : f32
    %broadcast_in_dim3A_688 = vector.broadcast %broadcast_in_dim3A_687 : f32 to vector<16xf32>
    %select_n3A_689 = arith.select %eq3A_686, %broadcast_in_dim3A_688, %gather3A_589 : vector<16xi1>, vector<16xf32>
    %gt3A_690 = arith.cmpf ogt, %select_n3A_689, %select_n3A_680 : vector<16xf32>
    %select_n3A_691 = arith.select %gt3A_690, %select_n3A_689, %select_n3A_680 : vector<16xi1>, vector<16xf32>
    %broadcast_in_dim3A_692 = arith.constant 4 : i32
    %broadcast_in_dim3A_693 = vector.broadcast %broadcast_in_dim3A_692 : i32 to vector<16xi32>
    %select_n3A_694 = arith.select %gt3A_690, %broadcast_in_dim3A_693, %select_n3A_683 : vector<16xi1>, vector<16xi32>
    %eq3A_695 = arith.constant 5 : i32
    %eq3A_696 = vector.broadcast %eq3A_695 : i32 to vector<16xi32>
    %eq3A_697 = arith.cmpi eq, %select_n3A_635, %eq3A_696 : vector<16xi32>
    %broadcast_in_dim3A_698 = arith.constant -3.000000e+38 : f32
    %broadcast_in_dim3A_699 = vector.broadcast %broadcast_in_dim3A_698 : f32 to vector<16xf32>
    %select_n3A_700 = arith.select %eq3A_697, %broadcast_in_dim3A_699, %gather3A_592 : vector<16xi1>, vector<16xf32>
    %gt3A_701 = arith.cmpf ogt, %select_n3A_700, %select_n3A_691 : vector<16xf32>
    %select_n3A_702 = arith.select %gt3A_701, %select_n3A_700, %select_n3A_691 : vector<16xi1>, vector<16xf32>
    %broadcast_in_dim3A_703 = arith.constant 5 : i32
    %broadcast_in_dim3A_704 = vector.broadcast %broadcast_in_dim3A_703 : i32 to vector<16xi32>
    %select_n3A_705 = arith.select %gt3A_701, %broadcast_in_dim3A_704, %select_n3A_694 : vector<16xi1>, vector<16xi32>
    %eq3A_706 = arith.constant 6 : i32
    %eq3A_707 = vector.broadcast %eq3A_706 : i32 to vector<16xi32>
    %eq3A_708 = arith.cmpi eq, %select_n3A_635, %eq3A_707 : vector<16xi32>
    %broadcast_in_dim3A_709 = arith.constant -3.000000e+38 : f32
    %broadcast_in_dim3A_710 = vector.broadcast %broadcast_in_dim3A_709 : f32 to vector<16xf32>
    %select_n3A_711 = arith.select %eq3A_708, %broadcast_in_dim3A_710, %gather3A_595 : vector<16xi1>, vector<16xf32>
    %gt3A_712 = arith.cmpf ogt, %select_n3A_711, %select_n3A_702 : vector<16xf32>
    %select_n3A_713 = arith.select %gt3A_712, %select_n3A_711, %select_n3A_702 : vector<16xi1>, vector<16xf32>
    %broadcast_in_dim3A_714 = arith.constant 6 : i32
    %broadcast_in_dim3A_715 = vector.broadcast %broadcast_in_dim3A_714 : i32 to vector<16xi32>
    %select_n3A_716 = arith.select %gt3A_712, %broadcast_in_dim3A_715, %select_n3A_705 : vector<16xi1>, vector<16xi32>
    %eq3A_717 = arith.constant 7 : i32
    %eq3A_718 = vector.broadcast %eq3A_717 : i32 to vector<16xi32>
    %eq3A_719 = arith.cmpi eq, %select_n3A_635, %eq3A_718 : vector<16xi32>
    %broadcast_in_dim3A_720 = arith.constant -3.000000e+38 : f32
    %broadcast_in_dim3A_721 = vector.broadcast %broadcast_in_dim3A_720 : f32 to vector<16xf32>
    %select_n3A_722 = arith.select %eq3A_719, %broadcast_in_dim3A_721, %gather3A_598 : vector<16xi1>, vector<16xf32>
    %gt3A_723 = arith.cmpf ogt, %select_n3A_722, %select_n3A_713 : vector<16xf32>
    %select_n3A_724 = arith.select %gt3A_723, %select_n3A_722, %select_n3A_713 : vector<16xi1>, vector<16xf32>
    %broadcast_in_dim3A_725 = arith.constant 7 : i32
    %broadcast_in_dim3A_726 = vector.broadcast %broadcast_in_dim3A_725 : i32 to vector<16xi32>
    %select_n3A_727 = arith.select %gt3A_723, %broadcast_in_dim3A_726, %select_n3A_716 : vector<16xi1>, vector<16xi32>
    %sub3A_728 = arith.subf %select_n3A_724, %select_n3A_632 : vector<16xf32>
    %exp3A_729 = math.exp %sub3A_728 : vector<16xf32>
    %add3A_730 = arith.constant 1.000000e+00 : f32
    %add3A_731 = vector.broadcast %add3A_730 : f32 to vector<16xf32>
    %add3A_732 = arith.addf %add3A_731, %exp3A_729 : vector<16xf32>
    %div3A_733 = arith.constant 1.000000e+00 : f32
    %div3A_734 = vector.broadcast %div3A_733 : f32 to vector<16xf32>
    %div3A_735 = arith.divf %div3A_734, %add3A_732 : vector<16xf32>
    %add3A_736 = vector.broadcast %mul3A_2 : i32 to vector<16xi32>
    %add3A_737 = arith.addi %add3A_736, %add3A_574 : vector<16xi32>
    %mul3A_738 = arith.constant 4096 : i32
    %mul3A_739 = vector.broadcast %mul3A_738 : i32 to vector<16xi32>
    %mul3A_740 = arith.muli %select_n3A_635, %mul3A_739 : vector<16xi32>
    %add3A_741 = arith.addi %mul3A_740, %add3A_737 : vector<16xi32>
    %dma_start3A_742 = arith.constant 48 : i32
    %dma_start3A_743 = arith.constant 0 : i32
    %dma_start3A_744 = tpu.memref_slice %arg8[%dma_start3A_742, %dma_start3A_743] : memref<128x128xf32, #tpu.memory_space<vmem>> -> memref<16x128xf32, #tpu.memory_space<vmem>>
    %dma_start3A_745 = arith.constant 0 : i32
    %dma_start3A_746 = arith.constant 0 : i32
    %dma_start3A_747 = tpu.memref_slice %arg3[%dma_start3A_745, %dma_start3A_746] : memref<32768x128xf32, #tpu.memory_space<hbm>> -> memref<32768x128xf32, #tpu.memory_space<hbm>>
    tpu.enqueue_indirect_dma source(%dma_start3A_747 : memref<32768x128xf32, #tpu.memory_space<hbm>>) target(%dma_start3A_744 : memref<16x128xf32, #tpu.memory_space<vmem>>) offsets(%add3A_741 : vector<16xi32>) semaphore(%arg11 : memref<!tpu.dma_semaphore, #tpu.memory_space<semaphore_mem>>)
    %mul3A_748 = arith.constant 4096 : i32
    %mul3A_749 = vector.broadcast %mul3A_748 : i32 to vector<16xi32>
    %mul3A_750 = arith.muli %select_n3A_727, %mul3A_749 : vector<16xi32>
    %add3A_751 = arith.addi %mul3A_750, %add3A_737 : vector<16xi32>
    %dma_start3A_752 = arith.constant 48 : i32
    %dma_start3A_753 = arith.constant 0 : i32
    %dma_start3A_754 = tpu.memref_slice %arg9[%dma_start3A_752, %dma_start3A_753] : memref<128x128xf32, #tpu.memory_space<vmem>> -> memref<16x128xf32, #tpu.memory_space<vmem>>
    %dma_start3A_755 = arith.constant 0 : i32
    %dma_start3A_756 = arith.constant 0 : i32
    %dma_start3A_757 = tpu.memref_slice %arg3[%dma_start3A_755, %dma_start3A_756] : memref<32768x128xf32, #tpu.memory_space<hbm>> -> memref<32768x128xf32, #tpu.memory_space<hbm>>
    tpu.enqueue_indirect_dma source(%dma_start3A_757 : memref<32768x128xf32, #tpu.memory_space<hbm>>) target(%dma_start3A_754 : memref<16x128xf32, #tpu.memory_space<vmem>>) offsets(%add3A_751 : vector<16xi32>) semaphore(%arg11 : memref<!tpu.dma_semaphore, #tpu.memory_space<semaphore_mem>>)
    %swap3A_758 = arith.constant 48 : index
    %swap3A_759 = tpu.vector_load %arg6[%swap3A_758] {strides = array<i32>} : memref<128xf32, #tpu.memory_space<vmem>>, vector<16xf32>,
    tpu.vector_store %arg6[%swap3A_758], %div3A_735 {strides = array<i32>} : memref<128xf32, #tpu.memory_space<vmem>>, vector<16xf32>,
    %sub3A_760 = arith.constant 1.000000e+00 : f32
    %sub3A_761 = vector.broadcast %sub3A_760 : f32 to vector<16xf32>
    %sub3A_762 = arith.subf %sub3A_761, %div3A_735 : vector<16xf32>
    %swap3A_763 = arith.constant 48 : index
    %swap3A_764 = tpu.vector_load %arg7[%swap3A_763] {strides = array<i32>} : memref<128xf32, #tpu.memory_space<vmem>>, vector<16xf32>,
    tpu.vector_store %arg7[%swap3A_763], %sub3A_762 {strides = array<i32>} : memref<128xf32, #tpu.memory_space<vmem>>, vector<16xf32>,
    %add3A_765 = arith.constant 64 : i32
    %add3A_766 = vector.broadcast %add3A_765 : i32 to vector<16xi32>
    %add3A_767 = arith.addi %iota3A, %add3A_766 : vector<16xi32>
    %broadcast_in_dim3A_768 = arith.constant 0 : i32
    %broadcast_in_dim3A_769 = vector.broadcast %broadcast_in_dim3A_768 : i32 to vector<16xi32>
    %gather3A_770 = tpu.vector_load_idx %arg5[%add3A_767, %broadcast_in_dim3A_769] : memref<128x128xf32, #tpu.memory_space<vmem>>[vector<16xi32>, vector<16xi32>], vector<16xf32>,
    %broadcast_in_dim3A_771 = arith.constant 1 : i32
    %broadcast_in_dim3A_772 = vector.broadcast %broadcast_in_dim3A_771 : i32 to vector<16xi32>
    %gather3A_773 = tpu.vector_load_idx %arg5[%add3A_767, %broadcast_in_dim3A_772] : memref<128x128xf32, #tpu.memory_space<vmem>>[vector<16xi32>, vector<16xi32>], vector<16xf32>,
    %broadcast_in_dim3A_774 = arith.constant 2 : i32
    %broadcast_in_dim3A_775 = vector.broadcast %broadcast_in_dim3A_774 : i32 to vector<16xi32>
    %gather3A_776 = tpu.vector_load_idx %arg5[%add3A_767, %broadcast_in_dim3A_775] : memref<128x128xf32, #tpu.memory_space<vmem>>[vector<16xi32>, vector<16xi32>], vector<16xf32>,
    %broadcast_in_dim3A_777 = arith.constant 3 : i32
    %broadcast_in_dim3A_778 = vector.broadcast %broadcast_in_dim3A_777 : i32 to vector<16xi32>
    %gather3A_779 = tpu.vector_load_idx %arg5[%add3A_767, %broadcast_in_dim3A_778] : memref<128x128xf32, #tpu.memory_space<vmem>>[vector<16xi32>, vector<16xi32>], vector<16xf32>,
    %broadcast_in_dim3A_780 = arith.constant 4 : i32
    %broadcast_in_dim3A_781 = vector.broadcast %broadcast_in_dim3A_780 : i32 to vector<16xi32>
    %gather3A_782 = tpu.vector_load_idx %arg5[%add3A_767, %broadcast_in_dim3A_781] : memref<128x128xf32, #tpu.memory_space<vmem>>[vector<16xi32>, vector<16xi32>], vector<16xf32>,
    %broadcast_in_dim3A_783 = arith.constant 5 : i32
    %broadcast_in_dim3A_784 = vector.broadcast %broadcast_in_dim3A_783 : i32 to vector<16xi32>
    %gather3A_785 = tpu.vector_load_idx %arg5[%add3A_767, %broadcast_in_dim3A_784] : memref<128x128xf32, #tpu.memory_space<vmem>>[vector<16xi32>, vector<16xi32>], vector<16xf32>,
    %broadcast_in_dim3A_786 = arith.constant 6 : i32
    %broadcast_in_dim3A_787 = vector.broadcast %broadcast_in_dim3A_786 : i32 to vector<16xi32>
    %gather3A_788 = tpu.vector_load_idx %arg5[%add3A_767, %broadcast_in_dim3A_787] : memref<128x128xf32, #tpu.memory_space<vmem>>[vector<16xi32>, vector<16xi32>], vector<16xf32>,
    %broadcast_in_dim3A_789 = arith.constant 7 : i32
    %broadcast_in_dim3A_790 = vector.broadcast %broadcast_in_dim3A_789 : i32 to vector<16xi32>
    %gather3A_791 = tpu.vector_load_idx %arg5[%add3A_767, %broadcast_in_dim3A_790] : memref<128x128xf32, #tpu.memory_space<vmem>>[vector<16xi32>, vector<16xi32>], vector<16xf32>,
    %broadcast_in_dim3A_792 = arith.constant 0 : i32
    %broadcast_in_dim3A_793 = vector.broadcast %broadcast_in_dim3A_792 : i32 to vector<16xi32>
    %gt3A_794 = arith.cmpf ogt, %gather3A_773, %gather3A_770 : vector<16xf32>
    %select_n3A_795 = arith.select %gt3A_794, %gather3A_773, %gather3A_770 : vector<16xi1>, vector<16xf32>
    %broadcast_in_dim3A_796 = arith.constant 1 : i32
    %broadcast_in_dim3A_797 = vector.broadcast %broadcast_in_dim3A_796 : i32 to vector<16xi32>
    %select_n3A_798 = arith.select %gt3A_794, %broadcast_in_dim3A_797, %broadcast_in_dim3A_793 : vector<16xi1>, vector<16xi32>
    %gt3A_799 = arith.cmpf ogt, %gather3A_776, %select_n3A_795 : vector<16xf32>
    %select_n3A_800 = arith.select %gt3A_799, %gather3A_776, %select_n3A_795 : vector<16xi1>, vector<16xf32>
    %broadcast_in_dim3A_801 = arith.constant 2 : i32
    %broadcast_in_dim3A_802 = vector.broadcast %broadcast_in_dim3A_801 : i32 to vector<16xi32>
    %select_n3A_803 = arith.select %gt3A_799, %broadcast_in_dim3A_802, %select_n3A_798 : vector<16xi1>, vector<16xi32>
    %gt3A_804 = arith.cmpf ogt, %gather3A_779, %select_n3A_800 : vector<16xf32>
    %select_n3A_805 = arith.select %gt3A_804, %gather3A_779, %select_n3A_800 : vector<16xi1>, vector<16xf32>
    %broadcast_in_dim3A_806 = arith.constant 3 : i32
    %broadcast_in_dim3A_807 = vector.broadcast %broadcast_in_dim3A_806 : i32 to vector<16xi32>
    %select_n3A_808 = arith.select %gt3A_804, %broadcast_in_dim3A_807, %select_n3A_803 : vector<16xi1>, vector<16xi32>
    %gt3A_809 = arith.cmpf ogt, %gather3A_782, %select_n3A_805 : vector<16xf32>
    %select_n3A_810 = arith.select %gt3A_809, %gather3A_782, %select_n3A_805 : vector<16xi1>, vector<16xf32>
    %broadcast_in_dim3A_811 = arith.constant 4 : i32
    %broadcast_in_dim3A_812 = vector.broadcast %broadcast_in_dim3A_811 : i32 to vector<16xi32>
    %select_n3A_813 = arith.select %gt3A_809, %broadcast_in_dim3A_812, %select_n3A_808 : vector<16xi1>, vector<16xi32>
    %gt3A_814 = arith.cmpf ogt, %gather3A_785, %select_n3A_810 : vector<16xf32>
    %select_n3A_815 = arith.select %gt3A_814, %gather3A_785, %select_n3A_810 : vector<16xi1>, vector<16xf32>
    %broadcast_in_dim3A_816 = arith.constant 5 : i32
    %broadcast_in_dim3A_817 = vector.broadcast %broadcast_in_dim3A_816 : i32 to vector<16xi32>
    %select_n3A_818 = arith.select %gt3A_814, %broadcast_in_dim3A_817, %select_n3A_813 : vector<16xi1>, vector<16xi32>
    %gt3A_819 = arith.cmpf ogt, %gather3A_788, %select_n3A_815 : vector<16xf32>
    %select_n3A_820 = arith.select %gt3A_819, %gather3A_788, %select_n3A_815 : vector<16xi1>, vector<16xf32>
    %broadcast_in_dim3A_821 = arith.constant 6 : i32
    %broadcast_in_dim3A_822 = vector.broadcast %broadcast_in_dim3A_821 : i32 to vector<16xi32>
    %select_n3A_823 = arith.select %gt3A_819, %broadcast_in_dim3A_822, %select_n3A_818 : vector<16xi1>, vector<16xi32>
    %gt3A_824 = arith.cmpf ogt, %gather3A_791, %select_n3A_820 : vector<16xf32>
    %select_n3A_825 = arith.select %gt3A_824, %gather3A_791, %select_n3A_820 : vector<16xi1>, vector<16xf32>
    %broadcast_in_dim3A_826 = arith.constant 7 : i32
    %broadcast_in_dim3A_827 = vector.broadcast %broadcast_in_dim3A_826 : i32 to vector<16xi32>
    %select_n3A_828 = arith.select %gt3A_824, %broadcast_in_dim3A_827, %select_n3A_823 : vector<16xi1>, vector<16xi32>
    %broadcast_in_dim3A_829 = arith.constant -3.000000e+38 : f32
    %broadcast_in_dim3A_830 = vector.broadcast %broadcast_in_dim3A_829 : f32 to vector<16xf32>
    %broadcast_in_dim3A_831 = arith.constant 0 : i32
    %broadcast_in_dim3A_832 = vector.broadcast %broadcast_in_dim3A_831 : i32 to vector<16xi32>
    %eq3A_833 = arith.constant 0 : i32
    %eq3A_834 = vector.broadcast %eq3A_833 : i32 to vector<16xi32>
    %eq3A_835 = arith.cmpi eq, %select_n3A_828, %eq3A_834 : vector<16xi32>
    %broadcast_in_dim3A_836 = arith.constant -3.000000e+38 : f32
    %broadcast_in_dim3A_837 = vector.broadcast %broadcast_in_dim3A_836 : f32 to vector<16xf32>
    %select_n3A_838 = arith.select %eq3A_835, %broadcast_in_dim3A_837, %gather3A_770 : vector<16xi1>, vector<16xf32>
    %gt3A_839 = arith.cmpf ogt, %select_n3A_838, %broadcast_in_dim3A_830 : vector<16xf32>
    %select_n3A_840 = arith.select %gt3A_839, %select_n3A_838, %broadcast_in_dim3A_830 : vector<16xi1>, vector<16xf32>
    %broadcast_in_dim3A_841 = arith.constant 0 : i32
    %broadcast_in_dim3A_842 = vector.broadcast %broadcast_in_dim3A_841 : i32 to vector<16xi32>
    %select_n3A_843 = arith.select %gt3A_839, %broadcast_in_dim3A_842, %broadcast_in_dim3A_832 : vector<16xi1>, vector<16xi32>
    %eq3A_844 = arith.constant 1 : i32
    %eq3A_845 = vector.broadcast %eq3A_844 : i32 to vector<16xi32>
    %eq3A_846 = arith.cmpi eq, %select_n3A_828, %eq3A_845 : vector<16xi32>
    %broadcast_in_dim3A_847 = arith.constant -3.000000e+38 : f32
    %broadcast_in_dim3A_848 = vector.broadcast %broadcast_in_dim3A_847 : f32 to vector<16xf32>
    %select_n3A_849 = arith.select %eq3A_846, %broadcast_in_dim3A_848, %gather3A_773 : vector<16xi1>, vector<16xf32>
    %gt3A_850 = arith.cmpf ogt, %select_n3A_849, %select_n3A_840 : vector<16xf32>
    %select_n3A_851 = arith.select %gt3A_850, %select_n3A_849, %select_n3A_840 : vector<16xi1>, vector<16xf32>
    %broadcast_in_dim3A_852 = arith.constant 1 : i32
    %broadcast_in_dim3A_853 = vector.broadcast %broadcast_in_dim3A_852 : i32 to vector<16xi32>
    %select_n3A_854 = arith.select %gt3A_850, %broadcast_in_dim3A_853, %select_n3A_843 : vector<16xi1>, vector<16xi32>
    %eq3A_855 = arith.constant 2 : i32
    %eq3A_856 = vector.broadcast %eq3A_855 : i32 to vector<16xi32>
    %eq3A_857 = arith.cmpi eq, %select_n3A_828, %eq3A_856 : vector<16xi32>
    %broadcast_in_dim3A_858 = arith.constant -3.000000e+38 : f32
    %broadcast_in_dim3A_859 = vector.broadcast %broadcast_in_dim3A_858 : f32 to vector<16xf32>
    %select_n3A_860 = arith.select %eq3A_857, %broadcast_in_dim3A_859, %gather3A_776 : vector<16xi1>, vector<16xf32>
    %gt3A_861 = arith.cmpf ogt, %select_n3A_860, %select_n3A_851 : vector<16xf32>
    %select_n3A_862 = arith.select %gt3A_861, %select_n3A_860, %select_n3A_851 : vector<16xi1>, vector<16xf32>
    %broadcast_in_dim3A_863 = arith.constant 2 : i32
    %broadcast_in_dim3A_864 = vector.broadcast %broadcast_in_dim3A_863 : i32 to vector<16xi32>
    %select_n3A_865 = arith.select %gt3A_861, %broadcast_in_dim3A_864, %select_n3A_854 : vector<16xi1>, vector<16xi32>
    %eq3A_866 = arith.constant 3 : i32
    %eq3A_867 = vector.broadcast %eq3A_866 : i32 to vector<16xi32>
    %eq3A_868 = arith.cmpi eq, %select_n3A_828, %eq3A_867 : vector<16xi32>
    %broadcast_in_dim3A_869 = arith.constant -3.000000e+38 : f32
    %broadcast_in_dim3A_870 = vector.broadcast %broadcast_in_dim3A_869 : f32 to vector<16xf32>
    %select_n3A_871 = arith.select %eq3A_868, %broadcast_in_dim3A_870, %gather3A_779 : vector<16xi1>, vector<16xf32>
    %gt3A_872 = arith.cmpf ogt, %select_n3A_871, %select_n3A_862 : vector<16xf32>
    %select_n3A_873 = arith.select %gt3A_872, %select_n3A_871, %select_n3A_862 : vector<16xi1>, vector<16xf32>
    %broadcast_in_dim3A_874 = arith.constant 3 : i32
    %broadcast_in_dim3A_875 = vector.broadcast %broadcast_in_dim3A_874 : i32 to vector<16xi32>
    %select_n3A_876 = arith.select %gt3A_872, %broadcast_in_dim3A_875, %select_n3A_865 : vector<16xi1>, vector<16xi32>
    %eq3A_877 = arith.constant 4 : i32
    %eq3A_878 = vector.broadcast %eq3A_877 : i32 to vector<16xi32>
    %eq3A_879 = arith.cmpi eq, %select_n3A_828, %eq3A_878 : vector<16xi32>
    %broadcast_in_dim3A_880 = arith.constant -3.000000e+38 : f32
    %broadcast_in_dim3A_881 = vector.broadcast %broadcast_in_dim3A_880 : f32 to vector<16xf32>
    %select_n3A_882 = arith.select %eq3A_879, %broadcast_in_dim3A_881, %gather3A_782 : vector<16xi1>, vector<16xf32>
    %gt3A_883 = arith.cmpf ogt, %select_n3A_882, %select_n3A_873 : vector<16xf32>
    %select_n3A_884 = arith.select %gt3A_883, %select_n3A_882, %select_n3A_873 : vector<16xi1>, vector<16xf32>
    %broadcast_in_dim3A_885 = arith.constant 4 : i32
    %broadcast_in_dim3A_886 = vector.broadcast %broadcast_in_dim3A_885 : i32 to vector<16xi32>
    %select_n3A_887 = arith.select %gt3A_883, %broadcast_in_dim3A_886, %select_n3A_876 : vector<16xi1>, vector<16xi32>
    %eq3A_888 = arith.constant 5 : i32
    %eq3A_889 = vector.broadcast %eq3A_888 : i32 to vector<16xi32>
    %eq3A_890 = arith.cmpi eq, %select_n3A_828, %eq3A_889 : vector<16xi32>
    %broadcast_in_dim3A_891 = arith.constant -3.000000e+38 : f32
    %broadcast_in_dim3A_892 = vector.broadcast %broadcast_in_dim3A_891 : f32 to vector<16xf32>
    %select_n3A_893 = arith.select %eq3A_890, %broadcast_in_dim3A_892, %gather3A_785 : vector<16xi1>, vector<16xf32>
    %gt3A_894 = arith.cmpf ogt, %select_n3A_893, %select_n3A_884 : vector<16xf32>
    %select_n3A_895 = arith.select %gt3A_894, %select_n3A_893, %select_n3A_884 : vector<16xi1>, vector<16xf32>
    %broadcast_in_dim3A_896 = arith.constant 5 : i32
    %broadcast_in_dim3A_897 = vector.broadcast %broadcast_in_dim3A_896 : i32 to vector<16xi32>
    %select_n3A_898 = arith.select %gt3A_894, %broadcast_in_dim3A_897, %select_n3A_887 : vector<16xi1>, vector<16xi32>
    %eq3A_899 = arith.constant 6 : i32
    %eq3A_900 = vector.broadcast %eq3A_899 : i32 to vector<16xi32>
    %eq3A_901 = arith.cmpi eq, %select_n3A_828, %eq3A_900 : vector<16xi32>
    %broadcast_in_dim3A_902 = arith.constant -3.000000e+38 : f32
    %broadcast_in_dim3A_903 = vector.broadcast %broadcast_in_dim3A_902 : f32 to vector<16xf32>
    %select_n3A_904 = arith.select %eq3A_901, %broadcast_in_dim3A_903, %gather3A_788 : vector<16xi1>, vector<16xf32>
    %gt3A_905 = arith.cmpf ogt, %select_n3A_904, %select_n3A_895 : vector<16xf32>
    %select_n3A_906 = arith.select %gt3A_905, %select_n3A_904, %select_n3A_895 : vector<16xi1>, vector<16xf32>
    %broadcast_in_dim3A_907 = arith.constant 6 : i32
    %broadcast_in_dim3A_908 = vector.broadcast %broadcast_in_dim3A_907 : i32 to vector<16xi32>
    %select_n3A_909 = arith.select %gt3A_905, %broadcast_in_dim3A_908, %select_n3A_898 : vector<16xi1>, vector<16xi32>
    %eq3A_910 = arith.constant 7 : i32
    %eq3A_911 = vector.broadcast %eq3A_910 : i32 to vector<16xi32>
    %eq3A_912 = arith.cmpi eq, %select_n3A_828, %eq3A_911 : vector<16xi32>
    %broadcast_in_dim3A_913 = arith.constant -3.000000e+38 : f32
    %broadcast_in_dim3A_914 = vector.broadcast %broadcast_in_dim3A_913 : f32 to vector<16xf32>
    %select_n3A_915 = arith.select %eq3A_912, %broadcast_in_dim3A_914, %gather3A_791 : vector<16xi1>, vector<16xf32>
    %gt3A_916 = arith.cmpf ogt, %select_n3A_915, %select_n3A_906 : vector<16xf32>
    %select_n3A_917 = arith.select %gt3A_916, %select_n3A_915, %select_n3A_906 : vector<16xi1>, vector<16xf32>
    %broadcast_in_dim3A_918 = arith.constant 7 : i32
    %broadcast_in_dim3A_919 = vector.broadcast %broadcast_in_dim3A_918 : i32 to vector<16xi32>
    %select_n3A_920 = arith.select %gt3A_916, %broadcast_in_dim3A_919, %select_n3A_909 : vector<16xi1>, vector<16xi32>
    %sub3A_921 = arith.subf %select_n3A_917, %select_n3A_825 : vector<16xf32>
    %exp3A_922 = math.exp %sub3A_921 : vector<16xf32>
    %add3A_923 = arith.constant 1.000000e+00 : f32
    %add3A_924 = vector.broadcast %add3A_923 : f32 to vector<16xf32>
    %add3A_925 = arith.addf %add3A_924, %exp3A_922 : vector<16xf32>
    %div3A_926 = arith.constant 1.000000e+00 : f32
    %div3A_927 = vector.broadcast %div3A_926 : f32 to vector<16xf32>
    %div3A_928 = arith.divf %div3A_927, %add3A_925 : vector<16xf32>
    %add3A_929 = vector.broadcast %mul3A_2 : i32 to vector<16xi32>
    %add3A_930 = arith.addi %add3A_929, %add3A_767 : vector<16xi32>
    %mul3A_931 = arith.constant 4096 : i32
    %mul3A_932 = vector.broadcast %mul3A_931 : i32 to vector<16xi32>
    %mul3A_933 = arith.muli %select_n3A_828, %mul3A_932 : vector<16xi32>
    %add3A_934 = arith.addi %mul3A_933, %add3A_930 : vector<16xi32>
    %dma_start3A_935 = arith.constant 64 : i32
    %dma_start3A_936 = arith.constant 0 : i32
    %dma_start3A_937 = tpu.memref_slice %arg8[%dma_start3A_935, %dma_start3A_936] : memref<128x128xf32, #tpu.memory_space<vmem>> -> memref<16x128xf32, #tpu.memory_space<vmem>>
    %dma_start3A_938 = arith.constant 0 : i32
    %dma_start3A_939 = arith.constant 0 : i32
    %dma_start3A_940 = tpu.memref_slice %arg3[%dma_start3A_938, %dma_start3A_939] : memref<32768x128xf32, #tpu.memory_space<hbm>> -> memref<32768x128xf32, #tpu.memory_space<hbm>>
    tpu.enqueue_indirect_dma source(%dma_start3A_940 : memref<32768x128xf32, #tpu.memory_space<hbm>>) target(%dma_start3A_937 : memref<16x128xf32, #tpu.memory_space<vmem>>) offsets(%add3A_934 : vector<16xi32>) semaphore(%arg11 : memref<!tpu.dma_semaphore, #tpu.memory_space<semaphore_mem>>)
    %mul3A_941 = arith.constant 4096 : i32
    %mul3A_942 = vector.broadcast %mul3A_941 : i32 to vector<16xi32>
    %mul3A_943 = arith.muli %select_n3A_920, %mul3A_942 : vector<16xi32>
    %add3A_944 = arith.addi %mul3A_943, %add3A_930 : vector<16xi32>
    %dma_start3A_945 = arith.constant 64 : i32
    %dma_start3A_946 = arith.constant 0 : i32
    %dma_start3A_947 = tpu.memref_slice %arg9[%dma_start3A_945, %dma_start3A_946] : memref<128x128xf32, #tpu.memory_space<vmem>> -> memref<16x128xf32, #tpu.memory_space<vmem>>
    %dma_start3A_948 = arith.constant 0 : i32
    %dma_start3A_949 = arith.constant 0 : i32
    %dma_start3A_950 = tpu.memref_slice %arg3[%dma_start3A_948, %dma_start3A_949] : memref<32768x128xf32, #tpu.memory_space<hbm>> -> memref<32768x128xf32, #tpu.memory_space<hbm>>
    tpu.enqueue_indirect_dma source(%dma_start3A_950 : memref<32768x128xf32, #tpu.memory_space<hbm>>) target(%dma_start3A_947 : memref<16x128xf32, #tpu.memory_space<vmem>>) offsets(%add3A_944 : vector<16xi32>) semaphore(%arg11 : memref<!tpu.dma_semaphore, #tpu.memory_space<semaphore_mem>>)
    %swap3A_951 = arith.constant 64 : index
    %swap3A_952 = tpu.vector_load %arg6[%swap3A_951] {strides = array<i32>} : memref<128xf32, #tpu.memory_space<vmem>>, vector<16xf32>,
    tpu.vector_store %arg6[%swap3A_951], %div3A_928 {strides = array<i32>} : memref<128xf32, #tpu.memory_space<vmem>>, vector<16xf32>,
    %sub3A_953 = arith.constant 1.000000e+00 : f32
    %sub3A_954 = vector.broadcast %sub3A_953 : f32 to vector<16xf32>
    %sub3A_955 = arith.subf %sub3A_954, %div3A_928 : vector<16xf32>
    %swap3A_956 = arith.constant 64 : index
    %swap3A_957 = tpu.vector_load %arg7[%swap3A_956] {strides = array<i32>} : memref<128xf32, #tpu.memory_space<vmem>>, vector<16xf32>,
    tpu.vector_store %arg7[%swap3A_956], %sub3A_955 {strides = array<i32>} : memref<128xf32, #tpu.memory_space<vmem>>, vector<16xf32>,
    %add3A_958 = arith.constant 80 : i32
    %add3A_959 = vector.broadcast %add3A_958 : i32 to vector<16xi32>
    %add3A_960 = arith.addi %iota3A, %add3A_959 : vector<16xi32>
    %broadcast_in_dim3A_961 = arith.constant 0 : i32
    %broadcast_in_dim3A_962 = vector.broadcast %broadcast_in_dim3A_961 : i32 to vector<16xi32>
    %gather3A_963 = tpu.vector_load_idx %arg5[%add3A_960, %broadcast_in_dim3A_962] : memref<128x128xf32, #tpu.memory_space<vmem>>[vector<16xi32>, vector<16xi32>], vector<16xf32>,
    %broadcast_in_dim3A_964 = arith.constant 1 : i32
    %broadcast_in_dim3A_965 = vector.broadcast %broadcast_in_dim3A_964 : i32 to vector<16xi32>
    %gather3A_966 = tpu.vector_load_idx %arg5[%add3A_960, %broadcast_in_dim3A_965] : memref<128x128xf32, #tpu.memory_space<vmem>>[vector<16xi32>, vector<16xi32>], vector<16xf32>,
    %broadcast_in_dim3A_967 = arith.constant 2 : i32
    %broadcast_in_dim3A_968 = vector.broadcast %broadcast_in_dim3A_967 : i32 to vector<16xi32>
    %gather3A_969 = tpu.vector_load_idx %arg5[%add3A_960, %broadcast_in_dim3A_968] : memref<128x128xf32, #tpu.memory_space<vmem>>[vector<16xi32>, vector<16xi32>], vector<16xf32>,
    %broadcast_in_dim3A_970 = arith.constant 3 : i32
    %broadcast_in_dim3A_971 = vector.broadcast %broadcast_in_dim3A_970 : i32 to vector<16xi32>
    %gather3A_972 = tpu.vector_load_idx %arg5[%add3A_960, %broadcast_in_dim3A_971] : memref<128x128xf32, #tpu.memory_space<vmem>>[vector<16xi32>, vector<16xi32>], vector<16xf32>,
    %broadcast_in_dim3A_973 = arith.constant 4 : i32
    %broadcast_in_dim3A_974 = vector.broadcast %broadcast_in_dim3A_973 : i32 to vector<16xi32>
    %gather3A_975 = tpu.vector_load_idx %arg5[%add3A_960, %broadcast_in_dim3A_974] : memref<128x128xf32, #tpu.memory_space<vmem>>[vector<16xi32>, vector<16xi32>], vector<16xf32>,
    %broadcast_in_dim3A_976 = arith.constant 5 : i32
    %broadcast_in_dim3A_977 = vector.broadcast %broadcast_in_dim3A_976 : i32 to vector<16xi32>
    %gather3A_978 = tpu.vector_load_idx %arg5[%add3A_960, %broadcast_in_dim3A_977] : memref<128x128xf32, #tpu.memory_space<vmem>>[vector<16xi32>, vector<16xi32>], vector<16xf32>,
    %broadcast_in_dim3A_979 = arith.constant 6 : i32
    %broadcast_in_dim3A_980 = vector.broadcast %broadcast_in_dim3A_979 : i32 to vector<16xi32>
    %gather3A_981 = tpu.vector_load_idx %arg5[%add3A_960, %broadcast_in_dim3A_980] : memref<128x128xf32, #tpu.memory_space<vmem>>[vector<16xi32>, vector<16xi32>], vector<16xf32>,
    %broadcast_in_dim3A_982 = arith.constant 7 : i32
    %broadcast_in_dim3A_983 = vector.broadcast %broadcast_in_dim3A_982 : i32 to vector<16xi32>
    %gather3A_984 = tpu.vector_load_idx %arg5[%add3A_960, %broadcast_in_dim3A_983] : memref<128x128xf32, #tpu.memory_space<vmem>>[vector<16xi32>, vector<16xi32>], vector<16xf32>,
    %broadcast_in_dim3A_985 = arith.constant 0 : i32
    %broadcast_in_dim3A_986 = vector.broadcast %broadcast_in_dim3A_985 : i32 to vector<16xi32>
    %gt3A_987 = arith.cmpf ogt, %gather3A_966, %gather3A_963 : vector<16xf32>
    %select_n3A_988 = arith.select %gt3A_987, %gather3A_966, %gather3A_963 : vector<16xi1>, vector<16xf32>
    %broadcast_in_dim3A_989 = arith.constant 1 : i32
    %broadcast_in_dim3A_990 = vector.broadcast %broadcast_in_dim3A_989 : i32 to vector<16xi32>
    %select_n3A_991 = arith.select %gt3A_987, %broadcast_in_dim3A_990, %broadcast_in_dim3A_986 : vector<16xi1>, vector<16xi32>
    %gt3A_992 = arith.cmpf ogt, %gather3A_969, %select_n3A_988 : vector<16xf32>
    %select_n3A_993 = arith.select %gt3A_992, %gather3A_969, %select_n3A_988 : vector<16xi1>, vector<16xf32>
    %broadcast_in_dim3A_994 = arith.constant 2 : i32
    %broadcast_in_dim3A_995 = vector.broadcast %broadcast_in_dim3A_994 : i32 to vector<16xi32>
    %select_n3A_996 = arith.select %gt3A_992, %broadcast_in_dim3A_995, %select_n3A_991 : vector<16xi1>, vector<16xi32>
    %gt3A_997 = arith.cmpf ogt, %gather3A_972, %select_n3A_993 : vector<16xf32>
    %select_n3A_998 = arith.select %gt3A_997, %gather3A_972, %select_n3A_993 : vector<16xi1>, vector<16xf32>
    %broadcast_in_dim3A_999 = arith.constant 3 : i32
    %broadcast_in_dim3A_1000 = vector.broadcast %broadcast_in_dim3A_999 : i32 to vector<16xi32>
    %select_n3A_1001 = arith.select %gt3A_997, %broadcast_in_dim3A_1000, %select_n3A_996 : vector<16xi1>, vector<16xi32>
    %gt3A_1002 = arith.cmpf ogt, %gather3A_975, %select_n3A_998 : vector<16xf32>
    %select_n3A_1003 = arith.select %gt3A_1002, %gather3A_975, %select_n3A_998 : vector<16xi1>, vector<16xf32>
    %broadcast_in_dim3A_1004 = arith.constant 4 : i32
    %broadcast_in_dim3A_1005 = vector.broadcast %broadcast_in_dim3A_1004 : i32 to vector<16xi32>
    %select_n3A_1006 = arith.select %gt3A_1002, %broadcast_in_dim3A_1005, %select_n3A_1001 : vector<16xi1>, vector<16xi32>
    %gt3A_1007 = arith.cmpf ogt, %gather3A_978, %select_n3A_1003 : vector<16xf32>
    %select_n3A_1008 = arith.select %gt3A_1007, %gather3A_978, %select_n3A_1003 : vector<16xi1>, vector<16xf32>
    %broadcast_in_dim3A_1009 = arith.constant 5 : i32
    %broadcast_in_dim3A_1010 = vector.broadcast %broadcast_in_dim3A_1009 : i32 to vector<16xi32>
    %select_n3A_1011 = arith.select %gt3A_1007, %broadcast_in_dim3A_1010, %select_n3A_1006 : vector<16xi1>, vector<16xi32>
    %gt3A_1012 = arith.cmpf ogt, %gather3A_981, %select_n3A_1008 : vector<16xf32>
    %select_n3A_1013 = arith.select %gt3A_1012, %gather3A_981, %select_n3A_1008 : vector<16xi1>, vector<16xf32>
    %broadcast_in_dim3A_1014 = arith.constant 6 : i32
    %broadcast_in_dim3A_1015 = vector.broadcast %broadcast_in_dim3A_1014 : i32 to vector<16xi32>
    %select_n3A_1016 = arith.select %gt3A_1012, %broadcast_in_dim3A_1015, %select_n3A_1011 : vector<16xi1>, vector<16xi32>
    %gt3A_1017 = arith.cmpf ogt, %gather3A_984, %select_n3A_1013 : vector<16xf32>
    %select_n3A_1018 = arith.select %gt3A_1017, %gather3A_984, %select_n3A_1013 : vector<16xi1>, vector<16xf32>
    %broadcast_in_dim3A_1019 = arith.constant 7 : i32
    %broadcast_in_dim3A_1020 = vector.broadcast %broadcast_in_dim3A_1019 : i32 to vector<16xi32>
    %select_n3A_1021 = arith.select %gt3A_1017, %broadcast_in_dim3A_1020, %select_n3A_1016 : vector<16xi1>, vector<16xi32>
    %broadcast_in_dim3A_1022 = arith.constant -3.000000e+38 : f32
    %broadcast_in_dim3A_1023 = vector.broadcast %broadcast_in_dim3A_1022 : f32 to vector<16xf32>
    %broadcast_in_dim3A_1024 = arith.constant 0 : i32
    %broadcast_in_dim3A_1025 = vector.broadcast %broadcast_in_dim3A_1024 : i32 to vector<16xi32>
    %eq3A_1026 = arith.constant 0 : i32
    %eq3A_1027 = vector.broadcast %eq3A_1026 : i32 to vector<16xi32>
    %eq3A_1028 = arith.cmpi eq, %select_n3A_1021, %eq3A_1027 : vector<16xi32>
    %broadcast_in_dim3A_1029 = arith.constant -3.000000e+38 : f32
    %broadcast_in_dim3A_1030 = vector.broadcast %broadcast_in_dim3A_1029 : f32 to vector<16xf32>
    %select_n3A_1031 = arith.select %eq3A_1028, %broadcast_in_dim3A_1030, %gather3A_963 : vector<16xi1>, vector<16xf32>
    %gt3A_1032 = arith.cmpf ogt, %select_n3A_1031, %broadcast_in_dim3A_1023 : vector<16xf32>
    %select_n3A_1033 = arith.select %gt3A_1032, %select_n3A_1031, %broadcast_in_dim3A_1023 : vector<16xi1>, vector<16xf32>
    %broadcast_in_dim3A_1034 = arith.constant 0 : i32
    %broadcast_in_dim3A_1035 = vector.broadcast %broadcast_in_dim3A_1034 : i32 to vector<16xi32>
    %select_n3A_1036 = arith.select %gt3A_1032, %broadcast_in_dim3A_1035, %broadcast_in_dim3A_1025 : vector<16xi1>, vector<16xi32>
    %eq3A_1037 = arith.constant 1 : i32
    %eq3A_1038 = vector.broadcast %eq3A_1037 : i32 to vector<16xi32>
    %eq3A_1039 = arith.cmpi eq, %select_n3A_1021, %eq3A_1038 : vector<16xi32>
    %broadcast_in_dim3A_1040 = arith.constant -3.000000e+38 : f32
    %broadcast_in_dim3A_1041 = vector.broadcast %broadcast_in_dim3A_1040 : f32 to vector<16xf32>
    %select_n3A_1042 = arith.select %eq3A_1039, %broadcast_in_dim3A_1041, %gather3A_966 : vector<16xi1>, vector<16xf32>
    %gt3A_1043 = arith.cmpf ogt, %select_n3A_1042, %select_n3A_1033 : vector<16xf32>
    %select_n3A_1044 = arith.select %gt3A_1043, %select_n3A_1042, %select_n3A_1033 : vector<16xi1>, vector<16xf32>
    %broadcast_in_dim3A_1045 = arith.constant 1 : i32
    %broadcast_in_dim3A_1046 = vector.broadcast %broadcast_in_dim3A_1045 : i32 to vector<16xi32>
    %select_n3A_1047 = arith.select %gt3A_1043, %broadcast_in_dim3A_1046, %select_n3A_1036 : vector<16xi1>, vector<16xi32>
    %eq3A_1048 = arith.constant 2 : i32
    %eq3A_1049 = vector.broadcast %eq3A_1048 : i32 to vector<16xi32>
    %eq3A_1050 = arith.cmpi eq, %select_n3A_1021, %eq3A_1049 : vector<16xi32>
    %broadcast_in_dim3A_1051 = arith.constant -3.000000e+38 : f32
    %broadcast_in_dim3A_1052 = vector.broadcast %broadcast_in_dim3A_1051 : f32 to vector<16xf32>
    %select_n3A_1053 = arith.select %eq3A_1050, %broadcast_in_dim3A_1052, %gather3A_969 : vector<16xi1>, vector<16xf32>
    %gt3A_1054 = arith.cmpf ogt, %select_n3A_1053, %select_n3A_1044 : vector<16xf32>
    %select_n3A_1055 = arith.select %gt3A_1054, %select_n3A_1053, %select_n3A_1044 : vector<16xi1>, vector<16xf32>
    %broadcast_in_dim3A_1056 = arith.constant 2 : i32
    %broadcast_in_dim3A_1057 = vector.broadcast %broadcast_in_dim3A_1056 : i32 to vector<16xi32>
    %select_n3A_1058 = arith.select %gt3A_1054, %broadcast_in_dim3A_1057, %select_n3A_1047 : vector<16xi1>, vector<16xi32>
    %eq3A_1059 = arith.constant 3 : i32
    %eq3A_1060 = vector.broadcast %eq3A_1059 : i32 to vector<16xi32>
    %eq3A_1061 = arith.cmpi eq, %select_n3A_1021, %eq3A_1060 : vector<16xi32>
    %broadcast_in_dim3A_1062 = arith.constant -3.000000e+38 : f32
    %broadcast_in_dim3A_1063 = vector.broadcast %broadcast_in_dim3A_1062 : f32 to vector<16xf32>
    %select_n3A_1064 = arith.select %eq3A_1061, %broadcast_in_dim3A_1063, %gather3A_972 : vector<16xi1>, vector<16xf32>
    %gt3A_1065 = arith.cmpf ogt, %select_n3A_1064, %select_n3A_1055 : vector<16xf32>
    %select_n3A_1066 = arith.select %gt3A_1065, %select_n3A_1064, %select_n3A_1055 : vector<16xi1>, vector<16xf32>
    %broadcast_in_dim3A_1067 = arith.constant 3 : i32
    %broadcast_in_dim3A_1068 = vector.broadcast %broadcast_in_dim3A_1067 : i32 to vector<16xi32>
    %select_n3A_1069 = arith.select %gt3A_1065, %broadcast_in_dim3A_1068, %select_n3A_1058 : vector<16xi1>, vector<16xi32>
    %eq3A_1070 = arith.constant 4 : i32
    %eq3A_1071 = vector.broadcast %eq3A_1070 : i32 to vector<16xi32>
    %eq3A_1072 = arith.cmpi eq, %select_n3A_1021, %eq3A_1071 : vector<16xi32>
    %broadcast_in_dim3A_1073 = arith.constant -3.000000e+38 : f32
    %broadcast_in_dim3A_1074 = vector.broadcast %broadcast_in_dim3A_1073 : f32 to vector<16xf32>
    %select_n3A_1075 = arith.select %eq3A_1072, %broadcast_in_dim3A_1074, %gather3A_975 : vector<16xi1>, vector<16xf32>
    %gt3A_1076 = arith.cmpf ogt, %select_n3A_1075, %select_n3A_1066 : vector<16xf32>
    %select_n3A_1077 = arith.select %gt3A_1076, %select_n3A_1075, %select_n3A_1066 : vector<16xi1>, vector<16xf32>
    %broadcast_in_dim3A_1078 = arith.constant 4 : i32
    %broadcast_in_dim3A_1079 = vector.broadcast %broadcast_in_dim3A_1078 : i32 to vector<16xi32>
    %select_n3A_1080 = arith.select %gt3A_1076, %broadcast_in_dim3A_1079, %select_n3A_1069 : vector<16xi1>, vector<16xi32>
    %eq3A_1081 = arith.constant 5 : i32
    %eq3A_1082 = vector.broadcast %eq3A_1081 : i32 to vector<16xi32>
    %eq3A_1083 = arith.cmpi eq, %select_n3A_1021, %eq3A_1082 : vector<16xi32>
    %broadcast_in_dim3A_1084 = arith.constant -3.000000e+38 : f32
    %broadcast_in_dim3A_1085 = vector.broadcast %broadcast_in_dim3A_1084 : f32 to vector<16xf32>
    %select_n3A_1086 = arith.select %eq3A_1083, %broadcast_in_dim3A_1085, %gather3A_978 : vector<16xi1>, vector<16xf32>
    %gt3A_1087 = arith.cmpf ogt, %select_n3A_1086, %select_n3A_1077 : vector<16xf32>
    %select_n3A_1088 = arith.select %gt3A_1087, %select_n3A_1086, %select_n3A_1077 : vector<16xi1>, vector<16xf32>
    %broadcast_in_dim3A_1089 = arith.constant 5 : i32
    %broadcast_in_dim3A_1090 = vector.broadcast %broadcast_in_dim3A_1089 : i32 to vector<16xi32>
    %select_n3A_1091 = arith.select %gt3A_1087, %broadcast_in_dim3A_1090, %select_n3A_1080 : vector<16xi1>, vector<16xi32>
    %eq3A_1092 = arith.constant 6 : i32
    %eq3A_1093 = vector.broadcast %eq3A_1092 : i32 to vector<16xi32>
    %eq3A_1094 = arith.cmpi eq, %select_n3A_1021, %eq3A_1093 : vector<16xi32>
    %broadcast_in_dim3A_1095 = arith.constant -3.000000e+38 : f32
    %broadcast_in_dim3A_1096 = vector.broadcast %broadcast_in_dim3A_1095 : f32 to vector<16xf32>
    %select_n3A_1097 = arith.select %eq3A_1094, %broadcast_in_dim3A_1096, %gather3A_981 : vector<16xi1>, vector<16xf32>
    %gt3A_1098 = arith.cmpf ogt, %select_n3A_1097, %select_n3A_1088 : vector<16xf32>
    %select_n3A_1099 = arith.select %gt3A_1098, %select_n3A_1097, %select_n3A_1088 : vector<16xi1>, vector<16xf32>
    %broadcast_in_dim3A_1100 = arith.constant 6 : i32
    %broadcast_in_dim3A_1101 = vector.broadcast %broadcast_in_dim3A_1100 : i32 to vector<16xi32>
    %select_n3A_1102 = arith.select %gt3A_1098, %broadcast_in_dim3A_1101, %select_n3A_1091 : vector<16xi1>, vector<16xi32>
    %eq3A_1103 = arith.constant 7 : i32
    %eq3A_1104 = vector.broadcast %eq3A_1103 : i32 to vector<16xi32>
    %eq3A_1105 = arith.cmpi eq, %select_n3A_1021, %eq3A_1104 : vector<16xi32>
    %broadcast_in_dim3A_1106 = arith.constant -3.000000e+38 : f32
    %broadcast_in_dim3A_1107 = vector.broadcast %broadcast_in_dim3A_1106 : f32 to vector<16xf32>
    %select_n3A_1108 = arith.select %eq3A_1105, %broadcast_in_dim3A_1107, %gather3A_984 : vector<16xi1>, vector<16xf32>
    %gt3A_1109 = arith.cmpf ogt, %select_n3A_1108, %select_n3A_1099 : vector<16xf32>
    %select_n3A_1110 = arith.select %gt3A_1109, %select_n3A_1108, %select_n3A_1099 : vector<16xi1>, vector<16xf32>
    %broadcast_in_dim3A_1111 = arith.constant 7 : i32
    %broadcast_in_dim3A_1112 = vector.broadcast %broadcast_in_dim3A_1111 : i32 to vector<16xi32>
    %select_n3A_1113 = arith.select %gt3A_1109, %broadcast_in_dim3A_1112, %select_n3A_1102 : vector<16xi1>, vector<16xi32>
    %sub3A_1114 = arith.subf %select_n3A_1110, %select_n3A_1018 : vector<16xf32>
    %exp3A_1115 = math.exp %sub3A_1114 : vector<16xf32>
    %add3A_1116 = arith.constant 1.000000e+00 : f32
    %add3A_1117 = vector.broadcast %add3A_1116 : f32 to vector<16xf32>
    %add3A_1118 = arith.addf %add3A_1117, %exp3A_1115 : vector<16xf32>
    %div3A_1119 = arith.constant 1.000000e+00 : f32
    %div3A_1120 = vector.broadcast %div3A_1119 : f32 to vector<16xf32>
    %div3A_1121 = arith.divf %div3A_1120, %add3A_1118 : vector<16xf32>
    %add3A_1122 = vector.broadcast %mul3A_2 : i32 to vector<16xi32>
    %add3A_1123 = arith.addi %add3A_1122, %add3A_960 : vector<16xi32>
    %mul3A_1124 = arith.constant 4096 : i32
    %mul3A_1125 = vector.broadcast %mul3A_1124 : i32 to vector<16xi32>
    %mul3A_1126 = arith.muli %select_n3A_1021, %mul3A_1125 : vector<16xi32>
    %add3A_1127 = arith.addi %mul3A_1126, %add3A_1123 : vector<16xi32>
    %dma_start3A_1128 = arith.constant 80 : i32
    %dma_start3A_1129 = arith.constant 0 : i32
    %dma_start3A_1130 = tpu.memref_slice %arg8[%dma_start3A_1128, %dma_start3A_1129] : memref<128x128xf32, #tpu.memory_space<vmem>> -> memref<16x128xf32, #tpu.memory_space<vmem>>
    %dma_start3A_1131 = arith.constant 0 : i32
    %dma_start3A_1132 = arith.constant 0 : i32
    %dma_start3A_1133 = tpu.memref_slice %arg3[%dma_start3A_1131, %dma_start3A_1132] : memref<32768x128xf32, #tpu.memory_space<hbm>> -> memref<32768x128xf32, #tpu.memory_space<hbm>>
    tpu.enqueue_indirect_dma source(%dma_start3A_1133 : memref<32768x128xf32, #tpu.memory_space<hbm>>) target(%dma_start3A_1130 : memref<16x128xf32, #tpu.memory_space<vmem>>) offsets(%add3A_1127 : vector<16xi32>) semaphore(%arg11 : memref<!tpu.dma_semaphore, #tpu.memory_space<semaphore_mem>>)
    %mul3A_1134 = arith.constant 4096 : i32
    %mul3A_1135 = vector.broadcast %mul3A_1134 : i32 to vector<16xi32>
    %mul3A_1136 = arith.muli %select_n3A_1113, %mul3A_1135 : vector<16xi32>
    %add3A_1137 = arith.addi %mul3A_1136, %add3A_1123 : vector<16xi32>
    %dma_start3A_1138 = arith.constant 80 : i32
    %dma_start3A_1139 = arith.constant 0 : i32
    %dma_start3A_1140 = tpu.memref_slice %arg9[%dma_start3A_1138, %dma_start3A_1139] : memref<128x128xf32, #tpu.memory_space<vmem>> -> memref<16x128xf32, #tpu.memory_space<vmem>>
    %dma_start3A_1141 = arith.constant 0 : i32
    %dma_start3A_1142 = arith.constant 0 : i32
    %dma_start3A_1143 = tpu.memref_slice %arg3[%dma_start3A_1141, %dma_start3A_1142] : memref<32768x128xf32, #tpu.memory_space<hbm>> -> memref<32768x128xf32, #tpu.memory_space<hbm>>
    tpu.enqueue_indirect_dma source(%dma_start3A_1143 : memref<32768x128xf32, #tpu.memory_space<hbm>>) target(%dma_start3A_1140 : memref<16x128xf32, #tpu.memory_space<vmem>>) offsets(%add3A_1137 : vector<16xi32>) semaphore(%arg11 : memref<!tpu.dma_semaphore, #tpu.memory_space<semaphore_mem>>)
    %swap3A_1144 = arith.constant 80 : index
    %swap3A_1145 = tpu.vector_load %arg6[%swap3A_1144] {strides = array<i32>} : memref<128xf32, #tpu.memory_space<vmem>>, vector<16xf32>,
    tpu.vector_store %arg6[%swap3A_1144], %div3A_1121 {strides = array<i32>} : memref<128xf32, #tpu.memory_space<vmem>>, vector<16xf32>,
    %sub3A_1146 = arith.constant 1.000000e+00 : f32
    %sub3A_1147 = vector.broadcast %sub3A_1146 : f32 to vector<16xf32>
    %sub3A_1148 = arith.subf %sub3A_1147, %div3A_1121 : vector<16xf32>
    %swap3A_1149 = arith.constant 80 : index
    %swap3A_1150 = tpu.vector_load %arg7[%swap3A_1149] {strides = array<i32>} : memref<128xf32, #tpu.memory_space<vmem>>, vector<16xf32>,
    tpu.vector_store %arg7[%swap3A_1149], %sub3A_1148 {strides = array<i32>} : memref<128xf32, #tpu.memory_space<vmem>>, vector<16xf32>,
    %add3A_1151 = arith.constant 96 : i32
    %add3A_1152 = vector.broadcast %add3A_1151 : i32 to vector<16xi32>
    %add3A_1153 = arith.addi %iota3A, %add3A_1152 : vector<16xi32>
    %broadcast_in_dim3A_1154 = arith.constant 0 : i32
    %broadcast_in_dim3A_1155 = vector.broadcast %broadcast_in_dim3A_1154 : i32 to vector<16xi32>
    %gather3A_1156 = tpu.vector_load_idx %arg5[%add3A_1153, %broadcast_in_dim3A_1155] : memref<128x128xf32, #tpu.memory_space<vmem>>[vector<16xi32>, vector<16xi32>], vector<16xf32>,
    %broadcast_in_dim3A_1157 = arith.constant 1 : i32
    %broadcast_in_dim3A_1158 = vector.broadcast %broadcast_in_dim3A_1157 : i32 to vector<16xi32>
    %gather3A_1159 = tpu.vector_load_idx %arg5[%add3A_1153, %broadcast_in_dim3A_1158] : memref<128x128xf32, #tpu.memory_space<vmem>>[vector<16xi32>, vector<16xi32>], vector<16xf32>,
    %broadcast_in_dim3A_1160 = arith.constant 2 : i32
    %broadcast_in_dim3A_1161 = vector.broadcast %broadcast_in_dim3A_1160 : i32 to vector<16xi32>
    %gather3A_1162 = tpu.vector_load_idx %arg5[%add3A_1153, %broadcast_in_dim3A_1161] : memref<128x128xf32, #tpu.memory_space<vmem>>[vector<16xi32>, vector<16xi32>], vector<16xf32>,
    %broadcast_in_dim3A_1163 = arith.constant 3 : i32
    %broadcast_in_dim3A_1164 = vector.broadcast %broadcast_in_dim3A_1163 : i32 to vector<16xi32>
    %gather3A_1165 = tpu.vector_load_idx %arg5[%add3A_1153, %broadcast_in_dim3A_1164] : memref<128x128xf32, #tpu.memory_space<vmem>>[vector<16xi32>, vector<16xi32>], vector<16xf32>,
    %broadcast_in_dim3A_1166 = arith.constant 4 : i32
    %broadcast_in_dim3A_1167 = vector.broadcast %broadcast_in_dim3A_1166 : i32 to vector<16xi32>
    %gather3A_1168 = tpu.vector_load_idx %arg5[%add3A_1153, %broadcast_in_dim3A_1167] : memref<128x128xf32, #tpu.memory_space<vmem>>[vector<16xi32>, vector<16xi32>], vector<16xf32>,
    %broadcast_in_dim3A_1169 = arith.constant 5 : i32
    %broadcast_in_dim3A_1170 = vector.broadcast %broadcast_in_dim3A_1169 : i32 to vector<16xi32>
    %gather3A_1171 = tpu.vector_load_idx %arg5[%add3A_1153, %broadcast_in_dim3A_1170] : memref<128x128xf32, #tpu.memory_space<vmem>>[vector<16xi32>, vector<16xi32>], vector<16xf32>,
    %broadcast_in_dim3A_1172 = arith.constant 6 : i32
    %broadcast_in_dim3A_1173 = vector.broadcast %broadcast_in_dim3A_1172 : i32 to vector<16xi32>
    %gather3A_1174 = tpu.vector_load_idx %arg5[%add3A_1153, %broadcast_in_dim3A_1173] : memref<128x128xf32, #tpu.memory_space<vmem>>[vector<16xi32>, vector<16xi32>], vector<16xf32>,
    %broadcast_in_dim3A_1175 = arith.constant 7 : i32
    %broadcast_in_dim3A_1176 = vector.broadcast %broadcast_in_dim3A_1175 : i32 to vector<16xi32>
    %gather3A_1177 = tpu.vector_load_idx %arg5[%add3A_1153, %broadcast_in_dim3A_1176] : memref<128x128xf32, #tpu.memory_space<vmem>>[vector<16xi32>, vector<16xi32>], vector<16xf32>,
    %broadcast_in_dim3A_1178 = arith.constant 0 : i32
    %broadcast_in_dim3A_1179 = vector.broadcast %broadcast_in_dim3A_1178 : i32 to vector<16xi32>
    %gt3A_1180 = arith.cmpf ogt, %gather3A_1159, %gather3A_1156 : vector<16xf32>
    %select_n3A_1181 = arith.select %gt3A_1180, %gather3A_1159, %gather3A_1156 : vector<16xi1>, vector<16xf32>
    %broadcast_in_dim3A_1182 = arith.constant 1 : i32
    %broadcast_in_dim3A_1183 = vector.broadcast %broadcast_in_dim3A_1182 : i32 to vector<16xi32>
    %select_n3A_1184 = arith.select %gt3A_1180, %broadcast_in_dim3A_1183, %broadcast_in_dim3A_1179 : vector<16xi1>, vector<16xi32>
    %gt3A_1185 = arith.cmpf ogt, %gather3A_1162, %select_n3A_1181 : vector<16xf32>
    %select_n3A_1186 = arith.select %gt3A_1185, %gather3A_1162, %select_n3A_1181 : vector<16xi1>, vector<16xf32>
    %broadcast_in_dim3A_1187 = arith.constant 2 : i32
    %broadcast_in_dim3A_1188 = vector.broadcast %broadcast_in_dim3A_1187 : i32 to vector<16xi32>
    %select_n3A_1189 = arith.select %gt3A_1185, %broadcast_in_dim3A_1188, %select_n3A_1184 : vector<16xi1>, vector<16xi32>
    %gt3A_1190 = arith.cmpf ogt, %gather3A_1165, %select_n3A_1186 : vector<16xf32>
    %select_n3A_1191 = arith.select %gt3A_1190, %gather3A_1165, %select_n3A_1186 : vector<16xi1>, vector<16xf32>
    %broadcast_in_dim3A_1192 = arith.constant 3 : i32
    %broadcast_in_dim3A_1193 = vector.broadcast %broadcast_in_dim3A_1192 : i32 to vector<16xi32>
    %select_n3A_1194 = arith.select %gt3A_1190, %broadcast_in_dim3A_1193, %select_n3A_1189 : vector<16xi1>, vector<16xi32>
    %gt3A_1195 = arith.cmpf ogt, %gather3A_1168, %select_n3A_1191 : vector<16xf32>
    %select_n3A_1196 = arith.select %gt3A_1195, %gather3A_1168, %select_n3A_1191 : vector<16xi1>, vector<16xf32>
    %broadcast_in_dim3A_1197 = arith.constant 4 : i32
    %broadcast_in_dim3A_1198 = vector.broadcast %broadcast_in_dim3A_1197 : i32 to vector<16xi32>
    %select_n3A_1199 = arith.select %gt3A_1195, %broadcast_in_dim3A_1198, %select_n3A_1194 : vector<16xi1>, vector<16xi32>
    %gt3A_1200 = arith.cmpf ogt, %gather3A_1171, %select_n3A_1196 : vector<16xf32>
    %select_n3A_1201 = arith.select %gt3A_1200, %gather3A_1171, %select_n3A_1196 : vector<16xi1>, vector<16xf32>
    %broadcast_in_dim3A_1202 = arith.constant 5 : i32
    %broadcast_in_dim3A_1203 = vector.broadcast %broadcast_in_dim3A_1202 : i32 to vector<16xi32>
    %select_n3A_1204 = arith.select %gt3A_1200, %broadcast_in_dim3A_1203, %select_n3A_1199 : vector<16xi1>, vector<16xi32>
    %gt3A_1205 = arith.cmpf ogt, %gather3A_1174, %select_n3A_1201 : vector<16xf32>
    %select_n3A_1206 = arith.select %gt3A_1205, %gather3A_1174, %select_n3A_1201 : vector<16xi1>, vector<16xf32>
    %broadcast_in_dim3A_1207 = arith.constant 6 : i32
    %broadcast_in_dim3A_1208 = vector.broadcast %broadcast_in_dim3A_1207 : i32 to vector<16xi32>
    %select_n3A_1209 = arith.select %gt3A_1205, %broadcast_in_dim3A_1208, %select_n3A_1204 : vector<16xi1>, vector<16xi32>
    %gt3A_1210 = arith.cmpf ogt, %gather3A_1177, %select_n3A_1206 : vector<16xf32>
    %select_n3A_1211 = arith.select %gt3A_1210, %gather3A_1177, %select_n3A_1206 : vector<16xi1>, vector<16xf32>
    %broadcast_in_dim3A_1212 = arith.constant 7 : i32
    %broadcast_in_dim3A_1213 = vector.broadcast %broadcast_in_dim3A_1212 : i32 to vector<16xi32>
    %select_n3A_1214 = arith.select %gt3A_1210, %broadcast_in_dim3A_1213, %select_n3A_1209 : vector<16xi1>, vector<16xi32>
    %broadcast_in_dim3A_1215 = arith.constant -3.000000e+38 : f32
    %broadcast_in_dim3A_1216 = vector.broadcast %broadcast_in_dim3A_1215 : f32 to vector<16xf32>
    %broadcast_in_dim3A_1217 = arith.constant 0 : i32
    %broadcast_in_dim3A_1218 = vector.broadcast %broadcast_in_dim3A_1217 : i32 to vector<16xi32>
    %eq3A_1219 = arith.constant 0 : i32
    %eq3A_1220 = vector.broadcast %eq3A_1219 : i32 to vector<16xi32>
    %eq3A_1221 = arith.cmpi eq, %select_n3A_1214, %eq3A_1220 : vector<16xi32>
    %broadcast_in_dim3A_1222 = arith.constant -3.000000e+38 : f32
    %broadcast_in_dim3A_1223 = vector.broadcast %broadcast_in_dim3A_1222 : f32 to vector<16xf32>
    %select_n3A_1224 = arith.select %eq3A_1221, %broadcast_in_dim3A_1223, %gather3A_1156 : vector<16xi1>, vector<16xf32>
    %gt3A_1225 = arith.cmpf ogt, %select_n3A_1224, %broadcast_in_dim3A_1216 : vector<16xf32>
    %select_n3A_1226 = arith.select %gt3A_1225, %select_n3A_1224, %broadcast_in_dim3A_1216 : vector<16xi1>, vector<16xf32>
    %broadcast_in_dim3A_1227 = arith.constant 0 : i32
    %broadcast_in_dim3A_1228 = vector.broadcast %broadcast_in_dim3A_1227 : i32 to vector<16xi32>
    %select_n3A_1229 = arith.select %gt3A_1225, %broadcast_in_dim3A_1228, %broadcast_in_dim3A_1218 : vector<16xi1>, vector<16xi32>
    %eq3A_1230 = arith.constant 1 : i32
    %eq3A_1231 = vector.broadcast %eq3A_1230 : i32 to vector<16xi32>
    %eq3A_1232 = arith.cmpi eq, %select_n3A_1214, %eq3A_1231 : vector<16xi32>
    %broadcast_in_dim3A_1233 = arith.constant -3.000000e+38 : f32
    %broadcast_in_dim3A_1234 = vector.broadcast %broadcast_in_dim3A_1233 : f32 to vector<16xf32>
    %select_n3A_1235 = arith.select %eq3A_1232, %broadcast_in_dim3A_1234, %gather3A_1159 : vector<16xi1>, vector<16xf32>
    %gt3A_1236 = arith.cmpf ogt, %select_n3A_1235, %select_n3A_1226 : vector<16xf32>
    %select_n3A_1237 = arith.select %gt3A_1236, %select_n3A_1235, %select_n3A_1226 : vector<16xi1>, vector<16xf32>
    %broadcast_in_dim3A_1238 = arith.constant 1 : i32
    %broadcast_in_dim3A_1239 = vector.broadcast %broadcast_in_dim3A_1238 : i32 to vector<16xi32>
    %select_n3A_1240 = arith.select %gt3A_1236, %broadcast_in_dim3A_1239, %select_n3A_1229 : vector<16xi1>, vector<16xi32>
    %eq3A_1241 = arith.constant 2 : i32
    %eq3A_1242 = vector.broadcast %eq3A_1241 : i32 to vector<16xi32>
    %eq3A_1243 = arith.cmpi eq, %select_n3A_1214, %eq3A_1242 : vector<16xi32>
    %broadcast_in_dim3A_1244 = arith.constant -3.000000e+38 : f32
    %broadcast_in_dim3A_1245 = vector.broadcast %broadcast_in_dim3A_1244 : f32 to vector<16xf32>
    %select_n3A_1246 = arith.select %eq3A_1243, %broadcast_in_dim3A_1245, %gather3A_1162 : vector<16xi1>, vector<16xf32>
    %gt3A_1247 = arith.cmpf ogt, %select_n3A_1246, %select_n3A_1237 : vector<16xf32>
    %select_n3A_1248 = arith.select %gt3A_1247, %select_n3A_1246, %select_n3A_1237 : vector<16xi1>, vector<16xf32>
    %broadcast_in_dim3A_1249 = arith.constant 2 : i32
    %broadcast_in_dim3A_1250 = vector.broadcast %broadcast_in_dim3A_1249 : i32 to vector<16xi32>
    %select_n3A_1251 = arith.select %gt3A_1247, %broadcast_in_dim3A_1250, %select_n3A_1240 : vector<16xi1>, vector<16xi32>
    %eq3A_1252 = arith.constant 3 : i32
    %eq3A_1253 = vector.broadcast %eq3A_1252 : i32 to vector<16xi32>
    %eq3A_1254 = arith.cmpi eq, %select_n3A_1214, %eq3A_1253 : vector<16xi32>
    %broadcast_in_dim3A_1255 = arith.constant -3.000000e+38 : f32
    %broadcast_in_dim3A_1256 = vector.broadcast %broadcast_in_dim3A_1255 : f32 to vector<16xf32>
    %select_n3A_1257 = arith.select %eq3A_1254, %broadcast_in_dim3A_1256, %gather3A_1165 : vector<16xi1>, vector<16xf32>
    %gt3A_1258 = arith.cmpf ogt, %select_n3A_1257, %select_n3A_1248 : vector<16xf32>
    %select_n3A_1259 = arith.select %gt3A_1258, %select_n3A_1257, %select_n3A_1248 : vector<16xi1>, vector<16xf32>
    %broadcast_in_dim3A_1260 = arith.constant 3 : i32
    %broadcast_in_dim3A_1261 = vector.broadcast %broadcast_in_dim3A_1260 : i32 to vector<16xi32>
    %select_n3A_1262 = arith.select %gt3A_1258, %broadcast_in_dim3A_1261, %select_n3A_1251 : vector<16xi1>, vector<16xi32>
    %eq3A_1263 = arith.constant 4 : i32
    %eq3A_1264 = vector.broadcast %eq3A_1263 : i32 to vector<16xi32>
    %eq3A_1265 = arith.cmpi eq, %select_n3A_1214, %eq3A_1264 : vector<16xi32>
    %broadcast_in_dim3A_1266 = arith.constant -3.000000e+38 : f32
    %broadcast_in_dim3A_1267 = vector.broadcast %broadcast_in_dim3A_1266 : f32 to vector<16xf32>
    %select_n3A_1268 = arith.select %eq3A_1265, %broadcast_in_dim3A_1267, %gather3A_1168 : vector<16xi1>, vector<16xf32>
    %gt3A_1269 = arith.cmpf ogt, %select_n3A_1268, %select_n3A_1259 : vector<16xf32>
    %select_n3A_1270 = arith.select %gt3A_1269, %select_n3A_1268, %select_n3A_1259 : vector<16xi1>, vector<16xf32>
    %broadcast_in_dim3A_1271 = arith.constant 4 : i32
    %broadcast_in_dim3A_1272 = vector.broadcast %broadcast_in_dim3A_1271 : i32 to vector<16xi32>
    %select_n3A_1273 = arith.select %gt3A_1269, %broadcast_in_dim3A_1272, %select_n3A_1262 : vector<16xi1>, vector<16xi32>
    %eq3A_1274 = arith.constant 5 : i32
    %eq3A_1275 = vector.broadcast %eq3A_1274 : i32 to vector<16xi32>
    %eq3A_1276 = arith.cmpi eq, %select_n3A_1214, %eq3A_1275 : vector<16xi32>
    %broadcast_in_dim3A_1277 = arith.constant -3.000000e+38 : f32
    %broadcast_in_dim3A_1278 = vector.broadcast %broadcast_in_dim3A_1277 : f32 to vector<16xf32>
    %select_n3A_1279 = arith.select %eq3A_1276, %broadcast_in_dim3A_1278, %gather3A_1171 : vector<16xi1>, vector<16xf32>
    %gt3A_1280 = arith.cmpf ogt, %select_n3A_1279, %select_n3A_1270 : vector<16xf32>
    %select_n3A_1281 = arith.select %gt3A_1280, %select_n3A_1279, %select_n3A_1270 : vector<16xi1>, vector<16xf32>
    %broadcast_in_dim3A_1282 = arith.constant 5 : i32
    %broadcast_in_dim3A_1283 = vector.broadcast %broadcast_in_dim3A_1282 : i32 to vector<16xi32>
    %select_n3A_1284 = arith.select %gt3A_1280, %broadcast_in_dim3A_1283, %select_n3A_1273 : vector<16xi1>, vector<16xi32>
    %eq3A_1285 = arith.constant 6 : i32
    %eq3A_1286 = vector.broadcast %eq3A_1285 : i32 to vector<16xi32>
    %eq3A_1287 = arith.cmpi eq, %select_n3A_1214, %eq3A_1286 : vector<16xi32>
    %broadcast_in_dim3A_1288 = arith.constant -3.000000e+38 : f32
    %broadcast_in_dim3A_1289 = vector.broadcast %broadcast_in_dim3A_1288 : f32 to vector<16xf32>
    %select_n3A_1290 = arith.select %eq3A_1287, %broadcast_in_dim3A_1289, %gather3A_1174 : vector<16xi1>, vector<16xf32>
    %gt3A_1291 = arith.cmpf ogt, %select_n3A_1290, %select_n3A_1281 : vector<16xf32>
    %select_n3A_1292 = arith.select %gt3A_1291, %select_n3A_1290, %select_n3A_1281 : vector<16xi1>, vector<16xf32>
    %broadcast_in_dim3A_1293 = arith.constant 6 : i32
    %broadcast_in_dim3A_1294 = vector.broadcast %broadcast_in_dim3A_1293 : i32 to vector<16xi32>
    %select_n3A_1295 = arith.select %gt3A_1291, %broadcast_in_dim3A_1294, %select_n3A_1284 : vector<16xi1>, vector<16xi32>
    %eq3A_1296 = arith.constant 7 : i32
    %eq3A_1297 = vector.broadcast %eq3A_1296 : i32 to vector<16xi32>
    %eq3A_1298 = arith.cmpi eq, %select_n3A_1214, %eq3A_1297 : vector<16xi32>
    %broadcast_in_dim3A_1299 = arith.constant -3.000000e+38 : f32
    %broadcast_in_dim3A_1300 = vector.broadcast %broadcast_in_dim3A_1299 : f32 to vector<16xf32>
    %select_n3A_1301 = arith.select %eq3A_1298, %broadcast_in_dim3A_1300, %gather3A_1177 : vector<16xi1>, vector<16xf32>
    %gt3A_1302 = arith.cmpf ogt, %select_n3A_1301, %select_n3A_1292 : vector<16xf32>
    %select_n3A_1303 = arith.select %gt3A_1302, %select_n3A_1301, %select_n3A_1292 : vector<16xi1>, vector<16xf32>
    %broadcast_in_dim3A_1304 = arith.constant 7 : i32
    %broadcast_in_dim3A_1305 = vector.broadcast %broadcast_in_dim3A_1304 : i32 to vector<16xi32>
    %select_n3A_1306 = arith.select %gt3A_1302, %broadcast_in_dim3A_1305, %select_n3A_1295 : vector<16xi1>, vector<16xi32>
    %sub3A_1307 = arith.subf %select_n3A_1303, %select_n3A_1211 : vector<16xf32>
    %exp3A_1308 = math.exp %sub3A_1307 : vector<16xf32>
    %add3A_1309 = arith.constant 1.000000e+00 : f32
    %add3A_1310 = vector.broadcast %add3A_1309 : f32 to vector<16xf32>
    %add3A_1311 = arith.addf %add3A_1310, %exp3A_1308 : vector<16xf32>
    %div3A_1312 = arith.constant 1.000000e+00 : f32
    %div3A_1313 = vector.broadcast %div3A_1312 : f32 to vector<16xf32>
    %div3A_1314 = arith.divf %div3A_1313, %add3A_1311 : vector<16xf32>
    %add3A_1315 = vector.broadcast %mul3A_2 : i32 to vector<16xi32>
    %add3A_1316 = arith.addi %add3A_1315, %add3A_1153 : vector<16xi32>
    %mul3A_1317 = arith.constant 4096 : i32
    %mul3A_1318 = vector.broadcast %mul3A_1317 : i32 to vector<16xi32>
    %mul3A_1319 = arith.muli %select_n3A_1214, %mul3A_1318 : vector<16xi32>
    %add3A_1320 = arith.addi %mul3A_1319, %add3A_1316 : vector<16xi32>
    %dma_start3A_1321 = arith.constant 96 : i32
    %dma_start3A_1322 = arith.constant 0 : i32
    %dma_start3A_1323 = tpu.memref_slice %arg8[%dma_start3A_1321, %dma_start3A_1322] : memref<128x128xf32, #tpu.memory_space<vmem>> -> memref<16x128xf32, #tpu.memory_space<vmem>>
    %dma_start3A_1324 = arith.constant 0 : i32
    %dma_start3A_1325 = arith.constant 0 : i32
    %dma_start3A_1326 = tpu.memref_slice %arg3[%dma_start3A_1324, %dma_start3A_1325] : memref<32768x128xf32, #tpu.memory_space<hbm>> -> memref<32768x128xf32, #tpu.memory_space<hbm>>
    tpu.enqueue_indirect_dma source(%dma_start3A_1326 : memref<32768x128xf32, #tpu.memory_space<hbm>>) target(%dma_start3A_1323 : memref<16x128xf32, #tpu.memory_space<vmem>>) offsets(%add3A_1320 : vector<16xi32>) semaphore(%arg11 : memref<!tpu.dma_semaphore, #tpu.memory_space<semaphore_mem>>)
    %mul3A_1327 = arith.constant 4096 : i32
    %mul3A_1328 = vector.broadcast %mul3A_1327 : i32 to vector<16xi32>
    %mul3A_1329 = arith.muli %select_n3A_1306, %mul3A_1328 : vector<16xi32>
    %add3A_1330 = arith.addi %mul3A_1329, %add3A_1316 : vector<16xi32>
    %dma_start3A_1331 = arith.constant 96 : i32
    %dma_start3A_1332 = arith.constant 0 : i32
    %dma_start3A_1333 = tpu.memref_slice %arg9[%dma_start3A_1331, %dma_start3A_1332] : memref<128x128xf32, #tpu.memory_space<vmem>> -> memref<16x128xf32, #tpu.memory_space<vmem>>
    %dma_start3A_1334 = arith.constant 0 : i32
    %dma_start3A_1335 = arith.constant 0 : i32
    %dma_start3A_1336 = tpu.memref_slice %arg3[%dma_start3A_1334, %dma_start3A_1335] : memref<32768x128xf32, #tpu.memory_space<hbm>> -> memref<32768x128xf32, #tpu.memory_space<hbm>>
    tpu.enqueue_indirect_dma source(%dma_start3A_1336 : memref<32768x128xf32, #tpu.memory_space<hbm>>) target(%dma_start3A_1333 : memref<16x128xf32, #tpu.memory_space<vmem>>) offsets(%add3A_1330 : vector<16xi32>) semaphore(%arg11 : memref<!tpu.dma_semaphore, #tpu.memory_space<semaphore_mem>>)
    %swap3A_1337 = arith.constant 96 : index
    %swap3A_1338 = tpu.vector_load %arg6[%swap3A_1337] {strides = array<i32>} : memref<128xf32, #tpu.memory_space<vmem>>, vector<16xf32>,
    tpu.vector_store %arg6[%swap3A_1337], %div3A_1314 {strides = array<i32>} : memref<128xf32, #tpu.memory_space<vmem>>, vector<16xf32>,
    %sub3A_1339 = arith.constant 1.000000e+00 : f32
    %sub3A_1340 = vector.broadcast %sub3A_1339 : f32 to vector<16xf32>
    %sub3A_1341 = arith.subf %sub3A_1340, %div3A_1314 : vector<16xf32>
    %swap3A_1342 = arith.constant 96 : index
    %swap3A_1343 = tpu.vector_load %arg7[%swap3A_1342] {strides = array<i32>} : memref<128xf32, #tpu.memory_space<vmem>>, vector<16xf32>,
    tpu.vector_store %arg7[%swap3A_1342], %sub3A_1341 {strides = array<i32>} : memref<128xf32, #tpu.memory_space<vmem>>, vector<16xf32>,
    %add3A_1344 = arith.constant 112 : i32
    %add3A_1345 = vector.broadcast %add3A_1344 : i32 to vector<16xi32>
    %add3A_1346 = arith.addi %iota3A, %add3A_1345 : vector<16xi32>
    %broadcast_in_dim3A_1347 = arith.constant 0 : i32
    %broadcast_in_dim3A_1348 = vector.broadcast %broadcast_in_dim3A_1347 : i32 to vector<16xi32>
    %gather3A_1349 = tpu.vector_load_idx %arg5[%add3A_1346, %broadcast_in_dim3A_1348] : memref<128x128xf32, #tpu.memory_space<vmem>>[vector<16xi32>, vector<16xi32>], vector<16xf32>,
    %broadcast_in_dim3A_1350 = arith.constant 1 : i32
    %broadcast_in_dim3A_1351 = vector.broadcast %broadcast_in_dim3A_1350 : i32 to vector<16xi32>
    %gather3A_1352 = tpu.vector_load_idx %arg5[%add3A_1346, %broadcast_in_dim3A_1351] : memref<128x128xf32, #tpu.memory_space<vmem>>[vector<16xi32>, vector<16xi32>], vector<16xf32>,
    %broadcast_in_dim3A_1353 = arith.constant 2 : i32
    %broadcast_in_dim3A_1354 = vector.broadcast %broadcast_in_dim3A_1353 : i32 to vector<16xi32>
    %gather3A_1355 = tpu.vector_load_idx %arg5[%add3A_1346, %broadcast_in_dim3A_1354] : memref<128x128xf32, #tpu.memory_space<vmem>>[vector<16xi32>, vector<16xi32>], vector<16xf32>,
    %broadcast_in_dim3A_1356 = arith.constant 3 : i32
    %broadcast_in_dim3A_1357 = vector.broadcast %broadcast_in_dim3A_1356 : i32 to vector<16xi32>
    %gather3A_1358 = tpu.vector_load_idx %arg5[%add3A_1346, %broadcast_in_dim3A_1357] : memref<128x128xf32, #tpu.memory_space<vmem>>[vector<16xi32>, vector<16xi32>], vector<16xf32>,
    %broadcast_in_dim3A_1359 = arith.constant 4 : i32
    %broadcast_in_dim3A_1360 = vector.broadcast %broadcast_in_dim3A_1359 : i32 to vector<16xi32>
    %gather3A_1361 = tpu.vector_load_idx %arg5[%add3A_1346, %broadcast_in_dim3A_1360] : memref<128x128xf32, #tpu.memory_space<vmem>>[vector<16xi32>, vector<16xi32>], vector<16xf32>,
    %broadcast_in_dim3A_1362 = arith.constant 5 : i32
    %broadcast_in_dim3A_1363 = vector.broadcast %broadcast_in_dim3A_1362 : i32 to vector<16xi32>
    %gather3A_1364 = tpu.vector_load_idx %arg5[%add3A_1346, %broadcast_in_dim3A_1363] : memref<128x128xf32, #tpu.memory_space<vmem>>[vector<16xi32>, vector<16xi32>], vector<16xf32>,
    %broadcast_in_dim3A_1365 = arith.constant 6 : i32
    %broadcast_in_dim3A_1366 = vector.broadcast %broadcast_in_dim3A_1365 : i32 to vector<16xi32>
    %gather3A_1367 = tpu.vector_load_idx %arg5[%add3A_1346, %broadcast_in_dim3A_1366] : memref<128x128xf32, #tpu.memory_space<vmem>>[vector<16xi32>, vector<16xi32>], vector<16xf32>,
    %broadcast_in_dim3A_1368 = arith.constant 7 : i32
    %broadcast_in_dim3A_1369 = vector.broadcast %broadcast_in_dim3A_1368 : i32 to vector<16xi32>
    %gather3A_1370 = tpu.vector_load_idx %arg5[%add3A_1346, %broadcast_in_dim3A_1369] : memref<128x128xf32, #tpu.memory_space<vmem>>[vector<16xi32>, vector<16xi32>], vector<16xf32>,
    %broadcast_in_dim3A_1371 = arith.constant 0 : i32
    %broadcast_in_dim3A_1372 = vector.broadcast %broadcast_in_dim3A_1371 : i32 to vector<16xi32>
    %gt3A_1373 = arith.cmpf ogt, %gather3A_1352, %gather3A_1349 : vector<16xf32>
    %select_n3A_1374 = arith.select %gt3A_1373, %gather3A_1352, %gather3A_1349 : vector<16xi1>, vector<16xf32>
    %broadcast_in_dim3A_1375 = arith.constant 1 : i32
    %broadcast_in_dim3A_1376 = vector.broadcast %broadcast_in_dim3A_1375 : i32 to vector<16xi32>
    %select_n3A_1377 = arith.select %gt3A_1373, %broadcast_in_dim3A_1376, %broadcast_in_dim3A_1372 : vector<16xi1>, vector<16xi32>
    %gt3A_1378 = arith.cmpf ogt, %gather3A_1355, %select_n3A_1374 : vector<16xf32>
    %select_n3A_1379 = arith.select %gt3A_1378, %gather3A_1355, %select_n3A_1374 : vector<16xi1>, vector<16xf32>
    %broadcast_in_dim3A_1380 = arith.constant 2 : i32
    %broadcast_in_dim3A_1381 = vector.broadcast %broadcast_in_dim3A_1380 : i32 to vector<16xi32>
    %select_n3A_1382 = arith.select %gt3A_1378, %broadcast_in_dim3A_1381, %select_n3A_1377 : vector<16xi1>, vector<16xi32>
    %gt3A_1383 = arith.cmpf ogt, %gather3A_1358, %select_n3A_1379 : vector<16xf32>
    %select_n3A_1384 = arith.select %gt3A_1383, %gather3A_1358, %select_n3A_1379 : vector<16xi1>, vector<16xf32>
    %broadcast_in_dim3A_1385 = arith.constant 3 : i32
    %broadcast_in_dim3A_1386 = vector.broadcast %broadcast_in_dim3A_1385 : i32 to vector<16xi32>
    %select_n3A_1387 = arith.select %gt3A_1383, %broadcast_in_dim3A_1386, %select_n3A_1382 : vector<16xi1>, vector<16xi32>
    %gt3A_1388 = arith.cmpf ogt, %gather3A_1361, %select_n3A_1384 : vector<16xf32>
    %select_n3A_1389 = arith.select %gt3A_1388, %gather3A_1361, %select_n3A_1384 : vector<16xi1>, vector<16xf32>
    %broadcast_in_dim3A_1390 = arith.constant 4 : i32
    %broadcast_in_dim3A_1391 = vector.broadcast %broadcast_in_dim3A_1390 : i32 to vector<16xi32>
    %select_n3A_1392 = arith.select %gt3A_1388, %broadcast_in_dim3A_1391, %select_n3A_1387 : vector<16xi1>, vector<16xi32>
    %gt3A_1393 = arith.cmpf ogt, %gather3A_1364, %select_n3A_1389 : vector<16xf32>
    %select_n3A_1394 = arith.select %gt3A_1393, %gather3A_1364, %select_n3A_1389 : vector<16xi1>, vector<16xf32>
    %broadcast_in_dim3A_1395 = arith.constant 5 : i32
    %broadcast_in_dim3A_1396 = vector.broadcast %broadcast_in_dim3A_1395 : i32 to vector<16xi32>
    %select_n3A_1397 = arith.select %gt3A_1393, %broadcast_in_dim3A_1396, %select_n3A_1392 : vector<16xi1>, vector<16xi32>
    %gt3A_1398 = arith.cmpf ogt, %gather3A_1367, %select_n3A_1394 : vector<16xf32>
    %select_n3A_1399 = arith.select %gt3A_1398, %gather3A_1367, %select_n3A_1394 : vector<16xi1>, vector<16xf32>
    %broadcast_in_dim3A_1400 = arith.constant 6 : i32
    %broadcast_in_dim3A_1401 = vector.broadcast %broadcast_in_dim3A_1400 : i32 to vector<16xi32>
    %select_n3A_1402 = arith.select %gt3A_1398, %broadcast_in_dim3A_1401, %select_n3A_1397 : vector<16xi1>, vector<16xi32>
    %gt3A_1403 = arith.cmpf ogt, %gather3A_1370, %select_n3A_1399 : vector<16xf32>
    %select_n3A_1404 = arith.select %gt3A_1403, %gather3A_1370, %select_n3A_1399 : vector<16xi1>, vector<16xf32>
    %broadcast_in_dim3A_1405 = arith.constant 7 : i32
    %broadcast_in_dim3A_1406 = vector.broadcast %broadcast_in_dim3A_1405 : i32 to vector<16xi32>
    %select_n3A_1407 = arith.select %gt3A_1403, %broadcast_in_dim3A_1406, %select_n3A_1402 : vector<16xi1>, vector<16xi32>
    %broadcast_in_dim3A_1408 = arith.constant -3.000000e+38 : f32
    %broadcast_in_dim3A_1409 = vector.broadcast %broadcast_in_dim3A_1408 : f32 to vector<16xf32>
    %broadcast_in_dim3A_1410 = arith.constant 0 : i32
    %broadcast_in_dim3A_1411 = vector.broadcast %broadcast_in_dim3A_1410 : i32 to vector<16xi32>
    %eq3A_1412 = arith.constant 0 : i32
    %eq3A_1413 = vector.broadcast %eq3A_1412 : i32 to vector<16xi32>
    %eq3A_1414 = arith.cmpi eq, %select_n3A_1407, %eq3A_1413 : vector<16xi32>
    %broadcast_in_dim3A_1415 = arith.constant -3.000000e+38 : f32
    %broadcast_in_dim3A_1416 = vector.broadcast %broadcast_in_dim3A_1415 : f32 to vector<16xf32>
    %select_n3A_1417 = arith.select %eq3A_1414, %broadcast_in_dim3A_1416, %gather3A_1349 : vector<16xi1>, vector<16xf32>
    %gt3A_1418 = arith.cmpf ogt, %select_n3A_1417, %broadcast_in_dim3A_1409 : vector<16xf32>
    %select_n3A_1419 = arith.select %gt3A_1418, %select_n3A_1417, %broadcast_in_dim3A_1409 : vector<16xi1>, vector<16xf32>
    %broadcast_in_dim3A_1420 = arith.constant 0 : i32
    %broadcast_in_dim3A_1421 = vector.broadcast %broadcast_in_dim3A_1420 : i32 to vector<16xi32>
    %select_n3A_1422 = arith.select %gt3A_1418, %broadcast_in_dim3A_1421, %broadcast_in_dim3A_1411 : vector<16xi1>, vector<16xi32>
    %eq3A_1423 = arith.constant 1 : i32
    %eq3A_1424 = vector.broadcast %eq3A_1423 : i32 to vector<16xi32>
    %eq3A_1425 = arith.cmpi eq, %select_n3A_1407, %eq3A_1424 : vector<16xi32>
    %broadcast_in_dim3A_1426 = arith.constant -3.000000e+38 : f32
    %broadcast_in_dim3A_1427 = vector.broadcast %broadcast_in_dim3A_1426 : f32 to vector<16xf32>
    %select_n3A_1428 = arith.select %eq3A_1425, %broadcast_in_dim3A_1427, %gather3A_1352 : vector<16xi1>, vector<16xf32>
    %gt3A_1429 = arith.cmpf ogt, %select_n3A_1428, %select_n3A_1419 : vector<16xf32>
    %select_n3A_1430 = arith.select %gt3A_1429, %select_n3A_1428, %select_n3A_1419 : vector<16xi1>, vector<16xf32>
    %broadcast_in_dim3A_1431 = arith.constant 1 : i32
    %broadcast_in_dim3A_1432 = vector.broadcast %broadcast_in_dim3A_1431 : i32 to vector<16xi32>
    %select_n3A_1433 = arith.select %gt3A_1429, %broadcast_in_dim3A_1432, %select_n3A_1422 : vector<16xi1>, vector<16xi32>
    %eq3A_1434 = arith.constant 2 : i32
    %eq3A_1435 = vector.broadcast %eq3A_1434 : i32 to vector<16xi32>
    %eq3A_1436 = arith.cmpi eq, %select_n3A_1407, %eq3A_1435 : vector<16xi32>
    %broadcast_in_dim3A_1437 = arith.constant -3.000000e+38 : f32
    %broadcast_in_dim3A_1438 = vector.broadcast %broadcast_in_dim3A_1437 : f32 to vector<16xf32>
    %select_n3A_1439 = arith.select %eq3A_1436, %broadcast_in_dim3A_1438, %gather3A_1355 : vector<16xi1>, vector<16xf32>
    %gt3A_1440 = arith.cmpf ogt, %select_n3A_1439, %select_n3A_1430 : vector<16xf32>
    %select_n3A_1441 = arith.select %gt3A_1440, %select_n3A_1439, %select_n3A_1430 : vector<16xi1>, vector<16xf32>
    %broadcast_in_dim3A_1442 = arith.constant 2 : i32
    %broadcast_in_dim3A_1443 = vector.broadcast %broadcast_in_dim3A_1442 : i32 to vector<16xi32>
    %select_n3A_1444 = arith.select %gt3A_1440, %broadcast_in_dim3A_1443, %select_n3A_1433 : vector<16xi1>, vector<16xi32>
    %eq3A_1445 = arith.constant 3 : i32
    %eq3A_1446 = vector.broadcast %eq3A_1445 : i32 to vector<16xi32>
    %eq3A_1447 = arith.cmpi eq, %select_n3A_1407, %eq3A_1446 : vector<16xi32>
    %broadcast_in_dim3A_1448 = arith.constant -3.000000e+38 : f32
    %broadcast_in_dim3A_1449 = vector.broadcast %broadcast_in_dim3A_1448 : f32 to vector<16xf32>
    %select_n3A_1450 = arith.select %eq3A_1447, %broadcast_in_dim3A_1449, %gather3A_1358 : vector<16xi1>, vector<16xf32>
    %gt3A_1451 = arith.cmpf ogt, %select_n3A_1450, %select_n3A_1441 : vector<16xf32>
    %select_n3A_1452 = arith.select %gt3A_1451, %select_n3A_1450, %select_n3A_1441 : vector<16xi1>, vector<16xf32>
    %broadcast_in_dim3A_1453 = arith.constant 3 : i32
    %broadcast_in_dim3A_1454 = vector.broadcast %broadcast_in_dim3A_1453 : i32 to vector<16xi32>
    %select_n3A_1455 = arith.select %gt3A_1451, %broadcast_in_dim3A_1454, %select_n3A_1444 : vector<16xi1>, vector<16xi32>
    %eq3A_1456 = arith.constant 4 : i32
    %eq3A_1457 = vector.broadcast %eq3A_1456 : i32 to vector<16xi32>
    %eq3A_1458 = arith.cmpi eq, %select_n3A_1407, %eq3A_1457 : vector<16xi32>
    %broadcast_in_dim3A_1459 = arith.constant -3.000000e+38 : f32
    %broadcast_in_dim3A_1460 = vector.broadcast %broadcast_in_dim3A_1459 : f32 to vector<16xf32>
    %select_n3A_1461 = arith.select %eq3A_1458, %broadcast_in_dim3A_1460, %gather3A_1361 : vector<16xi1>, vector<16xf32>
    %gt3A_1462 = arith.cmpf ogt, %select_n3A_1461, %select_n3A_1452 : vector<16xf32>
    %select_n3A_1463 = arith.select %gt3A_1462, %select_n3A_1461, %select_n3A_1452 : vector<16xi1>, vector<16xf32>
    %broadcast_in_dim3A_1464 = arith.constant 4 : i32
    %broadcast_in_dim3A_1465 = vector.broadcast %broadcast_in_dim3A_1464 : i32 to vector<16xi32>
    %select_n3A_1466 = arith.select %gt3A_1462, %broadcast_in_dim3A_1465, %select_n3A_1455 : vector<16xi1>, vector<16xi32>
    %eq3A_1467 = arith.constant 5 : i32
    %eq3A_1468 = vector.broadcast %eq3A_1467 : i32 to vector<16xi32>
    %eq3A_1469 = arith.cmpi eq, %select_n3A_1407, %eq3A_1468 : vector<16xi32>
    %broadcast_in_dim3A_1470 = arith.constant -3.000000e+38 : f32
    %broadcast_in_dim3A_1471 = vector.broadcast %broadcast_in_dim3A_1470 : f32 to vector<16xf32>
    %select_n3A_1472 = arith.select %eq3A_1469, %broadcast_in_dim3A_1471, %gather3A_1364 : vector<16xi1>, vector<16xf32>
    %gt3A_1473 = arith.cmpf ogt, %select_n3A_1472, %select_n3A_1463 : vector<16xf32>
    %select_n3A_1474 = arith.select %gt3A_1473, %select_n3A_1472, %select_n3A_1463 : vector<16xi1>, vector<16xf32>
    %broadcast_in_dim3A_1475 = arith.constant 5 : i32
    %broadcast_in_dim3A_1476 = vector.broadcast %broadcast_in_dim3A_1475 : i32 to vector<16xi32>
    %select_n3A_1477 = arith.select %gt3A_1473, %broadcast_in_dim3A_1476, %select_n3A_1466 : vector<16xi1>, vector<16xi32>
    %eq3A_1478 = arith.constant 6 : i32
    %eq3A_1479 = vector.broadcast %eq3A_1478 : i32 to vector<16xi32>
    %eq3A_1480 = arith.cmpi eq, %select_n3A_1407, %eq3A_1479 : vector<16xi32>
    %broadcast_in_dim3A_1481 = arith.constant -3.000000e+38 : f32
    %broadcast_in_dim3A_1482 = vector.broadcast %broadcast_in_dim3A_1481 : f32 to vector<16xf32>
    %select_n3A_1483 = arith.select %eq3A_1480, %broadcast_in_dim3A_1482, %gather3A_1367 : vector<16xi1>, vector<16xf32>
    %gt3A_1484 = arith.cmpf ogt, %select_n3A_1483, %select_n3A_1474 : vector<16xf32>
    %select_n3A_1485 = arith.select %gt3A_1484, %select_n3A_1483, %select_n3A_1474 : vector<16xi1>, vector<16xf32>
    %broadcast_in_dim3A_1486 = arith.constant 6 : i32
    %broadcast_in_dim3A_1487 = vector.broadcast %broadcast_in_dim3A_1486 : i32 to vector<16xi32>
    %select_n3A_1488 = arith.select %gt3A_1484, %broadcast_in_dim3A_1487, %select_n3A_1477 : vector<16xi1>, vector<16xi32>
    %eq3A_1489 = arith.constant 7 : i32
    %eq3A_1490 = vector.broadcast %eq3A_1489 : i32 to vector<16xi32>
    %eq3A_1491 = arith.cmpi eq, %select_n3A_1407, %eq3A_1490 : vector<16xi32>
    %broadcast_in_dim3A_1492 = arith.constant -3.000000e+38 : f32
    %broadcast_in_dim3A_1493 = vector.broadcast %broadcast_in_dim3A_1492 : f32 to vector<16xf32>
    %select_n3A_1494 = arith.select %eq3A_1491, %broadcast_in_dim3A_1493, %gather3A_1370 : vector<16xi1>, vector<16xf32>
    %gt3A_1495 = arith.cmpf ogt, %select_n3A_1494, %select_n3A_1485 : vector<16xf32>
    %select_n3A_1496 = arith.select %gt3A_1495, %select_n3A_1494, %select_n3A_1485 : vector<16xi1>, vector<16xf32>
    %broadcast_in_dim3A_1497 = arith.constant 7 : i32
    %broadcast_in_dim3A_1498 = vector.broadcast %broadcast_in_dim3A_1497 : i32 to vector<16xi32>
    %select_n3A_1499 = arith.select %gt3A_1495, %broadcast_in_dim3A_1498, %select_n3A_1488 : vector<16xi1>, vector<16xi32>
    %sub3A_1500 = arith.subf %select_n3A_1496, %select_n3A_1404 : vector<16xf32>
    %exp3A_1501 = math.exp %sub3A_1500 : vector<16xf32>
    %add3A_1502 = arith.constant 1.000000e+00 : f32
    %add3A_1503 = vector.broadcast %add3A_1502 : f32 to vector<16xf32>
    %add3A_1504 = arith.addf %add3A_1503, %exp3A_1501 : vector<16xf32>
    %div3A_1505 = arith.constant 1.000000e+00 : f32
    %div3A_1506 = vector.broadcast %div3A_1505 : f32 to vector<16xf32>
    %div3A_1507 = arith.divf %div3A_1506, %add3A_1504 : vector<16xf32>
    %add3A_1508 = vector.broadcast %mul3A_2 : i32 to vector<16xi32>
    %add3A_1509 = arith.addi %add3A_1508, %add3A_1346 : vector<16xi32>
    %mul3A_1510 = arith.constant 4096 : i32
    %mul3A_1511 = vector.broadcast %mul3A_1510 : i32 to vector<16xi32>
    %mul3A_1512 = arith.muli %select_n3A_1407, %mul3A_1511 : vector<16xi32>
    %add3A_1513 = arith.addi %mul3A_1512, %add3A_1509 : vector<16xi32>
    %dma_start3A_1514 = arith.constant 112 : i32
    %dma_start3A_1515 = arith.constant 0 : i32
    %dma_start3A_1516 = tpu.memref_slice %arg8[%dma_start3A_1514, %dma_start3A_1515] : memref<128x128xf32, #tpu.memory_space<vmem>> -> memref<16x128xf32, #tpu.memory_space<vmem>>
    %dma_start3A_1517 = arith.constant 0 : i32
    %dma_start3A_1518 = arith.constant 0 : i32
    %dma_start3A_1519 = tpu.memref_slice %arg3[%dma_start3A_1517, %dma_start3A_1518] : memref<32768x128xf32, #tpu.memory_space<hbm>> -> memref<32768x128xf32, #tpu.memory_space<hbm>>
    tpu.enqueue_indirect_dma source(%dma_start3A_1519 : memref<32768x128xf32, #tpu.memory_space<hbm>>) target(%dma_start3A_1516 : memref<16x128xf32, #tpu.memory_space<vmem>>) offsets(%add3A_1513 : vector<16xi32>) semaphore(%arg11 : memref<!tpu.dma_semaphore, #tpu.memory_space<semaphore_mem>>)
    %mul3A_1520 = arith.constant 4096 : i32
    %mul3A_1521 = vector.broadcast %mul3A_1520 : i32 to vector<16xi32>
    %mul3A_1522 = arith.muli %select_n3A_1499, %mul3A_1521 : vector<16xi32>
    %add3A_1523 = arith.addi %mul3A_1522, %add3A_1509 : vector<16xi32>
    %dma_start3A_1524 = arith.constant 112 : i32
    %dma_start3A_1525 = arith.constant 0 : i32
    %dma_start3A_1526 = tpu.memref_slice %arg9[%dma_start3A_1524, %dma_start3A_1525] : memref<128x128xf32, #tpu.memory_space<vmem>> -> memref<16x128xf32, #tpu.memory_space<vmem>>
    %dma_start3A_1527 = arith.constant 0 : i32
    %dma_start3A_1528 = arith.constant 0 : i32
    %dma_start3A_1529 = tpu.memref_slice %arg3[%dma_start3A_1527, %dma_start3A_1528] : memref<32768x128xf32, #tpu.memory_space<hbm>> -> memref<32768x128xf32, #tpu.memory_space<hbm>>
    tpu.enqueue_indirect_dma source(%dma_start3A_1529 : memref<32768x128xf32, #tpu.memory_space<hbm>>) target(%dma_start3A_1526 : memref<16x128xf32, #tpu.memory_space<vmem>>) offsets(%add3A_1523 : vector<16xi32>) semaphore(%arg11 : memref<!tpu.dma_semaphore, #tpu.memory_space<semaphore_mem>>)
    %swap3A_1530 = arith.constant 112 : index
    %swap3A_1531 = tpu.vector_load %arg6[%swap3A_1530] {strides = array<i32>} : memref<128xf32, #tpu.memory_space<vmem>>, vector<16xf32>,
    tpu.vector_store %arg6[%swap3A_1530], %div3A_1507 {strides = array<i32>} : memref<128xf32, #tpu.memory_space<vmem>>, vector<16xf32>,
    %sub3A_1532 = arith.constant 1.000000e+00 : f32
    %sub3A_1533 = vector.broadcast %sub3A_1532 : f32 to vector<16xf32>
    %sub3A_1534 = arith.subf %sub3A_1533, %div3A_1507 : vector<16xf32>
    %swap3A_1535 = arith.constant 112 : index
    %swap3A_1536 = tpu.vector_load %arg7[%swap3A_1535] {strides = array<i32>} : memref<128xf32, #tpu.memory_space<vmem>>, vector<16xf32>,
    tpu.vector_store %arg7[%swap3A_1535], %sub3A_1534 {strides = array<i32>} : memref<128xf32, #tpu.memory_space<vmem>>, vector<16xf32>,
    %dma_wait3A = arith.constant 0 : i32
    %dma_wait3A_1537 = arith.constant 0 : i32
    %dma_wait3A_1538 = tpu.memref_slice %arg8[%dma_wait3A, %dma_wait3A_1537] : memref<128x128xf32, #tpu.memory_space<vmem>> -> memref<16x128xf32, #tpu.memory_space<vmem>>
    %dma_wait3A_1539 = arith.constant 0 : i32
    %dma_wait3A_1540 = arith.constant 0 : i32
    %dma_wait3A_1541 = tpu.memref_slice %arg3[%dma_wait3A_1539, %dma_wait3A_1540] : memref<32768x128xf32, #tpu.memory_space<hbm>> -> memref<32768x128xf32, #tpu.memory_space<hbm>>
    tpu.wait_indirect_dma semaphore(%arg11 : memref<!tpu.dma_semaphore, #tpu.memory_space<semaphore_mem>>) src(%dma_wait3A_1541 : memref<32768x128xf32, #tpu.memory_space<hbm>>) dst(%dma_wait3A_1538 : memref<16x128xf32, #tpu.memory_space<vmem>>)
    %dma_wait3A_1542 = arith.constant 0 : i32
    %dma_wait3A_1543 = arith.constant 0 : i32
    %dma_wait3A_1544 = tpu.memref_slice %arg9[%dma_wait3A_1542, %dma_wait3A_1543] : memref<128x128xf32, #tpu.memory_space<vmem>> -> memref<16x128xf32, #tpu.memory_space<vmem>>
    %dma_wait3A_1545 = arith.constant 0 : i32
    %dma_wait3A_1546 = arith.constant 0 : i32
    %dma_wait3A_1547 = tpu.memref_slice %arg3[%dma_wait3A_1545, %dma_wait3A_1546] : memref<32768x128xf32, #tpu.memory_space<hbm>> -> memref<32768x128xf32, #tpu.memory_space<hbm>>
    tpu.wait_indirect_dma semaphore(%arg11 : memref<!tpu.dma_semaphore, #tpu.memory_space<semaphore_mem>>) src(%dma_wait3A_1547 : memref<32768x128xf32, #tpu.memory_space<hbm>>) dst(%dma_wait3A_1544 : memref<16x128xf32, #tpu.memory_space<vmem>>)
    %dma_wait3A_1548 = arith.constant 16 : i32
    %dma_wait3A_1549 = arith.constant 0 : i32
    %dma_wait3A_1550 = tpu.memref_slice %arg8[%dma_wait3A_1548, %dma_wait3A_1549] : memref<128x128xf32, #tpu.memory_space<vmem>> -> memref<16x128xf32, #tpu.memory_space<vmem>>
    %dma_wait3A_1551 = arith.constant 0 : i32
    %dma_wait3A_1552 = arith.constant 0 : i32
    %dma_wait3A_1553 = tpu.memref_slice %arg3[%dma_wait3A_1551, %dma_wait3A_1552] : memref<32768x128xf32, #tpu.memory_space<hbm>> -> memref<32768x128xf32, #tpu.memory_space<hbm>>
    tpu.wait_indirect_dma semaphore(%arg11 : memref<!tpu.dma_semaphore, #tpu.memory_space<semaphore_mem>>) src(%dma_wait3A_1553 : memref<32768x128xf32, #tpu.memory_space<hbm>>) dst(%dma_wait3A_1550 : memref<16x128xf32, #tpu.memory_space<vmem>>)
    %dma_wait3A_1554 = arith.constant 16 : i32
    %dma_wait3A_1555 = arith.constant 0 : i32
    %dma_wait3A_1556 = tpu.memref_slice %arg9[%dma_wait3A_1554, %dma_wait3A_1555] : memref<128x128xf32, #tpu.memory_space<vmem>> -> memref<16x128xf32, #tpu.memory_space<vmem>>
    %dma_wait3A_1557 = arith.constant 0 : i32
    %dma_wait3A_1558 = arith.constant 0 : i32
    %dma_wait3A_1559 = tpu.memref_slice %arg3[%dma_wait3A_1557, %dma_wait3A_1558] : memref<32768x128xf32, #tpu.memory_space<hbm>> -> memref<32768x128xf32, #tpu.memory_space<hbm>>
    tpu.wait_indirect_dma semaphore(%arg11 : memref<!tpu.dma_semaphore, #tpu.memory_space<semaphore_mem>>) src(%dma_wait3A_1559 : memref<32768x128xf32, #tpu.memory_space<hbm>>) dst(%dma_wait3A_1556 : memref<16x128xf32, #tpu.memory_space<vmem>>)
    %dma_wait3A_1560 = arith.constant 32 : i32
    %dma_wait3A_1561 = arith.constant 0 : i32
    %dma_wait3A_1562 = tpu.memref_slice %arg8[%dma_wait3A_1560, %dma_wait3A_1561] : memref<128x128xf32, #tpu.memory_space<vmem>> -> memref<16x128xf32, #tpu.memory_space<vmem>>
    %dma_wait3A_1563 = arith.constant 0 : i32
    %dma_wait3A_1564 = arith.constant 0 : i32
    %dma_wait3A_1565 = tpu.memref_slice %arg3[%dma_wait3A_1563, %dma_wait3A_1564] : memref<32768x128xf32, #tpu.memory_space<hbm>> -> memref<32768x128xf32, #tpu.memory_space<hbm>>
    tpu.wait_indirect_dma semaphore(%arg11 : memref<!tpu.dma_semaphore, #tpu.memory_space<semaphore_mem>>) src(%dma_wait3A_1565 : memref<32768x128xf32, #tpu.memory_space<hbm>>) dst(%dma_wait3A_1562 : memref<16x128xf32, #tpu.memory_space<vmem>>)
    %dma_wait3A_1566 = arith.constant 32 : i32
    %dma_wait3A_1567 = arith.constant 0 : i32
    %dma_wait3A_1568 = tpu.memref_slice %arg9[%dma_wait3A_1566, %dma_wait3A_1567] : memref<128x128xf32, #tpu.memory_space<vmem>> -> memref<16x128xf32, #tpu.memory_space<vmem>>
    %dma_wait3A_1569 = arith.constant 0 : i32
    %dma_wait3A_1570 = arith.constant 0 : i32
    %dma_wait3A_1571 = tpu.memref_slice %arg3[%dma_wait3A_1569, %dma_wait3A_1570] : memref<32768x128xf32, #tpu.memory_space<hbm>> -> memref<32768x128xf32, #tpu.memory_space<hbm>>
    tpu.wait_indirect_dma semaphore(%arg11 : memref<!tpu.dma_semaphore, #tpu.memory_space<semaphore_mem>>) src(%dma_wait3A_1571 : memref<32768x128xf32, #tpu.memory_space<hbm>>) dst(%dma_wait3A_1568 : memref<16x128xf32, #tpu.memory_space<vmem>>)
    %dma_wait3A_1572 = arith.constant 48 : i32
    %dma_wait3A_1573 = arith.constant 0 : i32
    %dma_wait3A_1574 = tpu.memref_slice %arg8[%dma_wait3A_1572, %dma_wait3A_1573] : memref<128x128xf32, #tpu.memory_space<vmem>> -> memref<16x128xf32, #tpu.memory_space<vmem>>
    %dma_wait3A_1575 = arith.constant 0 : i32
    %dma_wait3A_1576 = arith.constant 0 : i32
    %dma_wait3A_1577 = tpu.memref_slice %arg3[%dma_wait3A_1575, %dma_wait3A_1576] : memref<32768x128xf32, #tpu.memory_space<hbm>> -> memref<32768x128xf32, #tpu.memory_space<hbm>>
    tpu.wait_indirect_dma semaphore(%arg11 : memref<!tpu.dma_semaphore, #tpu.memory_space<semaphore_mem>>) src(%dma_wait3A_1577 : memref<32768x128xf32, #tpu.memory_space<hbm>>) dst(%dma_wait3A_1574 : memref<16x128xf32, #tpu.memory_space<vmem>>)
    %dma_wait3A_1578 = arith.constant 48 : i32
    %dma_wait3A_1579 = arith.constant 0 : i32
    %dma_wait3A_1580 = tpu.memref_slice %arg9[%dma_wait3A_1578, %dma_wait3A_1579] : memref<128x128xf32, #tpu.memory_space<vmem>> -> memref<16x128xf32, #tpu.memory_space<vmem>>
    %dma_wait3A_1581 = arith.constant 0 : i32
    %dma_wait3A_1582 = arith.constant 0 : i32
    %dma_wait3A_1583 = tpu.memref_slice %arg3[%dma_wait3A_1581, %dma_wait3A_1582] : memref<32768x128xf32, #tpu.memory_space<hbm>> -> memref<32768x128xf32, #tpu.memory_space<hbm>>
    tpu.wait_indirect_dma semaphore(%arg11 : memref<!tpu.dma_semaphore, #tpu.memory_space<semaphore_mem>>) src(%dma_wait3A_1583 : memref<32768x128xf32, #tpu.memory_space<hbm>>) dst(%dma_wait3A_1580 : memref<16x128xf32, #tpu.memory_space<vmem>>)
    %dma_wait3A_1584 = arith.constant 64 : i32
    %dma_wait3A_1585 = arith.constant 0 : i32
    %dma_wait3A_1586 = tpu.memref_slice %arg8[%dma_wait3A_1584, %dma_wait3A_1585] : memref<128x128xf32, #tpu.memory_space<vmem>> -> memref<16x128xf32, #tpu.memory_space<vmem>>
    %dma_wait3A_1587 = arith.constant 0 : i32
    %dma_wait3A_1588 = arith.constant 0 : i32
    %dma_wait3A_1589 = tpu.memref_slice %arg3[%dma_wait3A_1587, %dma_wait3A_1588] : memref<32768x128xf32, #tpu.memory_space<hbm>> -> memref<32768x128xf32, #tpu.memory_space<hbm>>
    tpu.wait_indirect_dma semaphore(%arg11 : memref<!tpu.dma_semaphore, #tpu.memory_space<semaphore_mem>>) src(%dma_wait3A_1589 : memref<32768x128xf32, #tpu.memory_space<hbm>>) dst(%dma_wait3A_1586 : memref<16x128xf32, #tpu.memory_space<vmem>>)
    %dma_wait3A_1590 = arith.constant 64 : i32
    %dma_wait3A_1591 = arith.constant 0 : i32
    %dma_wait3A_1592 = tpu.memref_slice %arg9[%dma_wait3A_1590, %dma_wait3A_1591] : memref<128x128xf32, #tpu.memory_space<vmem>> -> memref<16x128xf32, #tpu.memory_space<vmem>>
    %dma_wait3A_1593 = arith.constant 0 : i32
    %dma_wait3A_1594 = arith.constant 0 : i32
    %dma_wait3A_1595 = tpu.memref_slice %arg3[%dma_wait3A_1593, %dma_wait3A_1594] : memref<32768x128xf32, #tpu.memory_space<hbm>> -> memref<32768x128xf32, #tpu.memory_space<hbm>>
    tpu.wait_indirect_dma semaphore(%arg11 : memref<!tpu.dma_semaphore, #tpu.memory_space<semaphore_mem>>) src(%dma_wait3A_1595 : memref<32768x128xf32, #tpu.memory_space<hbm>>) dst(%dma_wait3A_1592 : memref<16x128xf32, #tpu.memory_space<vmem>>)
    %dma_wait3A_1596 = arith.constant 80 : i32
    %dma_wait3A_1597 = arith.constant 0 : i32
    %dma_wait3A_1598 = tpu.memref_slice %arg8[%dma_wait3A_1596, %dma_wait3A_1597] : memref<128x128xf32, #tpu.memory_space<vmem>> -> memref<16x128xf32, #tpu.memory_space<vmem>>
    %dma_wait3A_1599 = arith.constant 0 : i32
    %dma_wait3A_1600 = arith.constant 0 : i32
    %dma_wait3A_1601 = tpu.memref_slice %arg3[%dma_wait3A_1599, %dma_wait3A_1600] : memref<32768x128xf32, #tpu.memory_space<hbm>> -> memref<32768x128xf32, #tpu.memory_space<hbm>>
    tpu.wait_indirect_dma semaphore(%arg11 : memref<!tpu.dma_semaphore, #tpu.memory_space<semaphore_mem>>) src(%dma_wait3A_1601 : memref<32768x128xf32, #tpu.memory_space<hbm>>) dst(%dma_wait3A_1598 : memref<16x128xf32, #tpu.memory_space<vmem>>)
    %dma_wait3A_1602 = arith.constant 80 : i32
    %dma_wait3A_1603 = arith.constant 0 : i32
    %dma_wait3A_1604 = tpu.memref_slice %arg9[%dma_wait3A_1602, %dma_wait3A_1603] : memref<128x128xf32, #tpu.memory_space<vmem>> -> memref<16x128xf32, #tpu.memory_space<vmem>>
    %dma_wait3A_1605 = arith.constant 0 : i32
    %dma_wait3A_1606 = arith.constant 0 : i32
    %dma_wait3A_1607 = tpu.memref_slice %arg3[%dma_wait3A_1605, %dma_wait3A_1606] : memref<32768x128xf32, #tpu.memory_space<hbm>> -> memref<32768x128xf32, #tpu.memory_space<hbm>>
    tpu.wait_indirect_dma semaphore(%arg11 : memref<!tpu.dma_semaphore, #tpu.memory_space<semaphore_mem>>) src(%dma_wait3A_1607 : memref<32768x128xf32, #tpu.memory_space<hbm>>) dst(%dma_wait3A_1604 : memref<16x128xf32, #tpu.memory_space<vmem>>)
    %dma_wait3A_1608 = arith.constant 96 : i32
    %dma_wait3A_1609 = arith.constant 0 : i32
    %dma_wait3A_1610 = tpu.memref_slice %arg8[%dma_wait3A_1608, %dma_wait3A_1609] : memref<128x128xf32, #tpu.memory_space<vmem>> -> memref<16x128xf32, #tpu.memory_space<vmem>>
    %dma_wait3A_1611 = arith.constant 0 : i32
    %dma_wait3A_1612 = arith.constant 0 : i32
    %dma_wait3A_1613 = tpu.memref_slice %arg3[%dma_wait3A_1611, %dma_wait3A_1612] : memref<32768x128xf32, #tpu.memory_space<hbm>> -> memref<32768x128xf32, #tpu.memory_space<hbm>>
    tpu.wait_indirect_dma semaphore(%arg11 : memref<!tpu.dma_semaphore, #tpu.memory_space<semaphore_mem>>) src(%dma_wait3A_1613 : memref<32768x128xf32, #tpu.memory_space<hbm>>) dst(%dma_wait3A_1610 : memref<16x128xf32, #tpu.memory_space<vmem>>)
    %dma_wait3A_1614 = arith.constant 96 : i32
    %dma_wait3A_1615 = arith.constant 0 : i32
    %dma_wait3A_1616 = tpu.memref_slice %arg9[%dma_wait3A_1614, %dma_wait3A_1615] : memref<128x128xf32, #tpu.memory_space<vmem>> -> memref<16x128xf32, #tpu.memory_space<vmem>>
    %dma_wait3A_1617 = arith.constant 0 : i32
    %dma_wait3A_1618 = arith.constant 0 : i32
    %dma_wait3A_1619 = tpu.memref_slice %arg3[%dma_wait3A_1617, %dma_wait3A_1618] : memref<32768x128xf32, #tpu.memory_space<hbm>> -> memref<32768x128xf32, #tpu.memory_space<hbm>>
    tpu.wait_indirect_dma semaphore(%arg11 : memref<!tpu.dma_semaphore, #tpu.memory_space<semaphore_mem>>) src(%dma_wait3A_1619 : memref<32768x128xf32, #tpu.memory_space<hbm>>) dst(%dma_wait3A_1616 : memref<16x128xf32, #tpu.memory_space<vmem>>)
    %dma_wait3A_1620 = arith.constant 112 : i32
    %dma_wait3A_1621 = arith.constant 0 : i32
    %dma_wait3A_1622 = tpu.memref_slice %arg8[%dma_wait3A_1620, %dma_wait3A_1621] : memref<128x128xf32, #tpu.memory_space<vmem>> -> memref<16x128xf32, #tpu.memory_space<vmem>>
    %dma_wait3A_1623 = arith.constant 0 : i32
    %dma_wait3A_1624 = arith.constant 0 : i32
    %dma_wait3A_1625 = tpu.memref_slice %arg3[%dma_wait3A_1623, %dma_wait3A_1624] : memref<32768x128xf32, #tpu.memory_space<hbm>> -> memref<32768x128xf32, #tpu.memory_space<hbm>>
    tpu.wait_indirect_dma semaphore(%arg11 : memref<!tpu.dma_semaphore, #tpu.memory_space<semaphore_mem>>) src(%dma_wait3A_1625 : memref<32768x128xf32, #tpu.memory_space<hbm>>) dst(%dma_wait3A_1622 : memref<16x128xf32, #tpu.memory_space<vmem>>)
    %dma_wait3A_1626 = arith.constant 112 : i32
    %dma_wait3A_1627 = arith.constant 0 : i32
    %dma_wait3A_1628 = tpu.memref_slice %arg9[%dma_wait3A_1626, %dma_wait3A_1627] : memref<128x128xf32, #tpu.memory_space<vmem>> -> memref<16x128xf32, #tpu.memory_space<vmem>>
    %dma_wait3A_1629 = arith.constant 0 : i32
    %dma_wait3A_1630 = arith.constant 0 : i32
    %dma_wait3A_1631 = tpu.memref_slice %arg3[%dma_wait3A_1629, %dma_wait3A_1630] : memref<32768x128xf32, #tpu.memory_space<hbm>> -> memref<32768x128xf32, #tpu.memory_space<hbm>>
    tpu.wait_indirect_dma semaphore(%arg11 : memref<!tpu.dma_semaphore, #tpu.memory_space<semaphore_mem>>) src(%dma_wait3A_1631 : memref<32768x128xf32, #tpu.memory_space<hbm>>) dst(%dma_wait3A_1628 : memref<16x128xf32, #tpu.memory_space<vmem>>)
    %scan3A = arith.constant 0 : i32
    %scan3A_1632 = arith.constant 0 : i32
    %scan3A_1633 = arith.constant 8 : i32
    %scan3A_1634 = arith.addi %scan3A_1632, %scan3A_1633 : i32
    %scan3A_1635 = arith.constant 1 : i32
    scf.for %scan3A_1637 = %scan3A_1632 to %scan3A_1634 step %scan3A_1635  : i32 {
      %mul3A_1638 = arith.constant 16 : i32
      %mul3A_1639 = arith.muli %scan3A_1637, %mul3A_1638 : i32
      %get3A = arith.index_cast %mul3A_1639 : i32 to index
      %get3A_1640 = tpu.vector_load %arg6[%get3A] {strides = array<i32>} : memref<128xf32, #tpu.memory_space<vmem>>, vector<16xf32>,
      %mul3A_1641 = arith.constant 16 : i32
      %mul3A_1642 = arith.muli %scan3A_1637, %mul3A_1641 : i32
      %get3A_1643 = arith.index_cast %mul3A_1642 : i32 to index
      %get3A_1644 = tpu.vector_load %arg7[%get3A_1643] {strides = array<i32>} : memref<128xf32, #tpu.memory_space<vmem>>, vector<16xf32>,
      %eq3A_1645 = arith.constant 0 : i32
      %eq3A_1646 = vector.broadcast %eq3A_1645 : i32 to vector<16xi32>
      %eq3A_1647 = arith.cmpi eq, %iota3A, %eq3A_1646 : vector<16xi32>
      %jit3A = arith.constant 0.000000e+00 : f32
      %broadcast_in_dim3A_1648 = vector.broadcast %jit3A : f32 to vector<16xf32>
      %select_n3A_1649 = arith.select %eq3A_1647, %get3A_1640, %broadcast_in_dim3A_1648 : vector<16xi1>, vector<16xf32>
      %reduce_sum3A = arith.constant true
      %reduce_sum3A_1650 = vector.broadcast %reduce_sum3A : i1 to vector<16xi1>
      %reduce_sum3A_1651 = tpu.scan <sum>, %select_n3A_1649 masked %reduce_sum3A_1650 : vector<16xf32>, vector<16xi1> -> vector<16xf32>
      %reduce_sum3A_1652 = vector.extract %reduce_sum3A_1651[15] : f32 from vector<16xf32>
      %jit3A_1653 = arith.constant 0.000000e+00 : f32
      %broadcast_in_dim3A_1654 = vector.broadcast %jit3A_1653 : f32 to vector<16xf32>
      %select_n3A_1655 = arith.select %eq3A_1647, %get3A_1644, %broadcast_in_dim3A_1654 : vector<16xi1>, vector<16xf32>
      %reduce_sum3A_1656 = arith.constant true
      %reduce_sum3A_1657 = vector.broadcast %reduce_sum3A_1656 : i1 to vector<16xi1>
      %reduce_sum3A_1658 = tpu.scan <sum>, %select_n3A_1655 masked %reduce_sum3A_1657 : vector<16xf32>, vector<16xi1> -> vector<16xf32>
      %reduce_sum3A_1659 = vector.extract %reduce_sum3A_1658[15] : f32 from vector<16xf32>
      %mul3A_1660 = arith.constant 16 : i32
      %mul3A_1661 = arith.muli %scan3A_1637, %mul3A_1660 : i32
      %add3A_1662 = arith.constant 0 : i32
      %add3A_1663 = arith.addi %mul3A_1661, %add3A_1662 : i32
      %get3A_1664 = arith.index_cast %add3A_1663 : i32 to index
      %get3A_1665 = arith.constant 0 : index
      %get3A_1666 = tpu.vector_load %arg8[%get3A_1664, %get3A_1665] {strides = array<i32>} : memref<128x128xf32, #tpu.memory_space<vmem>>, vector<16xf32>,
      %get3A_1667 = arith.index_cast %add3A_1663 : i32 to index
      %get3A_1668 = arith.constant 0 : index
      %get3A_1669 = tpu.vector_load %arg9[%get3A_1667, %get3A_1668] {strides = array<i32>} : memref<128x128xf32, #tpu.memory_space<vmem>>, vector<16xf32>,
      %mul3A_1670 = vector.broadcast %reduce_sum3A_1652 : f32 to vector<16xf32>
      %mul3A_1671 = arith.mulf %mul3A_1670, %get3A_1666 : vector<16xf32>
      %mul3A_1672 = vector.broadcast %reduce_sum3A_1659 : f32 to vector<16xf32>
      %mul3A_1673 = arith.mulf %mul3A_1672, %get3A_1669 : vector<16xf32>
      %add3A_1674 = arith.addf %mul3A_1671, %mul3A_1673 : vector<16xf32>
      %swap3A_1675 = arith.index_cast %add3A_1663 : i32 to index
      %swap3A_1676 = arith.constant 0 : index
      %swap3A_1677 = tpu.vector_load %arg10[%swap3A_1675, %swap3A_1676] {strides = array<i32>} : memref<128x96xf32, #tpu.memory_space<vmem>>, vector<16xf32>,
      tpu.vector_store %arg10[%swap3A_1675, %swap3A_1676], %add3A_1674 {strides = array<i32>} : memref<128x96xf32, #tpu.memory_space<vmem>>, vector<16xf32>,
      %get3A_1678 = arith.index_cast %add3A_1663 : i32 to index
      %get3A_1679 = arith.constant 16 : index
      %get3A_1680 = tpu.vector_load %arg8[%get3A_1678, %get3A_1679] {strides = array<i32>} : memref<128x128xf32, #tpu.memory_space<vmem>>, vector<16xf32>,
      %get3A_1681 = arith.index_cast %add3A_1663 : i32 to index
      %get3A_1682 = arith.constant 16 : index
      %get3A_1683 = tpu.vector_load %arg9[%get3A_1681, %get3A_1682] {strides = array<i32>} : memref<128x128xf32, #tpu.memory_space<vmem>>, vector<16xf32>,
      %mul3A_1684 = vector.broadcast %reduce_sum3A_1652 : f32 to vector<16xf32>
      %mul3A_1685 = arith.mulf %mul3A_1684, %get3A_1680 : vector<16xf32>
      %mul3A_1686 = vector.broadcast %reduce_sum3A_1659 : f32 to vector<16xf32>
      %mul3A_1687 = arith.mulf %mul3A_1686, %get3A_1683 : vector<16xf32>
      %add3A_1688 = arith.addf %mul3A_1685, %mul3A_1687 : vector<16xf32>
      %swap3A_1689 = arith.index_cast %add3A_1663 : i32 to index
      %swap3A_1690 = arith.constant 16 : index
      %swap3A_1691 = tpu.vector_load %arg10[%swap3A_1689, %swap3A_1690] {strides = array<i32>} : memref<128x96xf32, #tpu.memory_space<vmem>>, vector<16xf32>,
      tpu.vector_store %arg10[%swap3A_1689, %swap3A_1690], %add3A_1688 {strides = array<i32>} : memref<128x96xf32, #tpu.memory_space<vmem>>, vector<16xf32>,
      %get3A_1692 = arith.index_cast %add3A_1663 : i32 to index
      %get3A_1693 = arith.constant 32 : index
      %get3A_1694 = tpu.vector_load %arg8[%get3A_1692, %get3A_1693] {strides = array<i32>} : memref<128x128xf32, #tpu.memory_space<vmem>>, vector<16xf32>,
      %get3A_1695 = arith.index_cast %add3A_1663 : i32 to index
      %get3A_1696 = arith.constant 32 : index
      %get3A_1697 = tpu.vector_load %arg9[%get3A_1695, %get3A_1696] {strides = array<i32>} : memref<128x128xf32, #tpu.memory_space<vmem>>, vector<16xf32>,
      %mul3A_1698 = vector.broadcast %reduce_sum3A_1652 : f32 to vector<16xf32>
      %mul3A_1699 = arith.mulf %mul3A_1698, %get3A_1694 : vector<16xf32>
      %mul3A_1700 = vector.broadcast %reduce_sum3A_1659 : f32 to vector<16xf32>
      %mul3A_1701 = arith.mulf %mul3A_1700, %get3A_1697 : vector<16xf32>
      %add3A_1702 = arith.addf %mul3A_1699, %mul3A_1701 : vector<16xf32>
      %swap3A_1703 = arith.index_cast %add3A_1663 : i32 to index
      %swap3A_1704 = arith.constant 32 : index
      %swap3A_1705 = tpu.vector_load %arg10[%swap3A_1703, %swap3A_1704] {strides = array<i32>} : memref<128x96xf32, #tpu.memory_space<vmem>>, vector<16xf32>,
      tpu.vector_store %arg10[%swap3A_1703, %swap3A_1704], %add3A_1702 {strides = array<i32>} : memref<128x96xf32, #tpu.memory_space<vmem>>, vector<16xf32>,
      %get3A_1706 = arith.index_cast %add3A_1663 : i32 to index
      %get3A_1707 = arith.constant 48 : index
      %get3A_1708 = tpu.vector_load %arg8[%get3A_1706, %get3A_1707] {strides = array<i32>} : memref<128x128xf32, #tpu.memory_space<vmem>>, vector<16xf32>,
      %get3A_1709 = arith.index_cast %add3A_1663 : i32 to index
      %get3A_1710 = arith.constant 48 : index
      %get3A_1711 = tpu.vector_load %arg9[%get3A_1709, %get3A_1710] {strides = array<i32>} : memref<128x128xf32, #tpu.memory_space<vmem>>, vector<16xf32>,
      %mul3A_1712 = vector.broadcast %reduce_sum3A_1652 : f32 to vector<16xf32>
      %mul3A_1713 = arith.mulf %mul3A_1712, %get3A_1708 : vector<16xf32>
      %mul3A_1714 = vector.broadcast %reduce_sum3A_1659 : f32 to vector<16xf32>
      %mul3A_1715 = arith.mulf %mul3A_1714, %get3A_1711 : vector<16xf32>
      %add3A_1716 = arith.addf %mul3A_1713, %mul3A_1715 : vector<16xf32>
      %swap3A_1717 = arith.index_cast %add3A_1663 : i32 to index
      %swap3A_1718 = arith.constant 48 : index
      %swap3A_1719 = tpu.vector_load %arg10[%swap3A_1717, %swap3A_1718] {strides = array<i32>} : memref<128x96xf32, #tpu.memory_space<vmem>>, vector<16xf32>,
      tpu.vector_store %arg10[%swap3A_1717, %swap3A_1718], %add3A_1716 {strides = array<i32>} : memref<128x96xf32, #tpu.memory_space<vmem>>, vector<16xf32>,
      %get3A_1720 = arith.index_cast %add3A_1663 : i32 to index
      %get3A_1721 = arith.constant 64 : index
      %get3A_1722 = tpu.vector_load %arg8[%get3A_1720, %get3A_1721] {strides = array<i32>} : memref<128x128xf32, #tpu.memory_space<vmem>>, vector<16xf32>,
      %get3A_1723 = arith.index_cast %add3A_1663 : i32 to index
      %get3A_1724 = arith.constant 64 : index
      %get3A_1725 = tpu.vector_load %arg9[%get3A_1723, %get3A_1724] {strides = array<i32>} : memref<128x128xf32, #tpu.memory_space<vmem>>, vector<16xf32>,
      %mul3A_1726 = vector.broadcast %reduce_sum3A_1652 : f32 to vector<16xf32>
      %mul3A_1727 = arith.mulf %mul3A_1726, %get3A_1722 : vector<16xf32>
      %mul3A_1728 = vector.broadcast %reduce_sum3A_1659 : f32 to vector<16xf32>
      %mul3A_1729 = arith.mulf %mul3A_1728, %get3A_1725 : vector<16xf32>
      %add3A_1730 = arith.addf %mul3A_1727, %mul3A_1729 : vector<16xf32>
      %swap3A_1731 = arith.index_cast %add3A_1663 : i32 to index
      %swap3A_1732 = arith.constant 64 : index
      %swap3A_1733 = tpu.vector_load %arg10[%swap3A_1731, %swap3A_1732] {strides = array<i32>} : memref<128x96xf32, #tpu.memory_space<vmem>>, vector<16xf32>,
      tpu.vector_store %arg10[%swap3A_1731, %swap3A_1732], %add3A_1730 {strides = array<i32>} : memref<128x96xf32, #tpu.memory_space<vmem>>, vector<16xf32>,
      %get3A_1734 = arith.index_cast %add3A_1663 : i32 to index
      %get3A_1735 = arith.constant 80 : index
      %get3A_1736 = tpu.vector_load %arg8[%get3A_1734, %get3A_1735] {strides = array<i32>} : memref<128x128xf32, #tpu.memory_space<vmem>>, vector<16xf32>,
      %get3A_1737 = arith.index_cast %add3A_1663 : i32 to index
      %get3A_1738 = arith.constant 80 : index
      %get3A_1739 = tpu.vector_load %arg9[%get3A_1737, %get3A_1738] {strides = array<i32>} : memref<128x128xf32, #tpu.memory_space<vmem>>, vector<16xf32>,
      %mul3A_1740 = vector.broadcast %reduce_sum3A_1652 : f32 to vector<16xf32>
      %mul3A_1741 = arith.mulf %mul3A_1740, %get3A_1736 : vector<16xf32>
      %mul3A_1742 = vector.broadcast %reduce_sum3A_1659 : f32 to vector<16xf32>
      %mul3A_1743 = arith.mulf %mul3A_1742, %get3A_1739 : vector<16xf32>
      %add3A_1744 = arith.addf %mul3A_1741, %mul3A_1743 : vector<16xf32>
      %swap3A_1745 = arith.index_cast %add3A_1663 : i32 to index
      %swap3A_1746 = arith.constant 80 : index
      %swap3A_1747 = tpu.vector_load %arg10[%swap3A_1745, %swap3A_1746] {strides = array<i32>} : memref<128x96xf32, #tpu.memory_space<vmem>>, vector<16xf32>,
      tpu.vector_store %arg10[%swap3A_1745, %swap3A_1746], %add3A_1744 {strides = array<i32>} : memref<128x96xf32, #tpu.memory_space<vmem>>, vector<16xf32>,
      %eq3A_1748 = arith.constant 1 : i32
      %eq3A_1749 = vector.broadcast %eq3A_1748 : i32 to vector<16xi32>
      %eq3A_1750 = arith.cmpi eq, %iota3A, %eq3A_1749 : vector<16xi32>
      %jit3A_1751 = arith.constant 0.000000e+00 : f32
      %broadcast_in_dim3A_1752 = vector.broadcast %jit3A_1751 : f32 to vector<16xf32>
      %select_n3A_1753 = arith.select %eq3A_1750, %get3A_1640, %broadcast_in_dim3A_1752 : vector<16xi1>, vector<16xf32>
      %reduce_sum3A_1754 = arith.constant true
      %reduce_sum3A_1755 = vector.broadcast %reduce_sum3A_1754 : i1 to vector<16xi1>
      %reduce_sum3A_1756 = tpu.scan <sum>, %select_n3A_1753 masked %reduce_sum3A_1755 : vector<16xf32>, vector<16xi1> -> vector<16xf32>
      %reduce_sum3A_1757 = vector.extract %reduce_sum3A_1756[15] : f32 from vector<16xf32>
      %jit3A_1758 = arith.constant 0.000000e+00 : f32
      %broadcast_in_dim3A_1759 = vector.broadcast %jit3A_1758 : f32 to vector<16xf32>
      %select_n3A_1760 = arith.select %eq3A_1750, %get3A_1644, %broadcast_in_dim3A_1759 : vector<16xi1>, vector<16xf32>
      %reduce_sum3A_1761 = arith.constant true
      %reduce_sum3A_1762 = vector.broadcast %reduce_sum3A_1761 : i1 to vector<16xi1>
      %reduce_sum3A_1763 = tpu.scan <sum>, %select_n3A_1760 masked %reduce_sum3A_1762 : vector<16xf32>, vector<16xi1> -> vector<16xf32>
      %reduce_sum3A_1764 = vector.extract %reduce_sum3A_1763[15] : f32 from vector<16xf32>
      %mul3A_1765 = arith.constant 16 : i32
      %mul3A_1766 = arith.muli %scan3A_1637, %mul3A_1765 : i32
      %add3A_1767 = arith.constant 1 : i32
      %add3A_1768 = arith.addi %mul3A_1766, %add3A_1767 : i32
      %get3A_1769 = arith.index_cast %add3A_1768 : i32 to index
      %get3A_1770 = arith.constant 0 : index
      %get3A_1771 = tpu.vector_load %arg8[%get3A_1769, %get3A_1770] {strides = array<i32>} : memref<128x128xf32, #tpu.memory_space<vmem>>, vector<16xf32>,
      %get3A_1772 = arith.index_cast %add3A_1768 : i32 to index
      %get3A_1773 = arith.constant 0 : index
      %get3A_1774 = tpu.vector_load %arg9[%get3A_1772, %get3A_1773] {strides = array<i32>} : memref<128x128xf32, #tpu.memory_space<vmem>>, vector<16xf32>,
      %mul3A_1775 = vector.broadcast %reduce_sum3A_1757 : f32 to vector<16xf32>
      %mul3A_1776 = arith.mulf %mul3A_1775, %get3A_1771 : vector<16xf32>
      %mul3A_1777 = vector.broadcast %reduce_sum3A_1764 : f32 to vector<16xf32>
      %mul3A_1778 = arith.mulf %mul3A_1777, %get3A_1774 : vector<16xf32>
      %add3A_1779 = arith.addf %mul3A_1776, %mul3A_1778 : vector<16xf32>
      %swap3A_1780 = arith.index_cast %add3A_1768 : i32 to index
      %swap3A_1781 = arith.constant 0 : index
      %swap3A_1782 = tpu.vector_load %arg10[%swap3A_1780, %swap3A_1781] {strides = array<i32>} : memref<128x96xf32, #tpu.memory_space<vmem>>, vector<16xf32>,
      tpu.vector_store %arg10[%swap3A_1780, %swap3A_1781], %add3A_1779 {strides = array<i32>} : memref<128x96xf32, #tpu.memory_space<vmem>>, vector<16xf32>,
      %get3A_1783 = arith.index_cast %add3A_1768 : i32 to index
      %get3A_1784 = arith.constant 16 : index
      %get3A_1785 = tpu.vector_load %arg8[%get3A_1783, %get3A_1784] {strides = array<i32>} : memref<128x128xf32, #tpu.memory_space<vmem>>, vector<16xf32>,
      %get3A_1786 = arith.index_cast %add3A_1768 : i32 to index
      %get3A_1787 = arith.constant 16 : index
      %get3A_1788 = tpu.vector_load %arg9[%get3A_1786, %get3A_1787] {strides = array<i32>} : memref<128x128xf32, #tpu.memory_space<vmem>>, vector<16xf32>,
      %mul3A_1789 = vector.broadcast %reduce_sum3A_1757 : f32 to vector<16xf32>
      %mul3A_1790 = arith.mulf %mul3A_1789, %get3A_1785 : vector<16xf32>
      %mul3A_1791 = vector.broadcast %reduce_sum3A_1764 : f32 to vector<16xf32>
      %mul3A_1792 = arith.mulf %mul3A_1791, %get3A_1788 : vector<16xf32>
      %add3A_1793 = arith.addf %mul3A_1790, %mul3A_1792 : vector<16xf32>
      %swap3A_1794 = arith.index_cast %add3A_1768 : i32 to index
      %swap3A_1795 = arith.constant 16 : index
      %swap3A_1796 = tpu.vector_load %arg10[%swap3A_1794, %swap3A_1795] {strides = array<i32>} : memref<128x96xf32, #tpu.memory_space<vmem>>, vector<16xf32>,
      tpu.vector_store %arg10[%swap3A_1794, %swap3A_1795], %add3A_1793 {strides = array<i32>} : memref<128x96xf32, #tpu.memory_space<vmem>>, vector<16xf32>,
      %get3A_1797 = arith.index_cast %add3A_1768 : i32 to index
      %get3A_1798 = arith.constant 32 : index
      %get3A_1799 = tpu.vector_load %arg8[%get3A_1797, %get3A_1798] {strides = array<i32>} : memref<128x128xf32, #tpu.memory_space<vmem>>, vector<16xf32>,
      %get3A_1800 = arith.index_cast %add3A_1768 : i32 to index
      %get3A_1801 = arith.constant 32 : index
      %get3A_1802 = tpu.vector_load %arg9[%get3A_1800, %get3A_1801] {strides = array<i32>} : memref<128x128xf32, #tpu.memory_space<vmem>>, vector<16xf32>,
      %mul3A_1803 = vector.broadcast %reduce_sum3A_1757 : f32 to vector<16xf32>
      %mul3A_1804 = arith.mulf %mul3A_1803, %get3A_1799 : vector<16xf32>
      %mul3A_1805 = vector.broadcast %reduce_sum3A_1764 : f32 to vector<16xf32>
      %mul3A_1806 = arith.mulf %mul3A_1805, %get3A_1802 : vector<16xf32>
      %add3A_1807 = arith.addf %mul3A_1804, %mul3A_1806 : vector<16xf32>
      %swap3A_1808 = arith.index_cast %add3A_1768 : i32 to index
      %swap3A_1809 = arith.constant 32 : index
      %swap3A_1810 = tpu.vector_load %arg10[%swap3A_1808, %swap3A_1809] {strides = array<i32>} : memref<128x96xf32, #tpu.memory_space<vmem>>, vector<16xf32>,
      tpu.vector_store %arg10[%swap3A_1808, %swap3A_1809], %add3A_1807 {strides = array<i32>} : memref<128x96xf32, #tpu.memory_space<vmem>>, vector<16xf32>,
      %get3A_1811 = arith.index_cast %add3A_1768 : i32 to index
      %get3A_1812 = arith.constant 48 : index
      %get3A_1813 = tpu.vector_load %arg8[%get3A_1811, %get3A_1812] {strides = array<i32>} : memref<128x128xf32, #tpu.memory_space<vmem>>, vector<16xf32>,
      %get3A_1814 = arith.index_cast %add3A_1768 : i32 to index
      %get3A_1815 = arith.constant 48 : index
      %get3A_1816 = tpu.vector_load %arg9[%get3A_1814, %get3A_1815] {strides = array<i32>} : memref<128x128xf32, #tpu.memory_space<vmem>>, vector<16xf32>,
      %mul3A_1817 = vector.broadcast %reduce_sum3A_1757 : f32 to vector<16xf32>
      %mul3A_1818 = arith.mulf %mul3A_1817, %get3A_1813 : vector<16xf32>
      %mul3A_1819 = vector.broadcast %reduce_sum3A_1764 : f32 to vector<16xf32>
      %mul3A_1820 = arith.mulf %mul3A_1819, %get3A_1816 : vector<16xf32>
      %add3A_1821 = arith.addf %mul3A_1818, %mul3A_1820 : vector<16xf32>
      %swap3A_1822 = arith.index_cast %add3A_1768 : i32 to index
      %swap3A_1823 = arith.constant 48 : index
      %swap3A_1824 = tpu.vector_load %arg10[%swap3A_1822, %swap3A_1823] {strides = array<i32>} : memref<128x96xf32, #tpu.memory_space<vmem>>, vector<16xf32>,
      tpu.vector_store %arg10[%swap3A_1822, %swap3A_1823], %add3A_1821 {strides = array<i32>} : memref<128x96xf32, #tpu.memory_space<vmem>>, vector<16xf32>,
      %get3A_1825 = arith.index_cast %add3A_1768 : i32 to index
      %get3A_1826 = arith.constant 64 : index
      %get3A_1827 = tpu.vector_load %arg8[%get3A_1825, %get3A_1826] {strides = array<i32>} : memref<128x128xf32, #tpu.memory_space<vmem>>, vector<16xf32>,
      %get3A_1828 = arith.index_cast %add3A_1768 : i32 to index
      %get3A_1829 = arith.constant 64 : index
      %get3A_1830 = tpu.vector_load %arg9[%get3A_1828, %get3A_1829] {strides = array<i32>} : memref<128x128xf32, #tpu.memory_space<vmem>>, vector<16xf32>,
      %mul3A_1831 = vector.broadcast %reduce_sum3A_1757 : f32 to vector<16xf32>
      %mul3A_1832 = arith.mulf %mul3A_1831, %get3A_1827 : vector<16xf32>
      %mul3A_1833 = vector.broadcast %reduce_sum3A_1764 : f32 to vector<16xf32>
      %mul3A_1834 = arith.mulf %mul3A_1833, %get3A_1830 : vector<16xf32>
      %add3A_1835 = arith.addf %mul3A_1832, %mul3A_1834 : vector<16xf32>
      %swap3A_1836 = arith.index_cast %add3A_1768 : i32 to index
      %swap3A_1837 = arith.constant 64 : index
      %swap3A_1838 = tpu.vector_load %arg10[%swap3A_1836, %swap3A_1837] {strides = array<i32>} : memref<128x96xf32, #tpu.memory_space<vmem>>, vector<16xf32>,
      tpu.vector_store %arg10[%swap3A_1836, %swap3A_1837], %add3A_1835 {strides = array<i32>} : memref<128x96xf32, #tpu.memory_space<vmem>>, vector<16xf32>,
      %get3A_1839 = arith.index_cast %add3A_1768 : i32 to index
      %get3A_1840 = arith.constant 80 : index
      %get3A_1841 = tpu.vector_load %arg8[%get3A_1839, %get3A_1840] {strides = array<i32>} : memref<128x128xf32, #tpu.memory_space<vmem>>, vector<16xf32>,
      %get3A_1842 = arith.index_cast %add3A_1768 : i32 to index
      %get3A_1843 = arith.constant 80 : index
      %get3A_1844 = tpu.vector_load %arg9[%get3A_1842, %get3A_1843] {strides = array<i32>} : memref<128x128xf32, #tpu.memory_space<vmem>>, vector<16xf32>,
      %mul3A_1845 = vector.broadcast %reduce_sum3A_1757 : f32 to vector<16xf32>
      %mul3A_1846 = arith.mulf %mul3A_1845, %get3A_1841 : vector<16xf32>
      %mul3A_1847 = vector.broadcast %reduce_sum3A_1764 : f32 to vector<16xf32>
      %mul3A_1848 = arith.mulf %mul3A_1847, %get3A_1844 : vector<16xf32>
      %add3A_1849 = arith.addf %mul3A_1846, %mul3A_1848 : vector<16xf32>
      %swap3A_1850 = arith.index_cast %add3A_1768 : i32 to index
      %swap3A_1851 = arith.constant 80 : index
      %swap3A_1852 = tpu.vector_load %arg10[%swap3A_1850, %swap3A_1851] {strides = array<i32>} : memref<128x96xf32, #tpu.memory_space<vmem>>, vector<16xf32>,
      tpu.vector_store %arg10[%swap3A_1850, %swap3A_1851], %add3A_1849 {strides = array<i32>} : memref<128x96xf32, #tpu.memory_space<vmem>>, vector<16xf32>,
      %eq3A_1853 = arith.constant 2 : i32
      %eq3A_1854 = vector.broadcast %eq3A_1853 : i32 to vector<16xi32>
      %eq3A_1855 = arith.cmpi eq, %iota3A, %eq3A_1854 : vector<16xi32>
      %jit3A_1856 = arith.constant 0.000000e+00 : f32
      %broadcast_in_dim3A_1857 = vector.broadcast %jit3A_1856 : f32 to vector<16xf32>
      %select_n3A_1858 = arith.select %eq3A_1855, %get3A_1640, %broadcast_in_dim3A_1857 : vector<16xi1>, vector<16xf32>
      %reduce_sum3A_1859 = arith.constant true
      %reduce_sum3A_1860 = vector.broadcast %reduce_sum3A_1859 : i1 to vector<16xi1>
      %reduce_sum3A_1861 = tpu.scan <sum>, %select_n3A_1858 masked %reduce_sum3A_1860 : vector<16xf32>, vector<16xi1> -> vector<16xf32>
      %reduce_sum3A_1862 = vector.extract %reduce_sum3A_1861[15] : f32 from vector<16xf32>
      %jit3A_1863 = arith.constant 0.000000e+00 : f32
      %broadcast_in_dim3A_1864 = vector.broadcast %jit3A_1863 : f32 to vector<16xf32>
      %select_n3A_1865 = arith.select %eq3A_1855, %get3A_1644, %broadcast_in_dim3A_1864 : vector<16xi1>, vector<16xf32>
      %reduce_sum3A_1866 = arith.constant true
      %reduce_sum3A_1867 = vector.broadcast %reduce_sum3A_1866 : i1 to vector<16xi1>
      %reduce_sum3A_1868 = tpu.scan <sum>, %select_n3A_1865 masked %reduce_sum3A_1867 : vector<16xf32>, vector<16xi1> -> vector<16xf32>
      %reduce_sum3A_1869 = vector.extract %reduce_sum3A_1868[15] : f32 from vector<16xf32>
      %mul3A_1870 = arith.constant 16 : i32
      %mul3A_1871 = arith.muli %scan3A_1637, %mul3A_1870 : i32
      %add3A_1872 = arith.constant 2 : i32
      %add3A_1873 = arith.addi %mul3A_1871, %add3A_1872 : i32
      %get3A_1874 = arith.index_cast %add3A_1873 : i32 to index
      %get3A_1875 = arith.constant 0 : index
      %get3A_1876 = tpu.vector_load %arg8[%get3A_1874, %get3A_1875] {strides = array<i32>} : memref<128x128xf32, #tpu.memory_space<vmem>>, vector<16xf32>,
      %get3A_1877 = arith.index_cast %add3A_1873 : i32 to index
      %get3A_1878 = arith.constant 0 : index
      %get3A_1879 = tpu.vector_load %arg9[%get3A_1877, %get3A_1878] {strides = array<i32>} : memref<128x128xf32, #tpu.memory_space<vmem>>, vector<16xf32>,
      %mul3A_1880 = vector.broadcast %reduce_sum3A_1862 : f32 to vector<16xf32>
      %mul3A_1881 = arith.mulf %mul3A_1880, %get3A_1876 : vector<16xf32>
      %mul3A_1882 = vector.broadcast %reduce_sum3A_1869 : f32 to vector<16xf32>
      %mul3A_1883 = arith.mulf %mul3A_1882, %get3A_1879 : vector<16xf32>
      %add3A_1884 = arith.addf %mul3A_1881, %mul3A_1883 : vector<16xf32>
      %swap3A_1885 = arith.index_cast %add3A_1873 : i32 to index
      %swap3A_1886 = arith.constant 0 : index
      %swap3A_1887 = tpu.vector_load %arg10[%swap3A_1885, %swap3A_1886] {strides = array<i32>} : memref<128x96xf32, #tpu.memory_space<vmem>>, vector<16xf32>,
      tpu.vector_store %arg10[%swap3A_1885, %swap3A_1886], %add3A_1884 {strides = array<i32>} : memref<128x96xf32, #tpu.memory_space<vmem>>, vector<16xf32>,
      %get3A_1888 = arith.index_cast %add3A_1873 : i32 to index
      %get3A_1889 = arith.constant 16 : index
      %get3A_1890 = tpu.vector_load %arg8[%get3A_1888, %get3A_1889] {strides = array<i32>} : memref<128x128xf32, #tpu.memory_space<vmem>>, vector<16xf32>,
      %get3A_1891 = arith.index_cast %add3A_1873 : i32 to index
      %get3A_1892 = arith.constant 16 : index
      %get3A_1893 = tpu.vector_load %arg9[%get3A_1891, %get3A_1892] {strides = array<i32>} : memref<128x128xf32, #tpu.memory_space<vmem>>, vector<16xf32>,
      %mul3A_1894 = vector.broadcast %reduce_sum3A_1862 : f32 to vector<16xf32>
      %mul3A_1895 = arith.mulf %mul3A_1894, %get3A_1890 : vector<16xf32>
      %mul3A_1896 = vector.broadcast %reduce_sum3A_1869 : f32 to vector<16xf32>
      %mul3A_1897 = arith.mulf %mul3A_1896, %get3A_1893 : vector<16xf32>
      %add3A_1898 = arith.addf %mul3A_1895, %mul3A_1897 : vector<16xf32>
      %swap3A_1899 = arith.index_cast %add3A_1873 : i32 to index
      %swap3A_1900 = arith.constant 16 : index
      %swap3A_1901 = tpu.vector_load %arg10[%swap3A_1899, %swap3A_1900] {strides = array<i32>} : memref<128x96xf32, #tpu.memory_space<vmem>>, vector<16xf32>,
      tpu.vector_store %arg10[%swap3A_1899, %swap3A_1900], %add3A_1898 {strides = array<i32>} : memref<128x96xf32, #tpu.memory_space<vmem>>, vector<16xf32>,
      %get3A_1902 = arith.index_cast %add3A_1873 : i32 to index
      %get3A_1903 = arith.constant 32 : index
      %get3A_1904 = tpu.vector_load %arg8[%get3A_1902, %get3A_1903] {strides = array<i32>} : memref<128x128xf32, #tpu.memory_space<vmem>>, vector<16xf32>,
      %get3A_1905 = arith.index_cast %add3A_1873 : i32 to index
      %get3A_1906 = arith.constant 32 : index
      %get3A_1907 = tpu.vector_load %arg9[%get3A_1905, %get3A_1906] {strides = array<i32>} : memref<128x128xf32, #tpu.memory_space<vmem>>, vector<16xf32>,
      %mul3A_1908 = vector.broadcast %reduce_sum3A_1862 : f32 to vector<16xf32>
      %mul3A_1909 = arith.mulf %mul3A_1908, %get3A_1904 : vector<16xf32>
      %mul3A_1910 = vector.broadcast %reduce_sum3A_1869 : f32 to vector<16xf32>
      %mul3A_1911 = arith.mulf %mul3A_1910, %get3A_1907 : vector<16xf32>
      %add3A_1912 = arith.addf %mul3A_1909, %mul3A_1911 : vector<16xf32>
      %swap3A_1913 = arith.index_cast %add3A_1873 : i32 to index
      %swap3A_1914 = arith.constant 32 : index
      %swap3A_1915 = tpu.vector_load %arg10[%swap3A_1913, %swap3A_1914] {strides = array<i32>} : memref<128x96xf32, #tpu.memory_space<vmem>>, vector<16xf32>,
      tpu.vector_store %arg10[%swap3A_1913, %swap3A_1914], %add3A_1912 {strides = array<i32>} : memref<128x96xf32, #tpu.memory_space<vmem>>, vector<16xf32>,
      %get3A_1916 = arith.index_cast %add3A_1873 : i32 to index
      %get3A_1917 = arith.constant 48 : index
      %get3A_1918 = tpu.vector_load %arg8[%get3A_1916, %get3A_1917] {strides = array<i32>} : memref<128x128xf32, #tpu.memory_space<vmem>>, vector<16xf32>,
      %get3A_1919 = arith.index_cast %add3A_1873 : i32 to index
      %get3A_1920 = arith.constant 48 : index
      %get3A_1921 = tpu.vector_load %arg9[%get3A_1919, %get3A_1920] {strides = array<i32>} : memref<128x128xf32, #tpu.memory_space<vmem>>, vector<16xf32>,
      %mul3A_1922 = vector.broadcast %reduce_sum3A_1862 : f32 to vector<16xf32>
      %mul3A_1923 = arith.mulf %mul3A_1922, %get3A_1918 : vector<16xf32>
      %mul3A_1924 = vector.broadcast %reduce_sum3A_1869 : f32 to vector<16xf32>
      %mul3A_1925 = arith.mulf %mul3A_1924, %get3A_1921 : vector<16xf32>
      %add3A_1926 = arith.addf %mul3A_1923, %mul3A_1925 : vector<16xf32>
      %swap3A_1927 = arith.index_cast %add3A_1873 : i32 to index
      %swap3A_1928 = arith.constant 48 : index
      %swap3A_1929 = tpu.vector_load %arg10[%swap3A_1927, %swap3A_1928] {strides = array<i32>} : memref<128x96xf32, #tpu.memory_space<vmem>>, vector<16xf32>,
      tpu.vector_store %arg10[%swap3A_1927, %swap3A_1928], %add3A_1926 {strides = array<i32>} : memref<128x96xf32, #tpu.memory_space<vmem>>, vector<16xf32>,
      %get3A_1930 = arith.index_cast %add3A_1873 : i32 to index
      %get3A_1931 = arith.constant 64 : index
      %get3A_1932 = tpu.vector_load %arg8[%get3A_1930, %get3A_1931] {strides = array<i32>} : memref<128x128xf32, #tpu.memory_space<vmem>>, vector<16xf32>,
      %get3A_1933 = arith.index_cast %add3A_1873 : i32 to index
      %get3A_1934 = arith.constant 64 : index
      %get3A_1935 = tpu.vector_load %arg9[%get3A_1933, %get3A_1934] {strides = array<i32>} : memref<128x128xf32, #tpu.memory_space<vmem>>, vector<16xf32>,
      %mul3A_1936 = vector.broadcast %reduce_sum3A_1862 : f32 to vector<16xf32>
      %mul3A_1937 = arith.mulf %mul3A_1936, %get3A_1932 : vector<16xf32>
      %mul3A_1938 = vector.broadcast %reduce_sum3A_1869 : f32 to vector<16xf32>
      %mul3A_1939 = arith.mulf %mul3A_1938, %get3A_1935 : vector<16xf32>
      %add3A_1940 = arith.addf %mul3A_1937, %mul3A_1939 : vector<16xf32>
      %swap3A_1941 = arith.index_cast %add3A_1873 : i32 to index
      %swap3A_1942 = arith.constant 64 : index
      %swap3A_1943 = tpu.vector_load %arg10[%swap3A_1941, %swap3A_1942] {strides = array<i32>} : memref<128x96xf32, #tpu.memory_space<vmem>>, vector<16xf32>,
      tpu.vector_store %arg10[%swap3A_1941, %swap3A_1942], %add3A_1940 {strides = array<i32>} : memref<128x96xf32, #tpu.memory_space<vmem>>, vector<16xf32>,
      %get3A_1944 = arith.index_cast %add3A_1873 : i32 to index
      %get3A_1945 = arith.constant 80 : index
      %get3A_1946 = tpu.vector_load %arg8[%get3A_1944, %get3A_1945] {strides = array<i32>} : memref<128x128xf32, #tpu.memory_space<vmem>>, vector<16xf32>,
      %get3A_1947 = arith.index_cast %add3A_1873 : i32 to index
      %get3A_1948 = arith.constant 80 : index
      %get3A_1949 = tpu.vector_load %arg9[%get3A_1947, %get3A_1948] {strides = array<i32>} : memref<128x128xf32, #tpu.memory_space<vmem>>, vector<16xf32>,
      %mul3A_1950 = vector.broadcast %reduce_sum3A_1862 : f32 to vector<16xf32>
      %mul3A_1951 = arith.mulf %mul3A_1950, %get3A_1946 : vector<16xf32>
      %mul3A_1952 = vector.broadcast %reduce_sum3A_1869 : f32 to vector<16xf32>
      %mul3A_1953 = arith.mulf %mul3A_1952, %get3A_1949 : vector<16xf32>
      %add3A_1954 = arith.addf %mul3A_1951, %mul3A_1953 : vector<16xf32>
      %swap3A_1955 = arith.index_cast %add3A_1873 : i32 to index
      %swap3A_1956 = arith.constant 80 : index
      %swap3A_1957 = tpu.vector_load %arg10[%swap3A_1955, %swap3A_1956] {strides = array<i32>} : memref<128x96xf32, #tpu.memory_space<vmem>>, vector<16xf32>,
      tpu.vector_store %arg10[%swap3A_1955, %swap3A_1956], %add3A_1954 {strides = array<i32>} : memref<128x96xf32, #tpu.memory_space<vmem>>, vector<16xf32>,
      %eq3A_1958 = arith.constant 3 : i32
      %eq3A_1959 = vector.broadcast %eq3A_1958 : i32 to vector<16xi32>
      %eq3A_1960 = arith.cmpi eq, %iota3A, %eq3A_1959 : vector<16xi32>
      %jit3A_1961 = arith.constant 0.000000e+00 : f32
      %broadcast_in_dim3A_1962 = vector.broadcast %jit3A_1961 : f32 to vector<16xf32>
      %select_n3A_1963 = arith.select %eq3A_1960, %get3A_1640, %broadcast_in_dim3A_1962 : vector<16xi1>, vector<16xf32>
      %reduce_sum3A_1964 = arith.constant true
      %reduce_sum3A_1965 = vector.broadcast %reduce_sum3A_1964 : i1 to vector<16xi1>
      %reduce_sum3A_1966 = tpu.scan <sum>, %select_n3A_1963 masked %reduce_sum3A_1965 : vector<16xf32>, vector<16xi1> -> vector<16xf32>
      %reduce_sum3A_1967 = vector.extract %reduce_sum3A_1966[15] : f32 from vector<16xf32>
      %jit3A_1968 = arith.constant 0.000000e+00 : f32
      %broadcast_in_dim3A_1969 = vector.broadcast %jit3A_1968 : f32 to vector<16xf32>
      %select_n3A_1970 = arith.select %eq3A_1960, %get3A_1644, %broadcast_in_dim3A_1969 : vector<16xi1>, vector<16xf32>
      %reduce_sum3A_1971 = arith.constant true
      %reduce_sum3A_1972 = vector.broadcast %reduce_sum3A_1971 : i1 to vector<16xi1>
      %reduce_sum3A_1973 = tpu.scan <sum>, %select_n3A_1970 masked %reduce_sum3A_1972 : vector<16xf32>, vector<16xi1> -> vector<16xf32>
      %reduce_sum3A_1974 = vector.extract %reduce_sum3A_1973[15] : f32 from vector<16xf32>
      %mul3A_1975 = arith.constant 16 : i32
      %mul3A_1976 = arith.muli %scan3A_1637, %mul3A_1975 : i32
      %add3A_1977 = arith.constant 3 : i32
      %add3A_1978 = arith.addi %mul3A_1976, %add3A_1977 : i32
      %get3A_1979 = arith.index_cast %add3A_1978 : i32 to index
      %get3A_1980 = arith.constant 0 : index
      %get3A_1981 = tpu.vector_load %arg8[%get3A_1979, %get3A_1980] {strides = array<i32>} : memref<128x128xf32, #tpu.memory_space<vmem>>, vector<16xf32>,
      %get3A_1982 = arith.index_cast %add3A_1978 : i32 to index
      %get3A_1983 = arith.constant 0 : index
      %get3A_1984 = tpu.vector_load %arg9[%get3A_1982, %get3A_1983] {strides = array<i32>} : memref<128x128xf32, #tpu.memory_space<vmem>>, vector<16xf32>,
      %mul3A_1985 = vector.broadcast %reduce_sum3A_1967 : f32 to vector<16xf32>
      %mul3A_1986 = arith.mulf %mul3A_1985, %get3A_1981 : vector<16xf32>
      %mul3A_1987 = vector.broadcast %reduce_sum3A_1974 : f32 to vector<16xf32>
      %mul3A_1988 = arith.mulf %mul3A_1987, %get3A_1984 : vector<16xf32>
      %add3A_1989 = arith.addf %mul3A_1986, %mul3A_1988 : vector<16xf32>
      %swap3A_1990 = arith.index_cast %add3A_1978 : i32 to index
      %swap3A_1991 = arith.constant 0 : index
      %swap3A_1992 = tpu.vector_load %arg10[%swap3A_1990, %swap3A_1991] {strides = array<i32>} : memref<128x96xf32, #tpu.memory_space<vmem>>, vector<16xf32>,
      tpu.vector_store %arg10[%swap3A_1990, %swap3A_1991], %add3A_1989 {strides = array<i32>} : memref<128x96xf32, #tpu.memory_space<vmem>>, vector<16xf32>,
      %get3A_1993 = arith.index_cast %add3A_1978 : i32 to index
      %get3A_1994 = arith.constant 16 : index
      %get3A_1995 = tpu.vector_load %arg8[%get3A_1993, %get3A_1994] {strides = array<i32>} : memref<128x128xf32, #tpu.memory_space<vmem>>, vector<16xf32>,
      %get3A_1996 = arith.index_cast %add3A_1978 : i32 to index
      %get3A_1997 = arith.constant 16 : index
      %get3A_1998 = tpu.vector_load %arg9[%get3A_1996, %get3A_1997] {strides = array<i32>} : memref<128x128xf32, #tpu.memory_space<vmem>>, vector<16xf32>,
      %mul3A_1999 = vector.broadcast %reduce_sum3A_1967 : f32 to vector<16xf32>
      %mul3A_2000 = arith.mulf %mul3A_1999, %get3A_1995 : vector<16xf32>
      %mul3A_2001 = vector.broadcast %reduce_sum3A_1974 : f32 to vector<16xf32>
      %mul3A_2002 = arith.mulf %mul3A_2001, %get3A_1998 : vector<16xf32>
      %add3A_2003 = arith.addf %mul3A_2000, %mul3A_2002 : vector<16xf32>
      %swap3A_2004 = arith.index_cast %add3A_1978 : i32 to index
      %swap3A_2005 = arith.constant 16 : index
      %swap3A_2006 = tpu.vector_load %arg10[%swap3A_2004, %swap3A_2005] {strides = array<i32>} : memref<128x96xf32, #tpu.memory_space<vmem>>, vector<16xf32>,
      tpu.vector_store %arg10[%swap3A_2004, %swap3A_2005], %add3A_2003 {strides = array<i32>} : memref<128x96xf32, #tpu.memory_space<vmem>>, vector<16xf32>,
      %get3A_2007 = arith.index_cast %add3A_1978 : i32 to index
      %get3A_2008 = arith.constant 32 : index
      %get3A_2009 = tpu.vector_load %arg8[%get3A_2007, %get3A_2008] {strides = array<i32>} : memref<128x128xf32, #tpu.memory_space<vmem>>, vector<16xf32>,
      %get3A_2010 = arith.index_cast %add3A_1978 : i32 to index
      %get3A_2011 = arith.constant 32 : index
      %get3A_2012 = tpu.vector_load %arg9[%get3A_2010, %get3A_2011] {strides = array<i32>} : memref<128x128xf32, #tpu.memory_space<vmem>>, vector<16xf32>,
      %mul3A_2013 = vector.broadcast %reduce_sum3A_1967 : f32 to vector<16xf32>
      %mul3A_2014 = arith.mulf %mul3A_2013, %get3A_2009 : vector<16xf32>
      %mul3A_2015 = vector.broadcast %reduce_sum3A_1974 : f32 to vector<16xf32>
      %mul3A_2016 = arith.mulf %mul3A_2015, %get3A_2012 : vector<16xf32>
      %add3A_2017 = arith.addf %mul3A_2014, %mul3A_2016 : vector<16xf32>
      %swap3A_2018 = arith.index_cast %add3A_1978 : i32 to index
      %swap3A_2019 = arith.constant 32 : index
      %swap3A_2020 = tpu.vector_load %arg10[%swap3A_2018, %swap3A_2019] {strides = array<i32>} : memref<128x96xf32, #tpu.memory_space<vmem>>, vector<16xf32>,
      tpu.vector_store %arg10[%swap3A_2018, %swap3A_2019], %add3A_2017 {strides = array<i32>} : memref<128x96xf32, #tpu.memory_space<vmem>>, vector<16xf32>,
      %get3A_2021 = arith.index_cast %add3A_1978 : i32 to index
      %get3A_2022 = arith.constant 48 : index
      %get3A_2023 = tpu.vector_load %arg8[%get3A_2021, %get3A_2022] {strides = array<i32>} : memref<128x128xf32, #tpu.memory_space<vmem>>, vector<16xf32>,
      %get3A_2024 = arith.index_cast %add3A_1978 : i32 to index
      %get3A_2025 = arith.constant 48 : index
      %get3A_2026 = tpu.vector_load %arg9[%get3A_2024, %get3A_2025] {strides = array<i32>} : memref<128x128xf32, #tpu.memory_space<vmem>>, vector<16xf32>,
      %mul3A_2027 = vector.broadcast %reduce_sum3A_1967 : f32 to vector<16xf32>
      %mul3A_2028 = arith.mulf %mul3A_2027, %get3A_2023 : vector<16xf32>
      %mul3A_2029 = vector.broadcast %reduce_sum3A_1974 : f32 to vector<16xf32>
      %mul3A_2030 = arith.mulf %mul3A_2029, %get3A_2026 : vector<16xf32>
      %add3A_2031 = arith.addf %mul3A_2028, %mul3A_2030 : vector<16xf32>
      %swap3A_2032 = arith.index_cast %add3A_1978 : i32 to index
      %swap3A_2033 = arith.constant 48 : index
      %swap3A_2034 = tpu.vector_load %arg10[%swap3A_2032, %swap3A_2033] {strides = array<i32>} : memref<128x96xf32, #tpu.memory_space<vmem>>, vector<16xf32>,
      tpu.vector_store %arg10[%swap3A_2032, %swap3A_2033], %add3A_2031 {strides = array<i32>} : memref<128x96xf32, #tpu.memory_space<vmem>>, vector<16xf32>,
      %get3A_2035 = arith.index_cast %add3A_1978 : i32 to index
      %get3A_2036 = arith.constant 64 : index
      %get3A_2037 = tpu.vector_load %arg8[%get3A_2035, %get3A_2036] {strides = array<i32>} : memref<128x128xf32, #tpu.memory_space<vmem>>, vector<16xf32>,
      %get3A_2038 = arith.index_cast %add3A_1978 : i32 to index
      %get3A_2039 = arith.constant 64 : index
      %get3A_2040 = tpu.vector_load %arg9[%get3A_2038, %get3A_2039] {strides = array<i32>} : memref<128x128xf32, #tpu.memory_space<vmem>>, vector<16xf32>,
      %mul3A_2041 = vector.broadcast %reduce_sum3A_1967 : f32 to vector<16xf32>
      %mul3A_2042 = arith.mulf %mul3A_2041, %get3A_2037 : vector<16xf32>
      %mul3A_2043 = vector.broadcast %reduce_sum3A_1974 : f32 to vector<16xf32>
      %mul3A_2044 = arith.mulf %mul3A_2043, %get3A_2040 : vector<16xf32>
      %add3A_2045 = arith.addf %mul3A_2042, %mul3A_2044 : vector<16xf32>
      %swap3A_2046 = arith.index_cast %add3A_1978 : i32 to index
      %swap3A_2047 = arith.constant 64 : index
      %swap3A_2048 = tpu.vector_load %arg10[%swap3A_2046, %swap3A_2047] {strides = array<i32>} : memref<128x96xf32, #tpu.memory_space<vmem>>, vector<16xf32>,
      tpu.vector_store %arg10[%swap3A_2046, %swap3A_2047], %add3A_2045 {strides = array<i32>} : memref<128x96xf32, #tpu.memory_space<vmem>>, vector<16xf32>,
      %get3A_2049 = arith.index_cast %add3A_1978 : i32 to index
      %get3A_2050 = arith.constant 80 : index
      %get3A_2051 = tpu.vector_load %arg8[%get3A_2049, %get3A_2050] {strides = array<i32>} : memref<128x128xf32, #tpu.memory_space<vmem>>, vector<16xf32>,
      %get3A_2052 = arith.index_cast %add3A_1978 : i32 to index
      %get3A_2053 = arith.constant 80 : index
      %get3A_2054 = tpu.vector_load %arg9[%get3A_2052, %get3A_2053] {strides = array<i32>} : memref<128x128xf32, #tpu.memory_space<vmem>>, vector<16xf32>,
      %mul3A_2055 = vector.broadcast %reduce_sum3A_1967 : f32 to vector<16xf32>
      %mul3A_2056 = arith.mulf %mul3A_2055, %get3A_2051 : vector<16xf32>
      %mul3A_2057 = vector.broadcast %reduce_sum3A_1974 : f32 to vector<16xf32>
      %mul3A_2058 = arith.mulf %mul3A_2057, %get3A_2054 : vector<16xf32>
      %add3A_2059 = arith.addf %mul3A_2056, %mul3A_2058 : vector<16xf32>
      %swap3A_2060 = arith.index_cast %add3A_1978 : i32 to index
      %swap3A_2061 = arith.constant 80 : index
      %swap3A_2062 = tpu.vector_load %arg10[%swap3A_2060, %swap3A_2061] {strides = array<i32>} : memref<128x96xf32, #tpu.memory_space<vmem>>, vector<16xf32>,
      tpu.vector_store %arg10[%swap3A_2060, %swap3A_2061], %add3A_2059 {strides = array<i32>} : memref<128x96xf32, #tpu.memory_space<vmem>>, vector<16xf32>,
      %eq3A_2063 = arith.constant 4 : i32
      %eq3A_2064 = vector.broadcast %eq3A_2063 : i32 to vector<16xi32>
      %eq3A_2065 = arith.cmpi eq, %iota3A, %eq3A_2064 : vector<16xi32>
      %jit3A_2066 = arith.constant 0.000000e+00 : f32
      %broadcast_in_dim3A_2067 = vector.broadcast %jit3A_2066 : f32 to vector<16xf32>
      %select_n3A_2068 = arith.select %eq3A_2065, %get3A_1640, %broadcast_in_dim3A_2067 : vector<16xi1>, vector<16xf32>
      %reduce_sum3A_2069 = arith.constant true
      %reduce_sum3A_2070 = vector.broadcast %reduce_sum3A_2069 : i1 to vector<16xi1>
      %reduce_sum3A_2071 = tpu.scan <sum>, %select_n3A_2068 masked %reduce_sum3A_2070 : vector<16xf32>, vector<16xi1> -> vector<16xf32>
      %reduce_sum3A_2072 = vector.extract %reduce_sum3A_2071[15] : f32 from vector<16xf32>
      %jit3A_2073 = arith.constant 0.000000e+00 : f32
      %broadcast_in_dim3A_2074 = vector.broadcast %jit3A_2073 : f32 to vector<16xf32>
      %select_n3A_2075 = arith.select %eq3A_2065, %get3A_1644, %broadcast_in_dim3A_2074 : vector<16xi1>, vector<16xf32>
      %reduce_sum3A_2076 = arith.constant true
      %reduce_sum3A_2077 = vector.broadcast %reduce_sum3A_2076 : i1 to vector<16xi1>
      %reduce_sum3A_2078 = tpu.scan <sum>, %select_n3A_2075 masked %reduce_sum3A_2077 : vector<16xf32>, vector<16xi1> -> vector<16xf32>
      %reduce_sum3A_2079 = vector.extract %reduce_sum3A_2078[15] : f32 from vector<16xf32>
      %mul3A_2080 = arith.constant 16 : i32
      %mul3A_2081 = arith.muli %scan3A_1637, %mul3A_2080 : i32
      %add3A_2082 = arith.constant 4 : i32
      %add3A_2083 = arith.addi %mul3A_2081, %add3A_2082 : i32
      %get3A_2084 = arith.index_cast %add3A_2083 : i32 to index
      %get3A_2085 = arith.constant 0 : index
      %get3A_2086 = tpu.vector_load %arg8[%get3A_2084, %get3A_2085] {strides = array<i32>} : memref<128x128xf32, #tpu.memory_space<vmem>>, vector<16xf32>,
      %get3A_2087 = arith.index_cast %add3A_2083 : i32 to index
      %get3A_2088 = arith.constant 0 : index
      %get3A_2089 = tpu.vector_load %arg9[%get3A_2087, %get3A_2088] {strides = array<i32>} : memref<128x128xf32, #tpu.memory_space<vmem>>, vector<16xf32>,
      %mul3A_2090 = vector.broadcast %reduce_sum3A_2072 : f32 to vector<16xf32>
      %mul3A_2091 = arith.mulf %mul3A_2090, %get3A_2086 : vector<16xf32>
      %mul3A_2092 = vector.broadcast %reduce_sum3A_2079 : f32 to vector<16xf32>
      %mul3A_2093 = arith.mulf %mul3A_2092, %get3A_2089 : vector<16xf32>
      %add3A_2094 = arith.addf %mul3A_2091, %mul3A_2093 : vector<16xf32>
      %swap3A_2095 = arith.index_cast %add3A_2083 : i32 to index
      %swap3A_2096 = arith.constant 0 : index
      %swap3A_2097 = tpu.vector_load %arg10[%swap3A_2095, %swap3A_2096] {strides = array<i32>} : memref<128x96xf32, #tpu.memory_space<vmem>>, vector<16xf32>,
      tpu.vector_store %arg10[%swap3A_2095, %swap3A_2096], %add3A_2094 {strides = array<i32>} : memref<128x96xf32, #tpu.memory_space<vmem>>, vector<16xf32>,
      %get3A_2098 = arith.index_cast %add3A_2083 : i32 to index
      %get3A_2099 = arith.constant 16 : index
      %get3A_2100 = tpu.vector_load %arg8[%get3A_2098, %get3A_2099] {strides = array<i32>} : memref<128x128xf32, #tpu.memory_space<vmem>>, vector<16xf32>,
      %get3A_2101 = arith.index_cast %add3A_2083 : i32 to index
      %get3A_2102 = arith.constant 16 : index
      %get3A_2103 = tpu.vector_load %arg9[%get3A_2101, %get3A_2102] {strides = array<i32>} : memref<128x128xf32, #tpu.memory_space<vmem>>, vector<16xf32>,
      %mul3A_2104 = vector.broadcast %reduce_sum3A_2072 : f32 to vector<16xf32>
      %mul3A_2105 = arith.mulf %mul3A_2104, %get3A_2100 : vector<16xf32>
      %mul3A_2106 = vector.broadcast %reduce_sum3A_2079 : f32 to vector<16xf32>
      %mul3A_2107 = arith.mulf %mul3A_2106, %get3A_2103 : vector<16xf32>
      %add3A_2108 = arith.addf %mul3A_2105, %mul3A_2107 : vector<16xf32>
      %swap3A_2109 = arith.index_cast %add3A_2083 : i32 to index
      %swap3A_2110 = arith.constant 16 : index
      %swap3A_2111 = tpu.vector_load %arg10[%swap3A_2109, %swap3A_2110] {strides = array<i32>} : memref<128x96xf32, #tpu.memory_space<vmem>>, vector<16xf32>,
      tpu.vector_store %arg10[%swap3A_2109, %swap3A_2110], %add3A_2108 {strides = array<i32>} : memref<128x96xf32, #tpu.memory_space<vmem>>, vector<16xf32>,
      %get3A_2112 = arith.index_cast %add3A_2083 : i32 to index
      %get3A_2113 = arith.constant 32 : index
      %get3A_2114 = tpu.vector_load %arg8[%get3A_2112, %get3A_2113] {strides = array<i32>} : memref<128x128xf32, #tpu.memory_space<vmem>>, vector<16xf32>,
      %get3A_2115 = arith.index_cast %add3A_2083 : i32 to index
      %get3A_2116 = arith.constant 32 : index
      %get3A_2117 = tpu.vector_load %arg9[%get3A_2115, %get3A_2116] {strides = array<i32>} : memref<128x128xf32, #tpu.memory_space<vmem>>, vector<16xf32>,
      %mul3A_2118 = vector.broadcast %reduce_sum3A_2072 : f32 to vector<16xf32>
      %mul3A_2119 = arith.mulf %mul3A_2118, %get3A_2114 : vector<16xf32>
      %mul3A_2120 = vector.broadcast %reduce_sum3A_2079 : f32 to vector<16xf32>
      %mul3A_2121 = arith.mulf %mul3A_2120, %get3A_2117 : vector<16xf32>
      %add3A_2122 = arith.addf %mul3A_2119, %mul3A_2121 : vector<16xf32>
      %swap3A_2123 = arith.index_cast %add3A_2083 : i32 to index
      %swap3A_2124 = arith.constant 32 : index
      %swap3A_2125 = tpu.vector_load %arg10[%swap3A_2123, %swap3A_2124] {strides = array<i32>} : memref<128x96xf32, #tpu.memory_space<vmem>>, vector<16xf32>,
      tpu.vector_store %arg10[%swap3A_2123, %swap3A_2124], %add3A_2122 {strides = array<i32>} : memref<128x96xf32, #tpu.memory_space<vmem>>, vector<16xf32>,
      %get3A_2126 = arith.index_cast %add3A_2083 : i32 to index
      %get3A_2127 = arith.constant 48 : index
      %get3A_2128 = tpu.vector_load %arg8[%get3A_2126, %get3A_2127] {strides = array<i32>} : memref<128x128xf32, #tpu.memory_space<vmem>>, vector<16xf32>,
      %get3A_2129 = arith.index_cast %add3A_2083 : i32 to index
      %get3A_2130 = arith.constant 48 : index
      %get3A_2131 = tpu.vector_load %arg9[%get3A_2129, %get3A_2130] {strides = array<i32>} : memref<128x128xf32, #tpu.memory_space<vmem>>, vector<16xf32>,
      %mul3A_2132 = vector.broadcast %reduce_sum3A_2072 : f32 to vector<16xf32>
      %mul3A_2133 = arith.mulf %mul3A_2132, %get3A_2128 : vector<16xf32>
      %mul3A_2134 = vector.broadcast %reduce_sum3A_2079 : f32 to vector<16xf32>
      %mul3A_2135 = arith.mulf %mul3A_2134, %get3A_2131 : vector<16xf32>
      %add3A_2136 = arith.addf %mul3A_2133, %mul3A_2135 : vector<16xf32>
      %swap3A_2137 = arith.index_cast %add3A_2083 : i32 to index
      %swap3A_2138 = arith.constant 48 : index
      %swap3A_2139 = tpu.vector_load %arg10[%swap3A_2137, %swap3A_2138] {strides = array<i32>} : memref<128x96xf32, #tpu.memory_space<vmem>>, vector<16xf32>,
      tpu.vector_store %arg10[%swap3A_2137, %swap3A_2138], %add3A_2136 {strides = array<i32>} : memref<128x96xf32, #tpu.memory_space<vmem>>, vector<16xf32>,
      %get3A_2140 = arith.index_cast %add3A_2083 : i32 to index
      %get3A_2141 = arith.constant 64 : index
      %get3A_2142 = tpu.vector_load %arg8[%get3A_2140, %get3A_2141] {strides = array<i32>} : memref<128x128xf32, #tpu.memory_space<vmem>>, vector<16xf32>,
      %get3A_2143 = arith.index_cast %add3A_2083 : i32 to index
      %get3A_2144 = arith.constant 64 : index
      %get3A_2145 = tpu.vector_load %arg9[%get3A_2143, %get3A_2144] {strides = array<i32>} : memref<128x128xf32, #tpu.memory_space<vmem>>, vector<16xf32>,
      %mul3A_2146 = vector.broadcast %reduce_sum3A_2072 : f32 to vector<16xf32>
      %mul3A_2147 = arith.mulf %mul3A_2146, %get3A_2142 : vector<16xf32>
      %mul3A_2148 = vector.broadcast %reduce_sum3A_2079 : f32 to vector<16xf32>
      %mul3A_2149 = arith.mulf %mul3A_2148, %get3A_2145 : vector<16xf32>
      %add3A_2150 = arith.addf %mul3A_2147, %mul3A_2149 : vector<16xf32>
      %swap3A_2151 = arith.index_cast %add3A_2083 : i32 to index
      %swap3A_2152 = arith.constant 64 : index
      %swap3A_2153 = tpu.vector_load %arg10[%swap3A_2151, %swap3A_2152] {strides = array<i32>} : memref<128x96xf32, #tpu.memory_space<vmem>>, vector<16xf32>,
      tpu.vector_store %arg10[%swap3A_2151, %swap3A_2152], %add3A_2150 {strides = array<i32>} : memref<128x96xf32, #tpu.memory_space<vmem>>, vector<16xf32>,
      %get3A_2154 = arith.index_cast %add3A_2083 : i32 to index
      %get3A_2155 = arith.constant 80 : index
      %get3A_2156 = tpu.vector_load %arg8[%get3A_2154, %get3A_2155] {strides = array<i32>} : memref<128x128xf32, #tpu.memory_space<vmem>>, vector<16xf32>,
      %get3A_2157 = arith.index_cast %add3A_2083 : i32 to index
      %get3A_2158 = arith.constant 80 : index
      %get3A_2159 = tpu.vector_load %arg9[%get3A_2157, %get3A_2158] {strides = array<i32>} : memref<128x128xf32, #tpu.memory_space<vmem>>, vector<16xf32>,
      %mul3A_2160 = vector.broadcast %reduce_sum3A_2072 : f32 to vector<16xf32>
      %mul3A_2161 = arith.mulf %mul3A_2160, %get3A_2156 : vector<16xf32>
      %mul3A_2162 = vector.broadcast %reduce_sum3A_2079 : f32 to vector<16xf32>
      %mul3A_2163 = arith.mulf %mul3A_2162, %get3A_2159 : vector<16xf32>
      %add3A_2164 = arith.addf %mul3A_2161, %mul3A_2163 : vector<16xf32>
      %swap3A_2165 = arith.index_cast %add3A_2083 : i32 to index
      %swap3A_2166 = arith.constant 80 : index
      %swap3A_2167 = tpu.vector_load %arg10[%swap3A_2165, %swap3A_2166] {strides = array<i32>} : memref<128x96xf32, #tpu.memory_space<vmem>>, vector<16xf32>,
      tpu.vector_store %arg10[%swap3A_2165, %swap3A_2166], %add3A_2164 {strides = array<i32>} : memref<128x96xf32, #tpu.memory_space<vmem>>, vector<16xf32>,
      %eq3A_2168 = arith.constant 5 : i32
      %eq3A_2169 = vector.broadcast %eq3A_2168 : i32 to vector<16xi32>
      %eq3A_2170 = arith.cmpi eq, %iota3A, %eq3A_2169 : vector<16xi32>
      %jit3A_2171 = arith.constant 0.000000e+00 : f32
      %broadcast_in_dim3A_2172 = vector.broadcast %jit3A_2171 : f32 to vector<16xf32>
      %select_n3A_2173 = arith.select %eq3A_2170, %get3A_1640, %broadcast_in_dim3A_2172 : vector<16xi1>, vector<16xf32>
      %reduce_sum3A_2174 = arith.constant true
      %reduce_sum3A_2175 = vector.broadcast %reduce_sum3A_2174 : i1 to vector<16xi1>
      %reduce_sum3A_2176 = tpu.scan <sum>, %select_n3A_2173 masked %reduce_sum3A_2175 : vector<16xf32>, vector<16xi1> -> vector<16xf32>
      %reduce_sum3A_2177 = vector.extract %reduce_sum3A_2176[15] : f32 from vector<16xf32>
      %jit3A_2178 = arith.constant 0.000000e+00 : f32
      %broadcast_in_dim3A_2179 = vector.broadcast %jit3A_2178 : f32 to vector<16xf32>
      %select_n3A_2180 = arith.select %eq3A_2170, %get3A_1644, %broadcast_in_dim3A_2179 : vector<16xi1>, vector<16xf32>
      %reduce_sum3A_2181 = arith.constant true
      %reduce_sum3A_2182 = vector.broadcast %reduce_sum3A_2181 : i1 to vector<16xi1>
      %reduce_sum3A_2183 = tpu.scan <sum>, %select_n3A_2180 masked %reduce_sum3A_2182 : vector<16xf32>, vector<16xi1> -> vector<16xf32>
      %reduce_sum3A_2184 = vector.extract %reduce_sum3A_2183[15] : f32 from vector<16xf32>
      %mul3A_2185 = arith.constant 16 : i32
      %mul3A_2186 = arith.muli %scan3A_1637, %mul3A_2185 : i32
      %add3A_2187 = arith.constant 5 : i32
      %add3A_2188 = arith.addi %mul3A_2186, %add3A_2187 : i32
      %get3A_2189 = arith.index_cast %add3A_2188 : i32 to index
      %get3A_2190 = arith.constant 0 : index
      %get3A_2191 = tpu.vector_load %arg8[%get3A_2189, %get3A_2190] {strides = array<i32>} : memref<128x128xf32, #tpu.memory_space<vmem>>, vector<16xf32>,
      %get3A_2192 = arith.index_cast %add3A_2188 : i32 to index
      %get3A_2193 = arith.constant 0 : index
      %get3A_2194 = tpu.vector_load %arg9[%get3A_2192, %get3A_2193] {strides = array<i32>} : memref<128x128xf32, #tpu.memory_space<vmem>>, vector<16xf32>,
      %mul3A_2195 = vector.broadcast %reduce_sum3A_2177 : f32 to vector<16xf32>
      %mul3A_2196 = arith.mulf %mul3A_2195, %get3A_2191 : vector<16xf32>
      %mul3A_2197 = vector.broadcast %reduce_sum3A_2184 : f32 to vector<16xf32>
      %mul3A_2198 = arith.mulf %mul3A_2197, %get3A_2194 : vector<16xf32>
      %add3A_2199 = arith.addf %mul3A_2196, %mul3A_2198 : vector<16xf32>
      %swap3A_2200 = arith.index_cast %add3A_2188 : i32 to index
      %swap3A_2201 = arith.constant 0 : index
      %swap3A_2202 = tpu.vector_load %arg10[%swap3A_2200, %swap3A_2201] {strides = array<i32>} : memref<128x96xf32, #tpu.memory_space<vmem>>, vector<16xf32>,
      tpu.vector_store %arg10[%swap3A_2200, %swap3A_2201], %add3A_2199 {strides = array<i32>} : memref<128x96xf32, #tpu.memory_space<vmem>>, vector<16xf32>,
      %get3A_2203 = arith.index_cast %add3A_2188 : i32 to index
      %get3A_2204 = arith.constant 16 : index
      %get3A_2205 = tpu.vector_load %arg8[%get3A_2203, %get3A_2204] {strides = array<i32>} : memref<128x128xf32, #tpu.memory_space<vmem>>, vector<16xf32>,
      %get3A_2206 = arith.index_cast %add3A_2188 : i32 to index
      %get3A_2207 = arith.constant 16 : index
      %get3A_2208 = tpu.vector_load %arg9[%get3A_2206, %get3A_2207] {strides = array<i32>} : memref<128x128xf32, #tpu.memory_space<vmem>>, vector<16xf32>,
      %mul3A_2209 = vector.broadcast %reduce_sum3A_2177 : f32 to vector<16xf32>
      %mul3A_2210 = arith.mulf %mul3A_2209, %get3A_2205 : vector<16xf32>
      %mul3A_2211 = vector.broadcast %reduce_sum3A_2184 : f32 to vector<16xf32>
      %mul3A_2212 = arith.mulf %mul3A_2211, %get3A_2208 : vector<16xf32>
      %add3A_2213 = arith.addf %mul3A_2210, %mul3A_2212 : vector<16xf32>
      %swap3A_2214 = arith.index_cast %add3A_2188 : i32 to index
      %swap3A_2215 = arith.constant 16 : index
      %swap3A_2216 = tpu.vector_load %arg10[%swap3A_2214, %swap3A_2215] {strides = array<i32>} : memref<128x96xf32, #tpu.memory_space<vmem>>, vector<16xf32>,
      tpu.vector_store %arg10[%swap3A_2214, %swap3A_2215], %add3A_2213 {strides = array<i32>} : memref<128x96xf32, #tpu.memory_space<vmem>>, vector<16xf32>,
      %get3A_2217 = arith.index_cast %add3A_2188 : i32 to index
      %get3A_2218 = arith.constant 32 : index
      %get3A_2219 = tpu.vector_load %arg8[%get3A_2217, %get3A_2218] {strides = array<i32>} : memref<128x128xf32, #tpu.memory_space<vmem>>, vector<16xf32>,
      %get3A_2220 = arith.index_cast %add3A_2188 : i32 to index
      %get3A_2221 = arith.constant 32 : index
      %get3A_2222 = tpu.vector_load %arg9[%get3A_2220, %get3A_2221] {strides = array<i32>} : memref<128x128xf32, #tpu.memory_space<vmem>>, vector<16xf32>,
      %mul3A_2223 = vector.broadcast %reduce_sum3A_2177 : f32 to vector<16xf32>
      %mul3A_2224 = arith.mulf %mul3A_2223, %get3A_2219 : vector<16xf32>
      %mul3A_2225 = vector.broadcast %reduce_sum3A_2184 : f32 to vector<16xf32>
      %mul3A_2226 = arith.mulf %mul3A_2225, %get3A_2222 : vector<16xf32>
      %add3A_2227 = arith.addf %mul3A_2224, %mul3A_2226 : vector<16xf32>
      %swap3A_2228 = arith.index_cast %add3A_2188 : i32 to index
      %swap3A_2229 = arith.constant 32 : index
      %swap3A_2230 = tpu.vector_load %arg10[%swap3A_2228, %swap3A_2229] {strides = array<i32>} : memref<128x96xf32, #tpu.memory_space<vmem>>, vector<16xf32>,
      tpu.vector_store %arg10[%swap3A_2228, %swap3A_2229], %add3A_2227 {strides = array<i32>} : memref<128x96xf32, #tpu.memory_space<vmem>>, vector<16xf32>,
      %get3A_2231 = arith.index_cast %add3A_2188 : i32 to index
      %get3A_2232 = arith.constant 48 : index
      %get3A_2233 = tpu.vector_load %arg8[%get3A_2231, %get3A_2232] {strides = array<i32>} : memref<128x128xf32, #tpu.memory_space<vmem>>, vector<16xf32>,
      %get3A_2234 = arith.index_cast %add3A_2188 : i32 to index
      %get3A_2235 = arith.constant 48 : index
      %get3A_2236 = tpu.vector_load %arg9[%get3A_2234, %get3A_2235] {strides = array<i32>} : memref<128x128xf32, #tpu.memory_space<vmem>>, vector<16xf32>,
      %mul3A_2237 = vector.broadcast %reduce_sum3A_2177 : f32 to vector<16xf32>
      %mul3A_2238 = arith.mulf %mul3A_2237, %get3A_2233 : vector<16xf32>
      %mul3A_2239 = vector.broadcast %reduce_sum3A_2184 : f32 to vector<16xf32>
      %mul3A_2240 = arith.mulf %mul3A_2239, %get3A_2236 : vector<16xf32>
      %add3A_2241 = arith.addf %mul3A_2238, %mul3A_2240 : vector<16xf32>
      %swap3A_2242 = arith.index_cast %add3A_2188 : i32 to index
      %swap3A_2243 = arith.constant 48 : index
      %swap3A_2244 = tpu.vector_load %arg10[%swap3A_2242, %swap3A_2243] {strides = array<i32>} : memref<128x96xf32, #tpu.memory_space<vmem>>, vector<16xf32>,
      tpu.vector_store %arg10[%swap3A_2242, %swap3A_2243], %add3A_2241 {strides = array<i32>} : memref<128x96xf32, #tpu.memory_space<vmem>>, vector<16xf32>,
      %get3A_2245 = arith.index_cast %add3A_2188 : i32 to index
      %get3A_2246 = arith.constant 64 : index
      %get3A_2247 = tpu.vector_load %arg8[%get3A_2245, %get3A_2246] {strides = array<i32>} : memref<128x128xf32, #tpu.memory_space<vmem>>, vector<16xf32>,
      %get3A_2248 = arith.index_cast %add3A_2188 : i32 to index
      %get3A_2249 = arith.constant 64 : index
      %get3A_2250 = tpu.vector_load %arg9[%get3A_2248, %get3A_2249] {strides = array<i32>} : memref<128x128xf32, #tpu.memory_space<vmem>>, vector<16xf32>,
      %mul3A_2251 = vector.broadcast %reduce_sum3A_2177 : f32 to vector<16xf32>
      %mul3A_2252 = arith.mulf %mul3A_2251, %get3A_2247 : vector<16xf32>
      %mul3A_2253 = vector.broadcast %reduce_sum3A_2184 : f32 to vector<16xf32>
      %mul3A_2254 = arith.mulf %mul3A_2253, %get3A_2250 : vector<16xf32>
      %add3A_2255 = arith.addf %mul3A_2252, %mul3A_2254 : vector<16xf32>
      %swap3A_2256 = arith.index_cast %add3A_2188 : i32 to index
      %swap3A_2257 = arith.constant 64 : index
      %swap3A_2258 = tpu.vector_load %arg10[%swap3A_2256, %swap3A_2257] {strides = array<i32>} : memref<128x96xf32, #tpu.memory_space<vmem>>, vector<16xf32>,
      tpu.vector_store %arg10[%swap3A_2256, %swap3A_2257], %add3A_2255 {strides = array<i32>} : memref<128x96xf32, #tpu.memory_space<vmem>>, vector<16xf32>,
      %get3A_2259 = arith.index_cast %add3A_2188 : i32 to index
      %get3A_2260 = arith.constant 80 : index
      %get3A_2261 = tpu.vector_load %arg8[%get3A_2259, %get3A_2260] {strides = array<i32>} : memref<128x128xf32, #tpu.memory_space<vmem>>, vector<16xf32>,
      %get3A_2262 = arith.index_cast %add3A_2188 : i32 to index
      %get3A_2263 = arith.constant 80 : index
      %get3A_2264 = tpu.vector_load %arg9[%get3A_2262, %get3A_2263] {strides = array<i32>} : memref<128x128xf32, #tpu.memory_space<vmem>>, vector<16xf32>,
      %mul3A_2265 = vector.broadcast %reduce_sum3A_2177 : f32 to vector<16xf32>
      %mul3A_2266 = arith.mulf %mul3A_2265, %get3A_2261 : vector<16xf32>
      %mul3A_2267 = vector.broadcast %reduce_sum3A_2184 : f32 to vector<16xf32>
      %mul3A_2268 = arith.mulf %mul3A_2267, %get3A_2264 : vector<16xf32>
      %add3A_2269 = arith.addf %mul3A_2266, %mul3A_2268 : vector<16xf32>
      %swap3A_2270 = arith.index_cast %add3A_2188 : i32 to index
      %swap3A_2271 = arith.constant 80 : index
      %swap3A_2272 = tpu.vector_load %arg10[%swap3A_2270, %swap3A_2271] {strides = array<i32>} : memref<128x96xf32, #tpu.memory_space<vmem>>, vector<16xf32>,
      tpu.vector_store %arg10[%swap3A_2270, %swap3A_2271], %add3A_2269 {strides = array<i32>} : memref<128x96xf32, #tpu.memory_space<vmem>>, vector<16xf32>,
      %eq3A_2273 = arith.constant 6 : i32
      %eq3A_2274 = vector.broadcast %eq3A_2273 : i32 to vector<16xi32>
      %eq3A_2275 = arith.cmpi eq, %iota3A, %eq3A_2274 : vector<16xi32>
      %jit3A_2276 = arith.constant 0.000000e+00 : f32
      %broadcast_in_dim3A_2277 = vector.broadcast %jit3A_2276 : f32 to vector<16xf32>
      %select_n3A_2278 = arith.select %eq3A_2275, %get3A_1640, %broadcast_in_dim3A_2277 : vector<16xi1>, vector<16xf32>
      %reduce_sum3A_2279 = arith.constant true
      %reduce_sum3A_2280 = vector.broadcast %reduce_sum3A_2279 : i1 to vector<16xi1>
      %reduce_sum3A_2281 = tpu.scan <sum>, %select_n3A_2278 masked %reduce_sum3A_2280 : vector<16xf32>, vector<16xi1> -> vector<16xf32>
      %reduce_sum3A_2282 = vector.extract %reduce_sum3A_2281[15] : f32 from vector<16xf32>
      %jit3A_2283 = arith.constant 0.000000e+00 : f32
      %broadcast_in_dim3A_2284 = vector.broadcast %jit3A_2283 : f32 to vector<16xf32>
      %select_n3A_2285 = arith.select %eq3A_2275, %get3A_1644, %broadcast_in_dim3A_2284 : vector<16xi1>, vector<16xf32>
      %reduce_sum3A_2286 = arith.constant true
      %reduce_sum3A_2287 = vector.broadcast %reduce_sum3A_2286 : i1 to vector<16xi1>
      %reduce_sum3A_2288 = tpu.scan <sum>, %select_n3A_2285 masked %reduce_sum3A_2287 : vector<16xf32>, vector<16xi1> -> vector<16xf32>
      %reduce_sum3A_2289 = vector.extract %reduce_sum3A_2288[15] : f32 from vector<16xf32>
      %mul3A_2290 = arith.constant 16 : i32
      %mul3A_2291 = arith.muli %scan3A_1637, %mul3A_2290 : i32
      %add3A_2292 = arith.constant 6 : i32
      %add3A_2293 = arith.addi %mul3A_2291, %add3A_2292 : i32
      %get3A_2294 = arith.index_cast %add3A_2293 : i32 to index
      %get3A_2295 = arith.constant 0 : index
      %get3A_2296 = tpu.vector_load %arg8[%get3A_2294, %get3A_2295] {strides = array<i32>} : memref<128x128xf32, #tpu.memory_space<vmem>>, vector<16xf32>,
      %get3A_2297 = arith.index_cast %add3A_2293 : i32 to index
      %get3A_2298 = arith.constant 0 : index
      %get3A_2299 = tpu.vector_load %arg9[%get3A_2297, %get3A_2298] {strides = array<i32>} : memref<128x128xf32, #tpu.memory_space<vmem>>, vector<16xf32>,
      %mul3A_2300 = vector.broadcast %reduce_sum3A_2282 : f32 to vector<16xf32>
      %mul3A_2301 = arith.mulf %mul3A_2300, %get3A_2296 : vector<16xf32>
      %mul3A_2302 = vector.broadcast %reduce_sum3A_2289 : f32 to vector<16xf32>
      %mul3A_2303 = arith.mulf %mul3A_2302, %get3A_2299 : vector<16xf32>
      %add3A_2304 = arith.addf %mul3A_2301, %mul3A_2303 : vector<16xf32>
      %swap3A_2305 = arith.index_cast %add3A_2293 : i32 to index
      %swap3A_2306 = arith.constant 0 : index
      %swap3A_2307 = tpu.vector_load %arg10[%swap3A_2305, %swap3A_2306] {strides = array<i32>} : memref<128x96xf32, #tpu.memory_space<vmem>>, vector<16xf32>,
      tpu.vector_store %arg10[%swap3A_2305, %swap3A_2306], %add3A_2304 {strides = array<i32>} : memref<128x96xf32, #tpu.memory_space<vmem>>, vector<16xf32>,
      %get3A_2308 = arith.index_cast %add3A_2293 : i32 to index
      %get3A_2309 = arith.constant 16 : index
      %get3A_2310 = tpu.vector_load %arg8[%get3A_2308, %get3A_2309] {strides = array<i32>} : memref<128x128xf32, #tpu.memory_space<vmem>>, vector<16xf32>,
      %get3A_2311 = arith.index_cast %add3A_2293 : i32 to index
      %get3A_2312 = arith.constant 16 : index
      %get3A_2313 = tpu.vector_load %arg9[%get3A_2311, %get3A_2312] {strides = array<i32>} : memref<128x128xf32, #tpu.memory_space<vmem>>, vector<16xf32>,
      %mul3A_2314 = vector.broadcast %reduce_sum3A_2282 : f32 to vector<16xf32>
      %mul3A_2315 = arith.mulf %mul3A_2314, %get3A_2310 : vector<16xf32>
      %mul3A_2316 = vector.broadcast %reduce_sum3A_2289 : f32 to vector<16xf32>
      %mul3A_2317 = arith.mulf %mul3A_2316, %get3A_2313 : vector<16xf32>
      %add3A_2318 = arith.addf %mul3A_2315, %mul3A_2317 : vector<16xf32>
      %swap3A_2319 = arith.index_cast %add3A_2293 : i32 to index
      %swap3A_2320 = arith.constant 16 : index
      %swap3A_2321 = tpu.vector_load %arg10[%swap3A_2319, %swap3A_2320] {strides = array<i32>} : memref<128x96xf32, #tpu.memory_space<vmem>>, vector<16xf32>,
      tpu.vector_store %arg10[%swap3A_2319, %swap3A_2320], %add3A_2318 {strides = array<i32>} : memref<128x96xf32, #tpu.memory_space<vmem>>, vector<16xf32>,
      %get3A_2322 = arith.index_cast %add3A_2293 : i32 to index
      %get3A_2323 = arith.constant 32 : index
      %get3A_2324 = tpu.vector_load %arg8[%get3A_2322, %get3A_2323] {strides = array<i32>} : memref<128x128xf32, #tpu.memory_space<vmem>>, vector<16xf32>,
      %get3A_2325 = arith.index_cast %add3A_2293 : i32 to index
      %get3A_2326 = arith.constant 32 : index
      %get3A_2327 = tpu.vector_load %arg9[%get3A_2325, %get3A_2326] {strides = array<i32>} : memref<128x128xf32, #tpu.memory_space<vmem>>, vector<16xf32>,
      %mul3A_2328 = vector.broadcast %reduce_sum3A_2282 : f32 to vector<16xf32>
      %mul3A_2329 = arith.mulf %mul3A_2328, %get3A_2324 : vector<16xf32>
      %mul3A_2330 = vector.broadcast %reduce_sum3A_2289 : f32 to vector<16xf32>
      %mul3A_2331 = arith.mulf %mul3A_2330, %get3A_2327 : vector<16xf32>
      %add3A_2332 = arith.addf %mul3A_2329, %mul3A_2331 : vector<16xf32>
      %swap3A_2333 = arith.index_cast %add3A_2293 : i32 to index
      %swap3A_2334 = arith.constant 32 : index
      %swap3A_2335 = tpu.vector_load %arg10[%swap3A_2333, %swap3A_2334] {strides = array<i32>} : memref<128x96xf32, #tpu.memory_space<vmem>>, vector<16xf32>,
      tpu.vector_store %arg10[%swap3A_2333, %swap3A_2334], %add3A_2332 {strides = array<i32>} : memref<128x96xf32, #tpu.memory_space<vmem>>, vector<16xf32>,
      %get3A_2336 = arith.index_cast %add3A_2293 : i32 to index
      %get3A_2337 = arith.constant 48 : index
      %get3A_2338 = tpu.vector_load %arg8[%get3A_2336, %get3A_2337] {strides = array<i32>} : memref<128x128xf32, #tpu.memory_space<vmem>>, vector<16xf32>,
      %get3A_2339 = arith.index_cast %add3A_2293 : i32 to index
      %get3A_2340 = arith.constant 48 : index
      %get3A_2341 = tpu.vector_load %arg9[%get3A_2339, %get3A_2340] {strides = array<i32>} : memref<128x128xf32, #tpu.memory_space<vmem>>, vector<16xf32>,
      %mul3A_2342 = vector.broadcast %reduce_sum3A_2282 : f32 to vector<16xf32>
      %mul3A_2343 = arith.mulf %mul3A_2342, %get3A_2338 : vector<16xf32>
      %mul3A_2344 = vector.broadcast %reduce_sum3A_2289 : f32 to vector<16xf32>
      %mul3A_2345 = arith.mulf %mul3A_2344, %get3A_2341 : vector<16xf32>
      %add3A_2346 = arith.addf %mul3A_2343, %mul3A_2345 : vector<16xf32>
      %swap3A_2347 = arith.index_cast %add3A_2293 : i32 to index
      %swap3A_2348 = arith.constant 48 : index
      %swap3A_2349 = tpu.vector_load %arg10[%swap3A_2347, %swap3A_2348] {strides = array<i32>} : memref<128x96xf32, #tpu.memory_space<vmem>>, vector<16xf32>,
      tpu.vector_store %arg10[%swap3A_2347, %swap3A_2348], %add3A_2346 {strides = array<i32>} : memref<128x96xf32, #tpu.memory_space<vmem>>, vector<16xf32>,
      %get3A_2350 = arith.index_cast %add3A_2293 : i32 to index
      %get3A_2351 = arith.constant 64 : index
      %get3A_2352 = tpu.vector_load %arg8[%get3A_2350, %get3A_2351] {strides = array<i32>} : memref<128x128xf32, #tpu.memory_space<vmem>>, vector<16xf32>,
      %get3A_2353 = arith.index_cast %add3A_2293 : i32 to index
      %get3A_2354 = arith.constant 64 : index
      %get3A_2355 = tpu.vector_load %arg9[%get3A_2353, %get3A_2354] {strides = array<i32>} : memref<128x128xf32, #tpu.memory_space<vmem>>, vector<16xf32>,
      %mul3A_2356 = vector.broadcast %reduce_sum3A_2282 : f32 to vector<16xf32>
      %mul3A_2357 = arith.mulf %mul3A_2356, %get3A_2352 : vector<16xf32>
      %mul3A_2358 = vector.broadcast %reduce_sum3A_2289 : f32 to vector<16xf32>
      %mul3A_2359 = arith.mulf %mul3A_2358, %get3A_2355 : vector<16xf32>
      %add3A_2360 = arith.addf %mul3A_2357, %mul3A_2359 : vector<16xf32>
      %swap3A_2361 = arith.index_cast %add3A_2293 : i32 to index
      %swap3A_2362 = arith.constant 64 : index
      %swap3A_2363 = tpu.vector_load %arg10[%swap3A_2361, %swap3A_2362] {strides = array<i32>} : memref<128x96xf32, #tpu.memory_space<vmem>>, vector<16xf32>,
      tpu.vector_store %arg10[%swap3A_2361, %swap3A_2362], %add3A_2360 {strides = array<i32>} : memref<128x96xf32, #tpu.memory_space<vmem>>, vector<16xf32>,
      %get3A_2364 = arith.index_cast %add3A_2293 : i32 to index
      %get3A_2365 = arith.constant 80 : index
      %get3A_2366 = tpu.vector_load %arg8[%get3A_2364, %get3A_2365] {strides = array<i32>} : memref<128x128xf32, #tpu.memory_space<vmem>>, vector<16xf32>,
      %get3A_2367 = arith.index_cast %add3A_2293 : i32 to index
      %get3A_2368 = arith.constant 80 : index
      %get3A_2369 = tpu.vector_load %arg9[%get3A_2367, %get3A_2368] {strides = array<i32>} : memref<128x128xf32, #tpu.memory_space<vmem>>, vector<16xf32>,
      %mul3A_2370 = vector.broadcast %reduce_sum3A_2282 : f32 to vector<16xf32>
      %mul3A_2371 = arith.mulf %mul3A_2370, %get3A_2366 : vector<16xf32>
      %mul3A_2372 = vector.broadcast %reduce_sum3A_2289 : f32 to vector<16xf32>
      %mul3A_2373 = arith.mulf %mul3A_2372, %get3A_2369 : vector<16xf32>
      %add3A_2374 = arith.addf %mul3A_2371, %mul3A_2373 : vector<16xf32>
      %swap3A_2375 = arith.index_cast %add3A_2293 : i32 to index
      %swap3A_2376 = arith.constant 80 : index
      %swap3A_2377 = tpu.vector_load %arg10[%swap3A_2375, %swap3A_2376] {strides = array<i32>} : memref<128x96xf32, #tpu.memory_space<vmem>>, vector<16xf32>,
      tpu.vector_store %arg10[%swap3A_2375, %swap3A_2376], %add3A_2374 {strides = array<i32>} : memref<128x96xf32, #tpu.memory_space<vmem>>, vector<16xf32>,
      %eq3A_2378 = arith.constant 7 : i32
      %eq3A_2379 = vector.broadcast %eq3A_2378 : i32 to vector<16xi32>
      %eq3A_2380 = arith.cmpi eq, %iota3A, %eq3A_2379 : vector<16xi32>
      %jit3A_2381 = arith.constant 0.000000e+00 : f32
      %broadcast_in_dim3A_2382 = vector.broadcast %jit3A_2381 : f32 to vector<16xf32>
      %select_n3A_2383 = arith.select %eq3A_2380, %get3A_1640, %broadcast_in_dim3A_2382 : vector<16xi1>, vector<16xf32>
      %reduce_sum3A_2384 = arith.constant true
      %reduce_sum3A_2385 = vector.broadcast %reduce_sum3A_2384 : i1 to vector<16xi1>
      %reduce_sum3A_2386 = tpu.scan <sum>, %select_n3A_2383 masked %reduce_sum3A_2385 : vector<16xf32>, vector<16xi1> -> vector<16xf32>
      %reduce_sum3A_2387 = vector.extract %reduce_sum3A_2386[15] : f32 from vector<16xf32>
      %jit3A_2388 = arith.constant 0.000000e+00 : f32
      %broadcast_in_dim3A_2389 = vector.broadcast %jit3A_2388 : f32 to vector<16xf32>
      %select_n3A_2390 = arith.select %eq3A_2380, %get3A_1644, %broadcast_in_dim3A_2389 : vector<16xi1>, vector<16xf32>
      %reduce_sum3A_2391 = arith.constant true
      %reduce_sum3A_2392 = vector.broadcast %reduce_sum3A_2391 : i1 to vector<16xi1>
      %reduce_sum3A_2393 = tpu.scan <sum>, %select_n3A_2390 masked %reduce_sum3A_2392 : vector<16xf32>, vector<16xi1> -> vector<16xf32>
      %reduce_sum3A_2394 = vector.extract %reduce_sum3A_2393[15] : f32 from vector<16xf32>
      %mul3A_2395 = arith.constant 16 : i32
      %mul3A_2396 = arith.muli %scan3A_1637, %mul3A_2395 : i32
      %add3A_2397 = arith.constant 7 : i32
      %add3A_2398 = arith.addi %mul3A_2396, %add3A_2397 : i32
      %get3A_2399 = arith.index_cast %add3A_2398 : i32 to index
      %get3A_2400 = arith.constant 0 : index
      %get3A_2401 = tpu.vector_load %arg8[%get3A_2399, %get3A_2400] {strides = array<i32>} : memref<128x128xf32, #tpu.memory_space<vmem>>, vector<16xf32>,
      %get3A_2402 = arith.index_cast %add3A_2398 : i32 to index
      %get3A_2403 = arith.constant 0 : index
      %get3A_2404 = tpu.vector_load %arg9[%get3A_2402, %get3A_2403] {strides = array<i32>} : memref<128x128xf32, #tpu.memory_space<vmem>>, vector<16xf32>,
      %mul3A_2405 = vector.broadcast %reduce_sum3A_2387 : f32 to vector<16xf32>
      %mul3A_2406 = arith.mulf %mul3A_2405, %get3A_2401 : vector<16xf32>
      %mul3A_2407 = vector.broadcast %reduce_sum3A_2394 : f32 to vector<16xf32>
      %mul3A_2408 = arith.mulf %mul3A_2407, %get3A_2404 : vector<16xf32>
      %add3A_2409 = arith.addf %mul3A_2406, %mul3A_2408 : vector<16xf32>
      %swap3A_2410 = arith.index_cast %add3A_2398 : i32 to index
      %swap3A_2411 = arith.constant 0 : index
      %swap3A_2412 = tpu.vector_load %arg10[%swap3A_2410, %swap3A_2411] {strides = array<i32>} : memref<128x96xf32, #tpu.memory_space<vmem>>, vector<16xf32>,
      tpu.vector_store %arg10[%swap3A_2410, %swap3A_2411], %add3A_2409 {strides = array<i32>} : memref<128x96xf32, #tpu.memory_space<vmem>>, vector<16xf32>,
      %get3A_2413 = arith.index_cast %add3A_2398 : i32 to index
      %get3A_2414 = arith.constant 16 : index
      %get3A_2415 = tpu.vector_load %arg8[%get3A_2413, %get3A_2414] {strides = array<i32>} : memref<128x128xf32, #tpu.memory_space<vmem>>, vector<16xf32>,
      %get3A_2416 = arith.index_cast %add3A_2398 : i32 to index
      %get3A_2417 = arith.constant 16 : index
      %get3A_2418 = tpu.vector_load %arg9[%get3A_2416, %get3A_2417] {strides = array<i32>} : memref<128x128xf32, #tpu.memory_space<vmem>>, vector<16xf32>,
      %mul3A_2419 = vector.broadcast %reduce_sum3A_2387 : f32 to vector<16xf32>
      %mul3A_2420 = arith.mulf %mul3A_2419, %get3A_2415 : vector<16xf32>
      %mul3A_2421 = vector.broadcast %reduce_sum3A_2394 : f32 to vector<16xf32>
      %mul3A_2422 = arith.mulf %mul3A_2421, %get3A_2418 : vector<16xf32>
      %add3A_2423 = arith.addf %mul3A_2420, %mul3A_2422 : vector<16xf32>
      %swap3A_2424 = arith.index_cast %add3A_2398 : i32 to index
      %swap3A_2425 = arith.constant 16 : index
      %swap3A_2426 = tpu.vector_load %arg10[%swap3A_2424, %swap3A_2425] {strides = array<i32>} : memref<128x96xf32, #tpu.memory_space<vmem>>, vector<16xf32>,
      tpu.vector_store %arg10[%swap3A_2424, %swap3A_2425], %add3A_2423 {strides = array<i32>} : memref<128x96xf32, #tpu.memory_space<vmem>>, vector<16xf32>,
      %get3A_2427 = arith.index_cast %add3A_2398 : i32 to index
      %get3A_2428 = arith.constant 32 : index
      %get3A_2429 = tpu.vector_load %arg8[%get3A_2427, %get3A_2428] {strides = array<i32>} : memref<128x128xf32, #tpu.memory_space<vmem>>, vector<16xf32>,
      %get3A_2430 = arith.index_cast %add3A_2398 : i32 to index
      %get3A_2431 = arith.constant 32 : index
      %get3A_2432 = tpu.vector_load %arg9[%get3A_2430, %get3A_2431] {strides = array<i32>} : memref<128x128xf32, #tpu.memory_space<vmem>>, vector<16xf32>,
      %mul3A_2433 = vector.broadcast %reduce_sum3A_2387 : f32 to vector<16xf32>
      %mul3A_2434 = arith.mulf %mul3A_2433, %get3A_2429 : vector<16xf32>
      %mul3A_2435 = vector.broadcast %reduce_sum3A_2394 : f32 to vector<16xf32>
      %mul3A_2436 = arith.mulf %mul3A_2435, %get3A_2432 : vector<16xf32>
      %add3A_2437 = arith.addf %mul3A_2434, %mul3A_2436 : vector<16xf32>
      %swap3A_2438 = arith.index_cast %add3A_2398 : i32 to index
      %swap3A_2439 = arith.constant 32 : index
      %swap3A_2440 = tpu.vector_load %arg10[%swap3A_2438, %swap3A_2439] {strides = array<i32>} : memref<128x96xf32, #tpu.memory_space<vmem>>, vector<16xf32>,
      tpu.vector_store %arg10[%swap3A_2438, %swap3A_2439], %add3A_2437 {strides = array<i32>} : memref<128x96xf32, #tpu.memory_space<vmem>>, vector<16xf32>,
      %get3A_2441 = arith.index_cast %add3A_2398 : i32 to index
      %get3A_2442 = arith.constant 48 : index
      %get3A_2443 = tpu.vector_load %arg8[%get3A_2441, %get3A_2442] {strides = array<i32>} : memref<128x128xf32, #tpu.memory_space<vmem>>, vector<16xf32>,
      %get3A_2444 = arith.index_cast %add3A_2398 : i32 to index
      %get3A_2445 = arith.constant 48 : index
      %get3A_2446 = tpu.vector_load %arg9[%get3A_2444, %get3A_2445] {strides = array<i32>} : memref<128x128xf32, #tpu.memory_space<vmem>>, vector<16xf32>,
      %mul3A_2447 = vector.broadcast %reduce_sum3A_2387 : f32 to vector<16xf32>
      %mul3A_2448 = arith.mulf %mul3A_2447, %get3A_2443 : vector<16xf32>
      %mul3A_2449 = vector.broadcast %reduce_sum3A_2394 : f32 to vector<16xf32>
      %mul3A_2450 = arith.mulf %mul3A_2449, %get3A_2446 : vector<16xf32>
      %add3A_2451 = arith.addf %mul3A_2448, %mul3A_2450 : vector<16xf32>
      %swap3A_2452 = arith.index_cast %add3A_2398 : i32 to index
      %swap3A_2453 = arith.constant 48 : index
      %swap3A_2454 = tpu.vector_load %arg10[%swap3A_2452, %swap3A_2453] {strides = array<i32>} : memref<128x96xf32, #tpu.memory_space<vmem>>, vector<16xf32>,
      tpu.vector_store %arg10[%swap3A_2452, %swap3A_2453], %add3A_2451 {strides = array<i32>} : memref<128x96xf32, #tpu.memory_space<vmem>>, vector<16xf32>,
      %get3A_2455 = arith.index_cast %add3A_2398 : i32 to index
      %get3A_2456 = arith.constant 64 : index
      %get3A_2457 = tpu.vector_load %arg8[%get3A_2455, %get3A_2456] {strides = array<i32>} : memref<128x128xf32, #tpu.memory_space<vmem>>, vector<16xf32>,
      %get3A_2458 = arith.index_cast %add3A_2398 : i32 to index
      %get3A_2459 = arith.constant 64 : index
      %get3A_2460 = tpu.vector_load %arg9[%get3A_2458, %get3A_2459] {strides = array<i32>} : memref<128x128xf32, #tpu.memory_space<vmem>>, vector<16xf32>,
      %mul3A_2461 = vector.broadcast %reduce_sum3A_2387 : f32 to vector<16xf32>
      %mul3A_2462 = arith.mulf %mul3A_2461, %get3A_2457 : vector<16xf32>
      %mul3A_2463 = vector.broadcast %reduce_sum3A_2394 : f32 to vector<16xf32>
      %mul3A_2464 = arith.mulf %mul3A_2463, %get3A_2460 : vector<16xf32>
      %add3A_2465 = arith.addf %mul3A_2462, %mul3A_2464 : vector<16xf32>
      %swap3A_2466 = arith.index_cast %add3A_2398 : i32 to index
      %swap3A_2467 = arith.constant 64 : index
      %swap3A_2468 = tpu.vector_load %arg10[%swap3A_2466, %swap3A_2467] {strides = array<i32>} : memref<128x96xf32, #tpu.memory_space<vmem>>, vector<16xf32>,
      tpu.vector_store %arg10[%swap3A_2466, %swap3A_2467], %add3A_2465 {strides = array<i32>} : memref<128x96xf32, #tpu.memory_space<vmem>>, vector<16xf32>,
      %get3A_2469 = arith.index_cast %add3A_2398 : i32 to index
      %get3A_2470 = arith.constant 80 : index
      %get3A_2471 = tpu.vector_load %arg8[%get3A_2469, %get3A_2470] {strides = array<i32>} : memref<128x128xf32, #tpu.memory_space<vmem>>, vector<16xf32>,
      %get3A_2472 = arith.index_cast %add3A_2398 : i32 to index
      %get3A_2473 = arith.constant 80 : index
      %get3A_2474 = tpu.vector_load %arg9[%get3A_2472, %get3A_2473] {strides = array<i32>} : memref<128x128xf32, #tpu.memory_space<vmem>>, vector<16xf32>,
      %mul3A_2475 = vector.broadcast %reduce_sum3A_2387 : f32 to vector<16xf32>
      %mul3A_2476 = arith.mulf %mul3A_2475, %get3A_2471 : vector<16xf32>
      %mul3A_2477 = vector.broadcast %reduce_sum3A_2394 : f32 to vector<16xf32>
      %mul3A_2478 = arith.mulf %mul3A_2477, %get3A_2474 : vector<16xf32>
      %add3A_2479 = arith.addf %mul3A_2476, %mul3A_2478 : vector<16xf32>
      %swap3A_2480 = arith.index_cast %add3A_2398 : i32 to index
      %swap3A_2481 = arith.constant 80 : index
      %swap3A_2482 = tpu.vector_load %arg10[%swap3A_2480, %swap3A_2481] {strides = array<i32>} : memref<128x96xf32, #tpu.memory_space<vmem>>, vector<16xf32>,
      tpu.vector_store %arg10[%swap3A_2480, %swap3A_2481], %add3A_2479 {strides = array<i32>} : memref<128x96xf32, #tpu.memory_space<vmem>>, vector<16xf32>,
      %eq3A_2483 = arith.constant 8 : i32
      %eq3A_2484 = vector.broadcast %eq3A_2483 : i32 to vector<16xi32>
      %eq3A_2485 = arith.cmpi eq, %iota3A, %eq3A_2484 : vector<16xi32>
      %jit3A_2486 = arith.constant 0.000000e+00 : f32
      %broadcast_in_dim3A_2487 = vector.broadcast %jit3A_2486 : f32 to vector<16xf32>
      %select_n3A_2488 = arith.select %eq3A_2485, %get3A_1640, %broadcast_in_dim3A_2487 : vector<16xi1>, vector<16xf32>
      %reduce_sum3A_2489 = arith.constant true
      %reduce_sum3A_2490 = vector.broadcast %reduce_sum3A_2489 : i1 to vector<16xi1>
      %reduce_sum3A_2491 = tpu.scan <sum>, %select_n3A_2488 masked %reduce_sum3A_2490 : vector<16xf32>, vector<16xi1> -> vector<16xf32>
      %reduce_sum3A_2492 = vector.extract %reduce_sum3A_2491[15] : f32 from vector<16xf32>
      %jit3A_2493 = arith.constant 0.000000e+00 : f32
      %broadcast_in_dim3A_2494 = vector.broadcast %jit3A_2493 : f32 to vector<16xf32>
      %select_n3A_2495 = arith.select %eq3A_2485, %get3A_1644, %broadcast_in_dim3A_2494 : vector<16xi1>, vector<16xf32>
      %reduce_sum3A_2496 = arith.constant true
      %reduce_sum3A_2497 = vector.broadcast %reduce_sum3A_2496 : i1 to vector<16xi1>
      %reduce_sum3A_2498 = tpu.scan <sum>, %select_n3A_2495 masked %reduce_sum3A_2497 : vector<16xf32>, vector<16xi1> -> vector<16xf32>
      %reduce_sum3A_2499 = vector.extract %reduce_sum3A_2498[15] : f32 from vector<16xf32>
      %mul3A_2500 = arith.constant 16 : i32
      %mul3A_2501 = arith.muli %scan3A_1637, %mul3A_2500 : i32
      %add3A_2502 = arith.constant 8 : i32
      %add3A_2503 = arith.addi %mul3A_2501, %add3A_2502 : i32
      %get3A_2504 = arith.index_cast %add3A_2503 : i32 to index
      %get3A_2505 = arith.constant 0 : index
      %get3A_2506 = tpu.vector_load %arg8[%get3A_2504, %get3A_2505] {strides = array<i32>} : memref<128x128xf32, #tpu.memory_space<vmem>>, vector<16xf32>,
      %get3A_2507 = arith.index_cast %add3A_2503 : i32 to index
      %get3A_2508 = arith.constant 0 : index
      %get3A_2509 = tpu.vector_load %arg9[%get3A_2507, %get3A_2508] {strides = array<i32>} : memref<128x128xf32, #tpu.memory_space<vmem>>, vector<16xf32>,
      %mul3A_2510 = vector.broadcast %reduce_sum3A_2492 : f32 to vector<16xf32>
      %mul3A_2511 = arith.mulf %mul3A_2510, %get3A_2506 : vector<16xf32>
      %mul3A_2512 = vector.broadcast %reduce_sum3A_2499 : f32 to vector<16xf32>
      %mul3A_2513 = arith.mulf %mul3A_2512, %get3A_2509 : vector<16xf32>
      %add3A_2514 = arith.addf %mul3A_2511, %mul3A_2513 : vector<16xf32>
      %swap3A_2515 = arith.index_cast %add3A_2503 : i32 to index
      %swap3A_2516 = arith.constant 0 : index
      %swap3A_2517 = tpu.vector_load %arg10[%swap3A_2515, %swap3A_2516] {strides = array<i32>} : memref<128x96xf32, #tpu.memory_space<vmem>>, vector<16xf32>,
      tpu.vector_store %arg10[%swap3A_2515, %swap3A_2516], %add3A_2514 {strides = array<i32>} : memref<128x96xf32, #tpu.memory_space<vmem>>, vector<16xf32>,
      %get3A_2518 = arith.index_cast %add3A_2503 : i32 to index
      %get3A_2519 = arith.constant 16 : index
      %get3A_2520 = tpu.vector_load %arg8[%get3A_2518, %get3A_2519] {strides = array<i32>} : memref<128x128xf32, #tpu.memory_space<vmem>>, vector<16xf32>,
      %get3A_2521 = arith.index_cast %add3A_2503 : i32 to index
      %get3A_2522 = arith.constant 16 : index
      %get3A_2523 = tpu.vector_load %arg9[%get3A_2521, %get3A_2522] {strides = array<i32>} : memref<128x128xf32, #tpu.memory_space<vmem>>, vector<16xf32>,
      %mul3A_2524 = vector.broadcast %reduce_sum3A_2492 : f32 to vector<16xf32>
      %mul3A_2525 = arith.mulf %mul3A_2524, %get3A_2520 : vector<16xf32>
      %mul3A_2526 = vector.broadcast %reduce_sum3A_2499 : f32 to vector<16xf32>
      %mul3A_2527 = arith.mulf %mul3A_2526, %get3A_2523 : vector<16xf32>
      %add3A_2528 = arith.addf %mul3A_2525, %mul3A_2527 : vector<16xf32>
      %swap3A_2529 = arith.index_cast %add3A_2503 : i32 to index
      %swap3A_2530 = arith.constant 16 : index
      %swap3A_2531 = tpu.vector_load %arg10[%swap3A_2529, %swap3A_2530] {strides = array<i32>} : memref<128x96xf32, #tpu.memory_space<vmem>>, vector<16xf32>,
      tpu.vector_store %arg10[%swap3A_2529, %swap3A_2530], %add3A_2528 {strides = array<i32>} : memref<128x96xf32, #tpu.memory_space<vmem>>, vector<16xf32>,
      %get3A_2532 = arith.index_cast %add3A_2503 : i32 to index
      %get3A_2533 = arith.constant 32 : index
      %get3A_2534 = tpu.vector_load %arg8[%get3A_2532, %get3A_2533] {strides = array<i32>} : memref<128x128xf32, #tpu.memory_space<vmem>>, vector<16xf32>,
      %get3A_2535 = arith.index_cast %add3A_2503 : i32 to index
      %get3A_2536 = arith.constant 32 : index
      %get3A_2537 = tpu.vector_load %arg9[%get3A_2535, %get3A_2536] {strides = array<i32>} : memref<128x128xf32, #tpu.memory_space<vmem>>, vector<16xf32>,
      %mul3A_2538 = vector.broadcast %reduce_sum3A_2492 : f32 to vector<16xf32>
      %mul3A_2539 = arith.mulf %mul3A_2538, %get3A_2534 : vector<16xf32>
      %mul3A_2540 = vector.broadcast %reduce_sum3A_2499 : f32 to vector<16xf32>
      %mul3A_2541 = arith.mulf %mul3A_2540, %get3A_2537 : vector<16xf32>
      %add3A_2542 = arith.addf %mul3A_2539, %mul3A_2541 : vector<16xf32>
      %swap3A_2543 = arith.index_cast %add3A_2503 : i32 to index
      %swap3A_2544 = arith.constant 32 : index
      %swap3A_2545 = tpu.vector_load %arg10[%swap3A_2543, %swap3A_2544] {strides = array<i32>} : memref<128x96xf32, #tpu.memory_space<vmem>>, vector<16xf32>,
      tpu.vector_store %arg10[%swap3A_2543, %swap3A_2544], %add3A_2542 {strides = array<i32>} : memref<128x96xf32, #tpu.memory_space<vmem>>, vector<16xf32>,
      %get3A_2546 = arith.index_cast %add3A_2503 : i32 to index
      %get3A_2547 = arith.constant 48 : index
      %get3A_2548 = tpu.vector_load %arg8[%get3A_2546, %get3A_2547] {strides = array<i32>} : memref<128x128xf32, #tpu.memory_space<vmem>>, vector<16xf32>,
      %get3A_2549 = arith.index_cast %add3A_2503 : i32 to index
      %get3A_2550 = arith.constant 48 : index
      %get3A_2551 = tpu.vector_load %arg9[%get3A_2549, %get3A_2550] {strides = array<i32>} : memref<128x128xf32, #tpu.memory_space<vmem>>, vector<16xf32>,
      %mul3A_2552 = vector.broadcast %reduce_sum3A_2492 : f32 to vector<16xf32>
      %mul3A_2553 = arith.mulf %mul3A_2552, %get3A_2548 : vector<16xf32>
      %mul3A_2554 = vector.broadcast %reduce_sum3A_2499 : f32 to vector<16xf32>
      %mul3A_2555 = arith.mulf %mul3A_2554, %get3A_2551 : vector<16xf32>
      %add3A_2556 = arith.addf %mul3A_2553, %mul3A_2555 : vector<16xf32>
      %swap3A_2557 = arith.index_cast %add3A_2503 : i32 to index
      %swap3A_2558 = arith.constant 48 : index
      %swap3A_2559 = tpu.vector_load %arg10[%swap3A_2557, %swap3A_2558] {strides = array<i32>} : memref<128x96xf32, #tpu.memory_space<vmem>>, vector<16xf32>,
      tpu.vector_store %arg10[%swap3A_2557, %swap3A_2558], %add3A_2556 {strides = array<i32>} : memref<128x96xf32, #tpu.memory_space<vmem>>, vector<16xf32>,
      %get3A_2560 = arith.index_cast %add3A_2503 : i32 to index
      %get3A_2561 = arith.constant 64 : index
      %get3A_2562 = tpu.vector_load %arg8[%get3A_2560, %get3A_2561] {strides = array<i32>} : memref<128x128xf32, #tpu.memory_space<vmem>>, vector<16xf32>,
      %get3A_2563 = arith.index_cast %add3A_2503 : i32 to index
      %get3A_2564 = arith.constant 64 : index
      %get3A_2565 = tpu.vector_load %arg9[%get3A_2563, %get3A_2564] {strides = array<i32>} : memref<128x128xf32, #tpu.memory_space<vmem>>, vector<16xf32>,
      %mul3A_2566 = vector.broadcast %reduce_sum3A_2492 : f32 to vector<16xf32>
      %mul3A_2567 = arith.mulf %mul3A_2566, %get3A_2562 : vector<16xf32>
      %mul3A_2568 = vector.broadcast %reduce_sum3A_2499 : f32 to vector<16xf32>
      %mul3A_2569 = arith.mulf %mul3A_2568, %get3A_2565 : vector<16xf32>
      %add3A_2570 = arith.addf %mul3A_2567, %mul3A_2569 : vector<16xf32>
      %swap3A_2571 = arith.index_cast %add3A_2503 : i32 to index
      %swap3A_2572 = arith.constant 64 : index
      %swap3A_2573 = tpu.vector_load %arg10[%swap3A_2571, %swap3A_2572] {strides = array<i32>} : memref<128x96xf32, #tpu.memory_space<vmem>>, vector<16xf32>,
      tpu.vector_store %arg10[%swap3A_2571, %swap3A_2572], %add3A_2570 {strides = array<i32>} : memref<128x96xf32, #tpu.memory_space<vmem>>, vector<16xf32>,
      %get3A_2574 = arith.index_cast %add3A_2503 : i32 to index
      %get3A_2575 = arith.constant 80 : index
      %get3A_2576 = tpu.vector_load %arg8[%get3A_2574, %get3A_2575] {strides = array<i32>} : memref<128x128xf32, #tpu.memory_space<vmem>>, vector<16xf32>,
      %get3A_2577 = arith.index_cast %add3A_2503 : i32 to index
      %get3A_2578 = arith.constant 80 : index
      %get3A_2579 = tpu.vector_load %arg9[%get3A_2577, %get3A_2578] {strides = array<i32>} : memref<128x128xf32, #tpu.memory_space<vmem>>, vector<16xf32>,
      %mul3A_2580 = vector.broadcast %reduce_sum3A_2492 : f32 to vector<16xf32>
      %mul3A_2581 = arith.mulf %mul3A_2580, %get3A_2576 : vector<16xf32>
      %mul3A_2582 = vector.broadcast %reduce_sum3A_2499 : f32 to vector<16xf32>
      %mul3A_2583 = arith.mulf %mul3A_2582, %get3A_2579 : vector<16xf32>
      %add3A_2584 = arith.addf %mul3A_2581, %mul3A_2583 : vector<16xf32>
      %swap3A_2585 = arith.index_cast %add3A_2503 : i32 to index
      %swap3A_2586 = arith.constant 80 : index
      %swap3A_2587 = tpu.vector_load %arg10[%swap3A_2585, %swap3A_2586] {strides = array<i32>} : memref<128x96xf32, #tpu.memory_space<vmem>>, vector<16xf32>,
      tpu.vector_store %arg10[%swap3A_2585, %swap3A_2586], %add3A_2584 {strides = array<i32>} : memref<128x96xf32, #tpu.memory_space<vmem>>, vector<16xf32>,
      %eq3A_2588 = arith.constant 9 : i32
      %eq3A_2589 = vector.broadcast %eq3A_2588 : i32 to vector<16xi32>
      %eq3A_2590 = arith.cmpi eq, %iota3A, %eq3A_2589 : vector<16xi32>
      %jit3A_2591 = arith.constant 0.000000e+00 : f32
      %broadcast_in_dim3A_2592 = vector.broadcast %jit3A_2591 : f32 to vector<16xf32>
      %select_n3A_2593 = arith.select %eq3A_2590, %get3A_1640, %broadcast_in_dim3A_2592 : vector<16xi1>, vector<16xf32>
      %reduce_sum3A_2594 = arith.constant true
      %reduce_sum3A_2595 = vector.broadcast %reduce_sum3A_2594 : i1 to vector<16xi1>
      %reduce_sum3A_2596 = tpu.scan <sum>, %select_n3A_2593 masked %reduce_sum3A_2595 : vector<16xf32>, vector<16xi1> -> vector<16xf32>
      %reduce_sum3A_2597 = vector.extract %reduce_sum3A_2596[15] : f32 from vector<16xf32>
      %jit3A_2598 = arith.constant 0.000000e+00 : f32
      %broadcast_in_dim3A_2599 = vector.broadcast %jit3A_2598 : f32 to vector<16xf32>
      %select_n3A_2600 = arith.select %eq3A_2590, %get3A_1644, %broadcast_in_dim3A_2599 : vector<16xi1>, vector<16xf32>
      %reduce_sum3A_2601 = arith.constant true
      %reduce_sum3A_2602 = vector.broadcast %reduce_sum3A_2601 : i1 to vector<16xi1>
      %reduce_sum3A_2603 = tpu.scan <sum>, %select_n3A_2600 masked %reduce_sum3A_2602 : vector<16xf32>, vector<16xi1> -> vector<16xf32>
      %reduce_sum3A_2604 = vector.extract %reduce_sum3A_2603[15] : f32 from vector<16xf32>
      %mul3A_2605 = arith.constant 16 : i32
      %mul3A_2606 = arith.muli %scan3A_1637, %mul3A_2605 : i32
      %add3A_2607 = arith.constant 9 : i32
      %add3A_2608 = arith.addi %mul3A_2606, %add3A_2607 : i32
      %get3A_2609 = arith.index_cast %add3A_2608 : i32 to index
      %get3A_2610 = arith.constant 0 : index
      %get3A_2611 = tpu.vector_load %arg8[%get3A_2609, %get3A_2610] {strides = array<i32>} : memref<128x128xf32, #tpu.memory_space<vmem>>, vector<16xf32>,
      %get3A_2612 = arith.index_cast %add3A_2608 : i32 to index
      %get3A_2613 = arith.constant 0 : index
      %get3A_2614 = tpu.vector_load %arg9[%get3A_2612, %get3A_2613] {strides = array<i32>} : memref<128x128xf32, #tpu.memory_space<vmem>>, vector<16xf32>,
      %mul3A_2615 = vector.broadcast %reduce_sum3A_2597 : f32 to vector<16xf32>
      %mul3A_2616 = arith.mulf %mul3A_2615, %get3A_2611 : vector<16xf32>
      %mul3A_2617 = vector.broadcast %reduce_sum3A_2604 : f32 to vector<16xf32>
      %mul3A_2618 = arith.mulf %mul3A_2617, %get3A_2614 : vector<16xf32>
      %add3A_2619 = arith.addf %mul3A_2616, %mul3A_2618 : vector<16xf32>
      %swap3A_2620 = arith.index_cast %add3A_2608 : i32 to index
      %swap3A_2621 = arith.constant 0 : index
      %swap3A_2622 = tpu.vector_load %arg10[%swap3A_2620, %swap3A_2621] {strides = array<i32>} : memref<128x96xf32, #tpu.memory_space<vmem>>, vector<16xf32>,
      tpu.vector_store %arg10[%swap3A_2620, %swap3A_2621], %add3A_2619 {strides = array<i32>} : memref<128x96xf32, #tpu.memory_space<vmem>>, vector<16xf32>,
      %get3A_2623 = arith.index_cast %add3A_2608 : i32 to index
      %get3A_2624 = arith.constant 16 : index
      %get3A_2625 = tpu.vector_load %arg8[%get3A_2623, %get3A_2624] {strides = array<i32>} : memref<128x128xf32, #tpu.memory_space<vmem>>, vector<16xf32>,
      %get3A_2626 = arith.index_cast %add3A_2608 : i32 to index
      %get3A_2627 = arith.constant 16 : index
      %get3A_2628 = tpu.vector_load %arg9[%get3A_2626, %get3A_2627] {strides = array<i32>} : memref<128x128xf32, #tpu.memory_space<vmem>>, vector<16xf32>,
      %mul3A_2629 = vector.broadcast %reduce_sum3A_2597 : f32 to vector<16xf32>
      %mul3A_2630 = arith.mulf %mul3A_2629, %get3A_2625 : vector<16xf32>
      %mul3A_2631 = vector.broadcast %reduce_sum3A_2604 : f32 to vector<16xf32>
      %mul3A_2632 = arith.mulf %mul3A_2631, %get3A_2628 : vector<16xf32>
      %add3A_2633 = arith.addf %mul3A_2630, %mul3A_2632 : vector<16xf32>
      %swap3A_2634 = arith.index_cast %add3A_2608 : i32 to index
      %swap3A_2635 = arith.constant 16 : index
      %swap3A_2636 = tpu.vector_load %arg10[%swap3A_2634, %swap3A_2635] {strides = array<i32>} : memref<128x96xf32, #tpu.memory_space<vmem>>, vector<16xf32>,
      tpu.vector_store %arg10[%swap3A_2634, %swap3A_2635], %add3A_2633 {strides = array<i32>} : memref<128x96xf32, #tpu.memory_space<vmem>>, vector<16xf32>,
      %get3A_2637 = arith.index_cast %add3A_2608 : i32 to index
      %get3A_2638 = arith.constant 32 : index
      %get3A_2639 = tpu.vector_load %arg8[%get3A_2637, %get3A_2638] {strides = array<i32>} : memref<128x128xf32, #tpu.memory_space<vmem>>, vector<16xf32>,
      %get3A_2640 = arith.index_cast %add3A_2608 : i32 to index
      %get3A_2641 = arith.constant 32 : index
      %get3A_2642 = tpu.vector_load %arg9[%get3A_2640, %get3A_2641] {strides = array<i32>} : memref<128x128xf32, #tpu.memory_space<vmem>>, vector<16xf32>,
      %mul3A_2643 = vector.broadcast %reduce_sum3A_2597 : f32 to vector<16xf32>
      %mul3A_2644 = arith.mulf %mul3A_2643, %get3A_2639 : vector<16xf32>
      %mul3A_2645 = vector.broadcast %reduce_sum3A_2604 : f32 to vector<16xf32>
      %mul3A_2646 = arith.mulf %mul3A_2645, %get3A_2642 : vector<16xf32>
      %add3A_2647 = arith.addf %mul3A_2644, %mul3A_2646 : vector<16xf32>
      %swap3A_2648 = arith.index_cast %add3A_2608 : i32 to index
      %swap3A_2649 = arith.constant 32 : index
      %swap3A_2650 = tpu.vector_load %arg10[%swap3A_2648, %swap3A_2649] {strides = array<i32>} : memref<128x96xf32, #tpu.memory_space<vmem>>, vector<16xf32>,
      tpu.vector_store %arg10[%swap3A_2648, %swap3A_2649], %add3A_2647 {strides = array<i32>} : memref<128x96xf32, #tpu.memory_space<vmem>>, vector<16xf32>,
      %get3A_2651 = arith.index_cast %add3A_2608 : i32 to index
      %get3A_2652 = arith.constant 48 : index
      %get3A_2653 = tpu.vector_load %arg8[%get3A_2651, %get3A_2652] {strides = array<i32>} : memref<128x128xf32, #tpu.memory_space<vmem>>, vector<16xf32>,
      %get3A_2654 = arith.index_cast %add3A_2608 : i32 to index
      %get3A_2655 = arith.constant 48 : index
      %get3A_2656 = tpu.vector_load %arg9[%get3A_2654, %get3A_2655] {strides = array<i32>} : memref<128x128xf32, #tpu.memory_space<vmem>>, vector<16xf32>,
      %mul3A_2657 = vector.broadcast %reduce_sum3A_2597 : f32 to vector<16xf32>
      %mul3A_2658 = arith.mulf %mul3A_2657, %get3A_2653 : vector<16xf32>
      %mul3A_2659 = vector.broadcast %reduce_sum3A_2604 : f32 to vector<16xf32>
      %mul3A_2660 = arith.mulf %mul3A_2659, %get3A_2656 : vector<16xf32>
      %add3A_2661 = arith.addf %mul3A_2658, %mul3A_2660 : vector<16xf32>
      %swap3A_2662 = arith.index_cast %add3A_2608 : i32 to index
      %swap3A_2663 = arith.constant 48 : index
      %swap3A_2664 = tpu.vector_load %arg10[%swap3A_2662, %swap3A_2663] {strides = array<i32>} : memref<128x96xf32, #tpu.memory_space<vmem>>, vector<16xf32>,
      tpu.vector_store %arg10[%swap3A_2662, %swap3A_2663], %add3A_2661 {strides = array<i32>} : memref<128x96xf32, #tpu.memory_space<vmem>>, vector<16xf32>,
      %get3A_2665 = arith.index_cast %add3A_2608 : i32 to index
      %get3A_2666 = arith.constant 64 : index
      %get3A_2667 = tpu.vector_load %arg8[%get3A_2665, %get3A_2666] {strides = array<i32>} : memref<128x128xf32, #tpu.memory_space<vmem>>, vector<16xf32>,
      %get3A_2668 = arith.index_cast %add3A_2608 : i32 to index
      %get3A_2669 = arith.constant 64 : index
      %get3A_2670 = tpu.vector_load %arg9[%get3A_2668, %get3A_2669] {strides = array<i32>} : memref<128x128xf32, #tpu.memory_space<vmem>>, vector<16xf32>,
      %mul3A_2671 = vector.broadcast %reduce_sum3A_2597 : f32 to vector<16xf32>
      %mul3A_2672 = arith.mulf %mul3A_2671, %get3A_2667 : vector<16xf32>
      %mul3A_2673 = vector.broadcast %reduce_sum3A_2604 : f32 to vector<16xf32>
      %mul3A_2674 = arith.mulf %mul3A_2673, %get3A_2670 : vector<16xf32>
      %add3A_2675 = arith.addf %mul3A_2672, %mul3A_2674 : vector<16xf32>
      %swap3A_2676 = arith.index_cast %add3A_2608 : i32 to index
      %swap3A_2677 = arith.constant 64 : index
      %swap3A_2678 = tpu.vector_load %arg10[%swap3A_2676, %swap3A_2677] {strides = array<i32>} : memref<128x96xf32, #tpu.memory_space<vmem>>, vector<16xf32>,
      tpu.vector_store %arg10[%swap3A_2676, %swap3A_2677], %add3A_2675 {strides = array<i32>} : memref<128x96xf32, #tpu.memory_space<vmem>>, vector<16xf32>,
      %get3A_2679 = arith.index_cast %add3A_2608 : i32 to index
      %get3A_2680 = arith.constant 80 : index
      %get3A_2681 = tpu.vector_load %arg8[%get3A_2679, %get3A_2680] {strides = array<i32>} : memref<128x128xf32, #tpu.memory_space<vmem>>, vector<16xf32>,
      %get3A_2682 = arith.index_cast %add3A_2608 : i32 to index
      %get3A_2683 = arith.constant 80 : index
      %get3A_2684 = tpu.vector_load %arg9[%get3A_2682, %get3A_2683] {strides = array<i32>} : memref<128x128xf32, #tpu.memory_space<vmem>>, vector<16xf32>,
      %mul3A_2685 = vector.broadcast %reduce_sum3A_2597 : f32 to vector<16xf32>
      %mul3A_2686 = arith.mulf %mul3A_2685, %get3A_2681 : vector<16xf32>
      %mul3A_2687 = vector.broadcast %reduce_sum3A_2604 : f32 to vector<16xf32>
      %mul3A_2688 = arith.mulf %mul3A_2687, %get3A_2684 : vector<16xf32>
      %add3A_2689 = arith.addf %mul3A_2686, %mul3A_2688 : vector<16xf32>
      %swap3A_2690 = arith.index_cast %add3A_2608 : i32 to index
      %swap3A_2691 = arith.constant 80 : index
      %swap3A_2692 = tpu.vector_load %arg10[%swap3A_2690, %swap3A_2691] {strides = array<i32>} : memref<128x96xf32, #tpu.memory_space<vmem>>, vector<16xf32>,
      tpu.vector_store %arg10[%swap3A_2690, %swap3A_2691], %add3A_2689 {strides = array<i32>} : memref<128x96xf32, #tpu.memory_space<vmem>>, vector<16xf32>,
      %eq3A_2693 = arith.constant 10 : i32
      %eq3A_2694 = vector.broadcast %eq3A_2693 : i32 to vector<16xi32>
      %eq3A_2695 = arith.cmpi eq, %iota3A, %eq3A_2694 : vector<16xi32>
      %jit3A_2696 = arith.constant 0.000000e+00 : f32
      %broadcast_in_dim3A_2697 = vector.broadcast %jit3A_2696 : f32 to vector<16xf32>
      %select_n3A_2698 = arith.select %eq3A_2695, %get3A_1640, %broadcast_in_dim3A_2697 : vector<16xi1>, vector<16xf32>
      %reduce_sum3A_2699 = arith.constant true
      %reduce_sum3A_2700 = vector.broadcast %reduce_sum3A_2699 : i1 to vector<16xi1>
      %reduce_sum3A_2701 = tpu.scan <sum>, %select_n3A_2698 masked %reduce_sum3A_2700 : vector<16xf32>, vector<16xi1> -> vector<16xf32>
      %reduce_sum3A_2702 = vector.extract %reduce_sum3A_2701[15] : f32 from vector<16xf32>
      %jit3A_2703 = arith.constant 0.000000e+00 : f32
      %broadcast_in_dim3A_2704 = vector.broadcast %jit3A_2703 : f32 to vector<16xf32>
      %select_n3A_2705 = arith.select %eq3A_2695, %get3A_1644, %broadcast_in_dim3A_2704 : vector<16xi1>, vector<16xf32>
      %reduce_sum3A_2706 = arith.constant true
      %reduce_sum3A_2707 = vector.broadcast %reduce_sum3A_2706 : i1 to vector<16xi1>
      %reduce_sum3A_2708 = tpu.scan <sum>, %select_n3A_2705 masked %reduce_sum3A_2707 : vector<16xf32>, vector<16xi1> -> vector<16xf32>
      %reduce_sum3A_2709 = vector.extract %reduce_sum3A_2708[15] : f32 from vector<16xf32>
      %mul3A_2710 = arith.constant 16 : i32
      %mul3A_2711 = arith.muli %scan3A_1637, %mul3A_2710 : i32
      %add3A_2712 = arith.constant 10 : i32
      %add3A_2713 = arith.addi %mul3A_2711, %add3A_2712 : i32
      %get3A_2714 = arith.index_cast %add3A_2713 : i32 to index
      %get3A_2715 = arith.constant 0 : index
      %get3A_2716 = tpu.vector_load %arg8[%get3A_2714, %get3A_2715] {strides = array<i32>} : memref<128x128xf32, #tpu.memory_space<vmem>>, vector<16xf32>,
      %get3A_2717 = arith.index_cast %add3A_2713 : i32 to index
      %get3A_2718 = arith.constant 0 : index
      %get3A_2719 = tpu.vector_load %arg9[%get3A_2717, %get3A_2718] {strides = array<i32>} : memref<128x128xf32, #tpu.memory_space<vmem>>, vector<16xf32>,
      %mul3A_2720 = vector.broadcast %reduce_sum3A_2702 : f32 to vector<16xf32>
      %mul3A_2721 = arith.mulf %mul3A_2720, %get3A_2716 : vector<16xf32>
      %mul3A_2722 = vector.broadcast %reduce_sum3A_2709 : f32 to vector<16xf32>
      %mul3A_2723 = arith.mulf %mul3A_2722, %get3A_2719 : vector<16xf32>
      %add3A_2724 = arith.addf %mul3A_2721, %mul3A_2723 : vector<16xf32>
      %swap3A_2725 = arith.index_cast %add3A_2713 : i32 to index
      %swap3A_2726 = arith.constant 0 : index
      %swap3A_2727 = tpu.vector_load %arg10[%swap3A_2725, %swap3A_2726] {strides = array<i32>} : memref<128x96xf32, #tpu.memory_space<vmem>>, vector<16xf32>,
      tpu.vector_store %arg10[%swap3A_2725, %swap3A_2726], %add3A_2724 {strides = array<i32>} : memref<128x96xf32, #tpu.memory_space<vmem>>, vector<16xf32>,
      %get3A_2728 = arith.index_cast %add3A_2713 : i32 to index
      %get3A_2729 = arith.constant 16 : index
      %get3A_2730 = tpu.vector_load %arg8[%get3A_2728, %get3A_2729] {strides = array<i32>} : memref<128x128xf32, #tpu.memory_space<vmem>>, vector<16xf32>,
      %get3A_2731 = arith.index_cast %add3A_2713 : i32 to index
      %get3A_2732 = arith.constant 16 : index
      %get3A_2733 = tpu.vector_load %arg9[%get3A_2731, %get3A_2732] {strides = array<i32>} : memref<128x128xf32, #tpu.memory_space<vmem>>, vector<16xf32>,
      %mul3A_2734 = vector.broadcast %reduce_sum3A_2702 : f32 to vector<16xf32>
      %mul3A_2735 = arith.mulf %mul3A_2734, %get3A_2730 : vector<16xf32>
      %mul3A_2736 = vector.broadcast %reduce_sum3A_2709 : f32 to vector<16xf32>
      %mul3A_2737 = arith.mulf %mul3A_2736, %get3A_2733 : vector<16xf32>
      %add3A_2738 = arith.addf %mul3A_2735, %mul3A_2737 : vector<16xf32>
      %swap3A_2739 = arith.index_cast %add3A_2713 : i32 to index
      %swap3A_2740 = arith.constant 16 : index
      %swap3A_2741 = tpu.vector_load %arg10[%swap3A_2739, %swap3A_2740] {strides = array<i32>} : memref<128x96xf32, #tpu.memory_space<vmem>>, vector<16xf32>,
      tpu.vector_store %arg10[%swap3A_2739, %swap3A_2740], %add3A_2738 {strides = array<i32>} : memref<128x96xf32, #tpu.memory_space<vmem>>, vector<16xf32>,
      %get3A_2742 = arith.index_cast %add3A_2713 : i32 to index
      %get3A_2743 = arith.constant 32 : index
      %get3A_2744 = tpu.vector_load %arg8[%get3A_2742, %get3A_2743] {strides = array<i32>} : memref<128x128xf32, #tpu.memory_space<vmem>>, vector<16xf32>,
      %get3A_2745 = arith.index_cast %add3A_2713 : i32 to index
      %get3A_2746 = arith.constant 32 : index
      %get3A_2747 = tpu.vector_load %arg9[%get3A_2745, %get3A_2746] {strides = array<i32>} : memref<128x128xf32, #tpu.memory_space<vmem>>, vector<16xf32>,
      %mul3A_2748 = vector.broadcast %reduce_sum3A_2702 : f32 to vector<16xf32>
      %mul3A_2749 = arith.mulf %mul3A_2748, %get3A_2744 : vector<16xf32>
      %mul3A_2750 = vector.broadcast %reduce_sum3A_2709 : f32 to vector<16xf32>
      %mul3A_2751 = arith.mulf %mul3A_2750, %get3A_2747 : vector<16xf32>
      %add3A_2752 = arith.addf %mul3A_2749, %mul3A_2751 : vector<16xf32>
      %swap3A_2753 = arith.index_cast %add3A_2713 : i32 to index
      %swap3A_2754 = arith.constant 32 : index
      %swap3A_2755 = tpu.vector_load %arg10[%swap3A_2753, %swap3A_2754] {strides = array<i32>} : memref<128x96xf32, #tpu.memory_space<vmem>>, vector<16xf32>,
      tpu.vector_store %arg10[%swap3A_2753, %swap3A_2754], %add3A_2752 {strides = array<i32>} : memref<128x96xf32, #tpu.memory_space<vmem>>, vector<16xf32>,
      %get3A_2756 = arith.index_cast %add3A_2713 : i32 to index
      %get3A_2757 = arith.constant 48 : index
      %get3A_2758 = tpu.vector_load %arg8[%get3A_2756, %get3A_2757] {strides = array<i32>} : memref<128x128xf32, #tpu.memory_space<vmem>>, vector<16xf32>,
      %get3A_2759 = arith.index_cast %add3A_2713 : i32 to index
      %get3A_2760 = arith.constant 48 : index
      %get3A_2761 = tpu.vector_load %arg9[%get3A_2759, %get3A_2760] {strides = array<i32>} : memref<128x128xf32, #tpu.memory_space<vmem>>, vector<16xf32>,
      %mul3A_2762 = vector.broadcast %reduce_sum3A_2702 : f32 to vector<16xf32>
      %mul3A_2763 = arith.mulf %mul3A_2762, %get3A_2758 : vector<16xf32>
      %mul3A_2764 = vector.broadcast %reduce_sum3A_2709 : f32 to vector<16xf32>
      %mul3A_2765 = arith.mulf %mul3A_2764, %get3A_2761 : vector<16xf32>
      %add3A_2766 = arith.addf %mul3A_2763, %mul3A_2765 : vector<16xf32>
      %swap3A_2767 = arith.index_cast %add3A_2713 : i32 to index
      %swap3A_2768 = arith.constant 48 : index
      %swap3A_2769 = tpu.vector_load %arg10[%swap3A_2767, %swap3A_2768] {strides = array<i32>} : memref<128x96xf32, #tpu.memory_space<vmem>>, vector<16xf32>,
      tpu.vector_store %arg10[%swap3A_2767, %swap3A_2768], %add3A_2766 {strides = array<i32>} : memref<128x96xf32, #tpu.memory_space<vmem>>, vector<16xf32>,
      %get3A_2770 = arith.index_cast %add3A_2713 : i32 to index
      %get3A_2771 = arith.constant 64 : index
      %get3A_2772 = tpu.vector_load %arg8[%get3A_2770, %get3A_2771] {strides = array<i32>} : memref<128x128xf32, #tpu.memory_space<vmem>>, vector<16xf32>,
      %get3A_2773 = arith.index_cast %add3A_2713 : i32 to index
      %get3A_2774 = arith.constant 64 : index
      %get3A_2775 = tpu.vector_load %arg9[%get3A_2773, %get3A_2774] {strides = array<i32>} : memref<128x128xf32, #tpu.memory_space<vmem>>, vector<16xf32>,
      %mul3A_2776 = vector.broadcast %reduce_sum3A_2702 : f32 to vector<16xf32>
      %mul3A_2777 = arith.mulf %mul3A_2776, %get3A_2772 : vector<16xf32>
      %mul3A_2778 = vector.broadcast %reduce_sum3A_2709 : f32 to vector<16xf32>
      %mul3A_2779 = arith.mulf %mul3A_2778, %get3A_2775 : vector<16xf32>
      %add3A_2780 = arith.addf %mul3A_2777, %mul3A_2779 : vector<16xf32>
      %swap3A_2781 = arith.index_cast %add3A_2713 : i32 to index
      %swap3A_2782 = arith.constant 64 : index
      %swap3A_2783 = tpu.vector_load %arg10[%swap3A_2781, %swap3A_2782] {strides = array<i32>} : memref<128x96xf32, #tpu.memory_space<vmem>>, vector<16xf32>,
      tpu.vector_store %arg10[%swap3A_2781, %swap3A_2782], %add3A_2780 {strides = array<i32>} : memref<128x96xf32, #tpu.memory_space<vmem>>, vector<16xf32>,
      %get3A_2784 = arith.index_cast %add3A_2713 : i32 to index
      %get3A_2785 = arith.constant 80 : index
      %get3A_2786 = tpu.vector_load %arg8[%get3A_2784, %get3A_2785] {strides = array<i32>} : memref<128x128xf32, #tpu.memory_space<vmem>>, vector<16xf32>,
      %get3A_2787 = arith.index_cast %add3A_2713 : i32 to index
      %get3A_2788 = arith.constant 80 : index
      %get3A_2789 = tpu.vector_load %arg9[%get3A_2787, %get3A_2788] {strides = array<i32>} : memref<128x128xf32, #tpu.memory_space<vmem>>, vector<16xf32>,
      %mul3A_2790 = vector.broadcast %reduce_sum3A_2702 : f32 to vector<16xf32>
      %mul3A_2791 = arith.mulf %mul3A_2790, %get3A_2786 : vector<16xf32>
      %mul3A_2792 = vector.broadcast %reduce_sum3A_2709 : f32 to vector<16xf32>
      %mul3A_2793 = arith.mulf %mul3A_2792, %get3A_2789 : vector<16xf32>
      %add3A_2794 = arith.addf %mul3A_2791, %mul3A_2793 : vector<16xf32>
      %swap3A_2795 = arith.index_cast %add3A_2713 : i32 to index
      %swap3A_2796 = arith.constant 80 : index
      %swap3A_2797 = tpu.vector_load %arg10[%swap3A_2795, %swap3A_2796] {strides = array<i32>} : memref<128x96xf32, #tpu.memory_space<vmem>>, vector<16xf32>,
      tpu.vector_store %arg10[%swap3A_2795, %swap3A_2796], %add3A_2794 {strides = array<i32>} : memref<128x96xf32, #tpu.memory_space<vmem>>, vector<16xf32>,
      %eq3A_2798 = arith.constant 11 : i32
      %eq3A_2799 = vector.broadcast %eq3A_2798 : i32 to vector<16xi32>
      %eq3A_2800 = arith.cmpi eq, %iota3A, %eq3A_2799 : vector<16xi32>
      %jit3A_2801 = arith.constant 0.000000e+00 : f32
      %broadcast_in_dim3A_2802 = vector.broadcast %jit3A_2801 : f32 to vector<16xf32>
      %select_n3A_2803 = arith.select %eq3A_2800, %get3A_1640, %broadcast_in_dim3A_2802 : vector<16xi1>, vector<16xf32>
      %reduce_sum3A_2804 = arith.constant true
      %reduce_sum3A_2805 = vector.broadcast %reduce_sum3A_2804 : i1 to vector<16xi1>
      %reduce_sum3A_2806 = tpu.scan <sum>, %select_n3A_2803 masked %reduce_sum3A_2805 : vector<16xf32>, vector<16xi1> -> vector<16xf32>
      %reduce_sum3A_2807 = vector.extract %reduce_sum3A_2806[15] : f32 from vector<16xf32>
      %jit3A_2808 = arith.constant 0.000000e+00 : f32
      %broadcast_in_dim3A_2809 = vector.broadcast %jit3A_2808 : f32 to vector<16xf32>
      %select_n3A_2810 = arith.select %eq3A_2800, %get3A_1644, %broadcast_in_dim3A_2809 : vector<16xi1>, vector<16xf32>
      %reduce_sum3A_2811 = arith.constant true
      %reduce_sum3A_2812 = vector.broadcast %reduce_sum3A_2811 : i1 to vector<16xi1>
      %reduce_sum3A_2813 = tpu.scan <sum>, %select_n3A_2810 masked %reduce_sum3A_2812 : vector<16xf32>, vector<16xi1> -> vector<16xf32>
      %reduce_sum3A_2814 = vector.extract %reduce_sum3A_2813[15] : f32 from vector<16xf32>
      %mul3A_2815 = arith.constant 16 : i32
      %mul3A_2816 = arith.muli %scan3A_1637, %mul3A_2815 : i32
      %add3A_2817 = arith.constant 11 : i32
      %add3A_2818 = arith.addi %mul3A_2816, %add3A_2817 : i32
      %get3A_2819 = arith.index_cast %add3A_2818 : i32 to index
      %get3A_2820 = arith.constant 0 : index
      %get3A_2821 = tpu.vector_load %arg8[%get3A_2819, %get3A_2820] {strides = array<i32>} : memref<128x128xf32, #tpu.memory_space<vmem>>, vector<16xf32>,
      %get3A_2822 = arith.index_cast %add3A_2818 : i32 to index
      %get3A_2823 = arith.constant 0 : index
      %get3A_2824 = tpu.vector_load %arg9[%get3A_2822, %get3A_2823] {strides = array<i32>} : memref<128x128xf32, #tpu.memory_space<vmem>>, vector<16xf32>,
      %mul3A_2825 = vector.broadcast %reduce_sum3A_2807 : f32 to vector<16xf32>
      %mul3A_2826 = arith.mulf %mul3A_2825, %get3A_2821 : vector<16xf32>
      %mul3A_2827 = vector.broadcast %reduce_sum3A_2814 : f32 to vector<16xf32>
      %mul3A_2828 = arith.mulf %mul3A_2827, %get3A_2824 : vector<16xf32>
      %add3A_2829 = arith.addf %mul3A_2826, %mul3A_2828 : vector<16xf32>
      %swap3A_2830 = arith.index_cast %add3A_2818 : i32 to index
      %swap3A_2831 = arith.constant 0 : index
      %swap3A_2832 = tpu.vector_load %arg10[%swap3A_2830, %swap3A_2831] {strides = array<i32>} : memref<128x96xf32, #tpu.memory_space<vmem>>, vector<16xf32>,
      tpu.vector_store %arg10[%swap3A_2830, %swap3A_2831], %add3A_2829 {strides = array<i32>} : memref<128x96xf32, #tpu.memory_space<vmem>>, vector<16xf32>,
      %get3A_2833 = arith.index_cast %add3A_2818 : i32 to index
      %get3A_2834 = arith.constant 16 : index
      %get3A_2835 = tpu.vector_load %arg8[%get3A_2833, %get3A_2834] {strides = array<i32>} : memref<128x128xf32, #tpu.memory_space<vmem>>, vector<16xf32>,
      %get3A_2836 = arith.index_cast %add3A_2818 : i32 to index
      %get3A_2837 = arith.constant 16 : index
      %get3A_2838 = tpu.vector_load %arg9[%get3A_2836, %get3A_2837] {strides = array<i32>} : memref<128x128xf32, #tpu.memory_space<vmem>>, vector<16xf32>,
      %mul3A_2839 = vector.broadcast %reduce_sum3A_2807 : f32 to vector<16xf32>
      %mul3A_2840 = arith.mulf %mul3A_2839, %get3A_2835 : vector<16xf32>
      %mul3A_2841 = vector.broadcast %reduce_sum3A_2814 : f32 to vector<16xf32>
      %mul3A_2842 = arith.mulf %mul3A_2841, %get3A_2838 : vector<16xf32>
      %add3A_2843 = arith.addf %mul3A_2840, %mul3A_2842 : vector<16xf32>
      %swap3A_2844 = arith.index_cast %add3A_2818 : i32 to index
      %swap3A_2845 = arith.constant 16 : index
      %swap3A_2846 = tpu.vector_load %arg10[%swap3A_2844, %swap3A_2845] {strides = array<i32>} : memref<128x96xf32, #tpu.memory_space<vmem>>, vector<16xf32>,
      tpu.vector_store %arg10[%swap3A_2844, %swap3A_2845], %add3A_2843 {strides = array<i32>} : memref<128x96xf32, #tpu.memory_space<vmem>>, vector<16xf32>,
      %get3A_2847 = arith.index_cast %add3A_2818 : i32 to index
      %get3A_2848 = arith.constant 32 : index
      %get3A_2849 = tpu.vector_load %arg8[%get3A_2847, %get3A_2848] {strides = array<i32>} : memref<128x128xf32, #tpu.memory_space<vmem>>, vector<16xf32>,
      %get3A_2850 = arith.index_cast %add3A_2818 : i32 to index
      %get3A_2851 = arith.constant 32 : index
      %get3A_2852 = tpu.vector_load %arg9[%get3A_2850, %get3A_2851] {strides = array<i32>} : memref<128x128xf32, #tpu.memory_space<vmem>>, vector<16xf32>,
      %mul3A_2853 = vector.broadcast %reduce_sum3A_2807 : f32 to vector<16xf32>
      %mul3A_2854 = arith.mulf %mul3A_2853, %get3A_2849 : vector<16xf32>
      %mul3A_2855 = vector.broadcast %reduce_sum3A_2814 : f32 to vector<16xf32>
      %mul3A_2856 = arith.mulf %mul3A_2855, %get3A_2852 : vector<16xf32>
      %add3A_2857 = arith.addf %mul3A_2854, %mul3A_2856 : vector<16xf32>
      %swap3A_2858 = arith.index_cast %add3A_2818 : i32 to index
      %swap3A_2859 = arith.constant 32 : index
      %swap3A_2860 = tpu.vector_load %arg10[%swap3A_2858, %swap3A_2859] {strides = array<i32>} : memref<128x96xf32, #tpu.memory_space<vmem>>, vector<16xf32>,
      tpu.vector_store %arg10[%swap3A_2858, %swap3A_2859], %add3A_2857 {strides = array<i32>} : memref<128x96xf32, #tpu.memory_space<vmem>>, vector<16xf32>,
      %get3A_2861 = arith.index_cast %add3A_2818 : i32 to index
      %get3A_2862 = arith.constant 48 : index
      %get3A_2863 = tpu.vector_load %arg8[%get3A_2861, %get3A_2862] {strides = array<i32>} : memref<128x128xf32, #tpu.memory_space<vmem>>, vector<16xf32>,
      %get3A_2864 = arith.index_cast %add3A_2818 : i32 to index
      %get3A_2865 = arith.constant 48 : index
      %get3A_2866 = tpu.vector_load %arg9[%get3A_2864, %get3A_2865] {strides = array<i32>} : memref<128x128xf32, #tpu.memory_space<vmem>>, vector<16xf32>,
      %mul3A_2867 = vector.broadcast %reduce_sum3A_2807 : f32 to vector<16xf32>
      %mul3A_2868 = arith.mulf %mul3A_2867, %get3A_2863 : vector<16xf32>
      %mul3A_2869 = vector.broadcast %reduce_sum3A_2814 : f32 to vector<16xf32>
      %mul3A_2870 = arith.mulf %mul3A_2869, %get3A_2866 : vector<16xf32>
      %add3A_2871 = arith.addf %mul3A_2868, %mul3A_2870 : vector<16xf32>
      %swap3A_2872 = arith.index_cast %add3A_2818 : i32 to index
      %swap3A_2873 = arith.constant 48 : index
      %swap3A_2874 = tpu.vector_load %arg10[%swap3A_2872, %swap3A_2873] {strides = array<i32>} : memref<128x96xf32, #tpu.memory_space<vmem>>, vector<16xf32>,
      tpu.vector_store %arg10[%swap3A_2872, %swap3A_2873], %add3A_2871 {strides = array<i32>} : memref<128x96xf32, #tpu.memory_space<vmem>>, vector<16xf32>,
      %get3A_2875 = arith.index_cast %add3A_2818 : i32 to index
      %get3A_2876 = arith.constant 64 : index
      %get3A_2877 = tpu.vector_load %arg8[%get3A_2875, %get3A_2876] {strides = array<i32>} : memref<128x128xf32, #tpu.memory_space<vmem>>, vector<16xf32>,
      %get3A_2878 = arith.index_cast %add3A_2818 : i32 to index
      %get3A_2879 = arith.constant 64 : index
      %get3A_2880 = tpu.vector_load %arg9[%get3A_2878, %get3A_2879] {strides = array<i32>} : memref<128x128xf32, #tpu.memory_space<vmem>>, vector<16xf32>,
      %mul3A_2881 = vector.broadcast %reduce_sum3A_2807 : f32 to vector<16xf32>
      %mul3A_2882 = arith.mulf %mul3A_2881, %get3A_2877 : vector<16xf32>
      %mul3A_2883 = vector.broadcast %reduce_sum3A_2814 : f32 to vector<16xf32>
      %mul3A_2884 = arith.mulf %mul3A_2883, %get3A_2880 : vector<16xf32>
      %add3A_2885 = arith.addf %mul3A_2882, %mul3A_2884 : vector<16xf32>
      %swap3A_2886 = arith.index_cast %add3A_2818 : i32 to index
      %swap3A_2887 = arith.constant 64 : index
      %swap3A_2888 = tpu.vector_load %arg10[%swap3A_2886, %swap3A_2887] {strides = array<i32>} : memref<128x96xf32, #tpu.memory_space<vmem>>, vector<16xf32>,
      tpu.vector_store %arg10[%swap3A_2886, %swap3A_2887], %add3A_2885 {strides = array<i32>} : memref<128x96xf32, #tpu.memory_space<vmem>>, vector<16xf32>,
      %get3A_2889 = arith.index_cast %add3A_2818 : i32 to index
      %get3A_2890 = arith.constant 80 : index
      %get3A_2891 = tpu.vector_load %arg8[%get3A_2889, %get3A_2890] {strides = array<i32>} : memref<128x128xf32, #tpu.memory_space<vmem>>, vector<16xf32>,
      %get3A_2892 = arith.index_cast %add3A_2818 : i32 to index
      %get3A_2893 = arith.constant 80 : index
      %get3A_2894 = tpu.vector_load %arg9[%get3A_2892, %get3A_2893] {strides = array<i32>} : memref<128x128xf32, #tpu.memory_space<vmem>>, vector<16xf32>,
      %mul3A_2895 = vector.broadcast %reduce_sum3A_2807 : f32 to vector<16xf32>
      %mul3A_2896 = arith.mulf %mul3A_2895, %get3A_2891 : vector<16xf32>
      %mul3A_2897 = vector.broadcast %reduce_sum3A_2814 : f32 to vector<16xf32>
      %mul3A_2898 = arith.mulf %mul3A_2897, %get3A_2894 : vector<16xf32>
      %add3A_2899 = arith.addf %mul3A_2896, %mul3A_2898 : vector<16xf32>
      %swap3A_2900 = arith.index_cast %add3A_2818 : i32 to index
      %swap3A_2901 = arith.constant 80 : index
      %swap3A_2902 = tpu.vector_load %arg10[%swap3A_2900, %swap3A_2901] {strides = array<i32>} : memref<128x96xf32, #tpu.memory_space<vmem>>, vector<16xf32>,
      tpu.vector_store %arg10[%swap3A_2900, %swap3A_2901], %add3A_2899 {strides = array<i32>} : memref<128x96xf32, #tpu.memory_space<vmem>>, vector<16xf32>,
      %eq3A_2903 = arith.constant 12 : i32
      %eq3A_2904 = vector.broadcast %eq3A_2903 : i32 to vector<16xi32>
      %eq3A_2905 = arith.cmpi eq, %iota3A, %eq3A_2904 : vector<16xi32>
      %jit3A_2906 = arith.constant 0.000000e+00 : f32
      %broadcast_in_dim3A_2907 = vector.broadcast %jit3A_2906 : f32 to vector<16xf32>
      %select_n3A_2908 = arith.select %eq3A_2905, %get3A_1640, %broadcast_in_dim3A_2907 : vector<16xi1>, vector<16xf32>
      %reduce_sum3A_2909 = arith.constant true
      %reduce_sum3A_2910 = vector.broadcast %reduce_sum3A_2909 : i1 to vector<16xi1>
      %reduce_sum3A_2911 = tpu.scan <sum>, %select_n3A_2908 masked %reduce_sum3A_2910 : vector<16xf32>, vector<16xi1> -> vector<16xf32>
      %reduce_sum3A_2912 = vector.extract %reduce_sum3A_2911[15] : f32 from vector<16xf32>
      %jit3A_2913 = arith.constant 0.000000e+00 : f32
      %broadcast_in_dim3A_2914 = vector.broadcast %jit3A_2913 : f32 to vector<16xf32>
      %select_n3A_2915 = arith.select %eq3A_2905, %get3A_1644, %broadcast_in_dim3A_2914 : vector<16xi1>, vector<16xf32>
      %reduce_sum3A_2916 = arith.constant true
      %reduce_sum3A_2917 = vector.broadcast %reduce_sum3A_2916 : i1 to vector<16xi1>
      %reduce_sum3A_2918 = tpu.scan <sum>, %select_n3A_2915 masked %reduce_sum3A_2917 : vector<16xf32>, vector<16xi1> -> vector<16xf32>
      %reduce_sum3A_2919 = vector.extract %reduce_sum3A_2918[15] : f32 from vector<16xf32>
      %mul3A_2920 = arith.constant 16 : i32
      %mul3A_2921 = arith.muli %scan3A_1637, %mul3A_2920 : i32
      %add3A_2922 = arith.constant 12 : i32
      %add3A_2923 = arith.addi %mul3A_2921, %add3A_2922 : i32
      %get3A_2924 = arith.index_cast %add3A_2923 : i32 to index
      %get3A_2925 = arith.constant 0 : index
      %get3A_2926 = tpu.vector_load %arg8[%get3A_2924, %get3A_2925] {strides = array<i32>} : memref<128x128xf32, #tpu.memory_space<vmem>>, vector<16xf32>,
      %get3A_2927 = arith.index_cast %add3A_2923 : i32 to index
      %get3A_2928 = arith.constant 0 : index
      %get3A_2929 = tpu.vector_load %arg9[%get3A_2927, %get3A_2928] {strides = array<i32>} : memref<128x128xf32, #tpu.memory_space<vmem>>, vector<16xf32>,
      %mul3A_2930 = vector.broadcast %reduce_sum3A_2912 : f32 to vector<16xf32>
      %mul3A_2931 = arith.mulf %mul3A_2930, %get3A_2926 : vector<16xf32>
      %mul3A_2932 = vector.broadcast %reduce_sum3A_2919 : f32 to vector<16xf32>
      %mul3A_2933 = arith.mulf %mul3A_2932, %get3A_2929 : vector<16xf32>
      %add3A_2934 = arith.addf %mul3A_2931, %mul3A_2933 : vector<16xf32>
      %swap3A_2935 = arith.index_cast %add3A_2923 : i32 to index
      %swap3A_2936 = arith.constant 0 : index
      %swap3A_2937 = tpu.vector_load %arg10[%swap3A_2935, %swap3A_2936] {strides = array<i32>} : memref<128x96xf32, #tpu.memory_space<vmem>>, vector<16xf32>,
      tpu.vector_store %arg10[%swap3A_2935, %swap3A_2936], %add3A_2934 {strides = array<i32>} : memref<128x96xf32, #tpu.memory_space<vmem>>, vector<16xf32>,
      %get3A_2938 = arith.index_cast %add3A_2923 : i32 to index
      %get3A_2939 = arith.constant 16 : index
      %get3A_2940 = tpu.vector_load %arg8[%get3A_2938, %get3A_2939] {strides = array<i32>} : memref<128x128xf32, #tpu.memory_space<vmem>>, vector<16xf32>,
      %get3A_2941 = arith.index_cast %add3A_2923 : i32 to index
      %get3A_2942 = arith.constant 16 : index
      %get3A_2943 = tpu.vector_load %arg9[%get3A_2941, %get3A_2942] {strides = array<i32>} : memref<128x128xf32, #tpu.memory_space<vmem>>, vector<16xf32>,
      %mul3A_2944 = vector.broadcast %reduce_sum3A_2912 : f32 to vector<16xf32>
      %mul3A_2945 = arith.mulf %mul3A_2944, %get3A_2940 : vector<16xf32>
      %mul3A_2946 = vector.broadcast %reduce_sum3A_2919 : f32 to vector<16xf32>
      %mul3A_2947 = arith.mulf %mul3A_2946, %get3A_2943 : vector<16xf32>
      %add3A_2948 = arith.addf %mul3A_2945, %mul3A_2947 : vector<16xf32>
      %swap3A_2949 = arith.index_cast %add3A_2923 : i32 to index
      %swap3A_2950 = arith.constant 16 : index
      %swap3A_2951 = tpu.vector_load %arg10[%swap3A_2949, %swap3A_2950] {strides = array<i32>} : memref<128x96xf32, #tpu.memory_space<vmem>>, vector<16xf32>,
      tpu.vector_store %arg10[%swap3A_2949, %swap3A_2950], %add3A_2948 {strides = array<i32>} : memref<128x96xf32, #tpu.memory_space<vmem>>, vector<16xf32>,
      %get3A_2952 = arith.index_cast %add3A_2923 : i32 to index
      %get3A_2953 = arith.constant 32 : index
      %get3A_2954 = tpu.vector_load %arg8[%get3A_2952, %get3A_2953] {strides = array<i32>} : memref<128x128xf32, #tpu.memory_space<vmem>>, vector<16xf32>,
      %get3A_2955 = arith.index_cast %add3A_2923 : i32 to index
      %get3A_2956 = arith.constant 32 : index
      %get3A_2957 = tpu.vector_load %arg9[%get3A_2955, %get3A_2956] {strides = array<i32>} : memref<128x128xf32, #tpu.memory_space<vmem>>, vector<16xf32>,
      %mul3A_2958 = vector.broadcast %reduce_sum3A_2912 : f32 to vector<16xf32>
      %mul3A_2959 = arith.mulf %mul3A_2958, %get3A_2954 : vector<16xf32>
      %mul3A_2960 = vector.broadcast %reduce_sum3A_2919 : f32 to vector<16xf32>
      %mul3A_2961 = arith.mulf %mul3A_2960, %get3A_2957 : vector<16xf32>
      %add3A_2962 = arith.addf %mul3A_2959, %mul3A_2961 : vector<16xf32>
      %swap3A_2963 = arith.index_cast %add3A_2923 : i32 to index
      %swap3A_2964 = arith.constant 32 : index
      %swap3A_2965 = tpu.vector_load %arg10[%swap3A_2963, %swap3A_2964] {strides = array<i32>} : memref<128x96xf32, #tpu.memory_space<vmem>>, vector<16xf32>,
      tpu.vector_store %arg10[%swap3A_2963, %swap3A_2964], %add3A_2962 {strides = array<i32>} : memref<128x96xf32, #tpu.memory_space<vmem>>, vector<16xf32>,
      %get3A_2966 = arith.index_cast %add3A_2923 : i32 to index
      %get3A_2967 = arith.constant 48 : index
      %get3A_2968 = tpu.vector_load %arg8[%get3A_2966, %get3A_2967] {strides = array<i32>} : memref<128x128xf32, #tpu.memory_space<vmem>>, vector<16xf32>,
      %get3A_2969 = arith.index_cast %add3A_2923 : i32 to index
      %get3A_2970 = arith.constant 48 : index
      %get3A_2971 = tpu.vector_load %arg9[%get3A_2969, %get3A_2970] {strides = array<i32>} : memref<128x128xf32, #tpu.memory_space<vmem>>, vector<16xf32>,
      %mul3A_2972 = vector.broadcast %reduce_sum3A_2912 : f32 to vector<16xf32>
      %mul3A_2973 = arith.mulf %mul3A_2972, %get3A_2968 : vector<16xf32>
      %mul3A_2974 = vector.broadcast %reduce_sum3A_2919 : f32 to vector<16xf32>
      %mul3A_2975 = arith.mulf %mul3A_2974, %get3A_2971 : vector<16xf32>
      %add3A_2976 = arith.addf %mul3A_2973, %mul3A_2975 : vector<16xf32>
      %swap3A_2977 = arith.index_cast %add3A_2923 : i32 to index
      %swap3A_2978 = arith.constant 48 : index
      %swap3A_2979 = tpu.vector_load %arg10[%swap3A_2977, %swap3A_2978] {strides = array<i32>} : memref<128x96xf32, #tpu.memory_space<vmem>>, vector<16xf32>,
      tpu.vector_store %arg10[%swap3A_2977, %swap3A_2978], %add3A_2976 {strides = array<i32>} : memref<128x96xf32, #tpu.memory_space<vmem>>, vector<16xf32>,
      %get3A_2980 = arith.index_cast %add3A_2923 : i32 to index
      %get3A_2981 = arith.constant 64 : index
      %get3A_2982 = tpu.vector_load %arg8[%get3A_2980, %get3A_2981] {strides = array<i32>} : memref<128x128xf32, #tpu.memory_space<vmem>>, vector<16xf32>,
      %get3A_2983 = arith.index_cast %add3A_2923 : i32 to index
      %get3A_2984 = arith.constant 64 : index
      %get3A_2985 = tpu.vector_load %arg9[%get3A_2983, %get3A_2984] {strides = array<i32>} : memref<128x128xf32, #tpu.memory_space<vmem>>, vector<16xf32>,
      %mul3A_2986 = vector.broadcast %reduce_sum3A_2912 : f32 to vector<16xf32>
      %mul3A_2987 = arith.mulf %mul3A_2986, %get3A_2982 : vector<16xf32>
      %mul3A_2988 = vector.broadcast %reduce_sum3A_2919 : f32 to vector<16xf32>
      %mul3A_2989 = arith.mulf %mul3A_2988, %get3A_2985 : vector<16xf32>
      %add3A_2990 = arith.addf %mul3A_2987, %mul3A_2989 : vector<16xf32>
      %swap3A_2991 = arith.index_cast %add3A_2923 : i32 to index
      %swap3A_2992 = arith.constant 64 : index
      %swap3A_2993 = tpu.vector_load %arg10[%swap3A_2991, %swap3A_2992] {strides = array<i32>} : memref<128x96xf32, #tpu.memory_space<vmem>>, vector<16xf32>,
      tpu.vector_store %arg10[%swap3A_2991, %swap3A_2992], %add3A_2990 {strides = array<i32>} : memref<128x96xf32, #tpu.memory_space<vmem>>, vector<16xf32>,
      %get3A_2994 = arith.index_cast %add3A_2923 : i32 to index
      %get3A_2995 = arith.constant 80 : index
      %get3A_2996 = tpu.vector_load %arg8[%get3A_2994, %get3A_2995] {strides = array<i32>} : memref<128x128xf32, #tpu.memory_space<vmem>>, vector<16xf32>,
      %get3A_2997 = arith.index_cast %add3A_2923 : i32 to index
      %get3A_2998 = arith.constant 80 : index
      %get3A_2999 = tpu.vector_load %arg9[%get3A_2997, %get3A_2998] {strides = array<i32>} : memref<128x128xf32, #tpu.memory_space<vmem>>, vector<16xf32>,
      %mul3A_3000 = vector.broadcast %reduce_sum3A_2912 : f32 to vector<16xf32>
      %mul3A_3001 = arith.mulf %mul3A_3000, %get3A_2996 : vector<16xf32>
      %mul3A_3002 = vector.broadcast %reduce_sum3A_2919 : f32 to vector<16xf32>
      %mul3A_3003 = arith.mulf %mul3A_3002, %get3A_2999 : vector<16xf32>
      %add3A_3004 = arith.addf %mul3A_3001, %mul3A_3003 : vector<16xf32>
      %swap3A_3005 = arith.index_cast %add3A_2923 : i32 to index
      %swap3A_3006 = arith.constant 80 : index
      %swap3A_3007 = tpu.vector_load %arg10[%swap3A_3005, %swap3A_3006] {strides = array<i32>} : memref<128x96xf32, #tpu.memory_space<vmem>>, vector<16xf32>,
      tpu.vector_store %arg10[%swap3A_3005, %swap3A_3006], %add3A_3004 {strides = array<i32>} : memref<128x96xf32, #tpu.memory_space<vmem>>, vector<16xf32>,
      %eq3A_3008 = arith.constant 13 : i32
      %eq3A_3009 = vector.broadcast %eq3A_3008 : i32 to vector<16xi32>
      %eq3A_3010 = arith.cmpi eq, %iota3A, %eq3A_3009 : vector<16xi32>
      %jit3A_3011 = arith.constant 0.000000e+00 : f32
      %broadcast_in_dim3A_3012 = vector.broadcast %jit3A_3011 : f32 to vector<16xf32>
      %select_n3A_3013 = arith.select %eq3A_3010, %get3A_1640, %broadcast_in_dim3A_3012 : vector<16xi1>, vector<16xf32>
      %reduce_sum3A_3014 = arith.constant true
      %reduce_sum3A_3015 = vector.broadcast %reduce_sum3A_3014 : i1 to vector<16xi1>
      %reduce_sum3A_3016 = tpu.scan <sum>, %select_n3A_3013 masked %reduce_sum3A_3015 : vector<16xf32>, vector<16xi1> -> vector<16xf32>
      %reduce_sum3A_3017 = vector.extract %reduce_sum3A_3016[15] : f32 from vector<16xf32>
      %jit3A_3018 = arith.constant 0.000000e+00 : f32
      %broadcast_in_dim3A_3019 = vector.broadcast %jit3A_3018 : f32 to vector<16xf32>
      %select_n3A_3020 = arith.select %eq3A_3010, %get3A_1644, %broadcast_in_dim3A_3019 : vector<16xi1>, vector<16xf32>
      %reduce_sum3A_3021 = arith.constant true
      %reduce_sum3A_3022 = vector.broadcast %reduce_sum3A_3021 : i1 to vector<16xi1>
      %reduce_sum3A_3023 = tpu.scan <sum>, %select_n3A_3020 masked %reduce_sum3A_3022 : vector<16xf32>, vector<16xi1> -> vector<16xf32>
      %reduce_sum3A_3024 = vector.extract %reduce_sum3A_3023[15] : f32 from vector<16xf32>
      %mul3A_3025 = arith.constant 16 : i32
      %mul3A_3026 = arith.muli %scan3A_1637, %mul3A_3025 : i32
      %add3A_3027 = arith.constant 13 : i32
      %add3A_3028 = arith.addi %mul3A_3026, %add3A_3027 : i32
      %get3A_3029 = arith.index_cast %add3A_3028 : i32 to index
      %get3A_3030 = arith.constant 0 : index
      %get3A_3031 = tpu.vector_load %arg8[%get3A_3029, %get3A_3030] {strides = array<i32>} : memref<128x128xf32, #tpu.memory_space<vmem>>, vector<16xf32>,
      %get3A_3032 = arith.index_cast %add3A_3028 : i32 to index
      %get3A_3033 = arith.constant 0 : index
      %get3A_3034 = tpu.vector_load %arg9[%get3A_3032, %get3A_3033] {strides = array<i32>} : memref<128x128xf32, #tpu.memory_space<vmem>>, vector<16xf32>,
      %mul3A_3035 = vector.broadcast %reduce_sum3A_3017 : f32 to vector<16xf32>
      %mul3A_3036 = arith.mulf %mul3A_3035, %get3A_3031 : vector<16xf32>
      %mul3A_3037 = vector.broadcast %reduce_sum3A_3024 : f32 to vector<16xf32>
      %mul3A_3038 = arith.mulf %mul3A_3037, %get3A_3034 : vector<16xf32>
      %add3A_3039 = arith.addf %mul3A_3036, %mul3A_3038 : vector<16xf32>
      %swap3A_3040 = arith.index_cast %add3A_3028 : i32 to index
      %swap3A_3041 = arith.constant 0 : index
      %swap3A_3042 = tpu.vector_load %arg10[%swap3A_3040, %swap3A_3041] {strides = array<i32>} : memref<128x96xf32, #tpu.memory_space<vmem>>, vector<16xf32>,
      tpu.vector_store %arg10[%swap3A_3040, %swap3A_3041], %add3A_3039 {strides = array<i32>} : memref<128x96xf32, #tpu.memory_space<vmem>>, vector<16xf32>,
      %get3A_3043 = arith.index_cast %add3A_3028 : i32 to index
      %get3A_3044 = arith.constant 16 : index
      %get3A_3045 = tpu.vector_load %arg8[%get3A_3043, %get3A_3044] {strides = array<i32>} : memref<128x128xf32, #tpu.memory_space<vmem>>, vector<16xf32>,
      %get3A_3046 = arith.index_cast %add3A_3028 : i32 to index
      %get3A_3047 = arith.constant 16 : index
      %get3A_3048 = tpu.vector_load %arg9[%get3A_3046, %get3A_3047] {strides = array<i32>} : memref<128x128xf32, #tpu.memory_space<vmem>>, vector<16xf32>,
      %mul3A_3049 = vector.broadcast %reduce_sum3A_3017 : f32 to vector<16xf32>
      %mul3A_3050 = arith.mulf %mul3A_3049, %get3A_3045 : vector<16xf32>
      %mul3A_3051 = vector.broadcast %reduce_sum3A_3024 : f32 to vector<16xf32>
      %mul3A_3052 = arith.mulf %mul3A_3051, %get3A_3048 : vector<16xf32>
      %add3A_3053 = arith.addf %mul3A_3050, %mul3A_3052 : vector<16xf32>
      %swap3A_3054 = arith.index_cast %add3A_3028 : i32 to index
      %swap3A_3055 = arith.constant 16 : index
      %swap3A_3056 = tpu.vector_load %arg10[%swap3A_3054, %swap3A_3055] {strides = array<i32>} : memref<128x96xf32, #tpu.memory_space<vmem>>, vector<16xf32>,
      tpu.vector_store %arg10[%swap3A_3054, %swap3A_3055], %add3A_3053 {strides = array<i32>} : memref<128x96xf32, #tpu.memory_space<vmem>>, vector<16xf32>,
      %get3A_3057 = arith.index_cast %add3A_3028 : i32 to index
      %get3A_3058 = arith.constant 32 : index
      %get3A_3059 = tpu.vector_load %arg8[%get3A_3057, %get3A_3058] {strides = array<i32>} : memref<128x128xf32, #tpu.memory_space<vmem>>, vector<16xf32>,
      %get3A_3060 = arith.index_cast %add3A_3028 : i32 to index
      %get3A_3061 = arith.constant 32 : index
      %get3A_3062 = tpu.vector_load %arg9[%get3A_3060, %get3A_3061] {strides = array<i32>} : memref<128x128xf32, #tpu.memory_space<vmem>>, vector<16xf32>,
      %mul3A_3063 = vector.broadcast %reduce_sum3A_3017 : f32 to vector<16xf32>
      %mul3A_3064 = arith.mulf %mul3A_3063, %get3A_3059 : vector<16xf32>
      %mul3A_3065 = vector.broadcast %reduce_sum3A_3024 : f32 to vector<16xf32>
      %mul3A_3066 = arith.mulf %mul3A_3065, %get3A_3062 : vector<16xf32>
      %add3A_3067 = arith.addf %mul3A_3064, %mul3A_3066 : vector<16xf32>
      %swap3A_3068 = arith.index_cast %add3A_3028 : i32 to index
      %swap3A_3069 = arith.constant 32 : index
      %swap3A_3070 = tpu.vector_load %arg10[%swap3A_3068, %swap3A_3069] {strides = array<i32>} : memref<128x96xf32, #tpu.memory_space<vmem>>, vector<16xf32>,
      tpu.vector_store %arg10[%swap3A_3068, %swap3A_3069], %add3A_3067 {strides = array<i32>} : memref<128x96xf32, #tpu.memory_space<vmem>>, vector<16xf32>,
      %get3A_3071 = arith.index_cast %add3A_3028 : i32 to index
      %get3A_3072 = arith.constant 48 : index
      %get3A_3073 = tpu.vector_load %arg8[%get3A_3071, %get3A_3072] {strides = array<i32>} : memref<128x128xf32, #tpu.memory_space<vmem>>, vector<16xf32>,
      %get3A_3074 = arith.index_cast %add3A_3028 : i32 to index
      %get3A_3075 = arith.constant 48 : index
      %get3A_3076 = tpu.vector_load %arg9[%get3A_3074, %get3A_3075] {strides = array<i32>} : memref<128x128xf32, #tpu.memory_space<vmem>>, vector<16xf32>,
      %mul3A_3077 = vector.broadcast %reduce_sum3A_3017 : f32 to vector<16xf32>
      %mul3A_3078 = arith.mulf %mul3A_3077, %get3A_3073 : vector<16xf32>
      %mul3A_3079 = vector.broadcast %reduce_sum3A_3024 : f32 to vector<16xf32>
      %mul3A_3080 = arith.mulf %mul3A_3079, %get3A_3076 : vector<16xf32>
      %add3A_3081 = arith.addf %mul3A_3078, %mul3A_3080 : vector<16xf32>
      %swap3A_3082 = arith.index_cast %add3A_3028 : i32 to index
      %swap3A_3083 = arith.constant 48 : index
      %swap3A_3084 = tpu.vector_load %arg10[%swap3A_3082, %swap3A_3083] {strides = array<i32>} : memref<128x96xf32, #tpu.memory_space<vmem>>, vector<16xf32>,
      tpu.vector_store %arg10[%swap3A_3082, %swap3A_3083], %add3A_3081 {strides = array<i32>} : memref<128x96xf32, #tpu.memory_space<vmem>>, vector<16xf32>,
      %get3A_3085 = arith.index_cast %add3A_3028 : i32 to index
      %get3A_3086 = arith.constant 64 : index
      %get3A_3087 = tpu.vector_load %arg8[%get3A_3085, %get3A_3086] {strides = array<i32>} : memref<128x128xf32, #tpu.memory_space<vmem>>, vector<16xf32>,
      %get3A_3088 = arith.index_cast %add3A_3028 : i32 to index
      %get3A_3089 = arith.constant 64 : index
      %get3A_3090 = tpu.vector_load %arg9[%get3A_3088, %get3A_3089] {strides = array<i32>} : memref<128x128xf32, #tpu.memory_space<vmem>>, vector<16xf32>,
      %mul3A_3091 = vector.broadcast %reduce_sum3A_3017 : f32 to vector<16xf32>
      %mul3A_3092 = arith.mulf %mul3A_3091, %get3A_3087 : vector<16xf32>
      %mul3A_3093 = vector.broadcast %reduce_sum3A_3024 : f32 to vector<16xf32>
      %mul3A_3094 = arith.mulf %mul3A_3093, %get3A_3090 : vector<16xf32>
      %add3A_3095 = arith.addf %mul3A_3092, %mul3A_3094 : vector<16xf32>
      %swap3A_3096 = arith.index_cast %add3A_3028 : i32 to index
      %swap3A_3097 = arith.constant 64 : index
      %swap3A_3098 = tpu.vector_load %arg10[%swap3A_3096, %swap3A_3097] {strides = array<i32>} : memref<128x96xf32, #tpu.memory_space<vmem>>, vector<16xf32>,
      tpu.vector_store %arg10[%swap3A_3096, %swap3A_3097], %add3A_3095 {strides = array<i32>} : memref<128x96xf32, #tpu.memory_space<vmem>>, vector<16xf32>,
      %get3A_3099 = arith.index_cast %add3A_3028 : i32 to index
      %get3A_3100 = arith.constant 80 : index
      %get3A_3101 = tpu.vector_load %arg8[%get3A_3099, %get3A_3100] {strides = array<i32>} : memref<128x128xf32, #tpu.memory_space<vmem>>, vector<16xf32>,
      %get3A_3102 = arith.index_cast %add3A_3028 : i32 to index
      %get3A_3103 = arith.constant 80 : index
      %get3A_3104 = tpu.vector_load %arg9[%get3A_3102, %get3A_3103] {strides = array<i32>} : memref<128x128xf32, #tpu.memory_space<vmem>>, vector<16xf32>,
      %mul3A_3105 = vector.broadcast %reduce_sum3A_3017 : f32 to vector<16xf32>
      %mul3A_3106 = arith.mulf %mul3A_3105, %get3A_3101 : vector<16xf32>
      %mul3A_3107 = vector.broadcast %reduce_sum3A_3024 : f32 to vector<16xf32>
      %mul3A_3108 = arith.mulf %mul3A_3107, %get3A_3104 : vector<16xf32>
      %add3A_3109 = arith.addf %mul3A_3106, %mul3A_3108 : vector<16xf32>
      %swap3A_3110 = arith.index_cast %add3A_3028 : i32 to index
      %swap3A_3111 = arith.constant 80 : index
      %swap3A_3112 = tpu.vector_load %arg10[%swap3A_3110, %swap3A_3111] {strides = array<i32>} : memref<128x96xf32, #tpu.memory_space<vmem>>, vector<16xf32>,
      tpu.vector_store %arg10[%swap3A_3110, %swap3A_3111], %add3A_3109 {strides = array<i32>} : memref<128x96xf32, #tpu.memory_space<vmem>>, vector<16xf32>,
      %eq3A_3113 = arith.constant 14 : i32
      %eq3A_3114 = vector.broadcast %eq3A_3113 : i32 to vector<16xi32>
      %eq3A_3115 = arith.cmpi eq, %iota3A, %eq3A_3114 : vector<16xi32>
      %jit3A_3116 = arith.constant 0.000000e+00 : f32
      %broadcast_in_dim3A_3117 = vector.broadcast %jit3A_3116 : f32 to vector<16xf32>
      %select_n3A_3118 = arith.select %eq3A_3115, %get3A_1640, %broadcast_in_dim3A_3117 : vector<16xi1>, vector<16xf32>
      %reduce_sum3A_3119 = arith.constant true
      %reduce_sum3A_3120 = vector.broadcast %reduce_sum3A_3119 : i1 to vector<16xi1>
      %reduce_sum3A_3121 = tpu.scan <sum>, %select_n3A_3118 masked %reduce_sum3A_3120 : vector<16xf32>, vector<16xi1> -> vector<16xf32>
      %reduce_sum3A_3122 = vector.extract %reduce_sum3A_3121[15] : f32 from vector<16xf32>
      %jit3A_3123 = arith.constant 0.000000e+00 : f32
      %broadcast_in_dim3A_3124 = vector.broadcast %jit3A_3123 : f32 to vector<16xf32>
      %select_n3A_3125 = arith.select %eq3A_3115, %get3A_1644, %broadcast_in_dim3A_3124 : vector<16xi1>, vector<16xf32>
      %reduce_sum3A_3126 = arith.constant true
      %reduce_sum3A_3127 = vector.broadcast %reduce_sum3A_3126 : i1 to vector<16xi1>
      %reduce_sum3A_3128 = tpu.scan <sum>, %select_n3A_3125 masked %reduce_sum3A_3127 : vector<16xf32>, vector<16xi1> -> vector<16xf32>
      %reduce_sum3A_3129 = vector.extract %reduce_sum3A_3128[15] : f32 from vector<16xf32>
      %mul3A_3130 = arith.constant 16 : i32
      %mul3A_3131 = arith.muli %scan3A_1637, %mul3A_3130 : i32
      %add3A_3132 = arith.constant 14 : i32
      %add3A_3133 = arith.addi %mul3A_3131, %add3A_3132 : i32
      %get3A_3134 = arith.index_cast %add3A_3133 : i32 to index
      %get3A_3135 = arith.constant 0 : index
      %get3A_3136 = tpu.vector_load %arg8[%get3A_3134, %get3A_3135] {strides = array<i32>} : memref<128x128xf32, #tpu.memory_space<vmem>>, vector<16xf32>,
      %get3A_3137 = arith.index_cast %add3A_3133 : i32 to index
      %get3A_3138 = arith.constant 0 : index
      %get3A_3139 = tpu.vector_load %arg9[%get3A_3137, %get3A_3138] {strides = array<i32>} : memref<128x128xf32, #tpu.memory_space<vmem>>, vector<16xf32>,
      %mul3A_3140 = vector.broadcast %reduce_sum3A_3122 : f32 to vector<16xf32>
      %mul3A_3141 = arith.mulf %mul3A_3140, %get3A_3136 : vector<16xf32>
      %mul3A_3142 = vector.broadcast %reduce_sum3A_3129 : f32 to vector<16xf32>
      %mul3A_3143 = arith.mulf %mul3A_3142, %get3A_3139 : vector<16xf32>
      %add3A_3144 = arith.addf %mul3A_3141, %mul3A_3143 : vector<16xf32>
      %swap3A_3145 = arith.index_cast %add3A_3133 : i32 to index
      %swap3A_3146 = arith.constant 0 : index
      %swap3A_3147 = tpu.vector_load %arg10[%swap3A_3145, %swap3A_3146] {strides = array<i32>} : memref<128x96xf32, #tpu.memory_space<vmem>>, vector<16xf32>,
      tpu.vector_store %arg10[%swap3A_3145, %swap3A_3146], %add3A_3144 {strides = array<i32>} : memref<128x96xf32, #tpu.memory_space<vmem>>, vector<16xf32>,
      %get3A_3148 = arith.index_cast %add3A_3133 : i32 to index
      %get3A_3149 = arith.constant 16 : index
      %get3A_3150 = tpu.vector_load %arg8[%get3A_3148, %get3A_3149] {strides = array<i32>} : memref<128x128xf32, #tpu.memory_space<vmem>>, vector<16xf32>,
      %get3A_3151 = arith.index_cast %add3A_3133 : i32 to index
      %get3A_3152 = arith.constant 16 : index
      %get3A_3153 = tpu.vector_load %arg9[%get3A_3151, %get3A_3152] {strides = array<i32>} : memref<128x128xf32, #tpu.memory_space<vmem>>, vector<16xf32>,
      %mul3A_3154 = vector.broadcast %reduce_sum3A_3122 : f32 to vector<16xf32>
      %mul3A_3155 = arith.mulf %mul3A_3154, %get3A_3150 : vector<16xf32>
      %mul3A_3156 = vector.broadcast %reduce_sum3A_3129 : f32 to vector<16xf32>
      %mul3A_3157 = arith.mulf %mul3A_3156, %get3A_3153 : vector<16xf32>
      %add3A_3158 = arith.addf %mul3A_3155, %mul3A_3157 : vector<16xf32>
      %swap3A_3159 = arith.index_cast %add3A_3133 : i32 to index
      %swap3A_3160 = arith.constant 16 : index
      %swap3A_3161 = tpu.vector_load %arg10[%swap3A_3159, %swap3A_3160] {strides = array<i32>} : memref<128x96xf32, #tpu.memory_space<vmem>>, vector<16xf32>,
      tpu.vector_store %arg10[%swap3A_3159, %swap3A_3160], %add3A_3158 {strides = array<i32>} : memref<128x96xf32, #tpu.memory_space<vmem>>, vector<16xf32>,
      %get3A_3162 = arith.index_cast %add3A_3133 : i32 to index
      %get3A_3163 = arith.constant 32 : index
      %get3A_3164 = tpu.vector_load %arg8[%get3A_3162, %get3A_3163] {strides = array<i32>} : memref<128x128xf32, #tpu.memory_space<vmem>>, vector<16xf32>,
      %get3A_3165 = arith.index_cast %add3A_3133 : i32 to index
      %get3A_3166 = arith.constant 32 : index
      %get3A_3167 = tpu.vector_load %arg9[%get3A_3165, %get3A_3166] {strides = array<i32>} : memref<128x128xf32, #tpu.memory_space<vmem>>, vector<16xf32>,
      %mul3A_3168 = vector.broadcast %reduce_sum3A_3122 : f32 to vector<16xf32>
      %mul3A_3169 = arith.mulf %mul3A_3168, %get3A_3164 : vector<16xf32>
      %mul3A_3170 = vector.broadcast %reduce_sum3A_3129 : f32 to vector<16xf32>
      %mul3A_3171 = arith.mulf %mul3A_3170, %get3A_3167 : vector<16xf32>
      %add3A_3172 = arith.addf %mul3A_3169, %mul3A_3171 : vector<16xf32>
      %swap3A_3173 = arith.index_cast %add3A_3133 : i32 to index
      %swap3A_3174 = arith.constant 32 : index
      %swap3A_3175 = tpu.vector_load %arg10[%swap3A_3173, %swap3A_3174] {strides = array<i32>} : memref<128x96xf32, #tpu.memory_space<vmem>>, vector<16xf32>,
      tpu.vector_store %arg10[%swap3A_3173, %swap3A_3174], %add3A_3172 {strides = array<i32>} : memref<128x96xf32, #tpu.memory_space<vmem>>, vector<16xf32>,
      %get3A_3176 = arith.index_cast %add3A_3133 : i32 to index
      %get3A_3177 = arith.constant 48 : index
      %get3A_3178 = tpu.vector_load %arg8[%get3A_3176, %get3A_3177] {strides = array<i32>} : memref<128x128xf32, #tpu.memory_space<vmem>>, vector<16xf32>,
      %get3A_3179 = arith.index_cast %add3A_3133 : i32 to index
      %get3A_3180 = arith.constant 48 : index
      %get3A_3181 = tpu.vector_load %arg9[%get3A_3179, %get3A_3180] {strides = array<i32>} : memref<128x128xf32, #tpu.memory_space<vmem>>, vector<16xf32>,
      %mul3A_3182 = vector.broadcast %reduce_sum3A_3122 : f32 to vector<16xf32>
      %mul3A_3183 = arith.mulf %mul3A_3182, %get3A_3178 : vector<16xf32>
      %mul3A_3184 = vector.broadcast %reduce_sum3A_3129 : f32 to vector<16xf32>
      %mul3A_3185 = arith.mulf %mul3A_3184, %get3A_3181 : vector<16xf32>
      %add3A_3186 = arith.addf %mul3A_3183, %mul3A_3185 : vector<16xf32>
      %swap3A_3187 = arith.index_cast %add3A_3133 : i32 to index
      %swap3A_3188 = arith.constant 48 : index
      %swap3A_3189 = tpu.vector_load %arg10[%swap3A_3187, %swap3A_3188] {strides = array<i32>} : memref<128x96xf32, #tpu.memory_space<vmem>>, vector<16xf32>,
      tpu.vector_store %arg10[%swap3A_3187, %swap3A_3188], %add3A_3186 {strides = array<i32>} : memref<128x96xf32, #tpu.memory_space<vmem>>, vector<16xf32>,
      %get3A_3190 = arith.index_cast %add3A_3133 : i32 to index
      %get3A_3191 = arith.constant 64 : index
      %get3A_3192 = tpu.vector_load %arg8[%get3A_3190, %get3A_3191] {strides = array<i32>} : memref<128x128xf32, #tpu.memory_space<vmem>>, vector<16xf32>,
      %get3A_3193 = arith.index_cast %add3A_3133 : i32 to index
      %get3A_3194 = arith.constant 64 : index
      %get3A_3195 = tpu.vector_load %arg9[%get3A_3193, %get3A_3194] {strides = array<i32>} : memref<128x128xf32, #tpu.memory_space<vmem>>, vector<16xf32>,
      %mul3A_3196 = vector.broadcast %reduce_sum3A_3122 : f32 to vector<16xf32>
      %mul3A_3197 = arith.mulf %mul3A_3196, %get3A_3192 : vector<16xf32>
      %mul3A_3198 = vector.broadcast %reduce_sum3A_3129 : f32 to vector<16xf32>
      %mul3A_3199 = arith.mulf %mul3A_3198, %get3A_3195 : vector<16xf32>
      %add3A_3200 = arith.addf %mul3A_3197, %mul3A_3199 : vector<16xf32>
      %swap3A_3201 = arith.index_cast %add3A_3133 : i32 to index
      %swap3A_3202 = arith.constant 64 : index
      %swap3A_3203 = tpu.vector_load %arg10[%swap3A_3201, %swap3A_3202] {strides = array<i32>} : memref<128x96xf32, #tpu.memory_space<vmem>>, vector<16xf32>,
      tpu.vector_store %arg10[%swap3A_3201, %swap3A_3202], %add3A_3200 {strides = array<i32>} : memref<128x96xf32, #tpu.memory_space<vmem>>, vector<16xf32>,
      %get3A_3204 = arith.index_cast %add3A_3133 : i32 to index
      %get3A_3205 = arith.constant 80 : index
      %get3A_3206 = tpu.vector_load %arg8[%get3A_3204, %get3A_3205] {strides = array<i32>} : memref<128x128xf32, #tpu.memory_space<vmem>>, vector<16xf32>,
      %get3A_3207 = arith.index_cast %add3A_3133 : i32 to index
      %get3A_3208 = arith.constant 80 : index
      %get3A_3209 = tpu.vector_load %arg9[%get3A_3207, %get3A_3208] {strides = array<i32>} : memref<128x128xf32, #tpu.memory_space<vmem>>, vector<16xf32>,
      %mul3A_3210 = vector.broadcast %reduce_sum3A_3122 : f32 to vector<16xf32>
      %mul3A_3211 = arith.mulf %mul3A_3210, %get3A_3206 : vector<16xf32>
      %mul3A_3212 = vector.broadcast %reduce_sum3A_3129 : f32 to vector<16xf32>
      %mul3A_3213 = arith.mulf %mul3A_3212, %get3A_3209 : vector<16xf32>
      %add3A_3214 = arith.addf %mul3A_3211, %mul3A_3213 : vector<16xf32>
      %swap3A_3215 = arith.index_cast %add3A_3133 : i32 to index
      %swap3A_3216 = arith.constant 80 : index
      %swap3A_3217 = tpu.vector_load %arg10[%swap3A_3215, %swap3A_3216] {strides = array<i32>} : memref<128x96xf32, #tpu.memory_space<vmem>>, vector<16xf32>,
      tpu.vector_store %arg10[%swap3A_3215, %swap3A_3216], %add3A_3214 {strides = array<i32>} : memref<128x96xf32, #tpu.memory_space<vmem>>, vector<16xf32>,
      %eq3A_3218 = arith.constant 15 : i32
      %eq3A_3219 = vector.broadcast %eq3A_3218 : i32 to vector<16xi32>
      %eq3A_3220 = arith.cmpi eq, %iota3A, %eq3A_3219 : vector<16xi32>
      %jit3A_3221 = arith.constant 0.000000e+00 : f32
      %broadcast_in_dim3A_3222 = vector.broadcast %jit3A_3221 : f32 to vector<16xf32>
      %select_n3A_3223 = arith.select %eq3A_3220, %get3A_1640, %broadcast_in_dim3A_3222 : vector<16xi1>, vector<16xf32>
      %reduce_sum3A_3224 = arith.constant true
      %reduce_sum3A_3225 = vector.broadcast %reduce_sum3A_3224 : i1 to vector<16xi1>
      %reduce_sum3A_3226 = tpu.scan <sum>, %select_n3A_3223 masked %reduce_sum3A_3225 : vector<16xf32>, vector<16xi1> -> vector<16xf32>
      %reduce_sum3A_3227 = vector.extract %reduce_sum3A_3226[15] : f32 from vector<16xf32>
      %jit3A_3228 = arith.constant 0.000000e+00 : f32
      %broadcast_in_dim3A_3229 = vector.broadcast %jit3A_3228 : f32 to vector<16xf32>
      %select_n3A_3230 = arith.select %eq3A_3220, %get3A_1644, %broadcast_in_dim3A_3229 : vector<16xi1>, vector<16xf32>
      %reduce_sum3A_3231 = arith.constant true
      %reduce_sum3A_3232 = vector.broadcast %reduce_sum3A_3231 : i1 to vector<16xi1>
      %reduce_sum3A_3233 = tpu.scan <sum>, %select_n3A_3230 masked %reduce_sum3A_3232 : vector<16xf32>, vector<16xi1> -> vector<16xf32>
      %reduce_sum3A_3234 = vector.extract %reduce_sum3A_3233[15] : f32 from vector<16xf32>
      %mul3A_3235 = arith.constant 16 : i32
      %mul3A_3236 = arith.muli %scan3A_1637, %mul3A_3235 : i32
      %add3A_3237 = arith.constant 15 : i32
      %add3A_3238 = arith.addi %mul3A_3236, %add3A_3237 : i32
      %get3A_3239 = arith.index_cast %add3A_3238 : i32 to index
      %get3A_3240 = arith.constant 0 : index
      %get3A_3241 = tpu.vector_load %arg8[%get3A_3239, %get3A_3240] {strides = array<i32>} : memref<128x128xf32, #tpu.memory_space<vmem>>, vector<16xf32>,
      %get3A_3242 = arith.index_cast %add3A_3238 : i32 to index
      %get3A_3243 = arith.constant 0 : index
      %get3A_3244 = tpu.vector_load %arg9[%get3A_3242, %get3A_3243] {strides = array<i32>} : memref<128x128xf32, #tpu.memory_space<vmem>>, vector<16xf32>,
      %mul3A_3245 = vector.broadcast %reduce_sum3A_3227 : f32 to vector<16xf32>
      %mul3A_3246 = arith.mulf %mul3A_3245, %get3A_3241 : vector<16xf32>
      %mul3A_3247 = vector.broadcast %reduce_sum3A_3234 : f32 to vector<16xf32>
      %mul3A_3248 = arith.mulf %mul3A_3247, %get3A_3244 : vector<16xf32>
      %add3A_3249 = arith.addf %mul3A_3246, %mul3A_3248 : vector<16xf32>
      %swap3A_3250 = arith.index_cast %add3A_3238 : i32 to index
      %swap3A_3251 = arith.constant 0 : index
      %swap3A_3252 = tpu.vector_load %arg10[%swap3A_3250, %swap3A_3251] {strides = array<i32>} : memref<128x96xf32, #tpu.memory_space<vmem>>, vector<16xf32>,
      tpu.vector_store %arg10[%swap3A_3250, %swap3A_3251], %add3A_3249 {strides = array<i32>} : memref<128x96xf32, #tpu.memory_space<vmem>>, vector<16xf32>,
      %get3A_3253 = arith.index_cast %add3A_3238 : i32 to index
      %get3A_3254 = arith.constant 16 : index
      %get3A_3255 = tpu.vector_load %arg8[%get3A_3253, %get3A_3254] {strides = array<i32>} : memref<128x128xf32, #tpu.memory_space<vmem>>, vector<16xf32>,
      %get3A_3256 = arith.index_cast %add3A_3238 : i32 to index
      %get3A_3257 = arith.constant 16 : index
      %get3A_3258 = tpu.vector_load %arg9[%get3A_3256, %get3A_3257] {strides = array<i32>} : memref<128x128xf32, #tpu.memory_space<vmem>>, vector<16xf32>,
      %mul3A_3259 = vector.broadcast %reduce_sum3A_3227 : f32 to vector<16xf32>
      %mul3A_3260 = arith.mulf %mul3A_3259, %get3A_3255 : vector<16xf32>
      %mul3A_3261 = vector.broadcast %reduce_sum3A_3234 : f32 to vector<16xf32>
      %mul3A_3262 = arith.mulf %mul3A_3261, %get3A_3258 : vector<16xf32>
      %add3A_3263 = arith.addf %mul3A_3260, %mul3A_3262 : vector<16xf32>
      %swap3A_3264 = arith.index_cast %add3A_3238 : i32 to index
      %swap3A_3265 = arith.constant 16 : index
      %swap3A_3266 = tpu.vector_load %arg10[%swap3A_3264, %swap3A_3265] {strides = array<i32>} : memref<128x96xf32, #tpu.memory_space<vmem>>, vector<16xf32>,
      tpu.vector_store %arg10[%swap3A_3264, %swap3A_3265], %add3A_3263 {strides = array<i32>} : memref<128x96xf32, #tpu.memory_space<vmem>>, vector<16xf32>,
      %get3A_3267 = arith.index_cast %add3A_3238 : i32 to index
      %get3A_3268 = arith.constant 32 : index
      %get3A_3269 = tpu.vector_load %arg8[%get3A_3267, %get3A_3268] {strides = array<i32>} : memref<128x128xf32, #tpu.memory_space<vmem>>, vector<16xf32>,
      %get3A_3270 = arith.index_cast %add3A_3238 : i32 to index
      %get3A_3271 = arith.constant 32 : index
      %get3A_3272 = tpu.vector_load %arg9[%get3A_3270, %get3A_3271] {strides = array<i32>} : memref<128x128xf32, #tpu.memory_space<vmem>>, vector<16xf32>,
      %mul3A_3273 = vector.broadcast %reduce_sum3A_3227 : f32 to vector<16xf32>
      %mul3A_3274 = arith.mulf %mul3A_3273, %get3A_3269 : vector<16xf32>
      %mul3A_3275 = vector.broadcast %reduce_sum3A_3234 : f32 to vector<16xf32>
      %mul3A_3276 = arith.mulf %mul3A_3275, %get3A_3272 : vector<16xf32>
      %add3A_3277 = arith.addf %mul3A_3274, %mul3A_3276 : vector<16xf32>
      %swap3A_3278 = arith.index_cast %add3A_3238 : i32 to index
      %swap3A_3279 = arith.constant 32 : index
      %swap3A_3280 = tpu.vector_load %arg10[%swap3A_3278, %swap3A_3279] {strides = array<i32>} : memref<128x96xf32, #tpu.memory_space<vmem>>, vector<16xf32>,
      tpu.vector_store %arg10[%swap3A_3278, %swap3A_3279], %add3A_3277 {strides = array<i32>} : memref<128x96xf32, #tpu.memory_space<vmem>>, vector<16xf32>,
      %get3A_3281 = arith.index_cast %add3A_3238 : i32 to index
      %get3A_3282 = arith.constant 48 : index
      %get3A_3283 = tpu.vector_load %arg8[%get3A_3281, %get3A_3282] {strides = array<i32>} : memref<128x128xf32, #tpu.memory_space<vmem>>, vector<16xf32>,
      %get3A_3284 = arith.index_cast %add3A_3238 : i32 to index
      %get3A_3285 = arith.constant 48 : index
      %get3A_3286 = tpu.vector_load %arg9[%get3A_3284, %get3A_3285] {strides = array<i32>} : memref<128x128xf32, #tpu.memory_space<vmem>>, vector<16xf32>,
      %mul3A_3287 = vector.broadcast %reduce_sum3A_3227 : f32 to vector<16xf32>
      %mul3A_3288 = arith.mulf %mul3A_3287, %get3A_3283 : vector<16xf32>
      %mul3A_3289 = vector.broadcast %reduce_sum3A_3234 : f32 to vector<16xf32>
      %mul3A_3290 = arith.mulf %mul3A_3289, %get3A_3286 : vector<16xf32>
      %add3A_3291 = arith.addf %mul3A_3288, %mul3A_3290 : vector<16xf32>
      %swap3A_3292 = arith.index_cast %add3A_3238 : i32 to index
      %swap3A_3293 = arith.constant 48 : index
      %swap3A_3294 = tpu.vector_load %arg10[%swap3A_3292, %swap3A_3293] {strides = array<i32>} : memref<128x96xf32, #tpu.memory_space<vmem>>, vector<16xf32>,
      tpu.vector_store %arg10[%swap3A_3292, %swap3A_3293], %add3A_3291 {strides = array<i32>} : memref<128x96xf32, #tpu.memory_space<vmem>>, vector<16xf32>,
      %get3A_3295 = arith.index_cast %add3A_3238 : i32 to index
      %get3A_3296 = arith.constant 64 : index
      %get3A_3297 = tpu.vector_load %arg8[%get3A_3295, %get3A_3296] {strides = array<i32>} : memref<128x128xf32, #tpu.memory_space<vmem>>, vector<16xf32>,
      %get3A_3298 = arith.index_cast %add3A_3238 : i32 to index
      %get3A_3299 = arith.constant 64 : index
      %get3A_3300 = tpu.vector_load %arg9[%get3A_3298, %get3A_3299] {strides = array<i32>} : memref<128x128xf32, #tpu.memory_space<vmem>>, vector<16xf32>,
      %mul3A_3301 = vector.broadcast %reduce_sum3A_3227 : f32 to vector<16xf32>
      %mul3A_3302 = arith.mulf %mul3A_3301, %get3A_3297 : vector<16xf32>
      %mul3A_3303 = vector.broadcast %reduce_sum3A_3234 : f32 to vector<16xf32>
      %mul3A_3304 = arith.mulf %mul3A_3303, %get3A_3300 : vector<16xf32>
      %add3A_3305 = arith.addf %mul3A_3302, %mul3A_3304 : vector<16xf32>
      %swap3A_3306 = arith.index_cast %add3A_3238 : i32 to index
      %swap3A_3307 = arith.constant 64 : index
      %swap3A_3308 = tpu.vector_load %arg10[%swap3A_3306, %swap3A_3307] {strides = array<i32>} : memref<128x96xf32, #tpu.memory_space<vmem>>, vector<16xf32>,
      tpu.vector_store %arg10[%swap3A_3306, %swap3A_3307], %add3A_3305 {strides = array<i32>} : memref<128x96xf32, #tpu.memory_space<vmem>>, vector<16xf32>,
      %get3A_3309 = arith.index_cast %add3A_3238 : i32 to index
      %get3A_3310 = arith.constant 80 : index
      %get3A_3311 = tpu.vector_load %arg8[%get3A_3309, %get3A_3310] {strides = array<i32>} : memref<128x128xf32, #tpu.memory_space<vmem>>, vector<16xf32>,
      %get3A_3312 = arith.index_cast %add3A_3238 : i32 to index
      %get3A_3313 = arith.constant 80 : index
      %get3A_3314 = tpu.vector_load %arg9[%get3A_3312, %get3A_3313] {strides = array<i32>} : memref<128x128xf32, #tpu.memory_space<vmem>>, vector<16xf32>,
      %mul3A_3315 = vector.broadcast %reduce_sum3A_3227 : f32 to vector<16xf32>
      %mul3A_3316 = arith.mulf %mul3A_3315, %get3A_3311 : vector<16xf32>
      %mul3A_3317 = vector.broadcast %reduce_sum3A_3234 : f32 to vector<16xf32>
      %mul3A_3318 = arith.mulf %mul3A_3317, %get3A_3314 : vector<16xf32>
      %add3A_3319 = arith.addf %mul3A_3316, %mul3A_3318 : vector<16xf32>
      %swap3A_3320 = arith.index_cast %add3A_3238 : i32 to index
      %swap3A_3321 = arith.constant 80 : index
      %swap3A_3322 = tpu.vector_load %arg10[%swap3A_3320, %swap3A_3321] {strides = array<i32>} : memref<128x96xf32, #tpu.memory_space<vmem>>, vector<16xf32>,
      tpu.vector_store %arg10[%swap3A_3320, %swap3A_3321], %add3A_3319 {strides = array<i32>} : memref<128x96xf32, #tpu.memory_space<vmem>>, vector<16xf32>,
    }
    %scan3A_1636 = arith.constant 8 : i32
    "tpu.region"() ({
      %run_scoped3A = tpu.sem_alloc : memref<!tpu.dma_semaphore, #tpu.memory_space<semaphore_mem>>
      %dma_start3A_1637 = arith.constant 0 : i32
      %dma_start3A_1638 = tpu.memref_slice %arg4[%mul3A_2, %dma_start3A_1637] : memref<4096x96xf32, #tpu.memory_space<hbm>> -> memref<128x96xf32, #tpu.memory_space<hbm>>
      %dma_start3A_1639 = arith.constant 0 : i32
      %dma_start3A_1640 = tpu.memref_slice %arg4[%mul3A_2, %dma_start3A_1639] : memref<4096x96xf32, #tpu.memory_space<hbm>> -> memref<128x96xf32, #tpu.memory_space<hbm>>
      tpu.enqueue_dma source(%arg10 : memref<128x96xf32, #tpu.memory_space<vmem>>) target(%dma_start3A_1640 : memref<128x96xf32, #tpu.memory_space<hbm>>) target_semaphore(%run_scoped3A : memref<!tpu.dma_semaphore, #tpu.memory_space<semaphore_mem>>)
      %dma_wait3A_1641 = arith.constant 0 : i32
      %dma_wait3A_1642 = tpu.memref_slice %arg4[%mul3A_2, %dma_wait3A_1641] : memref<4096x96xf32, #tpu.memory_space<hbm>> -> memref<128x96xf32, #tpu.memory_space<hbm>>
      %dma_wait3A_1643 = arith.constant 0 : i32
      %dma_wait3A_1644 = tpu.memref_slice %arg4[%mul3A_2, %dma_wait3A_1643] : memref<4096x96xf32, #tpu.memory_space<hbm>> -> memref<128x96xf32, #tpu.memory_space<hbm>>
      tpu.wait_dma2 semaphore(%run_scoped3A : memref<!tpu.dma_semaphore, #tpu.memory_space<semaphore_mem>>) src(%arg10 : memref<128x96xf32, #tpu.memory_space<vmem>>) dst(%dma_wait3A_1644 : memref<128x96xf32, #tpu.memory_space<hbm>>)
      tpu.yield
    }) : () -> ()
    return
  }
}

module attributes {stable_mosaic.version = 14 : i64} {
  func.func @_tc_body(%arg0: i32, %arg1: memref<1024x512xf32, #tpu.memory_space<vmem>>, %arg2: memref<512x256xf32, #tpu.memory_space<vmem>>, %arg3: memref<512x256xf32, #tpu.memory_space<vmem>>, %arg4: memref<512x576xf32, #tpu.memory_space<vmem>>, %arg5: memref<6x96xf32, #tpu.memory_space<vmem>>, %arg6: memref<256x8xf32, #tpu.memory_space<vmem>>, %arg7: memref<1x8xf32, #tpu.memory_space<vmem>>, %arg8: memref<1024x128xf32, #tpu.memory_space<vmem>>, %arg9: memref<8x1024x128xf32, #tpu.memory_space<vmem>>) attributes {dimension_semantics = [#tpu.dimension_semantics<arbitrary>], iteration_bounds = array<i64: 4>, scalar_prefetch = 0 : i64, scratch_operands = 0 : i64, tpu.core_type = #tpu.core_type<tc>, window_params = [{transform_indices = @transform_0, window_bounds = array<i64: 1024, 512>}, {pipeline_mode = #tpu.pipeline_mode<synchronous>, transform_indices = @transform_1, window_bounds = array<i64: 512, 256>}, {pipeline_mode = #tpu.pipeline_mode<synchronous>, transform_indices = @transform_2, window_bounds = array<i64: 512, 256>}, {pipeline_mode = #tpu.pipeline_mode<synchronous>, transform_indices = @transform_3, window_bounds = array<i64: 512, 576>}, {pipeline_mode = #tpu.pipeline_mode<synchronous>, transform_indices = @transform_4, window_bounds = array<i64: 6, 96>}, {pipeline_mode = #tpu.pipeline_mode<synchronous>, transform_indices = @transform_5, window_bounds = array<i64: 256, 8>}, {pipeline_mode = #tpu.pipeline_mode<synchronous>, transform_indices = @transform_6, window_bounds = array<i64: 1, 8>}, {transform_indices = @transform_7, window_bounds = array<i64: 1024, 128>}, {transform_indices = @transform_8, window_bounds = array<i64: 8, 1024, 128>}]} {
    %get3A = arith.constant 0 : index
    %get3A_0 = arith.constant 0 : index
    %get3A_1 = vector.load %arg1[%get3A, %get3A_0] : memref<1024x512xf32, #tpu.memory_space<vmem>>, vector<1024x512xf32>
    %reduce_sum3A = arith.constant dense<0.000000e+00> : vector<1024xf32>
    %reduce_sum3A_2 = vector.multi_reduction <add>, %get3A_1, %reduce_sum3A [1] : vector<1024x512xf32> to vector<1024xf32>
    %broadcast_in_dim3A = vector.shape_cast %reduce_sum3A_2 : vector<1024xf32> to vector<1024x1xf32>
    %div3A = arith.constant 5.120000e+02 : f32
    %div3A_3 = vector.broadcast %div3A : f32 to vector<1024x1xf32>
    %div3A_4 = arith.divf %broadcast_in_dim3A, %div3A_3 : vector<1024x1xf32>
    %sub3A = vector.broadcast %div3A_4 : vector<1024x1xf32> to vector<1024x512xf32>
    %sub3A_5 = arith.subf %get3A_1, %sub3A : vector<1024x512xf32>
    %mul3A = arith.mulf %sub3A_5, %sub3A_5 : vector<1024x512xf32>
    %reduce_sum3A_6 = arith.constant dense<0.000000e+00> : vector<1024xf32>
    %reduce_sum3A_7 = vector.multi_reduction <add>, %mul3A, %reduce_sum3A_6 [1] : vector<1024x512xf32> to vector<1024xf32>
    %broadcast_in_dim3A_8 = vector.shape_cast %reduce_sum3A_7 : vector<1024xf32> to vector<1024x1xf32>
    %div3A_9 = arith.constant 5.120000e+02 : f32
    %div3A_10 = vector.broadcast %div3A_9 : f32 to vector<1024x1xf32>
    %div3A_11 = arith.divf %broadcast_in_dim3A_8, %div3A_10 : vector<1024x1xf32>
    %add3A = arith.constant 9.99999974E-6 : f32
    %add3A_12 = vector.broadcast %add3A : f32 to vector<1024x1xf32>
    %add3A_13 = arith.addf %div3A_11, %add3A_12 : vector<1024x1xf32>
    %sqrt3A = math.sqrt %add3A_13 : vector<1024x1xf32>
    %get3A_14 = arith.constant 0 : index
    %get3A_15 = arith.constant 0 : index
    %get3A_16 = vector.load %arg2[%get3A_14, %get3A_15] : memref<512x256xf32, #tpu.memory_space<vmem>>, vector<512x256xf32>
    %dot_general3A = arith.constant dense<0.000000e+00> : vector<1024x256xf32>
    %dot_general3A_17 = tpu.matmul %sub3A_5, %get3A_16, %dot_general3A {dimension_numbers = #tpu.dot_dimension_numbers<[1], [0], [0], [1], [0, 0, 1, 1], [], []>, precision = #tpu.contract_precision<fp32>, transpose_lhs_hint = false} : vector<1024x512xf32>, vector<512x256xf32>, vector<1024x256xf32> -> vector<1024x256xf32>
    %get3A_18 = arith.constant 0 : index
    %get3A_19 = arith.constant 0 : index
    %get3A_20 = vector.load %arg3[%get3A_18, %get3A_19] : memref<512x256xf32, #tpu.memory_space<vmem>>, vector<512x256xf32>
    %dot_general3A_21 = arith.constant dense<0.000000e+00> : vector<1024x256xf32>
    %dot_general3A_22 = tpu.matmul %sub3A_5, %get3A_20, %dot_general3A_21 {dimension_numbers = #tpu.dot_dimension_numbers<[1], [0], [0], [1], [0, 0, 1, 1], [], []>, precision = #tpu.contract_precision<fp32>, transpose_lhs_hint = false} : vector<1024x512xf32>, vector<512x256xf32>, vector<1024x256xf32> -> vector<1024x256xf32>
    %mul3A_23 = arith.mulf %dot_general3A_17, %dot_general3A_17 : vector<1024x256xf32>
    %mul3A_24 = arith.mulf %dot_general3A_22, %dot_general3A_22 : vector<1024x256xf32>
    %add3A_25 = arith.addf %mul3A_23, %mul3A_24 : vector<1024x256xf32>
    %reduce_sum3A_26 = arith.constant dense<0.000000e+00> : vector<1024xf32>
    %reduce_sum3A_27 = vector.multi_reduction <add>, %add3A_25, %reduce_sum3A_26 [1] : vector<1024x256xf32> to vector<1024xf32>
    %broadcast_in_dim3A_28 = vector.shape_cast %reduce_sum3A_27 : vector<1024xf32> to vector<1024x1xf32>
    %eq3A = arith.constant 0.000000e+00 : f32
    %eq3A_29 = vector.broadcast %eq3A : f32 to vector<1024x1xf32>
    %eq3A_30 = arith.cmpf oeq, %broadcast_in_dim3A_28, %eq3A_29 : vector<1024x1xf32>
    %jit3A = arith.constant 1.000000e+00 : f32
    %broadcast_in_dim3A_31 = vector.broadcast %jit3A : f32 to vector<1024x1xf32>
    %select_n3A = arith.select %eq3A_30, %broadcast_in_dim3A_31, %broadcast_in_dim3A_28 : vector<1024x1xi1>, vector<1024x1xf32>
    %div3A_32 = vector.broadcast %select_n3A : vector<1024x1xf32> to vector<1024x256xf32>
    %div3A_33 = arith.divf %add3A_25, %div3A_32 : vector<1024x256xf32>
    %get3A_34 = arith.constant 0 : index
    %get3A_35 = arith.constant 0 : index
    %get3A_36 = vector.load %arg6[%get3A_34, %get3A_35] : memref<256x8xf32, #tpu.memory_space<vmem>>, vector<256x8xf32>
    %dot_general3A_37 = arith.constant dense<0.000000e+00> : vector<1024x8xf32>
    %dot_general3A_38 = tpu.matmul %div3A_33, %get3A_36, %dot_general3A_37 {dimension_numbers = #tpu.dot_dimension_numbers<[1], [0], [0], [1], [0, 0, 1, 1], [], []>, transpose_lhs_hint = false} : vector<1024x256xf32>, vector<256x8xf32>, vector<1024x8xf32> -> vector<1024x8xf32>
    %get3A_39 = arith.constant 0 : index
    %get3A_40 = arith.constant 0 : index
    %get3A_41 = vector.load %arg7[%get3A_39, %get3A_40] : memref<1x8xf32, #tpu.memory_space<vmem>>, vector<1x8xf32>
    %add3A_42 = vector.broadcast %get3A_41 : vector<1x8xf32> to vector<1024x8xf32>
    %add3A_43 = arith.addf %dot_general3A_38, %add3A_42 : vector<1024x8xf32>
    %swap3A = arith.constant 0 : index
    %swap3A_44 = arith.constant 0 : index
    %swap3A_45 = vector.load %arg8[%swap3A, %swap3A_44] : memref<1024x128xf32, #tpu.memory_space<vmem>>, vector<1024x8xf32>
    tpu.vector_store %arg8[%swap3A, %swap3A_44], %add3A_43 {strides = array<i32>} : memref<1024x128xf32, #tpu.memory_space<vmem>>, vector<1024x8xf32>,
    %div3A_46 = vector.broadcast %sqrt3A : vector<1024x1xf32> to vector<1024x512xf32>
    %div3A_47 = arith.divf %sub3A_5, %div3A_46 : vector<1024x512xf32>
    %get3A_48 = arith.constant 0 : index
    %get3A_49 = arith.constant 0 : index
    %get3A_50 = vector.load %arg4[%get3A_48, %get3A_49] : memref<512x576xf32, #tpu.memory_space<vmem>>, vector<512x576xf32>
    %dot_general3A_51 = arith.constant dense<0.000000e+00> : vector<1024x576xf32>
    %dot_general3A_52 = tpu.matmul %div3A_47, %get3A_50, %dot_general3A_51 {dimension_numbers = #tpu.dot_dimension_numbers<[1], [0], [0], [1], [0, 0, 1, 1], [], []>, transpose_lhs_hint = false} : vector<1024x512xf32>, vector<512x576xf32>, vector<1024x576xf32> -> vector<1024x576xf32>
    %get3A_53 = arith.constant 0 : index
    %get3A_54 = arith.constant 0 : index
    %get3A_55 = vector.load %arg5[%get3A_53, %get3A_54] : memref<6x96xf32, #tpu.memory_space<vmem>>, vector<6x96xf32>
    %broadcast_in_dim3A_56 = vector.shape_cast %div3A_4 : vector<1024x1xf32> to vector<1024x1xf32>
    %broadcast_in_dim3A_57 = vector.broadcast %broadcast_in_dim3A_56 : vector<1024x1xf32> to vector<1024x96xf32>
    %swap3A_58 = arith.constant 0 : index
    %swap3A_59 = arith.constant 0 : index
    %swap3A_60 = arith.constant 0 : index
    %swap3A_61 = vector.load %arg9[%swap3A_58, %swap3A_59, %swap3A_60] : memref<8x1024x128xf32, #tpu.memory_space<vmem>>, vector<1x1024x96xf32>
    %swap3A_62 = vector.shape_cast %swap3A_61 : vector<1x1024x96xf32> to vector<1024x96xf32>
    %swap3A_63 = vector.shape_cast %broadcast_in_dim3A_57 : vector<1024x96xf32> to vector<1x1024x96xf32>
    tpu.vector_store %arg9[%swap3A_58, %swap3A_59, %swap3A_60], %swap3A_63 {strides = array<i32>} : memref<8x1024x128xf32, #tpu.memory_space<vmem>>, vector<1x1024x96xf32>,
    %slice3A = vector.extract_strided_slice %get3A_1 {offsets = [0, 511], sizes = [1024, 1], strides = [1, 1]} : vector<1024x512xf32> to vector<1024x1xf32>
    %broadcast_in_dim3A_64 = vector.shape_cast %slice3A : vector<1024x1xf32> to vector<1024x1xf32>
    %broadcast_in_dim3A_65 = vector.broadcast %broadcast_in_dim3A_64 : vector<1024x1xf32> to vector<1024x96xf32>
    %swap3A_66 = arith.constant 1 : index
    %swap3A_67 = arith.constant 0 : index
    %swap3A_68 = arith.constant 0 : index
    %swap3A_69 = vector.load %arg9[%swap3A_66, %swap3A_67, %swap3A_68] : memref<8x1024x128xf32, #tpu.memory_space<vmem>>, vector<1x1024x96xf32>
    %swap3A_70 = vector.shape_cast %swap3A_69 : vector<1x1024x96xf32> to vector<1024x96xf32>
    %swap3A_71 = vector.shape_cast %broadcast_in_dim3A_65 : vector<1024x96xf32> to vector<1x1024x96xf32>
    tpu.vector_store %arg9[%swap3A_66, %swap3A_67, %swap3A_68], %swap3A_71 {strides = array<i32>} : memref<8x1024x128xf32, #tpu.memory_space<vmem>>, vector<1x1024x96xf32>,
    %slice3A_72 = vector.extract_strided_slice %dot_general3A_52 {offsets = [0, 0], sizes = [1024, 96], strides = [1, 1]} : vector<1024x576xf32> to vector<1024x96xf32>
    %slice3A_73 = vector.extract_strided_slice %get3A_55 {offsets = [0, 0], sizes = [1, 96], strides = [1, 1]} : vector<6x96xf32> to vector<1x96xf32>
    %add3A_74 = vector.broadcast %slice3A_73 : vector<1x96xf32> to vector<1024x96xf32>
    %add3A_75 = arith.addf %slice3A_72, %add3A_74 : vector<1024x96xf32>
    %mul3A_76 = vector.broadcast %sqrt3A : vector<1024x1xf32> to vector<1024x96xf32>
    %mul3A_77 = arith.mulf %add3A_75, %mul3A_76 : vector<1024x96xf32>
    %add3A_78 = vector.broadcast %div3A_4 : vector<1024x1xf32> to vector<1024x96xf32>
    %add3A_79 = arith.addf %mul3A_77, %add3A_78 : vector<1024x96xf32>
    %swap3A_80 = arith.constant 2 : index
    %swap3A_81 = arith.constant 0 : index
    %swap3A_82 = arith.constant 0 : index
    %swap3A_83 = vector.load %arg9[%swap3A_80, %swap3A_81, %swap3A_82] : memref<8x1024x128xf32, #tpu.memory_space<vmem>>, vector<1x1024x96xf32>
    %swap3A_84 = vector.shape_cast %swap3A_83 : vector<1x1024x96xf32> to vector<1024x96xf32>
    %swap3A_85 = vector.shape_cast %add3A_79 : vector<1024x96xf32> to vector<1x1024x96xf32>
    tpu.vector_store %arg9[%swap3A_80, %swap3A_81, %swap3A_82], %swap3A_85 {strides = array<i32>} : memref<8x1024x128xf32, #tpu.memory_space<vmem>>, vector<1x1024x96xf32>,
    %slice3A_86 = vector.extract_strided_slice %dot_general3A_52 {offsets = [0, 96], sizes = [1024, 96], strides = [1, 1]} : vector<1024x576xf32> to vector<1024x96xf32>
    %slice3A_87 = vector.extract_strided_slice %get3A_55 {offsets = [1, 0], sizes = [1, 96], strides = [1, 1]} : vector<6x96xf32> to vector<1x96xf32>
    %add3A_88 = vector.broadcast %slice3A_87 : vector<1x96xf32> to vector<1024x96xf32>
    %add3A_89 = arith.addf %slice3A_86, %add3A_88 : vector<1024x96xf32>
    %mul3A_90 = vector.broadcast %sqrt3A : vector<1024x1xf32> to vector<1024x96xf32>
    %mul3A_91 = arith.mulf %add3A_89, %mul3A_90 : vector<1024x96xf32>
    %add3A_92 = vector.broadcast %div3A_4 : vector<1024x1xf32> to vector<1024x96xf32>
    %add3A_93 = arith.addf %mul3A_91, %add3A_92 : vector<1024x96xf32>
    %swap3A_94 = arith.constant 3 : index
    %swap3A_95 = arith.constant 0 : index
    %swap3A_96 = arith.constant 0 : index
    %swap3A_97 = vector.load %arg9[%swap3A_94, %swap3A_95, %swap3A_96] : memref<8x1024x128xf32, #tpu.memory_space<vmem>>, vector<1x1024x96xf32>
    %swap3A_98 = vector.shape_cast %swap3A_97 : vector<1x1024x96xf32> to vector<1024x96xf32>
    %swap3A_99 = vector.shape_cast %add3A_93 : vector<1024x96xf32> to vector<1x1024x96xf32>
    tpu.vector_store %arg9[%swap3A_94, %swap3A_95, %swap3A_96], %swap3A_99 {strides = array<i32>} : memref<8x1024x128xf32, #tpu.memory_space<vmem>>, vector<1x1024x96xf32>,
    %slice3A_100 = vector.extract_strided_slice %dot_general3A_52 {offsets = [0, 192], sizes = [1024, 96], strides = [1, 1]} : vector<1024x576xf32> to vector<1024x96xf32>
    %slice3A_101 = vector.extract_strided_slice %get3A_55 {offsets = [2, 0], sizes = [1, 96], strides = [1, 1]} : vector<6x96xf32> to vector<1x96xf32>
    %add3A_102 = vector.broadcast %slice3A_101 : vector<1x96xf32> to vector<1024x96xf32>
    %add3A_103 = arith.addf %slice3A_100, %add3A_102 : vector<1024x96xf32>
    %mul3A_104 = vector.broadcast %sqrt3A : vector<1024x1xf32> to vector<1024x96xf32>
    %mul3A_105 = arith.mulf %add3A_103, %mul3A_104 : vector<1024x96xf32>
    %add3A_106 = vector.broadcast %div3A_4 : vector<1024x1xf32> to vector<1024x96xf32>
    %add3A_107 = arith.addf %mul3A_105, %add3A_106 : vector<1024x96xf32>
    %swap3A_108 = arith.constant 4 : index
    %swap3A_109 = arith.constant 0 : index
    %swap3A_110 = arith.constant 0 : index
    %swap3A_111 = vector.load %arg9[%swap3A_108, %swap3A_109, %swap3A_110] : memref<8x1024x128xf32, #tpu.memory_space<vmem>>, vector<1x1024x96xf32>
    %swap3A_112 = vector.shape_cast %swap3A_111 : vector<1x1024x96xf32> to vector<1024x96xf32>
    %swap3A_113 = vector.shape_cast %add3A_107 : vector<1024x96xf32> to vector<1x1024x96xf32>
    tpu.vector_store %arg9[%swap3A_108, %swap3A_109, %swap3A_110], %swap3A_113 {strides = array<i32>} : memref<8x1024x128xf32, #tpu.memory_space<vmem>>, vector<1x1024x96xf32>,
    %slice3A_114 = vector.extract_strided_slice %dot_general3A_52 {offsets = [0, 288], sizes = [1024, 96], strides = [1, 1]} : vector<1024x576xf32> to vector<1024x96xf32>
    %slice3A_115 = vector.extract_strided_slice %get3A_55 {offsets = [3, 0], sizes = [1, 96], strides = [1, 1]} : vector<6x96xf32> to vector<1x96xf32>
    %add3A_116 = vector.broadcast %slice3A_115 : vector<1x96xf32> to vector<1024x96xf32>
    %add3A_117 = arith.addf %slice3A_114, %add3A_116 : vector<1024x96xf32>
    %mul3A_118 = vector.broadcast %sqrt3A : vector<1024x1xf32> to vector<1024x96xf32>
    %mul3A_119 = arith.mulf %add3A_117, %mul3A_118 : vector<1024x96xf32>
    %add3A_120 = vector.broadcast %div3A_4 : vector<1024x1xf32> to vector<1024x96xf32>
    %add3A_121 = arith.addf %mul3A_119, %add3A_120 : vector<1024x96xf32>
    %swap3A_122 = arith.constant 5 : index
    %swap3A_123 = arith.constant 0 : index
    %swap3A_124 = arith.constant 0 : index
    %swap3A_125 = vector.load %arg9[%swap3A_122, %swap3A_123, %swap3A_124] : memref<8x1024x128xf32, #tpu.memory_space<vmem>>, vector<1x1024x96xf32>
    %swap3A_126 = vector.shape_cast %swap3A_125 : vector<1x1024x96xf32> to vector<1024x96xf32>
    %swap3A_127 = vector.shape_cast %add3A_121 : vector<1024x96xf32> to vector<1x1024x96xf32>
    tpu.vector_store %arg9[%swap3A_122, %swap3A_123, %swap3A_124], %swap3A_127 {strides = array<i32>} : memref<8x1024x128xf32, #tpu.memory_space<vmem>>, vector<1x1024x96xf32>,
    %slice3A_128 = vector.extract_strided_slice %dot_general3A_52 {offsets = [0, 384], sizes = [1024, 96], strides = [1, 1]} : vector<1024x576xf32> to vector<1024x96xf32>
    %slice3A_129 = vector.extract_strided_slice %get3A_55 {offsets = [4, 0], sizes = [1, 96], strides = [1, 1]} : vector<6x96xf32> to vector<1x96xf32>
    %add3A_130 = vector.broadcast %slice3A_129 : vector<1x96xf32> to vector<1024x96xf32>
    %add3A_131 = arith.addf %slice3A_128, %add3A_130 : vector<1024x96xf32>
    %mul3A_132 = vector.broadcast %sqrt3A : vector<1024x1xf32> to vector<1024x96xf32>
    %mul3A_133 = arith.mulf %add3A_131, %mul3A_132 : vector<1024x96xf32>
    %add3A_134 = vector.broadcast %div3A_4 : vector<1024x1xf32> to vector<1024x96xf32>
    %add3A_135 = arith.addf %mul3A_133, %add3A_134 : vector<1024x96xf32>
    %swap3A_136 = arith.constant 6 : index
    %swap3A_137 = arith.constant 0 : index
    %swap3A_138 = arith.constant 0 : index
    %swap3A_139 = vector.load %arg9[%swap3A_136, %swap3A_137, %swap3A_138] : memref<8x1024x128xf32, #tpu.memory_space<vmem>>, vector<1x1024x96xf32>
    %swap3A_140 = vector.shape_cast %swap3A_139 : vector<1x1024x96xf32> to vector<1024x96xf32>
    %swap3A_141 = vector.shape_cast %add3A_135 : vector<1024x96xf32> to vector<1x1024x96xf32>
    tpu.vector_store %arg9[%swap3A_136, %swap3A_137, %swap3A_138], %swap3A_141 {strides = array<i32>} : memref<8x1024x128xf32, #tpu.memory_space<vmem>>, vector<1x1024x96xf32>,
    %slice3A_142 = vector.extract_strided_slice %dot_general3A_52 {offsets = [0, 480], sizes = [1024, 96], strides = [1, 1]} : vector<1024x576xf32> to vector<1024x96xf32>
    %slice3A_143 = vector.extract_strided_slice %get3A_55 {offsets = [5, 0], sizes = [1, 96], strides = [1, 1]} : vector<6x96xf32> to vector<1x96xf32>
    %add3A_144 = vector.broadcast %slice3A_143 : vector<1x96xf32> to vector<1024x96xf32>
    %add3A_145 = arith.addf %slice3A_142, %add3A_144 : vector<1024x96xf32>
    %mul3A_146 = vector.broadcast %sqrt3A : vector<1024x1xf32> to vector<1024x96xf32>
    %mul3A_147 = arith.mulf %add3A_145, %mul3A_146 : vector<1024x96xf32>
    %add3A_148 = vector.broadcast %div3A_4 : vector<1024x1xf32> to vector<1024x96xf32>
    %add3A_149 = arith.addf %mul3A_147, %add3A_148 : vector<1024x96xf32>
    %swap3A_150 = arith.constant 7 : index
    %swap3A_151 = arith.constant 0 : index
    %swap3A_152 = arith.constant 0 : index
    %swap3A_153 = vector.load %arg9[%swap3A_150, %swap3A_151, %swap3A_152] : memref<8x1024x128xf32, #tpu.memory_space<vmem>>, vector<1x1024x96xf32>
    %swap3A_154 = vector.shape_cast %swap3A_153 : vector<1x1024x96xf32> to vector<1024x96xf32>
    %swap3A_155 = vector.shape_cast %add3A_149 : vector<1024x96xf32> to vector<1x1024x96xf32>
    tpu.vector_store %arg9[%swap3A_150, %swap3A_151, %swap3A_152], %swap3A_155 {strides = array<i32>} : memref<8x1024x128xf32, #tpu.memory_space<vmem>>, vector<1x1024x96xf32>,
    return
  }
  func.func @transform_0(%arg0: i32) -> (i32, i32) {
    %c0_i32 = arith.constant 0 : i32
    %c0_i32_0 = arith.constant 0 : i32
    return %arg0, %c0_i32 : i32, i32
  }
  func.func @transform_1(%arg0: i32) -> (i32, i32) {
    %c0_i32 = arith.constant 0 : i32
    %c0_i32_0 = arith.constant 0 : i32
    %c0_i32_1 = arith.constant 0 : i32
    return %c0_i32, %c0_i32_0 : i32, i32
  }
  func.func @transform_2(%arg0: i32) -> (i32, i32) {
    %c0_i32 = arith.constant 0 : i32
    %c0_i32_0 = arith.constant 0 : i32
    %c0_i32_1 = arith.constant 0 : i32
    return %c0_i32, %c0_i32_0 : i32, i32
  }
  func.func @transform_3(%arg0: i32) -> (i32, i32) {
    %c0_i32 = arith.constant 0 : i32
    %c0_i32_0 = arith.constant 0 : i32
    %c0_i32_1 = arith.constant 0 : i32
    return %c0_i32, %c0_i32_0 : i32, i32
  }
  func.func @transform_4(%arg0: i32) -> (i32, i32) {
    %c0_i32 = arith.constant 0 : i32
    %c0_i32_0 = arith.constant 0 : i32
    %c0_i32_1 = arith.constant 0 : i32
    return %c0_i32, %c0_i32_0 : i32, i32
  }
  func.func @transform_5(%arg0: i32) -> (i32, i32) {
    %c0_i32 = arith.constant 0 : i32
    %c0_i32_0 = arith.constant 0 : i32
    %c0_i32_1 = arith.constant 0 : i32
    return %c0_i32, %c0_i32_0 : i32, i32
  }
  func.func @transform_6(%arg0: i32) -> (i32, i32) {
    %c0_i32 = arith.constant 0 : i32
    %c0_i32_0 = arith.constant 0 : i32
    %c0_i32_1 = arith.constant 0 : i32
    return %c0_i32, %c0_i32_0 : i32, i32
  }
  func.func @transform_7(%arg0: i32) -> (i32, i32) {
    %c0_i32 = arith.constant 0 : i32
    %c0_i32_0 = arith.constant 0 : i32
    return %arg0, %c0_i32 : i32, i32
  }
  func.func @transform_8(%arg0: i32) -> (i32, i32, i32) {
    %c0_i32 = arith.constant 0 : i32
    %c0_i32_0 = arith.constant 0 : i32
    %c0_i32_1 = arith.constant 0 : i32
    return %c0_i32, %arg0, %c0_i32_0 : i32, i32, i32
  }
}

</mosaic_0001>

<sc_bundles>
// kernel: kernel.4.cloned.1.call-start
scs
__scs_entry_jumppad:
0x0: {  	(pc) =	sbr.rel $0x88, $3  }
0x1: {  	(tag) =	ssettag $0x0;
	lr =	simm.s32 $0x1  }
0x2: {  	[smem:$0x3F9C] =	sst lr;
	_ =	strace $0xD0000000  }
0x3: {  	_ = 	snop  }
0x4: {  	_ = 	snop  }
0x5: {  	_ = 	snop  }
0x6: {  	_ = 	snop  }
0x7: {  	_ = 	snop  }
__scs_overlays_trampoline_lowered:
0x8: {  	[smem:$0x3FAB] =	sst s0  }
0x9: {  	[smem:$0x3FAC] =	sst s1  }
0xa: {  	[smem:$0x3FAD] =	sst s2  }
0xb: {  	[smem:$0x3FAE] =	sst s3  }
0xc: {  	[smem:$0x3FAF] =	sst s4  }
0xd: {  	[smem:$0x3FB0] =	sst s5  }
0xe: {  	[smem:$0x3FB1] =	sst s6  }
0xf: {  	[smem:$0x3FB2] =	sst s7  }
0x10: {  	[smem:$0x3FB3] =	sst s8  }
0x11: {  	[smem:$0x3FB4] =	sst s9;
	s0 =	simm.s32 @!p0 $0x0  }
0x12: {  	s1 =	sld [smem:$0x3F9A];
	s0 =	simm.s32 @p0 $0x1  }
0x13: {  	[smem:$0x3FB5] =	sst s0;
	s0 =	simm.s32 @!p1 $0x0  }
0x14: {  	s2 =	sld [smem:$0x3F99];
	s0 =	simm.s32 @p1 $0x1  }
0x15: {  	[smem:$0x3FB6] =	sst s0;
	s0 =	simm.s32 @!p2 $0x0  }
0x16: {  	s3 =	sld [smem:$0x3FDB];
	s0 =	simm.s32 @p2 $0x1  }
0x17: {  	s4 =	simm.s32 $0x1BF5;
	[smem:$0x3FB8] =	sst s0  }
0x18: {  	s0 =	sld [smem:$0x3F9B];
	_ =	swait.ge [sflag:s4], $0x0  }
0x19: {  	s7 =	sld [smem:$0x3F9C]  }
0x1a: {  	s8 =	sadd.s32 $0xFFFFE003, lr  }
0x1b: {  	s9 =	sadd.s32 $0xFFFFFEF7, lr;
	s5 =	simm.s32 $0xFFFFFFFF;
	p2 =	slt.u32 s8, $0xFFFFF086  }
0x1c: {  	p1 =	slt.u32 s9, $0xF7A;
	s5 =	simm.s32 @!p2 $0x0  }
0x1d: {  	s5 =	simm.s32 @p1 $0x1;
	p0 =	seq.s32 s7, s2  }
0x1e: {  	s7 =	smul.u32 @!p0 $0xF7A, s2;
	p2 =	seq.s32 @!p0 s5, $0x0  }
0x1f: {  	s9 =	smul.u32 $0xF7A, s1;
	s8 =	simm.s32 @!p0 $0x1BF5;
	p2 =	por !p2, p0  }
0x20: {  	[sflag:s8] =	ssyncset.s32 @!p0 $0xFFFFF086;
	s6 =	sadd.s32 @!p0 s3, s7;
	s7 =	simm.s32 @!p0 $0x108  }
0x21: {  	s3 =	sadd.s32 s3, s9;
	s6 =	sadd.s32 @!p0 $0x88, s6;
	s7 =	simm.s32 @p2 $0x1082  }
0x22: {  	[simem:s7], [sflag:s8] =	dma.local @!p0 [hbm:s6], $0xF7A  }
0x23: {  	s9 =	sor.u32 $0xD0000000, s2;
	s6 =	simm.s32 $0x108;
	_ =	swait.ge @!p0 [sflag:s8], $0x0  }
0x24: {  	s3 =	sadd.s32 $0x88, s3;
	s6 =	simm.s32 @!p1 $0x1082;
	[sflag:s4] =	ssyncset.s32 $0xFFFFF086  }
0x25: {  	[simem:s6], [sflag:s4] =	dma.local [hbm:s3], $0xF7A  }
0x26: {  	[smem:$0x3F9C] =	sst s1;
	(tag) =	ssettag s2;
	_ =	strace s9  }
0x27: {  	s1 =	sld [smem:$0x3FAC]  }
0x28: {  	s2 =	sld [smem:$0x3FAD]  }
0x29: {  	s4 =	sld [smem:$0x3FAF]  }
0x2a: {  	p0 =	seq.s32 s5, $0x0;
	s5 =	sld [smem:$0x3FB0]  }
0x2b: {  	s6 =	sld [smem:$0x3FB1]  }
0x2c: {  	s7 =	sld [smem:$0x3FB2]  }
0x2d: {  	s3 =	simm.s32 $0x108;
	s8 =	sld [smem:$0x3FB3]  }
0x2e: {  	s3 =	simm.s32 @!p0 $0x1082;
	s9 =	sld [smem:$0x3FB4]  }
0x2f: {  	lr =	sadd.s32 s0, s3;
	s0 =	sld [smem:$0x3FAB]  }
0x30: {  	s3 =	sld [smem:$0x3FAE]  }
0x31: {  	[smem:$0x3FB7] =	sst s10  }
0x32: {  	s10 =	sld [smem:$0x3FB5];
	_ =	sdelay $0x3  }
0x33: {  	p0 =	seq.s32 s10, $0x1;
	s10 =	sld [smem:$0x3FB7];
	_ =	sdelay $0x3  }
0x34: {  	[smem:$0x3FB7] =	sst s10  }
0x35: {  	s10 =	sld [smem:$0x3FB6];
	_ =	sdelay $0x3  }
0x36: {  	p1 =	seq.s32 s10, $0x1;
	s10 =	sld [smem:$0x3FB7];
	_ =	sdelay $0x3  }
0x37: {  	[smem:$0x3FB7] =	sst s10  }
0x38: {  	s10 =	sld [smem:$0x3FB8]  }
0x39: {  	_ = 	snop;
	(pc) =	sbr.ind lr, $3  }
0x3a: {  	_ = 	snop  }
0x3b: {  	_ = 	snop  }
0x3c: {  	p2 =	seq.s32 s10, $0x1;
	s10 =	sld [smem:$0x3FB7]  }
0x3d: {  	_ =	shalt  }
0x3e: {  	_ =	shalt  }
0x3f: {  	_ =	shalt  }
0x40: {  	_ =	shalt  }
0x41: {  	_ =	shalt  }
0x42: {  	_ =	shalt  }
0x43: {  	_ =	shalt  }
0x44: {  	_ =	shalt  }
0x45: {  	_ =	shalt  }
0x46: {  	_ =	shalt  }
0x47: {  	_ =	shalt  }
0x48: {  	_ =	shalt  }
0x49: {  	_ =	shalt  }
0x4a: {  	_ =	shalt  }
0x4b: {  	_ =	shalt  }
0x4c: {  	_ =	shalt  }
0x4d: {  	_ =	shalt  }
0x4e: {  	_ =	shalt  }
0x4f: {  	_ =	shalt  }
0x50: {  	_ =	shalt  }
0x51: {  	_ =	shalt  }
0x52: {  	_ =	shalt  }
0x53: {  	_ =	shalt  }
0x54: {  	_ =	shalt  }
0x55: {  	_ =	shalt  }
0x56: {  	_ =	shalt  }
0x57: {  	_ =	shalt  }
0x58: {  	_ =	shalt  }
0x59: {  	_ =	shalt  }
0x5a: {  	_ =	shalt  }
0x5b: {  	_ =	shalt  }
0x5c: {  	_ =	shalt  }
0x5d: {  	_ =	shalt  }
0x5e: {  	_ =	shalt  }
0x5f: {  	_ =	shalt  }
0x60: {  	_ =	shalt  }
0x61: {  	_ =	shalt  }
0x62: {  	_ =	shalt  }
0x63: {  	_ =	shalt  }
0x64: {  	_ =	shalt  }
0x65: {  	_ =	shalt  }
0x66: {  	_ =	shalt  }
0x67: {  	_ =	shalt  }
0x68: {  	_ =	shalt  }
0x69: {  	_ =	shalt  }
0x6a: {  	_ =	shalt  }
0x6b: {  	_ =	shalt  }
0x6c: {  	_ =	shalt  }
0x6d: {  	_ =	shalt  }
0x6e: {  	_ =	shalt  }
0x6f: {  	_ =	shalt  }
0x70: {  	_ =	shalt  }
0x71: {  	_ =	shalt  }
0x72: {  	_ =	shalt  }
0x73: {  	_ =	shalt  }
0x74: {  	_ =	shalt  }
0x75: {  	_ =	shalt  }
0x76: {  	_ =	shalt  }
0x77: {  	_ =	shalt  }
0x78: {  	_ =	shalt  }
0x79: {  	_ =	shalt  }
0x7a: {  	_ =	shalt  }
0x7b: {  	_ =	shalt  }
0x7c: {  	_ =	shalt  }
0x7d: {  	_ =	shalt  }
0x7e: {  	_ =	shalt  }
0x7f: {  	_ =	shalt  }
0x80: {  	_ =	shalt  }
0x81: {  	_ =	shalt  }
0x82: {  	_ =	shalt  }
0x83: {  	_ =	shalt  }
0x84: {  	_ =	shalt  }
0x85: {  	_ =	shalt  }
0x86: {  	_ =	shalt  }
0x87: {  	_ =	shalt  }
.Lfunc_end0:
.L_simem_size_0:
called_computation_lowered:
.L_overlay_start_0:
0x88: {  	s2 =	sld [smem:$0x3FD9]  }
0x89: {  	s3 =	sld [smem:$0x3FFE];
	_ =	sdelay $0x1  }
0x8a: {  	s1 =	srdreg.scid  }
0x8b: {  	s0 =	sand.u32 $0x1, s1  }
0x8c: {  	s16 =	sshll.u32 s0, $0xA;
	s2 =	sadd.s32 s3, s2  }
0x8d: {  	s2 =	sadd.s32 s2, s16  }
0x8e: {  	[smem:$0x3FC3] =	sst s2  }
0x8f: {  	_ = 	snop  }
0x90: {  	(tm) =	ssettm $0x1  }
0x91: {  	s17 =	sld [smem:$0x3FFB];
	_ =	sdelay $0x3  }
0x92: {  	_ =	strace s17  }
0x93: {  	s2 =	sld [smem:$0x3FFC];
	_ =	sdelay $0x3  }
0x94: {  	_ =	strace s2  }
0x95: {  	s2 =	sld [smem:$0x3FFD];
	_ =	sdelay $0x3  }
0x96: {  	_ =	strace s2  }
0x97: {  	_ =	strace $0x8FFFFFFF  }
0x98: {  	s18 =	sld [smem:$0x3FDB];
	_ =	sdelay $0x1  }
0x99: {  	s19 =	simm.s32 $_scs_section_size  }
0x9a: {  	s4 =	simm.s32 $_size__tile_overlayer_lowered;
	s5 =	simm.s32 $_tile_overlayer_lowered  }
0x9b: {  	s22 =	simm.s32 $0x1BFF;
	s21 =	sshll.u32 s5, $0x1;
	s2 =	sadd.s32 s19, s18  }
0x9c: {  	s6 =	simm.s32 $0x0;
	s20 =	sshll.u32 s4, $0x1;
	s4 =	sadd.s32 s21, s2  }
0x9d: {  	[timem:s6], [sflag:s22] =	dma.local [hbm:s4], s20  }
0x9e: {  	_ =	swait.ge [sflag:s22], s20  }
0x9f: {  	s3 =	ssub.s32 $0x0, s20;
	[sflag:s22] =	ssyncset.done $0x0  }
0xa0: {  	[sflag:s22] =	ssyncadd.s32 s3;
	_ =	sdelay $0x1  }
0xa1: {  	s23 =	simm.s32 $0x1B8B  }
0xa2: {  	_ =	swait.ge [sflag:s23], $0x1  }
0xa3: {  	[sflag:s23] =	ssyncset.done $0x0  }
0xa4: {  	s25 =	simm.s32 $0x1B8E;
	s24 =	sld [smem:$0x3FFE];
	[sflag:s23] =	ssyncadd.s32 $0xFFFFFFFF  }
0xa5: {  	s26 =	simm.s32 $execute0_lowered;
	[smem:$0x3FD2] =	sst s25  }
0xa6: {  	s4 =	sshll.u32 s26, $0x1;
	_ =	strace $0x80000046;
	[dreg:$0x1] =	wrdreg $0xFFFFFFFF  }
0xa7: {  	s28 =	simm.s32 $_size_execute0_lowered;
	s2 =	sadd.s32 s2, s4;
	[dreg:$0x0] =	wrdreg $0x0  }
0xa8: {  	s4 =	sshll.u32 s28, $0x1;
	[dreg:$0x2] =	wrdreg s2  }
0xa9: {  	[dreg:$0x3] =	wrdreg s4  }
0xaa: {  	[dreg:$0x4] =	wrdreg $0xC0  }
0xab: {  	_ =	task [dreg:s6], $0x5FFFF  }
0xac: {  	[dreg:$0x1] =	wrdreg $0xFFFFFFFF  }
0xad: {  	[dreg:$0x0] =	wrdreg $0x60  }
0xae: {  	[dreg:$0x2] =	wrdreg s24  }
0xaf: {  	[dreg:$0x3] =	wrdreg $0x9  }
0xb0: {  	_ =	task.clear_ibuf [dreg:s6], $0x4FFFF;
	_ =	strace $0x90000046  }
0xb1: {  	s29 =	simm.s32 $0x9;
	_ =	strace $0x80000048  }
0xb2: {  	_ =	swait.ge [sflag:s29], $0x1  }
0xb3: {  	[sflag:s29] =	ssyncadd.s32 $0xFFFFFFFF  }
0xb4: {  	_ =	strace $0x90000048  }
0xb5: {  	_ =	sfence  }
0xb6: {  	s30 =	sld [smem:$0x0];
	_ =	sdelay $0x2  }
0xb7: {  	s31 =	sshll.u32 s1, $0xD;
	s1 =	sshrl.u32 s1, $0x2  }
0xb8: {  	s3 =	sand.u32 $0x4000, s31;
	s1 =	sadd.s32 s1, s30  }
0xb9: {  	s0 =	sor.u32 s3, s0;
	s1 =	sshll.u32 s1, $0x11  }
0xba: {  	s0 =	sor.u32 s1, s0  }
0xbb: {  	s0 =	sadd.s32 $0x8F2B, s0  }
0xbc: {  	[sflag:s0] =	ssyncadd.remote.s32 $0x1  }
0xbd: {  	_ =	sfence.sel $0xFFFF  }
0xbe: {  	[dreg:$0x0] =	wrdreg $0xFFFFFFFF;
	(pc) =	sbr.abs _section_cstart, $3  }
0xbf: {  	[dreg:$0x1] =	wrdreg $0xFFFFFFFF  }
0xc0: {  	_ =	task.clear_ibuf [dreg:s6], $0x2FFFF;
	_ =	strace $0x9FFFFFFF  }
0xc1: {  	(tm) =	ssettm $0x7FFFFFFF  }
tec
execute0_lowered:
.L_overlay_start_1:
0x0: {  	(tag) =	ssettag $0x1  }
0x1: {  	s1 =	srdreg.scid  }
0x2: {  	s0 =	stileid.u32;
	s3 =	sand.u32 $0x1, s1  }
0x3: {  	s30 =	sshll.u32 s0, $0x8;
	s2 =	sshll.u32 s3, $0x7  }
0x4: {  	v0 =	vlaneseq.u32;
	s4 =	sor.u32 s2, s30  }
0x5: {  	v1 =	vor.u32 $0x10, v0;
	v2 =	vor.u32 s4, v0  }
0x6: {  	v5 =	vor.u32 $0x40, v0;
	v1 =	vor.u32 s4, v1;
	[tilespmem:$0x1FC10] =	vst v2  }
0x7: {  	v8 =	vor.u32 $0x60, v0;
	v6 =	vor.u32 s4, v5;
	[tilespmem:$0x1FC20] =	vst v1  }
0x8: {  	v3 =	vor.u32 $0x70, v0;
	v9 =	vor.u32 s4, v8;
	[tilespmem:$0x1FC50] =	vst v6  }
0x9: {  	v63 =	vor.u32 $0x20, v0;
	v4 =	vor.u32 $0x30, v0;
	v10 =	vor.u32 s4, v3;
	[tilespmem:$0x1FC70] =	vst v9  }
0xa: {  	v7 =	vor.u32 $0x50, v0;
	v0 =	vmul.u32 $0x80, v0;
	v1 =	vor.u32 s4, v63;
	[tilespmem:$0x1FC80] =	vst v10  }
0xb: {  	[tilespmem:$0x1FC30] =	vst v1;
	v1 =	vor.u32 s4, v4  }
0xc: {  	v12 =	vor.u32 $0x1, v0;
	[tilespmem:$0x1FC40] =	vst v1  }
0xd: {  	v13 =	vor.u32 $0x2, v0;
	[tilespmem:$0x1FCA0] =	vst v12  }
0xe: {  	v14 =	vor.u32 $0x3, v0;
	[tilespmem:$0x1FCB0] =	vst v13  }
0xf: {  	v15 =	vor.u32 $0x4, v0;
	[tilespmem:$0x1FCC0] =	vst v14  }
0x10: {  	v16 =	vor.u32 $0x5, v0;
	[tilespmem:$0x1FCD0] =	vst v15  }
0x11: {  	v17 =	vor.u32 $0x6, v0;
	[tilespmem:$0x1FCE0] =	vst v16  }
0x12: {  	v18 =	vor.u32 $0x7, v0;
	[tilespmem:$0x1FCF0] =	vst v17  }
0x13: {  	v19 =	vor.u32 $0x800, v0;
	[tilespmem:$0x1FD00] =	vst v18  }
0x14: {  	v20 =	vor.u32 $0x801, v0;
	[tilespmem:$0x1FD10] =	vst v19  }
0x15: {  	v21 =	vor.u32 $0x802, v0;
	[tilespmem:$0x1FD20] =	vst v20  }
0x16: {  	v22 =	vor.u32 $0x803, v0;
	[tilespmem:$0x1FD30] =	vst v21  }
0x17: {  	v23 =	vor.u32 $0x804, v0;
	[tilespmem:$0x1FD40] =	vst v22  }
0x18: {  	v24 =	vor.u32 $0x805, v0;
	[tilespmem:$0x1FD50] =	vst v23  }
0x19: {  	v25 =	vor.u32 $0x806, v0;
	[tilespmem:$0x1FD60] =	vst v24  }
0x1a: {  	v26 =	vor.u32 $0x807, v0;
	[tilespmem:$0x1FD70] =	vst v25  }
0x1b: {  	v27 =	vor.u32 $0x1000, v0;
	[tilespmem:$0x1FD80] =	vst v26  }
0x1c: {  	v28 =	vor.u32 $0x1001, v0;
	[tilespmem:$0x1FD90] =	vst v27  }
0x1d: {  	v29 =	vor.u32 $0x1002, v0;
	[tilespmem:$0x1FDA0] =	vst v28  }
0x1e: {  	v30 =	vor.u32 $0x1003, v0;
	[tilespmem:$0x1FDB0] =	vst v29  }
0x1f: {  	v31 =	vor.u32 $0x1004, v0;
	[tilespmem:$0x1FDC0] =	vst v30  }
0x20: {  	v32 =	vor.u32 $0x1005, v0;
	[tilespmem:$0x1FDD0] =	vst v31  }
0x21: {  	v33 =	vor.u32 $0x1006, v0;
	[tilespmem:$0x1FDE0] =	vst v32  }
0x22: {  	v34 =	vor.u32 $0x1007, v0;
	[tilespmem:$0x1FDF0] =	vst v33  }
0x23: {  	v35 =	vor.u32 $0x1800, v0;
	[tilespmem:$0x1FE00] =	vst v34  }
0x24: {  	v36 =	vor.u32 $0x1801, v0;
	[tilespmem:$0x1FE10] =	vst v35  }
0x25: {  	v37 =	vor.u32 $0x1802, v0;
	[tilespmem:$0x1FE20] =	vst v36  }
0x26: {  	v38 =	vor.u32 $0x1803, v0;
	[tilespmem:$0x1FE30] =	vst v37  }
0x27: {  	v39 =	vor.u32 $0x1804, v0;
	[tilespmem:$0x1FE40] =	vst v38  }
0x28: {  	v40 =	vor.u32 $0x1805, v0;
	[tilespmem:$0x1FE50] =	vst v39  }
0x29: {  	v41 =	vor.u32 $0x1806, v0;
	[tilespmem:$0x1FE60] =	vst v40  }
0x2a: {  	v42 =	vor.u32 $0x1807, v0;
	[tilespmem:$0x1FE70] =	vst v41  }
0x2b: {  	v43 =	vor.u32 $0x2000, v0;
	[tilespmem:$0x1FE80] =	vst v42  }
0x2c: {  	v44 =	vor.u32 $0x2001, v0;
	[tilespmem:$0x1FE90] =	vst v43  }
0x2d: {  	v45 =	vor.u32 $0x2002, v0;
	[tilespmem:$0x1FEA0] =	vst v44  }
0x2e: {  	v46 =	vor.u32 $0x2003, v0;
	[tilespmem:$0x1FEB0] =	vst v45  }
0x2f: {  	v47 =	vor.u32 $0x2004, v0;
	[tilespmem:$0x1FEC0] =	vst v46  }
0x30: {  	v48 =	vor.u32 $0x2005, v0;
	[tilespmem:$0x1FED0] =	vst v47  }
0x31: {  	vm0 =	vmmov $0xffff;
	v11 =	vimm.s32 $0x0;
	v1 =	vor.u32 s4, v7;
	[tilespmem:$0x1FEE0] =	vst v48  }
0x32: {  	s5 =	rddreg [dreg:$0x0];
	s2 =	simm.s32 $0x0;
	[tilespmem:$0x1FC60] =	vst v1;
	v1 =	vsel vm0, $0xFFFFFFFF, v11  }
0x33: {  	[smem:$0x7FF] =	sst s2;
	v49 =	vor.u32 $0x2006, v0;
	[tilespmem:$0x1FC90] =	vst v1  }
0x34: {  	s1 =	rddreg [dreg:$0x1];
	v50 =	vor.u32 $0x2007, v0;
	_ =	strace $0x80000047;
	[tilespmem:$0x1FEF0] =	vst v49  }
0x35: {  	v51 =	vor.u32 $0x2800, v0;
	[tilespmem:$0x1FF00] =	vst v50  }
0x36: {  	v52 =	vor.u32 $0x2801, v0;
	[tilespmem:$0x1FF10] =	vst v51  }
0x37: {  	v53 =	vor.u32 $0x2802, v0;
	[tilespmem:$0x1FF20] =	vst v52  }
0x38: {  	v54 =	vor.u32 $0x2803, v0;
	[tilespmem:$0x1FF30] =	vst v53  }
0x39: {  	v55 =	vor.u32 $0x2804, v0;
	[tilespmem:$0x1FF40] =	vst v54  }
0x3a: {  	v56 =	vor.u32 $0x2805, v0;
	[tilespmem:$0x1FF50] =	vst v55  }
0x3b: {  	s7 =	simm.s32 $0x2;
	s8 =	simm.s32 $0x4100;
	v57 =	vor.u32 $0x2806, v0;
	[tilespmem:$0x1FF60] =	vst v56  }
0x3c: {  	s9 =	simm.s32 $0x8100;
	s10 =	simm.s32 $0x4900;
	s11 =	simm.s32 $0x8900;
	v58 =	vor.u32 $0x2807, v0;
	[tilespmem:$0x1FF70] =	vst v57  }
0x3d: {  	s12 =	simm.s32 $0x5100;
	s13 =	simm.s32 $0x9100;
	s14 =	simm.s32 $0x5900;
	vm1 =	vcmask $0x308;
	v59 =	vor.u32 $0x3000, v0;
	[tilespmem:$0x1FF80] =	vst v58  }
0x3e: {  	vm2 =	vcmask $0x70C;
	s15 =	simm.s32 $0x9900;
	s16 =	simm.s32 $0x6100;
	s17 =	simm.s32 $0xA100;
	v60 =	vor.u32 $0x3001, v0;
	[tilespmem:$0x1FF90] =	vst v59  }
0x3f: {  	vm3 =	vcmask $0xB10;
	s18 =	simm.s32 $0x6900;
	s19 =	simm.s32 $0xA900;
	s20 =	simm.s32 $0x7100;
	v61 =	vor.u32 $0x3002, v0;
	[tilespmem:$0x1FFA0] =	vst v60  }
0x40: {  	vm4 =	vcmask $0xF14;
	s21 =	simm.s32 $0xB100;
	s22 =	simm.s32 $0x7900;
	s23 =	simm.s32 $0xB900;
	v62 =	vor.u32 $0x3003, v0;
	[tilespmem:$0x1FFB0] =	vst v61  }
0x41: {  	vm5 =	vcmask $0x1318;
	vm6 =	vcmask $0x171C;
	s24 =	simm.s32 $0x1;
	s25 =	simm.s32 $0xC100;
	s6 =	ssub.s32 $0x2, s3;
	v63 =	vor.u32 $0x3004, v0;
	[tilespmem:$0x1FFC0] =	vst v62  }
0x42: {  	vm7 =	vcmask $0x1B20;
	vm8 =	vcmask $0x1F24;
	vm9 =	vcmask $0x2328;
	s26 =	simm.s32 $0x0;
	s31 =	sshrl.u32 s6, $0x1;
	s4 =	sshll.u32 s4, $0x4;
	[tilespmem:$0x1FFD0] =	vst v63  }
0x43: {  	vm10 =	vcmask $0x272C;
	vm11 =	vcmask $0x2B30;
	s3 =	sadd.s32 $0x1200, s5;
	s6 =	ssub.s32 s6, s31;
	s5 =	sadd.s32 s4, s5;
	[tilespmem:$0x1FFE0] =	vst v0;
	v0 =	vor.u32 $0x3005, v0  }
0x44: {  	vm12 =	vcmask $0x2F34;
	vm13 =	vcmask $0x3338;
	vm14 =	vcmask $0x373C;
	s6 =	smax.u32 s6, $0x1;
	s4 =	sadd.s32 $0x81200, s5;
	s5 =	sadd.s32 $0x91200, s5;
	[tilespmem:$0x1FFF0] =	vst v0  }
.LBB2_1:
0x45: {  	[tilespmem:s2], [sflag:$0x2] =	stream.linear.gather [hbm4b:s4+s2], $0x4000, $0x38;
	[tilespmem:$0x10100] =	vst v63  }
0x46: {  	_ =	swait.ge [sflag:s7], $0x4000  }
0x47: {  	v10 =	vld [tilespmem:$0x1FFE0]  }
0x48: {  	v1 =	vld [tilespmem:$0x1FCA0];
	_ =	sdelay $0x1  }
0x49: {  	v2 =	vld [tilespmem:$0x1FCB0];
	_ =	sdelay $0x2  }
0x4a: {  	[sflag:s7] =	ssyncset.done $0x0  }
0x4b: {  	[sflag:s7] =	ssyncadd.s32 $0xFFFFC000  }
0x4c: {  	v0 =	vld.idx.msk [tilespmem:v10+s2+$0x0], $0xffff  }
0x4d: {  	v1 =	vld.idx.msk [tilespmem:v1+s2+$0x0], $0xffff;
	_ =	sdelay $0x1  }
0x4e: {  	v2 =	vld.idx.msk [tilespmem:v2+s2+$0x0], $0xffff;
	_ =	sdelay $0x2  }
0x4f: {  	v3 =	vld [tilespmem:$0x1FCC0];
	vm0 =	vgt.f32 v1, v0  }
0x50: {  	v5 =	vsel vm0, v1, v0  }
0x51: {  	v6 =	vimm.s32 $0x0;
	v4 =	vld [tilespmem:$0x1FCD0];
	vm15 =	vgt.f32 v2, v5  }
0x52: {  	v6 =	vsel vm15, $0xFFFFFFFF, v6  }
0x53: {  	[tilespmem:$0x1F400] =	vst v6;
	v6 =	vld [tilespmem:$0x1FCE0];
	_ =	sdelay $0x3  }
0x54: {  	v3 =	vld.idx.msk [tilespmem:v3+s2+$0x0], $0xffff;
	_ =	sdelay $0x1  }
0x55: {  	v4 =	vld.idx.msk [tilespmem:v4+s2+$0x0], $0xffff;
	_ =	sdelay $0x1  }
0x56: {  	v5 =	vsel vm15, v2, v5;
	v6 =	vld.idx.msk [tilespmem:v6+s2+$0x0], $0xffff  }
0x57: {  	vm15 =	vgt.f32 v3, v5  }
0x58: {  	v7 =	vimm.s32 $0x0;
	v5 =	vsel vm15, v3, v5  }
0x59: {  	v7 =	vsel vm15, $0xFFFFFFFF, v7;
	vm15 =	vgt.f32 v4, v5  }
0x5a: {  	v8 =	vimm.s32 $0x0;
	v5 =	vsel vm15, v4, v5  }
0x5b: {  	v12 =	vimm.s32 $0x0;
	[tilespmem:$0x1F410] =	vst v7;
	v7 =	vld [tilespmem:$0x1FCF0];
	v8 =	vsel vm15, $0xFFFFFFFF, v8;
	vm15 =	vgt.f32 v6, v5  }
0x5c: {  	v12 =	vsel vm15, $0xFFFFFFFF, v12  }
0x5d: {  	[tilespmem:$0x1F430] =	vst v12;
	v12 =	vld [tilespmem:$0x1F400];
	_ =	sdelay $0x3  }
0x5e: {  	v11 =	vimm.s32 $0x0  }
0x5f: {  	v9 =	vsel vm0, $0x1, v11;
	vm0 =	vnez.u8 v12;
	v12 =	vld [tilespmem:$0x1F410]  }
0x60: {  	v7 =	vld.idx.msk [tilespmem:v7+s2+$0x0], $0xffff;
	_ =	sdelay $0x3  }
0x61: {  	v5 =	vsel vm15, v6, v5;
	v9 =	vsel vm0, $0x2, v9;
	vm0 =	vnez.u8 v12  }
0x62: {  	[tilespmem:$0x1F420] =	vst v8;
	v8 =	vld [tilespmem:$0x1FD00];
	v12 =	vimm.s32 $0x0;
	v9 =	vsel vm0, $0x3, v9;
	vm0 =	vgt.f32 v7, v5  }
0x63: {  	v12 =	vsel vm0, $0xFFFFFFFF, v12  }
0x64: {  	[tilespmem:$0x1F450] =	vst v12;
	v12 =	vld [tilespmem:$0x1F420];
	_ =	sdelay $0x4  }
0x65: {  	vm15 =	vnez.u8 v12;
	v12 =	vld [tilespmem:$0x1F430]  }
0x66: {  	v8 =	vld.idx.msk [tilespmem:v8+s2+$0x0], $0xffff;
	_ =	sdelay $0x3  }
0x67: {  	v5 =	vsel vm0, v7, v5;
	v9 =	vsel vm15, $0x4, v9;
	vm15 =	vnez.u8 v12  }
0x68: {  	v9 =	vsel vm15, $0x5, v9;
	vm15 =	vgt.f32 v8, v5  }
0x69: {  	v9 =	vsel vm0, $0x6, v9;
	vm0 =	vmneg vm15  }
0x6a: {  	v9 =	vnsel vm0, $0x7, v9  }
0x6b: {  	vm15 =	veq.s32 v9, $0x0  }
0x6c: {  	v12 =	vimm.s32 $0x0;
	v0 =	vsel vm15, $0xFF61B1E6, v0  }
0x6d: {  	v12 =	vsel vm0, $0xFFFFFFFF, v12;
	vm0 =	veq.s32 v9, $0x1;
	vm15 =	vgt.f32 v0, $-3.000000010e+38  }
0x6e: {  	v1 =	vsel vm0, $0xFF61B1E6, v1;
	v0 =	vnsel vm15, $0xFF61B1E6, v0  }
0x6f: {  	[tilespmem:$0x1F440] =	vst v12;
	v12 =	vimm.s32 $0x0;
	vm15 =	veq.s32 v9, $0x2;
	vm0 =	vgt.f32 v1, v0  }
0x70: {  	v12 =	vsel vm0, $0xFFFFFFFF, v12;
	v0 =	vsel vm0, v1, v0;
	v1 =	vsel vm15, $0xFF61B1E6, v2  }
0x71: {  	v2 =	vimm.s32 $0x0;
	vm15 =	veq.s32 v9, $0x3;
	vm0 =	vgt.f32 v1, v0  }
0x72: {  	v2 =	vsel vm0, $0xFFFFFFFF, v2;
	v0 =	vsel vm0, v1, v0;
	v1 =	vsel vm15, $0xFF61B1E6, v3  }
0x73: {  	vm15 =	veq.s32 v9, $0x4;
	[tilespmem:$0x1F480] =	vst v2;
	vm0 =	vgt.f32 v1, v0;
	v2 =	vimm.s32 $0x0  }
0x74: {  	v2 =	vsel vm0, $0xFFFFFFFF, v2;
	v0 =	vsel vm0, v1, v0;
	v1 =	vsel vm15, $0xFF61B1E6, v4  }
0x75: {  	vm15 =	veq.s32 v9, $0x5;
	[tilespmem:$0x1F490] =	vst v2;
	vm0 =	vgt.f32 v1, v0;
	v2 =	vimm.s32 $0x0  }
0x76: {  	v2 =	vsel vm0, $0xFFFFFFFF, v2;
	v0 =	vsel vm0, v1, v0;
	v1 =	vsel vm15, $0xFF61B1E6, v6  }
0x77: {  	[tilespmem:$0x1F4A0] =	vst v2;
	vm0 =	vgt.f32 v1, v0;
	v2 =	vimm.s32 $0x0  }
0x78: {  	[tilespmem:$0x1F470] =	vst v12;
	v2 =	vsel vm0, $0xFFFFFFFF, v2  }
0x79: {  	[tilespmem:$0x1F4B0] =	vst v2  }
0x7a: {  	v2 =	vld [tilespmem:$0x1F440];
	_ =	sdelay $0x4  }
0x7b: {  	vm0 =	vnez.u8 v2;
	v2 =	vld [tilespmem:$0x1F450];
	_ =	sdelay $0x4  }
0x7c: {  	vm15 =	vnez.u8 v2  }
0x7d: {  	v2 =	vimm.s32 $0x0;
	vm15 =	vmand vm15, vm0  }
0x7e: {  	v2 =	vsel vm15, $0xFFFFFFFF, v2  }
0x7f: {  	[tilespmem:$0x1F460] =	vst v2;
	v2 =	vld [tilespmem:$0x1F4B0];
	_ =	sdelay $0x4  }
0x80: {  	vm15 =	vnez.u8 v2  }
0x81: {  	v0 =	vsel vm15, v1, v0;
	v1 =	vld [tilespmem:$0x1F460];
	_ =	sdelay $0x4  }
0x82: {  	vm15 =	vnez.u8 v1  }
0x83: {  	v1 =	vsel vm15, $0xFF61B1E6, v7  }
0x84: {  	vm15 =	vgt.f32 v1, v0  }
0x85: {  	v2 =	vimm.s32 $0x0;
	v0 =	vsel vm15, v1, v0;
	v1 =	vnsel vm0, $0xFF61B1E6, v8  }
0x86: {  	v2 =	vsel vm15, $0xFFFFFFFF, v2;
	vm15 =	vgt.f32 v1, v0  }
0x87: {  	[tilespmem:$0x1F4C0] =	vst v2;
	v2 =	vsel vm0, v5, v8;
	v0 =	vsel vm15, v1, v0  }
0x88: {  	v0 =	vsub.f32 v0, v2;
	_ =	sdelay $0x1  }
0x89: {  	v0 =	vmul.f32 $1.442695020e+00, v0;
	_ =	sdelay $0x1  }
0x8a: {  	(erf) = vpow2.f32 v0;
	_ =	sdelay $0x8  }
0x8b: {  	v0 =	vpop (erf)  }
0x8c: {  	v1 =	vld [tilespmem:$0x1F470];
	v0 =	vadd.f32 $1.000000000e+00, v0  }
0x8d: {  	v2 =	vld [tilespmem:$0x1F480]  }
0x8e: {  	(erf) = vrcp.f32 v0;
	v0 =	vld [tilespmem:$0x1F490];
	_ =	sdelay $0x2  }
0x8f: {  	vm0 =	vnez.u8 v1  }
0x90: {  	v1 =	vsel vm0, $0x1000, v11;
	vm0 =	vnez.u8 v2  }
0x91: {  	v1 =	vsel vm0, $0x2000, v1;
	vm0 =	vnez.u8 v0  }
0x92: {  	v0 =	vsel vm0, $0x3000, v1;
	v1 =	vld [tilespmem:$0x1F4A0]  }
0x93: {  	v2 =	vld [tilespmem:$0x1F4B0];
	_ =	sdelay $0x1  }
0x94: {  	v3 =	vld [tilespmem:$0x1F4C0];
	_ =	sdelay $0x1  }
0x95: {  	vm0 =	vnez.u8 v1  }
0x96: {  	v0 =	vsel vm0, $0x4000, v0;
	vm0 =	vnez.u8 v2;
	v2 =	vld [tilespmem:$0x1FC10];
	_ =	sdelay $0x1  }
0x97: {  	v0 =	vsel vm0, $0x5000, v0;
	vm0 =	vnez.u8 v3  }
0x98: {  	v0 =	vsel vm0, $0x6000, v0  }
0x99: {  	v1 =	vshll.u32 v9, $0xC;
	v0 =	vsel vm15, $0x7000, v0  }
0x9a: {  	v1 =	vor.u32 v2, v1;
	v0 =	vadd.s32 v2, v0;
	v2 =	vld [tilespmem:$0x1FC90];
	_ =	sdelay $0x4  }
0x9b: {  	vm0 =	vnez.u8 v2  }
0x9c: {  	[tilespmem:s8], [sflag:$0x1] =	stream.indirect_vreg.gather [hbm4b:s3+s2], $0x80, v1, vm0, $0xb8;
	[tilespmem:$0x10100] =	vst v63  }
0x9d: {  	v1 =	vpop (erf)  }
0x9e: {  	[tilespmem:s9], [sflag:$0x1] =	stream.indirect_vreg.gather [hbm4b:s3+s2], $0x80, v0, vm0, $0xb8;
	v0 =	vsub.f32 $1.000000000e+00, v1;
	[tilespmem:$0x10100] =	vst v63  }
0x9f: {  	[tilespmem:$0x4000] =	vst v1;
	v1 =	vld [tilespmem:$0x1FD20]  }
0xa0: {  	[tilespmem:$0x4080] =	vst v0;
	v0 =	vld [tilespmem:$0x1FD10];
	_ =	sdelay $0x1  }
0xa1: {  	v2 =	vld [tilespmem:$0x1FD30];
	_ =	sdelay $0x4  }
0xa2: {  	v1 =	vld.idx.msk [tilespmem:v1+s2+$0x0], $0xffff  }
0xa3: {  	v0 =	vld.idx.msk [tilespmem:v0+s2+$0x0], $0xffff;
	_ =	sdelay $0x1  }
0xa4: {  	v2 =	vld.idx.msk [tilespmem:v2+s2+$0x0], $0xffff;
	_ =	sdelay $0x2  }
0xa5: {  	v3 =	vld [tilespmem:$0x1FD40];
	vm0 =	vgt.f32 v1, v0  }
0xa6: {  	v5 =	vsel vm0, v1, v0  }
0xa7: {  	v6 =	vimm.s32 $0x0;
	v4 =	vld [tilespmem:$0x1FD50];
	vm15 =	vgt.f32 v2, v5  }
0xa8: {  	v6 =	vsel vm15, $0xFFFFFFFF, v6  }
0xa9: {  	[tilespmem:$0x1F4D0] =	vst v6;
	v6 =	vld [tilespmem:$0x1FD60];
	_ =	sdelay $0x3  }
0xaa: {  	v3 =	vld.idx.msk [tilespmem:v3+s2+$0x0], $0xffff;
	_ =	sdelay $0x1  }
0xab: {  	v4 =	vld.idx.msk [tilespmem:v4+s2+$0x0], $0xffff;
	_ =	sdelay $0x1  }
0xac: {  	v5 =	vsel vm15, v2, v5;
	v6 =	vld.idx.msk [tilespmem:v6+s2+$0x0], $0xffff  }
0xad: {  	vm15 =	vgt.f32 v3, v5  }
0xae: {  	v7 =	vimm.s32 $0x0;
	v5 =	vsel vm15, v3, v5  }
0xaf: {  	v7 =	vsel vm15, $0xFFFFFFFF, v7;
	vm15 =	vgt.f32 v4, v5  }
0xb0: {  	v8 =	vimm.s32 $0x0;
	v5 =	vsel vm15, v4, v5  }
0xb1: {  	v12 =	vimm.s32 $0x0;
	[tilespmem:$0x1F4E0] =	vst v7;
	v7 =	vld [tilespmem:$0x1FD70];
	v8 =	vsel vm15, $0xFFFFFFFF, v8;
	vm15 =	vgt.f32 v6, v5  }
0xb2: {  	v12 =	vsel vm15, $0xFFFFFFFF, v12  }
0xb3: {  	[tilespmem:$0x1F500] =	vst v12;
	v12 =	vld [tilespmem:$0x1F4D0];
	_ =	sdelay $0x4  }
0xb4: {  	v9 =	vsel vm0, $0x1, v11;
	vm0 =	vnez.u8 v12;
	v12 =	vld [tilespmem:$0x1F4E0]  }
0xb5: {  	v7 =	vld.idx.msk [tilespmem:v7+s2+$0x0], $0xffff;
	_ =	sdelay $0x3  }
0xb6: {  	v5 =	vsel vm15, v6, v5;
	v9 =	vsel vm0, $0x2, v9;
	vm0 =	vnez.u8 v12  }
0xb7: {  	[tilespmem:$0x1F4F0] =	vst v8;
	v8 =	vld [tilespmem:$0x1FD80];
	v12 =	vimm.s32 $0x0;
	v9 =	vsel vm0, $0x3, v9;
	vm0 =	vgt.f32 v7, v5  }
0xb8: {  	v12 =	vsel vm0, $0xFFFFFFFF, v12  }
0xb9: {  	[tilespmem:$0x1F520] =	vst v12;
	v12 =	vld [tilespmem:$0x1F4F0];
	_ =	sdelay $0x4  }
0xba: {  	vm15 =	vnez.u8 v12;
	v12 =	vld [tilespmem:$0x1F500]  }
0xbb: {  	v8 =	vld.idx.msk [tilespmem:v8+s2+$0x0], $0xffff;
	_ =	sdelay $0x3  }
0xbc: {  	v5 =	vsel vm0, v7, v5;
	v9 =	vsel vm15, $0x4, v9;
	vm15 =	vnez.u8 v12  }
0xbd: {  	v9 =	vsel vm15, $0x5, v9;
	vm15 =	vgt.f32 v8, v5  }
0xbe: {  	v9 =	vsel vm0, $0x6, v9;
	vm0 =	vmneg vm15  }
0xbf: {  	v9 =	vnsel vm0, $0x7, v9  }
0xc0: {  	vm15 =	veq.s32 v9, $0x0  }
0xc1: {  	v12 =	vimm.s32 $0x0;
	v0 =	vsel vm15, $0xFF61B1E6, v0  }
0xc2: {  	v12 =	vsel vm0, $0xFFFFFFFF, v12;
	vm0 =	veq.s32 v9, $0x1;
	vm15 =	vgt.f32 v0, $-3.000000010e+38  }
0xc3: {  	v1 =	vsel vm0, $0xFF61B1E6, v1;
	v0 =	vnsel vm15, $0xFF61B1E6, v0  }
0xc4: {  	[tilespmem:$0x1F510] =	vst v12;
	v12 =	vimm.s32 $0x0;
	vm15 =	veq.s32 v9, $0x2;
	vm0 =	vgt.f32 v1, v0  }
0xc5: {  	v12 =	vsel vm0, $0xFFFFFFFF, v12;
	v0 =	vsel vm0, v1, v0;
	v1 =	vsel vm15, $0xFF61B1E6, v2  }
0xc6: {  	v2 =	vimm.s32 $0x0;
	vm15 =	veq.s32 v9, $0x3;
	vm0 =	vgt.f32 v1, v0  }
0xc7: {  	v2 =	vsel vm0, $0xFFFFFFFF, v2;
	v0 =	vsel vm0, v1, v0;
	v1 =	vsel vm15, $0xFF61B1E6, v3  }
0xc8: {  	vm15 =	veq.s32 v9, $0x4;
	[tilespmem:$0x1F550] =	vst v2;
	vm0 =	vgt.f32 v1, v0;
	v2 =	vimm.s32 $0x0  }
0xc9: {  	v2 =	vsel vm0, $0xFFFFFFFF, v2;
	v0 =	vsel vm0, v1, v0;
	v1 =	vsel vm15, $0xFF61B1E6, v4  }
0xca: {  	vm15 =	veq.s32 v9, $0x5;
	[tilespmem:$0x1F560] =	vst v2;
	vm0 =	vgt.f32 v1, v0;
	v2 =	vimm.s32 $0x0  }
0xcb: {  	v2 =	vsel vm0, $0xFFFFFFFF, v2;
	v0 =	vsel vm0, v1, v0;
	v1 =	vsel vm15, $0xFF61B1E6, v6  }
0xcc: {  	[tilespmem:$0x1F570] =	vst v2;
	vm0 =	vgt.f32 v1, v0;
	v2 =	vimm.s32 $0x0  }
0xcd: {  	v2 =	vsel vm0, $0xFFFFFFFF, v2  }
0xce: {  	[tilespmem:$0x1F580] =	vst v2;
	v2 =	vld [tilespmem:$0x1F510];
	_ =	sdelay $0x4  }
0xcf: {  	vm0 =	vnez.u8 v2;
	v2 =	vld [tilespmem:$0x1F520];
	_ =	sdelay $0x4  }
0xd0: {  	vm15 =	vnez.u8 v2  }
0xd1: {  	v2 =	vimm.s32 $0x0;
	vm15 =	vmand vm15, vm0  }
0xd2: {  	v2 =	vsel vm15, $0xFFFFFFFF, v2  }
0xd3: {  	[tilespmem:$0x1F530] =	vst v2;
	v2 =	vld [tilespmem:$0x1F580];
	_ =	sdelay $0x4  }
0xd4: {  	vm15 =	vnez.u8 v2  }
0xd5: {  	v0 =	vsel vm15, v1, v0;
	v1 =	vld [tilespmem:$0x1F530];
	_ =	sdelay $0x4  }
0xd6: {  	vm15 =	vnez.u8 v1  }
0xd7: {  	v1 =	vsel vm15, $0xFF61B1E6, v7  }
0xd8: {  	vm15 =	vgt.f32 v1, v0  }
0xd9: {  	v2 =	vimm.s32 $0x0;
	v0 =	vsel vm15, v1, v0;
	v1 =	vnsel vm0, $0xFF61B1E6, v8  }
0xda: {  	v2 =	vsel vm15, $0xFFFFFFFF, v2;
	vm15 =	vgt.f32 v1, v0  }
0xdb: {  	[tilespmem:$0x1F590] =	vst v2;
	v2 =	vsel vm0, v5, v8;
	v0 =	vsel vm15, v1, v0  }
0xdc: {  	v0 =	vsub.f32 v0, v2;
	_ =	sdelay $0x1  }
0xdd: {  	v0 =	vmul.f32 $1.442695020e+00, v0;
	_ =	sdelay $0x1  }
0xde: {  	(erf) = vpow2.f32 v0;
	_ =	sdelay $0x8  }
0xdf: {  	[tilespmem:$0x1F540] =	vst v12;
	v0 =	vpop (erf)  }
0xe0: {  	v1 =	vld [tilespmem:$0x1F540];
	v0 =	vadd.f32 $1.000000000e+00, v0  }
0xe1: {  	v2 =	vld [tilespmem:$0x1F550]  }
0xe2: {  	(erf) = vrcp.f32 v0;
	v0 =	vld [tilespmem:$0x1F560];
	_ =	sdelay $0x2  }
0xe3: {  	vm0 =	vnez.u8 v1  }
0xe4: {  	v1 =	vsel vm0, $0x1000, v11;
	vm0 =	vnez.u8 v2  }
0xe5: {  	v1 =	vsel vm0, $0x2000, v1;
	vm0 =	vnez.u8 v0  }
0xe6: {  	v0 =	vsel vm0, $0x3000, v1;
	v1 =	vld [tilespmem:$0x1F570]  }
0xe7: {  	v2 =	vld [tilespmem:$0x1F580];
	_ =	sdelay $0x1  }
0xe8: {  	v3 =	vld [tilespmem:$0x1F590];
	_ =	sdelay $0x1  }
0xe9: {  	vm0 =	vnez.u8 v1  }
0xea: {  	v0 =	vsel vm0, $0x4000, v0;
	vm0 =	vnez.u8 v2;
	v2 =	vld [tilespmem:$0x1FC20];
	_ =	sdelay $0x1  }
0xeb: {  	v0 =	vsel vm0, $0x5000, v0;
	vm0 =	vnez.u8 v3  }
0xec: {  	v0 =	vsel vm0, $0x6000, v0  }
0xed: {  	v1 =	vshll.u32 v9, $0xC;
	v0 =	vsel vm15, $0x7000, v0  }
0xee: {  	v1 =	vor.u32 v2, v1;
	v0 =	vadd.s32 v2, v0;
	v2 =	vld [tilespmem:$0x1FC90];
	_ =	sdelay $0x4  }
0xef: {  	vm0 =	vnez.u8 v2  }
0xf0: {  	[tilespmem:s10], [sflag:$0x1] =	stream.indirect_vreg.gather [hbm4b:s3+s2], $0x80, v1, vm0, $0xb8;
	[tilespmem:$0x10100] =	vst v63  }
0xf1: {  	v1 =	vpop (erf)  }
0xf2: {  	[tilespmem:s11], [sflag:$0x1] =	stream.indirect_vreg.gather [hbm4b:s3+s2], $0x80, v0, vm0, $0xb8;
	v0 =	vsub.f32 $1.000000000e+00, v1;
	[tilespmem:$0x10100] =	vst v63  }
0xf3: {  	[tilespmem:$0x4010] =	vst v1;
	v1 =	vld [tilespmem:$0x1FDA0]  }
0xf4: {  	[tilespmem:$0x4090] =	vst v0;
	v0 =	vld [tilespmem:$0x1FD90];
	_ =	sdelay $0x1  }
0xf5: {  	v2 =	vld [tilespmem:$0x1FDB0];
	_ =	sdelay $0x4  }
0xf6: {  	v1 =	vld.idx.msk [tilespmem:v1+s2+$0x0], $0xffff  }
0xf7: {  	v0 =	vld.idx.msk [tilespmem:v0+s2+$0x0], $0xffff;
	_ =	sdelay $0x1  }
0xf8: {  	v2 =	vld.idx.msk [tilespmem:v2+s2+$0x0], $0xffff;
	_ =	sdelay $0x2  }
0xf9: {  	v3 =	vld [tilespmem:$0x1FDC0];
	vm0 =	vgt.f32 v1, v0  }
0xfa: {  	v5 =	vsel vm0, v1, v0  }
0xfb: {  	v4 =	vld [tilespmem:$0x1FDD0];
	v6 =	vimm.s32 $0x0;
	vm15 =	vgt.f32 v2, v5  }
0xfc: {  	v6 =	vsel vm15, $0xFFFFFFFF, v6  }
0xfd: {  	[tilespmem:$0x1F5A0] =	vst v6;
	v6 =	vld [tilespmem:$0x1FDE0];
	_ =	sdelay $0x3  }
0xfe: {  	v3 =	vld.idx.msk [tilespmem:v3+s2+$0x0], $0xffff;
	_ =	sdelay $0x1  }
0xff: {  	v4 =	vld.idx.msk [tilespmem:v4+s2+$0x0], $0xffff;
	_ =	sdelay $0x1  }
0x100: {  	v5 =	vsel vm15, v2, v5;
	v6 =	vld.idx.msk [tilespmem:v6+s2+$0x0], $0xffff  }
0x101: {  	vm15 =	vgt.f32 v3, v5  }
0x102: {  	v7 =	vimm.s32 $0x0;
	v5 =	vsel vm15, v3, v5  }
0x103: {  	v7 =	vsel vm15, $0xFFFFFFFF, v7;
	vm15 =	vgt.f32 v4, v5  }
0x104: {  	v8 =	vimm.s32 $0x0;
	v5 =	vsel vm15, v4, v5  }
0x105: {  	v12 =	vimm.s32 $0x0;
	[tilespmem:$0x1F5B0] =	vst v7;
	v7 =	vld [tilespmem:$0x1FDF0];
	v8 =	vsel vm15, $0xFFFFFFFF, v8;
	vm15 =	vgt.f32 v6, v5  }
0x106: {  	v12 =	vsel vm15, $0xFFFFFFFF, v12  }
0x107: {  	[tilespmem:$0x1F5D0] =	vst v12;
	v12 =	vld [tilespmem:$0x1F5A0];
	_ =	sdelay $0x4  }
0x108: {  	v9 =	vsel vm0, $0x1, v11;
	vm0 =	vnez.u8 v12;
	v12 =	vld [tilespmem:$0x1F5B0]  }
0x109: {  	v7 =	vld.idx.msk [tilespmem:v7+s2+$0x0], $0xffff;
	_ =	sdelay $0x3  }
0x10a: {  	v5 =	vsel vm15, v6, v5;
	v9 =	vsel vm0, $0x2, v9;
	vm0 =	vnez.u8 v12  }
0x10b: {  	[tilespmem:$0x1F5C0] =	vst v8;
	v8 =	vld [tilespmem:$0x1FE00];
	v12 =	vimm.s32 $0x0;
	v9 =	vsel vm0, $0x3, v9;
	vm0 =	vgt.f32 v7, v5  }
0x10c: {  	v12 =	vsel vm0, $0xFFFFFFFF, v12  }
0x10d: {  	[tilespmem:$0x1F5F0] =	vst v12;
	v12 =	vld [tilespmem:$0x1F5C0];
	_ =	sdelay $0x4  }
0x10e: {  	vm15 =	vnez.u8 v12;
	v12 =	vld [tilespmem:$0x1F5D0]  }
0x10f: {  	v8 =	vld.idx.msk [tilespmem:v8+s2+$0x0], $0xffff;
	_ =	sdelay $0x3  }
0x110: {  	v5 =	vsel vm0, v7, v5;
	v9 =	vsel vm15, $0x4, v9;
	vm15 =	vnez.u8 v12  }
0x111: {  	v9 =	vsel vm15, $0x5, v9;
	vm15 =	vgt.f32 v8, v5  }
0x112: {  	v9 =	vsel vm0, $0x6, v9;
	vm0 =	vmneg vm15  }
0x113: {  	v9 =	vnsel vm0, $0x7, v9  }
0x114: {  	vm15 =	veq.s32 v9, $0x0  }
0x115: {  	v12 =	vimm.s32 $0x0;
	v0 =	vsel vm15, $0xFF61B1E6, v0  }
0x116: {  	v12 =	vsel vm0, $0xFFFFFFFF, v12;
	vm0 =	veq.s32 v9, $0x1;
	vm15 =	vgt.f32 v0, $-3.000000010e+38  }
0x117: {  	v1 =	vsel vm0, $0xFF61B1E6, v1;
	v0 =	vnsel vm15, $0xFF61B1E6, v0  }
0x118: {  	[tilespmem:$0x1F5E0] =	vst v12;
	v12 =	vimm.s32 $0x0;
	vm15 =	veq.s32 v9, $0x2;
	vm0 =	vgt.f32 v1, v0  }
0x119: {  	v12 =	vsel vm0, $0xFFFFFFFF, v12;
	v0 =	vsel vm0, v1, v0;
	v1 =	vsel vm15, $0xFF61B1E6, v2  }
0x11a: {  	v2 =	vimm.s32 $0x0;
	vm15 =	veq.s32 v9, $0x3;
	vm0 =	vgt.f32 v1, v0  }
0x11b: {  	v2 =	vsel vm0, $0xFFFFFFFF, v2;
	v0 =	vsel vm0, v1, v0;
	v1 =	vsel vm15, $0xFF61B1E6, v3  }
0x11c: {  	vm15 =	veq.s32 v9, $0x4;
	[tilespmem:$0x1F620] =	vst v2;
	vm0 =	vgt.f32 v1, v0;
	v2 =	vimm.s32 $0x0  }
0x11d: {  	v2 =	vsel vm0, $0xFFFFFFFF, v2;
	v0 =	vsel vm0, v1, v0;
	v1 =	vsel vm15, $0xFF61B1E6, v4  }
0x11e: {  	vm15 =	veq.s32 v9, $0x5;
	[tilespmem:$0x1F630] =	vst v2;
	vm0 =	vgt.f32 v1, v0;
	v2 =	vimm.s32 $0x0  }
0x11f: {  	v2 =	vsel vm0, $0xFFFFFFFF, v2;
	v0 =	vsel vm0, v1, v0;
	v1 =	vsel vm15, $0xFF61B1E6, v6  }
0x120: {  	[tilespmem:$0x1F640] =	vst v2;
	vm0 =	vgt.f32 v1, v0;
	v2 =	vimm.s32 $0x0  }
0x121: {  	v2 =	vsel vm0, $0xFFFFFFFF, v2  }
0x122: {  	[tilespmem:$0x1F650] =	vst v2;
	v2 =	vld [tilespmem:$0x1F5E0];
	_ =	sdelay $0x4  }
0x123: {  	vm0 =	vnez.u8 v2;
	v2 =	vld [tilespmem:$0x1F5F0];
	_ =	sdelay $0x4  }
0x124: {  	vm15 =	vnez.u8 v2  }
0x125: {  	v2 =	vimm.s32 $0x0;
	vm15 =	vmand vm15, vm0  }
0x126: {  	v2 =	vsel vm15, $0xFFFFFFFF, v2  }
0x127: {  	[tilespmem:$0x1F600] =	vst v2;
	v2 =	vld [tilespmem:$0x1F650];
	_ =	sdelay $0x4  }
0x128: {  	vm15 =	vnez.u8 v2  }
0x129: {  	v0 =	vsel vm15, v1, v0;
	v1 =	vld [tilespmem:$0x1F600];
	_ =	sdelay $0x4  }
0x12a: {  	vm15 =	vnez.u8 v1  }
0x12b: {  	v1 =	vsel vm15, $0xFF61B1E6, v7  }
0x12c: {  	vm15 =	vgt.f32 v1, v0  }
0x12d: {  	v2 =	vimm.s32 $0x0;
	v0 =	vsel vm15, v1, v0;
	v1 =	vnsel vm0, $0xFF61B1E6, v8  }
0x12e: {  	v2 =	vsel vm15, $0xFFFFFFFF, v2;
	vm15 =	vgt.f32 v1, v0  }
0x12f: {  	[tilespmem:$0x1F660] =	vst v2;
	v2 =	vsel vm0, v5, v8;
	v0 =	vsel vm15, v1, v0  }
0x130: {  	v0 =	vsub.f32 v0, v2;
	_ =	sdelay $0x1  }
0x131: {  	v0 =	vmul.f32 $1.442695020e+00, v0;
	_ =	sdelay $0x1  }
0x132: {  	(erf) = vpow2.f32 v0;
	_ =	sdelay $0x8  }
0x133: {  	[tilespmem:$0x1F610] =	vst v12;
	v0 =	vpop (erf)  }
0x134: {  	v1 =	vld [tilespmem:$0x1F610];
	v0 =	vadd.f32 $1.000000000e+00, v0  }
0x135: {  	v2 =	vld [tilespmem:$0x1F620]  }
0x136: {  	(erf) = vrcp.f32 v0;
	v0 =	vld [tilespmem:$0x1F630];
	_ =	sdelay $0x2  }
0x137: {  	vm0 =	vnez.u8 v1  }
0x138: {  	v1 =	vsel vm0, $0x1000, v11;
	vm0 =	vnez.u8 v2  }
0x139: {  	v1 =	vsel vm0, $0x2000, v1;
	vm0 =	vnez.u8 v0  }
0x13a: {  	v0 =	vsel vm0, $0x3000, v1;
	v1 =	vld [tilespmem:$0x1F640]  }
0x13b: {  	v2 =	vld [tilespmem:$0x1F650];
	_ =	sdelay $0x1  }
0x13c: {  	v3 =	vld [tilespmem:$0x1F660];
	_ =	sdelay $0x1  }
0x13d: {  	vm0 =	vnez.u8 v1  }
0x13e: {  	v0 =	vsel vm0, $0x4000, v0;
	vm0 =	vnez.u8 v2;
	v2 =	vld [tilespmem:$0x1FC30];
	_ =	sdelay $0x1  }
0x13f: {  	v0 =	vsel vm0, $0x5000, v0;
	vm0 =	vnez.u8 v3  }
0x140: {  	v0 =	vsel vm0, $0x6000, v0  }
0x141: {  	v1 =	vshll.u32 v9, $0xC;
	v0 =	vsel vm15, $0x7000, v0  }
0x142: {  	v1 =	vor.u32 v2, v1;
	v0 =	vadd.s32 v2, v0;
	v2 =	vld [tilespmem:$0x1FC90];
	_ =	sdelay $0x4  }
0x143: {  	vm0 =	vnez.u8 v2  }
0x144: {  	[tilespmem:s12], [sflag:$0x1] =	stream.indirect_vreg.gather [hbm4b:s3+s2], $0x80, v1, vm0, $0xb8;
	[tilespmem:$0x10100] =	vst v63  }
0x145: {  	v1 =	vpop (erf)  }
0x146: {  	[tilespmem:s13], [sflag:$0x1] =	stream.indirect_vreg.gather [hbm4b:s3+s2], $0x80, v0, vm0, $0xb8;
	v0 =	vsub.f32 $1.000000000e+00, v1;
	[tilespmem:$0x10100] =	vst v63  }
0x147: {  	[tilespmem:$0x4020] =	vst v1;
	v1 =	vld [tilespmem:$0x1FE20]  }
0x148: {  	[tilespmem:$0x40A0] =	vst v0;
	v0 =	vld [tilespmem:$0x1FE10];
	_ =	sdelay $0x1  }
0x149: {  	v2 =	vld [tilespmem:$0x1FE30];
	_ =	sdelay $0x4  }
0x14a: {  	v1 =	vld.idx.msk [tilespmem:v1+s2+$0x0], $0xffff  }
0x14b: {  	v0 =	vld.idx.msk [tilespmem:v0+s2+$0x0], $0xffff;
	_ =	sdelay $0x1  }
0x14c: {  	v2 =	vld.idx.msk [tilespmem:v2+s2+$0x0], $0xffff;
	_ =	sdelay $0x2  }
0x14d: {  	v3 =	vld [tilespmem:$0x1FE40];
	vm0 =	vgt.f32 v1, v0  }
0x14e: {  	v5 =	vsel vm0, v1, v0  }
0x14f: {  	v4 =	vld [tilespmem:$0x1FE50];
	v6 =	vimm.s32 $0x0;
	vm15 =	vgt.f32 v2, v5  }
0x150: {  	v6 =	vsel vm15, $0xFFFFFFFF, v6  }
0x151: {  	[tilespmem:$0x1F670] =	vst v6;
	v6 =	vld [tilespmem:$0x1FE60];
	_ =	sdelay $0x3  }
0x152: {  	v3 =	vld.idx.msk [tilespmem:v3+s2+$0x0], $0xffff;
	_ =	sdelay $0x1  }
0x153: {  	v4 =	vld.idx.msk [tilespmem:v4+s2+$0x0], $0xffff;
	_ =	sdelay $0x1  }
0x154: {  	v5 =	vsel vm15, v2, v5;
	v6 =	vld.idx.msk [tilespmem:v6+s2+$0x0], $0xffff  }
0x155: {  	vm15 =	vgt.f32 v3, v5  }
0x156: {  	v7 =	vimm.s32 $0x0;
	v5 =	vsel vm15, v3, v5  }
0x157: {  	v7 =	vsel vm15, $0xFFFFFFFF, v7;
	vm15 =	vgt.f32 v4, v5  }
0x158: {  	v8 =	vimm.s32 $0x0;
	v5 =	vsel vm15, v4, v5  }
0x159: {  	v12 =	vimm.s32 $0x0;
	[tilespmem:$0x1F680] =	vst v7;
	v7 =	vld [tilespmem:$0x1FE70];
	v8 =	vsel vm15, $0xFFFFFFFF, v8;
	vm15 =	vgt.f32 v6, v5  }
0x15a: {  	v12 =	vsel vm15, $0xFFFFFFFF, v12  }
0x15b: {  	[tilespmem:$0x1F6A0] =	vst v12;
	v12 =	vld [tilespmem:$0x1F670];
	_ =	sdelay $0x4  }
0x15c: {  	v9 =	vsel vm0, $0x1, v11;
	vm0 =	vnez.u8 v12;
	v12 =	vld [tilespmem:$0x1F680]  }
0x15d: {  	v7 =	vld.idx.msk [tilespmem:v7+s2+$0x0], $0xffff;
	_ =	sdelay $0x3  }
0x15e: {  	v5 =	vsel vm15, v6, v5;
	v9 =	vsel vm0, $0x2, v9;
	vm0 =	vnez.u8 v12  }
0x15f: {  	[tilespmem:$0x1F690] =	vst v8;
	v8 =	vld [tilespmem:$0x1FE80];
	v12 =	vimm.s32 $0x0;
	v9 =	vsel vm0, $0x3, v9;
	vm0 =	vgt.f32 v7, v5  }
0x160: {  	v12 =	vsel vm0, $0xFFFFFFFF, v12  }
0x161: {  	[tilespmem:$0x1F6C0] =	vst v12;
	v12 =	vld [tilespmem:$0x1F690];
	_ =	sdelay $0x4  }
0x162: {  	vm15 =	vnez.u8 v12;
	v12 =	vld [tilespmem:$0x1F6A0]  }
0x163: {  	v8 =	vld.idx.msk [tilespmem:v8+s2+$0x0], $0xffff;
	_ =	sdelay $0x3  }
0x164: {  	v5 =	vsel vm0, v7, v5;
	v9 =	vsel vm15, $0x4, v9;
	vm15 =	vnez.u8 v12  }
0x165: {  	v9 =	vsel vm15, $0x5, v9;
	vm15 =	vgt.f32 v8, v5  }
0x166: {  	v9 =	vsel vm0, $0x6, v9;
	vm0 =	vmneg vm15  }
0x167: {  	v9 =	vnsel vm0, $0x7, v9  }
0x168: {  	vm15 =	veq.s32 v9, $0x0  }
0x169: {  	v12 =	vimm.s32 $0x0;
	v0 =	vsel vm15, $0xFF61B1E6, v0  }
0x16a: {  	v12 =	vsel vm0, $0xFFFFFFFF, v12;
	vm0 =	veq.s32 v9, $0x1;
	vm15 =	vgt.f32 v0, $-3.000000010e+38  }
0x16b: {  	v1 =	vsel vm0, $0xFF61B1E6, v1;
	v0 =	vnsel vm15, $0xFF61B1E6, v0  }
0x16c: {  	[tilespmem:$0x1F6B0] =	vst v12;
	v12 =	vimm.s32 $0x0;
	vm15 =	veq.s32 v9, $0x2;
	vm0 =	vgt.f32 v1, v0  }
0x16d: {  	v12 =	vsel vm0, $0xFFFFFFFF, v12;
	v0 =	vsel vm0, v1, v0;
	v1 =	vsel vm15, $0xFF61B1E6, v2  }
0x16e: {  	v2 =	vimm.s32 $0x0;
	vm15 =	veq.s32 v9, $0x3;
	vm0 =	vgt.f32 v1, v0  }
0x16f: {  	v2 =	vsel vm0, $0xFFFFFFFF, v2;
	v0 =	vsel vm0, v1, v0;
	v1 =	vsel vm15, $0xFF61B1E6, v3  }
0x170: {  	vm15 =	veq.s32 v9, $0x4;
	[tilespmem:$0x1F6F0] =	vst v2;
	vm0 =	vgt.f32 v1, v0;
	v2 =	vimm.s32 $0x0  }
0x171: {  	v2 =	vsel vm0, $0xFFFFFFFF, v2;
	v0 =	vsel vm0, v1, v0;
	v1 =	vsel vm15, $0xFF61B1E6, v4  }
0x172: {  	vm15 =	veq.s32 v9, $0x5;
	[tilespmem:$0x1F700] =	vst v2;
	vm0 =	vgt.f32 v1, v0;
	v2 =	vimm.s32 $0x0  }
0x173: {  	v2 =	vsel vm0, $0xFFFFFFFF, v2;
	v0 =	vsel vm0, v1, v0;
	v1 =	vsel vm15, $0xFF61B1E6, v6  }
0x174: {  	[tilespmem:$0x1F710] =	vst v2;
	vm0 =	vgt.f32 v1, v0;
	v2 =	vimm.s32 $0x0  }
0x175: {  	v2 =	vsel vm0, $0xFFFFFFFF, v2  }
0x176: {  	[tilespmem:$0x1F720] =	vst v2;
	v2 =	vld [tilespmem:$0x1F6B0];
	_ =	sdelay $0x4  }
0x177: {  	vm0 =	vnez.u8 v2;
	v2 =	vld [tilespmem:$0x1F6C0];
	_ =	sdelay $0x4  }
0x178: {  	vm15 =	vnez.u8 v2  }
0x179: {  	v2 =	vimm.s32 $0x0;
	vm15 =	vmand vm15, vm0  }
0x17a: {  	v2 =	vsel vm15, $0xFFFFFFFF, v2  }
0x17b: {  	[tilespmem:$0x1F6D0] =	vst v2;
	v2 =	vld [tilespmem:$0x1F720];
	_ =	sdelay $0x4  }
0x17c: {  	vm15 =	vnez.u8 v2  }
0x17d: {  	v0 =	vsel vm15, v1, v0;
	v1 =	vld [tilespmem:$0x1F6D0];
	_ =	sdelay $0x4  }
0x17e: {  	vm15 =	vnez.u8 v1  }
0x17f: {  	v1 =	vsel vm15, $0xFF61B1E6, v7  }
0x180: {  	vm15 =	vgt.f32 v1, v0  }
0x181: {  	v2 =	vimm.s32 $0x0;
	v0 =	vsel vm15, v1, v0;
	v1 =	vnsel vm0, $0xFF61B1E6, v8  }
0x182: {  	v2 =	vsel vm15, $0xFFFFFFFF, v2;
	vm15 =	vgt.f32 v1, v0  }
0x183: {  	[tilespmem:$0x1F730] =	vst v2;
	v2 =	vsel vm0, v5, v8;
	v0 =	vsel vm15, v1, v0  }
0x184: {  	v0 =	vsub.f32 v0, v2;
	_ =	sdelay $0x1  }
0x185: {  	v0 =	vmul.f32 $1.442695020e+00, v0;
	_ =	sdelay $0x1  }
0x186: {  	(erf) = vpow2.f32 v0;
	_ =	sdelay $0x8  }
0x187: {  	[tilespmem:$0x1F6E0] =	vst v12;
	v0 =	vpop (erf)  }
0x188: {  	v1 =	vld [tilespmem:$0x1F6E0];
	v0 =	vadd.f32 $1.000000000e+00, v0  }
0x189: {  	v2 =	vld [tilespmem:$0x1F6F0]  }
0x18a: {  	(erf) = vrcp.f32 v0;
	v0 =	vld [tilespmem:$0x1F700];
	_ =	sdelay $0x2  }
0x18b: {  	vm0 =	vnez.u8 v1  }
0x18c: {  	v1 =	vsel vm0, $0x1000, v11;
	vm0 =	vnez.u8 v2  }
0x18d: {  	v1 =	vsel vm0, $0x2000, v1;
	vm0 =	vnez.u8 v0  }
0x18e: {  	v0 =	vsel vm0, $0x3000, v1;
	v1 =	vld [tilespmem:$0x1F710]  }
0x18f: {  	v2 =	vld [tilespmem:$0x1F720];
	_ =	sdelay $0x1  }
0x190: {  	v3 =	vld [tilespmem:$0x1F730];
	_ =	sdelay $0x1  }
0x191: {  	vm0 =	vnez.u8 v1  }
0x192: {  	v0 =	vsel vm0, $0x4000, v0;
	vm0 =	vnez.u8 v2;
	v2 =	vld [tilespmem:$0x1FC40];
	_ =	sdelay $0x1  }
0x193: {  	v0 =	vsel vm0, $0x5000, v0;
	vm0 =	vnez.u8 v3  }
0x194: {  	v0 =	vsel vm0, $0x6000, v0  }
0x195: {  	v1 =	vshll.u32 v9, $0xC;
	v0 =	vsel vm15, $0x7000, v0  }
0x196: {  	v1 =	vor.u32 v2, v1;
	v0 =	vadd.s32 v2, v0;
	v2 =	vld [tilespmem:$0x1FC90];
	_ =	sdelay $0x4  }
0x197: {  	vm0 =	vnez.u8 v2  }
0x198: {  	[tilespmem:s14], [sflag:$0x1] =	stream.indirect_vreg.gather [hbm4b:s3+s2], $0x80, v1, vm0, $0xb8;
	[tilespmem:$0x10100] =	vst v63  }
0x199: {  	v1 =	vpop (erf)  }
0x19a: {  	[tilespmem:s15], [sflag:$0x1] =	stream.indirect_vreg.gather [hbm4b:s3+s2], $0x80, v0, vm0, $0xb8;
	v0 =	vsub.f32 $1.000000000e+00, v1;
	[tilespmem:$0x10100] =	vst v63  }
0x19b: {  	[tilespmem:$0x4030] =	vst v1;
	v1 =	vld [tilespmem:$0x1FEA0]  }
0x19c: {  	[tilespmem:$0x40B0] =	vst v0;
	v0 =	vld [tilespmem:$0x1FE90];
	_ =	sdelay $0x1  }
0x19d: {  	v2 =	vld [tilespmem:$0x1FEB0];
	_ =	sdelay $0x4  }
0x19e: {  	v1 =	vld.idx.msk [tilespmem:v1+s2+$0x0], $0xffff  }
0x19f: {  	v0 =	vld.idx.msk [tilespmem:v0+s2+$0x0], $0xffff;
	_ =	sdelay $0x1  }
0x1a0: {  	v2 =	vld.idx.msk [tilespmem:v2+s2+$0x0], $0xffff;
	_ =	sdelay $0x2  }
0x1a1: {  	v3 =	vld [tilespmem:$0x1FEC0];
	vm0 =	vgt.f32 v1, v0  }
0x1a2: {  	v5 =	vsel vm0, v1, v0  }
0x1a3: {  	v4 =	vld [tilespmem:$0x1FED0];
	v6 =	vimm.s32 $0x0;
	vm15 =	vgt.f32 v2, v5  }
0x1a4: {  	v6 =	vsel vm15, $0xFFFFFFFF, v6  }
0x1a5: {  	[tilespmem:$0x1F740] =	vst v6;
	v6 =	vld [tilespmem:$0x1FEE0];
	_ =	sdelay $0x3  }
0x1a6: {  	v3 =	vld.idx.msk [tilespmem:v3+s2+$0x0], $0xffff;
	_ =	sdelay $0x1  }
0x1a7: {  	v4 =	vld.idx.msk [tilespmem:v4+s2+$0x0], $0xffff;
	_ =	sdelay $0x1  }
0x1a8: {  	v5 =	vsel vm15, v2, v5;
	v6 =	vld.idx.msk [tilespmem:v6+s2+$0x0], $0xffff  }
0x1a9: {  	vm15 =	vgt.f32 v3, v5  }
0x1aa: {  	v7 =	vimm.s32 $0x0;
	v5 =	vsel vm15, v3, v5  }
0x1ab: {  	v7 =	vsel vm15, $0xFFFFFFFF, v7;
	vm15 =	vgt.f32 v4, v5  }
0x1ac: {  	v8 =	vimm.s32 $0x0;
	v5 =	vsel vm15, v4, v5  }
0x1ad: {  	v12 =	vimm.s32 $0x0;
	[tilespmem:$0x1F750] =	vst v7;
	v7 =	vld [tilespmem:$0x1FEF0];
	v8 =	vsel vm15, $0xFFFFFFFF, v8;
	vm15 =	vgt.f32 v6, v5  }
0x1ae: {  	v12 =	vsel vm15, $0xFFFFFFFF, v12  }
0x1af: {  	[tilespmem:$0x1F770] =	vst v12;
	v12 =	vld [tilespmem:$0x1F740];
	_ =	sdelay $0x4  }
0x1b0: {  	v9 =	vsel vm0, $0x1, v11;
	vm0 =	vnez.u8 v12;
	v12 =	vld [tilespmem:$0x1F750]  }
0x1b1: {  	v7 =	vld.idx.msk [tilespmem:v7+s2+$0x0], $0xffff;
	_ =	sdelay $0x3  }
0x1b2: {  	v5 =	vsel vm15, v6, v5;
	v9 =	vsel vm0, $0x2, v9;
	vm0 =	vnez.u8 v12  }
0x1b3: {  	[tilespmem:$0x1F760] =	vst v8;
	v8 =	vld [tilespmem:$0x1FF00];
	v12 =	vimm.s32 $0x0;
	v9 =	vsel vm0, $0x3, v9;
	vm0 =	vgt.f32 v7, v5  }
0x1b4: {  	v12 =	vsel vm0, $0xFFFFFFFF, v12  }
0x1b5: {  	[tilespmem:$0x1F790] =	vst v12;
	v12 =	vld [tilespmem:$0x1F760];
	_ =	sdelay $0x4  }
0x1b6: {  	vm15 =	vnez.u8 v12;
	v12 =	vld [tilespmem:$0x1F770]  }
0x1b7: {  	v8 =	vld.idx.msk [tilespmem:v8+s2+$0x0], $0xffff;
	_ =	sdelay $0x3  }
0x1b8: {  	v5 =	vsel vm0, v7, v5;
	v9 =	vsel vm15, $0x4, v9;
	vm15 =	vnez.u8 v12  }
0x1b9: {  	v9 =	vsel vm15, $0x5, v9;
	vm15 =	vgt.f32 v8, v5  }
0x1ba: {  	v9 =	vsel vm0, $0x6, v9;
	vm0 =	vmneg vm15  }
0x1bb: {  	v9 =	vnsel vm0, $0x7, v9  }
0x1bc: {  	vm15 =	veq.s32 v9, $0x0  }
0x1bd: {  	v12 =	vimm.s32 $0x0;
	v0 =	vsel vm15, $0xFF61B1E6, v0  }
0x1be: {  	v12 =	vsel vm0, $0xFFFFFFFF, v12;
	vm0 =	veq.s32 v9, $0x1;
	vm15 =	vgt.f32 v0, $-3.000000010e+38  }
0x1bf: {  	v1 =	vsel vm0, $0xFF61B1E6, v1;
	v0 =	vnsel vm15, $0xFF61B1E6, v0  }
0x1c0: {  	[tilespmem:$0x1F780] =	vst v12;
	v12 =	vimm.s32 $0x0;
	vm15 =	veq.s32 v9, $0x2;
	vm0 =	vgt.f32 v1, v0  }
0x1c1: {  	v12 =	vsel vm0, $0xFFFFFFFF, v12;
	v0 =	vsel vm0, v1, v0;
	v1 =	vsel vm15, $0xFF61B1E6, v2  }
0x1c2: {  	v2 =	vimm.s32 $0x0;
	vm15 =	veq.s32 v9, $0x3;
	vm0 =	vgt.f32 v1, v0  }
0x1c3: {  	v2 =	vsel vm0, $0xFFFFFFFF, v2;
	v0 =	vsel vm0, v1, v0;
	v1 =	vsel vm15, $0xFF61B1E6, v3  }
0x1c4: {  	vm15 =	veq.s32 v9, $0x4;
	[tilespmem:$0x1F7C0] =	vst v2;
	vm0 =	vgt.f32 v1, v0;
	v2 =	vimm.s32 $0x0  }
0x1c5: {  	v2 =	vsel vm0, $0xFFFFFFFF, v2;
	v0 =	vsel vm0, v1, v0;
	v1 =	vsel vm15, $0xFF61B1E6, v4  }
0x1c6: {  	vm15 =	veq.s32 v9, $0x5;
	[tilespmem:$0x1F7D0] =	vst v2;
	vm0 =	vgt.f32 v1, v0;
	v2 =	vimm.s32 $0x0  }
0x1c7: {  	v2 =	vsel vm0, $0xFFFFFFFF, v2;
	v0 =	vsel vm0, v1, v0;
	v1 =	vsel vm15, $0xFF61B1E6, v6  }
0x1c8: {  	[tilespmem:$0x1F7E0] =	vst v2;
	vm0 =	vgt.f32 v1, v0;
	v2 =	vimm.s32 $0x0  }
0x1c9: {  	v2 =	vsel vm0, $0xFFFFFFFF, v2  }
0x1ca: {  	[tilespmem:$0x1F7F0] =	vst v2;
	v2 =	vld [tilespmem:$0x1F780];
	_ =	sdelay $0x4  }
0x1cb: {  	vm0 =	vnez.u8 v2;
	v2 =	vld [tilespmem:$0x1F790];
	_ =	sdelay $0x4  }
0x1cc: {  	vm15 =	vnez.u8 v2  }
0x1cd: {  	v2 =	vimm.s32 $0x0;
	vm15 =	vmand vm15, vm0  }
0x1ce: {  	v2 =	vsel vm15, $0xFFFFFFFF, v2  }
0x1cf: {  	[tilespmem:$0x1F7A0] =	vst v2;
	v2 =	vld [tilespmem:$0x1F7F0];
	_ =	sdelay $0x4  }
0x1d0: {  	vm15 =	vnez.u8 v2  }
0x1d1: {  	v0 =	vsel vm15, v1, v0;
	v1 =	vld [tilespmem:$0x1F7A0];
	_ =	sdelay $0x4  }
0x1d2: {  	vm15 =	vnez.u8 v1  }
0x1d3: {  	v1 =	vsel vm15, $0xFF61B1E6, v7  }
0x1d4: {  	vm15 =	vgt.f32 v1, v0  }
0x1d5: {  	v2 =	vimm.s32 $0x0;
	v0 =	vsel vm15, v1, v0;
	v1 =	vnsel vm0, $0xFF61B1E6, v8  }
0x1d6: {  	v2 =	vsel vm15, $0xFFFFFFFF, v2;
	vm15 =	vgt.f32 v1, v0  }
0x1d7: {  	[tilespmem:$0x1F800] =	vst v2;
	v2 =	vsel vm0, v5, v8;
	v0 =	vsel vm15, v1, v0  }
0x1d8: {  	v0 =	vsub.f32 v0, v2;
	_ =	sdelay $0x1  }
0x1d9: {  	v0 =	vmul.f32 $1.442695020e+00, v0;
	_ =	sdelay $0x1  }
0x1da: {  	(erf) = vpow2.f32 v0;
	_ =	sdelay $0x8  }
0x1db: {  	[tilespmem:$0x1F7B0] =	vst v12;
	v0 =	vpop (erf)  }
0x1dc: {  	v1 =	vld [tilespmem:$0x1F7B0];
	v0 =	vadd.f32 $1.000000000e+00, v0  }
0x1dd: {  	v2 =	vld [tilespmem:$0x1F7C0]  }
0x1de: {  	(erf) = vrcp.f32 v0;
	v0 =	vld [tilespmem:$0x1F7D0];
	_ =	sdelay $0x2  }
0x1df: {  	vm0 =	vnez.u8 v1  }
0x1e0: {  	v1 =	vsel vm0, $0x1000, v11;
	vm0 =	vnez.u8 v2  }
0x1e1: {  	v1 =	vsel vm0, $0x2000, v1;
	vm0 =	vnez.u8 v0  }
0x1e2: {  	v0 =	vsel vm0, $0x3000, v1;
	v1 =	vld [tilespmem:$0x1F7E0]  }
0x1e3: {  	v2 =	vld [tilespmem:$0x1F7F0];
	_ =	sdelay $0x1  }
0x1e4: {  	v3 =	vld [tilespmem:$0x1F800];
	_ =	sdelay $0x1  }
0x1e5: {  	vm0 =	vnez.u8 v1  }
0x1e6: {  	v0 =	vsel vm0, $0x4000, v0;
	vm0 =	vnez.u8 v2;
	v2 =	vld [tilespmem:$0x1FC50];
	_ =	sdelay $0x1  }
0x1e7: {  	v0 =	vsel vm0, $0x5000, v0;
	vm0 =	vnez.u8 v3  }
0x1e8: {  	v0 =	vsel vm0, $0x6000, v0  }
0x1e9: {  	v1 =	vshll.u32 v9, $0xC;
	v0 =	vsel vm15, $0x7000, v0  }
0x1ea: {  	v1 =	vor.u32 v2, v1;
	v0 =	vadd.s32 v2, v0;
	v2 =	vld [tilespmem:$0x1FC90];
	_ =	sdelay $0x4  }
0x1eb: {  	vm0 =	vnez.u8 v2  }
0x1ec: {  	[tilespmem:s16], [sflag:$0x1] =	stream.indirect_vreg.gather [hbm4b:s3+s2], $0x80, v1, vm0, $0xb8;
	[tilespmem:$0x10100] =	vst v63  }
0x1ed: {  	v1 =	vpop (erf)  }
0x1ee: {  	[tilespmem:s17], [sflag:$0x1] =	stream.indirect_vreg.gather [hbm4b:s3+s2], $0x80, v0, vm0, $0xb8;
	v0 =	vsub.f32 $1.000000000e+00, v1;
	[tilespmem:$0x10100] =	vst v63  }
0x1ef: {  	[tilespmem:$0x4040] =	vst v1;
	v1 =	vld [tilespmem:$0x1FF20]  }
0x1f0: {  	[tilespmem:$0x40C0] =	vst v0;
	v0 =	vld [tilespmem:$0x1FF10];
	_ =	sdelay $0x1  }
0x1f1: {  	v2 =	vld [tilespmem:$0x1FF30];
	_ =	sdelay $0x4  }
0x1f2: {  	v1 =	vld.idx.msk [tilespmem:v1+s2+$0x0], $0xffff  }
0x1f3: {  	v0 =	vld.idx.msk [tilespmem:v0+s2+$0x0], $0xffff;
	_ =	sdelay $0x1  }
0x1f4: {  	v2 =	vld.idx.msk [tilespmem:v2+s2+$0x0], $0xffff;
	_ =	sdelay $0x2  }
0x1f5: {  	v3 =	vld [tilespmem:$0x1FF40];
	vm0 =	vgt.f32 v1, v0  }
0x1f6: {  	v5 =	vsel vm0, v1, v0  }
0x1f7: {  	v4 =	vld [tilespmem:$0x1FF50];
	v6 =	vimm.s32 $0x0;
	vm15 =	vgt.f32 v2, v5  }
0x1f8: {  	v6 =	vsel vm15, $0xFFFFFFFF, v6  }
0x1f9: {  	[tilespmem:$0x1F810] =	vst v6;
	v6 =	vld [tilespmem:$0x1FF60];
	_ =	sdelay $0x3  }
0x1fa: {  	v3 =	vld.idx.msk [tilespmem:v3+s2+$0x0], $0xffff;
	_ =	sdelay $0x1  }
0x1fb: {  	v4 =	vld.idx.msk [tilespmem:v4+s2+$0x0], $0xffff;
	_ =	sdelay $0x1  }
0x1fc: {  	v5 =	vsel vm15, v2, v5;
	v6 =	vld.idx.msk [tilespmem:v6+s2+$0x0], $0xffff  }
0x1fd: {  	vm15 =	vgt.f32 v3, v5  }
0x1fe: {  	v7 =	vimm.s32 $0x0;
	v5 =	vsel vm15, v3, v5  }
0x1ff: {  	v7 =	vsel vm15, $0xFFFFFFFF, v7;
	vm15 =	vgt.f32 v4, v5  }
0x200: {  	v8 =	vimm.s32 $0x0;
	v5 =	vsel vm15, v4, v5  }
0x201: {  	v12 =	vimm.s32 $0x0;
	[tilespmem:$0x1F820] =	vst v7;
	v7 =	vld [tilespmem:$0x1FF70];
	v8 =	vsel vm15, $0xFFFFFFFF, v8;
	vm15 =	vgt.f32 v6, v5  }
0x202: {  	v12 =	vsel vm15, $0xFFFFFFFF, v12  }
0x203: {  	[tilespmem:$0x1F840] =	vst v12;
	v12 =	vld [tilespmem:$0x1F810];
	_ =	sdelay $0x4  }
0x204: {  	v9 =	vsel vm0, $0x1, v11;
	vm0 =	vnez.u8 v12;
	v12 =	vld [tilespmem:$0x1F820]  }
0x205: {  	v7 =	vld.idx.msk [tilespmem:v7+s2+$0x0], $0xffff;
	_ =	sdelay $0x3  }
0x206: {  	v5 =	vsel vm15, v6, v5;
	v9 =	vsel vm0, $0x2, v9;
	vm0 =	vnez.u8 v12  }
0x207: {  	[tilespmem:$0x1F830] =	vst v8;
	v8 =	vld [tilespmem:$0x1FF80];
	v12 =	vimm.s32 $0x0;
	v9 =	vsel vm0, $0x3, v9;
	vm0 =	vgt.f32 v7, v5  }
0x208: {  	v12 =	vsel vm0, $0xFFFFFFFF, v12  }
0x209: {  	[tilespmem:$0x1F860] =	vst v12;
	v12 =	vld [tilespmem:$0x1F830];
	_ =	sdelay $0x4  }
0x20a: {  	vm15 =	vnez.u8 v12;
	v12 =	vld [tilespmem:$0x1F840]  }
0x20b: {  	v8 =	vld.idx.msk [tilespmem:v8+s2+$0x0], $0xffff;
	_ =	sdelay $0x3  }
0x20c: {  	v5 =	vsel vm0, v7, v5;
	v9 =	vsel vm15, $0x4, v9;
	vm15 =	vnez.u8 v12  }
0x20d: {  	v9 =	vsel vm15, $0x5, v9;
	vm15 =	vgt.f32 v8, v5  }
0x20e: {  	v9 =	vsel vm0, $0x6, v9;
	vm0 =	vmneg vm15  }
0x20f: {  	v9 =	vnsel vm0, $0x7, v9  }
0x210: {  	vm15 =	veq.s32 v9, $0x0  }
0x211: {  	v12 =	vimm.s32 $0x0;
	v0 =	vsel vm15, $0xFF61B1E6, v0  }
0x212: {  	v12 =	vsel vm0, $0xFFFFFFFF, v12;
	vm0 =	veq.s32 v9, $0x1;
	vm15 =	vgt.f32 v0, $-3.000000010e+38  }
0x213: {  	v1 =	vsel vm0, $0xFF61B1E6, v1;
	v0 =	vnsel vm15, $0xFF61B1E6, v0  }
0x214: {  	[tilespmem:$0x1F850] =	vst v12;
	v12 =	vimm.s32 $0x0;
	vm15 =	veq.s32 v9, $0x2;
	vm0 =	vgt.f32 v1, v0  }
0x215: {  	v12 =	vsel vm0, $0xFFFFFFFF, v12;
	v0 =	vsel vm0, v1, v0;
	v1 =	vsel vm15, $0xFF61B1E6, v2  }
0x216: {  	v2 =	vimm.s32 $0x0;
	vm15 =	veq.s32 v9, $0x3;
	vm0 =	vgt.f32 v1, v0  }
0x217: {  	v2 =	vsel vm0, $0xFFFFFFFF, v2;
	v0 =	vsel vm0, v1, v0;
	v1 =	vsel vm15, $0xFF61B1E6, v3  }
0x218: {  	vm15 =	veq.s32 v9, $0x4;
	[tilespmem:$0x1F890] =	vst v2;
	vm0 =	vgt.f32 v1, v0;
	v2 =	vimm.s32 $0x0  }
0x219: {  	v2 =	vsel vm0, $0xFFFFFFFF, v2;
	v0 =	vsel vm0, v1, v0;
	v1 =	vsel vm15, $0xFF61B1E6, v4  }
0x21a: {  	vm15 =	veq.s32 v9, $0x5;
	[tilespmem:$0x1F8A0] =	vst v2;
	vm0 =	vgt.f32 v1, v0;
	v2 =	vimm.s32 $0x0  }
0x21b: {  	v2 =	vsel vm0, $0xFFFFFFFF, v2;
	v0 =	vsel vm0, v1, v0;
	v1 =	vsel vm15, $0xFF61B1E6, v6  }
0x21c: {  	[tilespmem:$0x1F8B0] =	vst v2;
	vm0 =	vgt.f32 v1, v0;
	v2 =	vimm.s32 $0x0  }
0x21d: {  	v2 =	vsel vm0, $0xFFFFFFFF, v2  }
0x21e: {  	[tilespmem:$0x1F8C0] =	vst v2;
	v2 =	vld [tilespmem:$0x1F850];
	_ =	sdelay $0x4  }
0x21f: {  	vm0 =	vnez.u8 v2;
	v2 =	vld [tilespmem:$0x1F860];
	_ =	sdelay $0x4  }
0x220: {  	vm15 =	vnez.u8 v2  }
0x221: {  	v2 =	vimm.s32 $0x0;
	vm15 =	vmand vm15, vm0  }
0x222: {  	v2 =	vsel vm15, $0xFFFFFFFF, v2  }
0x223: {  	[tilespmem:$0x1F870] =	vst v2;
	v2 =	vld [tilespmem:$0x1F8C0];
	_ =	sdelay $0x4  }
0x224: {  	vm15 =	vnez.u8 v2  }
0x225: {  	v0 =	vsel vm15, v1, v0;
	v1 =	vld [tilespmem:$0x1F870];
	_ =	sdelay $0x4  }
0x226: {  	vm15 =	vnez.u8 v1  }
0x227: {  	v1 =	vsel vm15, $0xFF61B1E6, v7  }
0x228: {  	vm15 =	vgt.f32 v1, v0  }
0x229: {  	v2 =	vimm.s32 $0x0;
	v0 =	vsel vm15, v1, v0;
	v1 =	vnsel vm0, $0xFF61B1E6, v8  }
0x22a: {  	v2 =	vsel vm15, $0xFFFFFFFF, v2;
	vm15 =	vgt.f32 v1, v0  }
0x22b: {  	[tilespmem:$0x1F8D0] =	vst v2;
	v2 =	vsel vm0, v5, v8;
	v0 =	vsel vm15, v1, v0  }
0x22c: {  	v0 =	vsub.f32 v0, v2;
	_ =	sdelay $0x1  }
0x22d: {  	v0 =	vmul.f32 $1.442695020e+00, v0;
	_ =	sdelay $0x1  }
0x22e: {  	(erf) = vpow2.f32 v0;
	_ =	sdelay $0x8  }
0x22f: {  	[tilespmem:$0x1F880] =	vst v12;
	v0 =	vpop (erf)  }
0x230: {  	v1 =	vld [tilespmem:$0x1F880];
	v0 =	vadd.f32 $1.000000000e+00, v0  }
0x231: {  	v2 =	vld [tilespmem:$0x1F890]  }
0x232: {  	(erf) = vrcp.f32 v0;
	v0 =	vld [tilespmem:$0x1F8A0];
	_ =	sdelay $0x2  }
0x233: {  	vm0 =	vnez.u8 v1  }
0x234: {  	v1 =	vsel vm0, $0x1000, v11;
	vm0 =	vnez.u8 v2  }
0x235: {  	v1 =	vsel vm0, $0x2000, v1;
	vm0 =	vnez.u8 v0  }
0x236: {  	v0 =	vsel vm0, $0x3000, v1;
	v1 =	vld [tilespmem:$0x1F8B0]  }
0x237: {  	v2 =	vld [tilespmem:$0x1F8C0];
	_ =	sdelay $0x1  }
0x238: {  	v3 =	vld [tilespmem:$0x1F8D0];
	_ =	sdelay $0x1  }
0x239: {  	vm0 =	vnez.u8 v1  }
0x23a: {  	v0 =	vsel vm0, $0x4000, v0;
	vm0 =	vnez.u8 v2;
	v2 =	vld [tilespmem:$0x1FC60];
	_ =	sdelay $0x1  }
0x23b: {  	v0 =	vsel vm0, $0x5000, v0;
	vm0 =	vnez.u8 v3  }
0x23c: {  	v0 =	vsel vm0, $0x6000, v0  }
0x23d: {  	v1 =	vshll.u32 v9, $0xC;
	v0 =	vsel vm15, $0x7000, v0  }
0x23e: {  	v1 =	vor.u32 v2, v1;
	v0 =	vadd.s32 v2, v0;
	v2 =	vld [tilespmem:$0x1FC90];
	_ =	sdelay $0x4  }
0x23f: {  	vm0 =	vnez.u8 v2  }
0x240: {  	[tilespmem:s18], [sflag:$0x1] =	stream.indirect_vreg.gather [hbm4b:s3+s2], $0x80, v1, vm0, $0xb8;
	[tilespmem:$0x10100] =	vst v63  }
0x241: {  	v1 =	vpop (erf)  }
0x242: {  	[tilespmem:s19], [sflag:$0x1] =	stream.indirect_vreg.gather [hbm4b:s3+s2], $0x80, v0, vm0, $0xb8;
	v0 =	vsub.f32 $1.000000000e+00, v1;
	[tilespmem:$0x10100] =	vst v63  }
0x243: {  	[tilespmem:$0x4050] =	vst v1;
	v1 =	vld [tilespmem:$0x1FFA0]  }
0x244: {  	[tilespmem:$0x40D0] =	vst v0;
	v0 =	vld [tilespmem:$0x1FF90];
	_ =	sdelay $0x1  }
0x245: {  	v2 =	vld [tilespmem:$0x1FFB0];
	_ =	sdelay $0x4  }
0x246: {  	v1 =	vld.idx.msk [tilespmem:v1+s2+$0x0], $0xffff  }
0x247: {  	v0 =	vld.idx.msk [tilespmem:v0+s2+$0x0], $0xffff;
	_ =	sdelay $0x1  }
0x248: {  	v2 =	vld.idx.msk [tilespmem:v2+s2+$0x0], $0xffff;
	_ =	sdelay $0x2  }
0x249: {  	v3 =	vld [tilespmem:$0x1FFC0];
	vm0 =	vgt.f32 v1, v0  }
0x24a: {  	v6 =	vsel vm0, v1, v0  }
0x24b: {  	v5 =	vld [tilespmem:$0x1FFD0];
	v8 =	vimm.s32 $0x0;
	vm15 =	vgt.f32 v2, v6  }
0x24c: {  	v8 =	vsel vm15, $0xFFFFFFFF, v8  }
0x24d: {  	[tilespmem:$0x1F8E0] =	vst v8;
	v8 =	vld [tilespmem:$0x1FFF0];
	_ =	sdelay $0x3  }
0x24e: {  	v3 =	vld.idx.msk [tilespmem:v3+s2+$0x0], $0xffff;
	_ =	sdelay $0x1  }
0x24f: {  	v5 =	vld.idx.msk [tilespmem:v5+s2+$0x0], $0xffff;
	_ =	sdelay $0x1  }
0x250: {  	v6 =	vsel vm15, v2, v6;
	v8 =	vld.idx.msk [tilespmem:v8+s2+$0x0], $0xffff  }
0x251: {  	vm15 =	vgt.f32 v3, v6  }
0x252: {  	v9 =	vimm.s32 $0x0;
	v6 =	vsel vm15, v3, v6  }
0x253: {  	v9 =	vsel vm15, $0xFFFFFFFF, v9;
	vm15 =	vgt.f32 v5, v6  }
0x254: {  	[tilespmem:$0x1F8F0] =	vst v9;
	v9 =	vimm.s32 $0x0;
	v6 =	vsel vm15, v5, v6  }
0x255: {  	v12 =	vimm.s32 $0x0;
	v9 =	vsel vm15, $0xFFFFFFFF, v9;
	vm15 =	vgt.f32 v8, v6  }
0x256: {  	v12 =	vsel vm15, $0xFFFFFFFF, v12  }
0x257: {  	[tilespmem:$0x1F910] =	vst v12;
	v12 =	vld [tilespmem:$0x1F8E0]  }
0x258: {  	v4 =	vor.u32 $0x3006, v10;
	_ =	sdelay $0x3  }
0x259: {  	[tilespmem:$0x1F900] =	vst v9;
	v9 =	vsel vm0, $0x1, v11;
	vm0 =	vnez.u8 v12;
	v12 =	vld [tilespmem:$0x1F8F0]  }
0x25a: {  	v4 =	vld.idx.msk [tilespmem:v4+s2+$0x0], $0xffff;
	_ =	sdelay $0x3  }
0x25b: {  	v6 =	vsel vm15, v8, v6;
	v9 =	vsel vm0, $0x2, v9;
	vm0 =	vnez.u8 v12  }
0x25c: {  	v12 =	vimm.s32 $0x0;
	v9 =	vsel vm0, $0x3, v9;
	vm0 =	vgt.f32 v4, v6  }
0x25d: {  	v12 =	vsel vm0, $0xFFFFFFFF, v12  }
0x25e: {  	[tilespmem:$0x1F930] =	vst v12;
	v12 =	vld [tilespmem:$0x1F900]  }
0x25f: {  	v7 =	vor.u32 $0x3007, v10;
	_ =	sdelay $0x3  }
0x260: {  	vm15 =	vnez.u8 v12;
	v12 =	vld [tilespmem:$0x1F910]  }
0x261: {  	v7 =	vld.idx.msk [tilespmem:v7+s2+$0x0], $0xffff;
	_ =	sdelay $0x3  }
0x262: {  	v6 =	vsel vm0, v4, v6;
	v9 =	vsel vm15, $0x4, v9;
	vm15 =	vnez.u8 v12  }
0x263: {  	v9 =	vsel vm15, $0x5, v9;
	vm15 =	vgt.f32 v7, v6  }
0x264: {  	v9 =	vsel vm0, $0x6, v9;
	vm0 =	vmneg vm15  }
0x265: {  	v9 =	vnsel vm0, $0x7, v9  }
0x266: {  	vm15 =	veq.s32 v9, $0x0  }
0x267: {  	v12 =	vimm.s32 $0x0;
	v0 =	vsel vm15, $0xFF61B1E6, v0  }
0x268: {  	v12 =	vsel vm0, $0xFFFFFFFF, v12;
	vm0 =	veq.s32 v9, $0x1;
	vm15 =	vgt.f32 v0, $-3.000000010e+38  }
0x269: {  	v1 =	vsel vm0, $0xFF61B1E6, v1;
	v0 =	vnsel vm15, $0xFF61B1E6, v0  }
0x26a: {  	[tilespmem:$0x1F920] =	vst v12;
	v12 =	vimm.s32 $0x0;
	vm15 =	veq.s32 v9, $0x2;
	vm0 =	vgt.f32 v1, v0  }
0x26b: {  	v12 =	vsel vm0, $0xFFFFFFFF, v12;
	v0 =	vsel vm0, v1, v0;
	v1 =	vsel vm15, $0xFF61B1E6, v2  }
0x26c: {  	v2 =	vimm.s32 $0x0;
	vm15 =	veq.s32 v9, $0x3;
	vm0 =	vgt.f32 v1, v0  }
0x26d: {  	v2 =	vsel vm0, $0xFFFFFFFF, v2;
	v0 =	vsel vm0, v1, v0;
	v1 =	vsel vm15, $0xFF61B1E6, v3  }
0x26e: {  	vm15 =	veq.s32 v9, $0x4;
	[tilespmem:$0x1F960] =	vst v2;
	vm0 =	vgt.f32 v1, v0;
	v2 =	vimm.s32 $0x0  }
0x26f: {  	v2 =	vsel vm0, $0xFFFFFFFF, v2;
	v0 =	vsel vm0, v1, v0;
	v1 =	vsel vm15, $0xFF61B1E6, v5  }
0x270: {  	vm15 =	veq.s32 v9, $0x5;
	[tilespmem:$0x1F970] =	vst v2;
	vm0 =	vgt.f32 v1, v0;
	v2 =	vimm.s32 $0x0  }
0x271: {  	v2 =	vsel vm0, $0xFFFFFFFF, v2;
	v0 =	vsel vm0, v1, v0;
	v1 =	vsel vm15, $0xFF61B1E6, v8  }
0x272: {  	[tilespmem:$0x1F980] =	vst v2;
	vm0 =	vgt.f32 v1, v0;
	v2 =	vimm.s32 $0x0  }
0x273: {  	v2 =	vsel vm0, $0xFFFFFFFF, v2  }
0x274: {  	[tilespmem:$0x1F990] =	vst v2;
	v2 =	vld [tilespmem:$0x1F920];
	_ =	sdelay $0x4  }
0x275: {  	vm0 =	vnez.u8 v2;
	v2 =	vld [tilespmem:$0x1F930];
	_ =	sdelay $0x4  }
0x276: {  	vm15 =	vnez.u8 v2  }
0x277: {  	v2 =	vimm.s32 $0x0;
	vm15 =	vmand vm15, vm0  }
0x278: {  	v2 =	vsel vm15, $0xFFFFFFFF, v2  }
0x279: {  	[tilespmem:$0x1F940] =	vst v2;
	v2 =	vld [tilespmem:$0x1F990];
	_ =	sdelay $0x4  }
0x27a: {  	vm15 =	vnez.u8 v2  }
0x27b: {  	v0 =	vsel vm15, v1, v0;
	v1 =	vld [tilespmem:$0x1F940];
	_ =	sdelay $0x4  }
0x27c: {  	vm15 =	vnez.u8 v1  }
0x27d: {  	v1 =	vsel vm15, $0xFF61B1E6, v4  }
0x27e: {  	vm15 =	vgt.f32 v1, v0  }
0x27f: {  	v2 =	vimm.s32 $0x0;
	v0 =	vsel vm15, v1, v0;
	v1 =	vnsel vm0, $0xFF61B1E6, v7  }
0x280: {  	v2 =	vsel vm15, $0xFFFFFFFF, v2;
	vm15 =	vgt.f32 v1, v0  }
0x281: {  	[tilespmem:$0x1F9A0] =	vst v2;
	v2 =	vsel vm0, v6, v7;
	v0 =	vsel vm15, v1, v0  }
0x282: {  	v0 =	vsub.f32 v0, v2;
	_ =	sdelay $0x1  }
0x283: {  	v0 =	vmul.f32 $1.442695020e+00, v0;
	_ =	sdelay $0x1  }
0x284: {  	(erf) = vpow2.f32 v0;
	_ =	sdelay $0x8  }
0x285: {  	[tilespmem:$0x1F950] =	vst v12;
	v0 =	vpop (erf)  }
0x286: {  	v1 =	vld [tilespmem:$0x1F950];
	v0 =	vadd.f32 $1.000000000e+00, v0  }
0x287: {  	v2 =	vld [tilespmem:$0x1F960]  }
0x288: {  	(erf) = vrcp.f32 v0;
	v0 =	vld [tilespmem:$0x1F970];
	_ =	sdelay $0x2  }
0x289: {  	vm0 =	vnez.u8 v1  }
0x28a: {  	v1 =	vsel vm0, $0x1000, v11;
	vm0 =	vnez.u8 v2  }
0x28b: {  	v1 =	vsel vm0, $0x2000, v1;
	vm0 =	vnez.u8 v0  }
0x28c: {  	v0 =	vsel vm0, $0x3000, v1;
	v1 =	vld [tilespmem:$0x1F980]  }
0x28d: {  	v2 =	vld [tilespmem:$0x1F990];
	_ =	sdelay $0x1  }
0x28e: {  	v3 =	vld [tilespmem:$0x1F9A0];
	_ =	sdelay $0x1  }
0x28f: {  	vm0 =	vnez.u8 v1  }
0x290: {  	v0 =	vsel vm0, $0x4000, v0;
	vm0 =	vnez.u8 v2;
	v2 =	vld [tilespmem:$0x1FC70];
	_ =	sdelay $0x1  }
0x291: {  	v0 =	vsel vm0, $0x5000, v0;
	vm0 =	vnez.u8 v3  }
0x292: {  	v0 =	vsel vm0, $0x6000, v0  }
0x293: {  	v1 =	vshll.u32 v9, $0xC;
	v0 =	vsel vm15, $0x7000, v0  }
0x294: {  	v1 =	vor.u32 v2, v1;
	v0 =	vadd.s32 v2, v0;
	v2 =	vld [tilespmem:$0x1FC90];
	_ =	sdelay $0x4  }
0x295: {  	vm0 =	vnez.u8 v2  }
0x296: {  	[tilespmem:s20], [sflag:$0x1] =	stream.indirect_vreg.gather [hbm4b:s3+s2], $0x80, v1, vm0, $0xb8;
	v1 =	vor.u32 $0x3800, v10;
	[tilespmem:$0x10100] =	vst v63  }
0x297: {  	v3 =	vor.u32 $0x3801, v10;
	v2 =	vpop (erf)  }
0x298: {  	[tilespmem:s21], [sflag:$0x1] =	stream.indirect_vreg.gather [hbm4b:s3+s2], $0x80, v0, vm0, $0xb8;
	v0 =	vsub.f32 $1.000000000e+00, v2;
	[tilespmem:$0x10100] =	vst v63  }
0x299: {  	[tilespmem:$0x4060] =	vst v2;
	v2 =	vor.u32 $0x3802, v10  }
0x29a: {  	[tilespmem:$0x40E0] =	vst v0  }
0x29b: {  	v0 =	vld.idx.msk [tilespmem:v1+s2+$0x0], $0xffff;
	v1 =	vor.u32 $0x3803, v10  }
0x29c: {  	v3 =	vld.idx.msk [tilespmem:v3+s2+$0x0], $0xffff  }
0x29d: {  	v4 =	vor.u32 $0x3804, v10  }
0x29e: {  	v2 =	vld.idx.msk [tilespmem:v2+s2+$0x0], $0xffff  }
0x29f: {  	v5 =	vor.u32 $0x3805, v10  }
0x2a0: {  	v1 =	vld.idx.msk [tilespmem:v1+s2+$0x0], $0xffff  }
0x2a1: {  	vm0 =	vgt.f32 v3, v0  }
0x2a2: {  	v4 =	vld.idx.msk [tilespmem:v4+s2+$0x0], $0xffff;
	v7 =	vsel vm0, v3, v0  }
0x2a3: {  	vm15 =	vgt.f32 v2, v7  }
0x2a4: {  	v9 =	vimm.s32 $0x0;
	v5 =	vld.idx.msk [tilespmem:v5+s2+$0x0], $0xffff;
	v7 =	vsel vm15, v2, v7  }
0x2a5: {  	v9 =	vsel vm15, $0xFFFFFFFF, v9;
	vm15 =	vgt.f32 v1, v7  }
0x2a6: {  	[tilespmem:$0x1F9B0] =	vst v9;
	v9 =	vimm.s32 $0x0;
	v7 =	vsel vm15, v1, v7  }
0x2a7: {  	v8 =	vor.u32 $0x3807, v10;
	v9 =	vsel vm15, $0xFFFFFFFF, v9;
	vm15 =	vgt.f32 v4, v7  }
0x2a8: {  	v6 =	vor.u32 $0x3806, v10;
	[tilespmem:$0x1F9C0] =	vst v9;
	v9 =	vimm.s32 $0x0;
	v7 =	vsel vm15, v4, v7  }
0x2a9: {  	v10 =	vimm.s32 $0x0;
	v9 =	vsel vm15, $0xFFFFFFFF, v9;
	vm15 =	vgt.f32 v5, v7  }
0x2aa: {  	v10 =	vsel vm15, $0xFFFFFFFF, v10  }
0x2ab: {  	[tilespmem:$0x1F9E0] =	vst v10;
	v10 =	vld [tilespmem:$0x1F9B0];
	_ =	sdelay $0x4  }
0x2ac: {  	[tilespmem:$0x1F9D0] =	vst v9;
	v9 =	vsel vm0, $0x1, v11;
	vm0 =	vnez.u8 v10;
	v10 =	vld [tilespmem:$0x1F9C0]  }
0x2ad: {  	v6 =	vld.idx.msk [tilespmem:v6+s2+$0x0], $0xffff;
	_ =	sdelay $0x3  }
0x2ae: {  	v7 =	vsel vm15, v5, v7;
	v9 =	vsel vm0, $0x2, v9;
	vm0 =	vnez.u8 v10  }
0x2af: {  	v10 =	vimm.s32 $0x0;
	v9 =	vsel vm0, $0x3, v9;
	vm0 =	vgt.f32 v6, v7  }
0x2b0: {  	v10 =	vsel vm0, $0xFFFFFFFF, v10  }
0x2b1: {  	[tilespmem:$0x1FA00] =	vst v10;
	v10 =	vld [tilespmem:$0x1F9D0];
	_ =	sdelay $0x4  }
0x2b2: {  	vm15 =	vnez.u8 v10;
	v10 =	vld [tilespmem:$0x1F9E0]  }
0x2b3: {  	v8 =	vld.idx.msk [tilespmem:v8+s2+$0x0], $0xffff;
	_ =	sdelay $0x3  }
0x2b4: {  	v7 =	vsel vm0, v6, v7;
	v9 =	vsel vm15, $0x4, v9;
	vm15 =	vnez.u8 v10  }
0x2b5: {  	v9 =	vsel vm15, $0x5, v9;
	vm15 =	vgt.f32 v8, v7  }
0x2b6: {  	v9 =	vsel vm0, $0x6, v9;
	vm0 =	vmneg vm15  }
0x2b7: {  	v9 =	vnsel vm0, $0x7, v9  }
0x2b8: {  	vm15 =	veq.s32 v9, $0x0  }
0x2b9: {  	v10 =	vimm.s32 $0x0;
	v0 =	vsel vm15, $0xFF61B1E6, v0  }
0x2ba: {  	v10 =	vsel vm0, $0xFFFFFFFF, v10;
	vm0 =	veq.s32 v9, $0x1;
	vm15 =	vgt.f32 v0, $-3.000000010e+38  }
0x2bb: {  	v3 =	vsel vm0, $0xFF61B1E6, v3;
	v0 =	vnsel vm15, $0xFF61B1E6, v0  }
0x2bc: {  	[tilespmem:$0x1F9F0] =	vst v10;
	v10 =	vimm.s32 $0x0;
	vm15 =	veq.s32 v9, $0x2;
	vm0 =	vgt.f32 v3, v0  }
0x2bd: {  	v2 =	vsel vm15, $0xFF61B1E6, v2;
	vm15 =	veq.s32 v9, $0x3;
	v0 =	vsel vm0, v3, v0  }
0x2be: {  	v10 =	vsel vm0, $0xFFFFFFFF, v10;
	v3 =	vimm.s32 $0x0;
	vm0 =	vgt.f32 v2, v0  }
0x2bf: {  	v1 =	vsel vm15, $0xFF61B1E6, v1;
	vm15 =	veq.s32 v9, $0x4;
	v0 =	vsel vm0, v2, v0  }
0x2c0: {  	v3 =	vsel vm0, $0xFFFFFFFF, v3;
	v2 =	vimm.s32 $0x0;
	vm0 =	vgt.f32 v1, v0  }
0x2c1: {  	v2 =	vsel vm0, $0xFFFFFFFF, v2;
	v0 =	vsel vm0, v1, v0;
	v1 =	vsel vm15, $0xFF61B1E6, v4  }
0x2c2: {  	vm15 =	veq.s32 v9, $0x5;
	[tilespmem:$0x1FA40] =	vst v2;
	vm0 =	vgt.f32 v1, v0;
	v2 =	vimm.s32 $0x0  }
0x2c3: {  	v2 =	vsel vm0, $0xFFFFFFFF, v2;
	v0 =	vsel vm0, v1, v0;
	v1 =	vsel vm15, $0xFF61B1E6, v5  }
0x2c4: {  	[tilespmem:$0x1FA50] =	vst v2;
	vm0 =	vgt.f32 v1, v0;
	v2 =	vimm.s32 $0x0  }
0x2c5: {  	v2 =	vsel vm0, $0xFFFFFFFF, v2  }
0x2c6: {  	[tilespmem:$0x1FA60] =	vst v2;
	v2 =	vld [tilespmem:$0x1F9F0];
	_ =	sdelay $0x4  }
0x2c7: {  	vm0 =	vnez.u8 v2;
	v2 =	vld [tilespmem:$0x1FA00];
	_ =	sdelay $0x4  }
0x2c8: {  	vm15 =	vnez.u8 v2  }
0x2c9: {  	v2 =	vimm.s32 $0x0;
	vm15 =	vmand vm15, vm0  }
0x2ca: {  	v2 =	vsel vm15, $0xFFFFFFFF, v2  }
0x2cb: {  	[tilespmem:$0x1FA10] =	vst v2;
	v2 =	vld [tilespmem:$0x1FA60];
	_ =	sdelay $0x4  }
0x2cc: {  	vm15 =	vnez.u8 v2  }
0x2cd: {  	v0 =	vsel vm15, v1, v0;
	v1 =	vld [tilespmem:$0x1FA10];
	_ =	sdelay $0x4  }
0x2ce: {  	vm15 =	vnez.u8 v1  }
0x2cf: {  	v1 =	vsel vm15, $0xFF61B1E6, v6  }
0x2d0: {  	vm15 =	vgt.f32 v1, v0  }
0x2d1: {  	v2 =	vimm.s32 $0x0;
	v0 =	vsel vm15, v1, v0;
	v1 =	vnsel vm0, $0xFF61B1E6, v8  }
0x2d2: {  	v2 =	vsel vm15, $0xFFFFFFFF, v2;
	vm15 =	vgt.f32 v1, v0  }
0x2d3: {  	[tilespmem:$0x1FA70] =	vst v2;
	v2 =	vsel vm0, v7, v8;
	v0 =	vsel vm15, v1, v0  }
0x2d4: {  	v0 =	vsub.f32 v0, v2;
	_ =	sdelay $0x1  }
0x2d5: {  	v0 =	vmul.f32 $1.442695020e+00, v0;
	_ =	sdelay $0x1  }
0x2d6: {  	(erf) = vpow2.f32 v0;
	_ =	sdelay $0x8  }
0x2d7: {  	[tilespmem:$0x1FA20] =	vst v10;
	v0 =	vpop (erf)  }
0x2d8: {  	[tilespmem:$0x1FA30] =	vst v3;
	v1 =	vld [tilespmem:$0x1FA20];
	v0 =	vadd.f32 $1.000000000e+00, v0  }
0x2d9: {  	v2 =	vld [tilespmem:$0x1FA30]  }
0x2da: {  	(erf) = vrcp.f32 v0;
	v0 =	vld [tilespmem:$0x1FA40];
	_ =	sdelay $0x2  }
0x2db: {  	vm0 =	vnez.u8 v1  }
0x2dc: {  	v1 =	vsel vm0, $0x1000, v11;
	vm0 =	vnez.u8 v2  }
0x2dd: {  	v1 =	vsel vm0, $0x2000, v1;
	vm0 =	vnez.u8 v0  }
0x2de: {  	v0 =	vsel vm0, $0x3000, v1;
	v1 =	vld [tilespmem:$0x1FA50]  }
0x2df: {  	v2 =	vld [tilespmem:$0x1FA60];
	_ =	sdelay $0x1  }
0x2e0: {  	v3 =	vld [tilespmem:$0x1FA70];
	_ =	sdelay $0x1  }
0x2e1: {  	vm0 =	vnez.u8 v1  }
0x2e2: {  	v0 =	vsel vm0, $0x4000, v0;
	vm0 =	vnez.u8 v2;
	v2 =	vld [tilespmem:$0x1FC80];
	_ =	sdelay $0x1  }
0x2e3: {  	v0 =	vsel vm0, $0x5000, v0;
	vm0 =	vnez.u8 v3  }
0x2e4: {  	v0 =	vsel vm0, $0x6000, v0  }
0x2e5: {  	v1 =	vshll.u32 v9, $0xC;
	v0 =	vsel vm15, $0x7000, v0  }
0x2e6: {  	v1 =	vor.u32 v2, v1;
	v0 =	vadd.s32 v2, v0;
	v2 =	vld [tilespmem:$0x1FC90];
	_ =	sdelay $0x4  }
0x2e7: {  	vm0 =	vnez.u8 v2  }
0x2e8: {  	[tilespmem:s22], [sflag:$0x1] =	stream.indirect_vreg.gather [hbm4b:s3+s2], $0x80, v1, vm0, $0xb8;
	[tilespmem:$0x10100] =	vst v63  }
0x2e9: {  	v1 =	vpop (erf)  }
0x2ea: {  	[tilespmem:s23], [sflag:$0x1] =	stream.indirect_vreg.gather [hbm4b:s3+s2], $0x80, v0, vm0, $0xb8;
	v0 =	vsub.f32 $1.000000000e+00, v1;
	[tilespmem:$0x10100] =	vst v63  }
0x2eb: {  	[tilespmem:$0x4070] =	vst v1  }
0x2ec: {  	[tilespmem:$0x40F0] =	vst v0  }
0x2ed: {  	_ =	swait.ge [sflag:s24], $0x800  }
0x2ee: {  	[sflag:s24] =	ssyncset.done $0x0  }
0x2ef: {  	[sflag:s24] =	ssyncadd.s32 $0xFFFFF800  }
0x2f0: {  	_ =	swait.ge [sflag:s24], $0x800  }
0x2f1: {  	[sflag:s24] =	ssyncset.done $0x0  }
0x2f2: {  	[sflag:s24] =	ssyncadd.s32 $0xFFFFF800  }
0x2f3: {  	_ =	swait.ge [sflag:s24], $0x800  }
0x2f4: {  	[sflag:s24] =	ssyncset.done $0x0  }
0x2f5: {  	[sflag:s24] =	ssyncadd.s32 $0xFFFFF800  }
0x2f6: {  	_ =	swait.ge [sflag:s24], $0x800  }
0x2f7: {  	[sflag:s24] =	ssyncset.done $0x0  }
0x2f8: {  	[sflag:s24] =	ssyncadd.s32 $0xFFFFF800  }
0x2f9: {  	_ =	swait.ge [sflag:s24], $0x800  }
0x2fa: {  	[sflag:s24] =	ssyncset.done $0x0  }
0x2fb: {  	[sflag:s24] =	ssyncadd.s32 $0xFFFFF800  }
0x2fc: {  	_ =	swait.ge [sflag:s24], $0x800  }
0x2fd: {  	[sflag:s24] =	ssyncset.done $0x0  }
0x2fe: {  	[sflag:s24] =	ssyncadd.s32 $0xFFFFF800  }
0x2ff: {  	_ =	swait.ge [sflag:s24], $0x800  }
0x300: {  	[sflag:s24] =	ssyncset.done $0x0  }
0x301: {  	[sflag:s24] =	ssyncadd.s32 $0xFFFFF800  }
0x302: {  	_ =	swait.ge [sflag:s24], $0x800  }
0x303: {  	[sflag:s24] =	ssyncset.done $0x0  }
0x304: {  	[sflag:s24] =	ssyncadd.s32 $0xFFFFF800  }
0x305: {  	_ =	swait.ge [sflag:s24], $0x800  }
0x306: {  	[sflag:s24] =	ssyncset.done $0x0  }
0x307: {  	[sflag:s24] =	ssyncadd.s32 $0xFFFFF800  }
0x308: {  	_ =	swait.ge [sflag:s24], $0x800  }
0x309: {  	[sflag:s24] =	ssyncset.done $0x0  }
0x30a: {  	[sflag:s24] =	ssyncadd.s32 $0xFFFFF800  }
0x30b: {  	_ =	swait.ge [sflag:s24], $0x800  }
0x30c: {  	[sflag:s24] =	ssyncset.done $0x0  }
0x30d: {  	[sflag:s24] =	ssyncadd.s32 $0xFFFFF800  }
0x30e: {  	_ =	swait.ge [sflag:s24], $0x800  }
0x30f: {  	[sflag:s24] =	ssyncset.done $0x0  }
0x310: {  	[sflag:s24] =	ssyncadd.s32 $0xFFFFF800  }
0x311: {  	_ =	swait.ge [sflag:s24], $0x800  }
0x312: {  	[sflag:s24] =	ssyncset.done $0x0  }
0x313: {  	[sflag:s24] =	ssyncadd.s32 $0xFFFFF800  }
0x314: {  	_ =	swait.ge [sflag:s24], $0x800  }
0x315: {  	[sflag:s24] =	ssyncset.done $0x0  }
0x316: {  	[sflag:s24] =	ssyncadd.s32 $0xFFFFF800  }
0x317: {  	_ =	swait.ge [sflag:s24], $0x800  }
0x318: {  	[sflag:s24] =	ssyncset.done $0x0  }
0x319: {  	[sflag:s24] =	ssyncadd.s32 $0xFFFFF800  }
0x31a: {  	_ =	swait.ge [sflag:s24], $0x800  }
0x31b: {  	[sflag:s24] =	ssyncset.done $0x0  }
0x31c: {  	s28 =	simm.s32 $0x0;
	[sflag:s24] =	ssyncadd.s32 $0xFFFFF800  }
0x31d: {  	v0 =	vld [tilespmem:s28+$0x4230];
	_ =	sdelay $0x4  }
0x31e: {  	[tilespmem:$0x1FA80] =	vst v0;
	v0 =	vld [tilespmem:s28+$0x4240];
	_ =	sdelay $0x4  }
0x31f: {  	[tilespmem:$0x1FA90] =	vst v0;
	v0 =	vld [tilespmem:s28+$0x4280];
	_ =	sdelay $0x4  }
0x320: {  	[tilespmem:$0x1FAA0] =	vst v0;
	v0 =	vld [tilespmem:s28+$0x4290];
	_ =	sdelay $0x4  }
0x321: {  	[tilespmem:$0x1FAB0] =	vst v0;
	v0 =	vld [tilespmem:s28+$0x42B0];
	_ =	sdelay $0x4  }
0x322: {  	[tilespmem:$0x1FAC0] =	vst v0;
	v0 =	vld [tilespmem:s28+$0x42C0];
	_ =	sdelay $0x4  }
0x323: {  	[tilespmem:$0x1FAD0] =	vst v0;
	v0 =	vld [tilespmem:s28+$0x82C0];
	_ =	sdelay $0x4  }
0x324: {  	[tilespmem:$0x1FAE0] =	vst v0;
	v0 =	vld [tilespmem:s28+$0x4300];
	_ =	sdelay $0x4  }
0x325: {  	[tilespmem:$0x1FAF0] =	vst v0;
	v0 =	vld [tilespmem:s28+$0x4310];
	_ =	sdelay $0x4  }
0x326: {  	[tilespmem:$0x1FB00] =	vst v0;
	v0 =	vld [tilespmem:s28+$0x4330];
	_ =	sdelay $0x4  }
0x327: {  	[tilespmem:$0x1FB10] =	vst v0;
	v0 =	vld [tilespmem:s28+$0x4340];
	_ =	sdelay $0x4  }
0x328: {  	[tilespmem:$0x1FB20] =	vst v0;
	v0 =	vld [tilespmem:s28+$0x4380];
	_ =	sdelay $0x4  }
0x329: {  	[tilespmem:$0x1FB30] =	vst v0;
	v0 =	vld [tilespmem:s28+$0x4390];
	_ =	sdelay $0x4  }
0x32a: {  	[tilespmem:$0x1FB40] =	vst v0;
	v0 =	vld [tilespmem:s28+$0x43B0];
	_ =	sdelay $0x4  }
0x32b: {  	[tilespmem:$0x1FB50] =	vst v0;
	v0 =	vld [tilespmem:s28+$0x43C0];
	_ =	sdelay $0x4  }
0x32c: {  	[tilespmem:$0x1FB60] =	vst v0;
	v0 =	vld [tilespmem:s28+$0x83C0];
	_ =	sdelay $0x4  }
0x32d: {  	[tilespmem:$0x1FB70] =	vst v0;
	v0 =	vld [tilespmem:s28+$0x4400];
	_ =	sdelay $0x2  }
0x32e: {  	v36 =	vld [tilespmem:s28+$0x4100]  }
0x32f: {  	v37 =	vld [tilespmem:s28+$0x8100]  }
0x330: {  	[tilespmem:$0x1FB80] =	vst v0;
	v0 =	vld [tilespmem:s28+$0x4410]  }
0x331: {  	v39 =	vld [tilespmem:s28+$0x4110]  }
0x332: {  	v38 =	vld [tilespmem:s28+$0x8110]  }
0x333: {  	v40 =	vld [tilespmem:s28+$0x4130]  }
0x334: {  	v42 =	vld [tilespmem:s28+$0x4140]  }
0x335: {  	[tilespmem:$0x1FB90] =	vst v0;
	v0 =	vld [tilespmem:s28+$0x4430]  }
0x336: {  	v41 =	vld [tilespmem:s28+$0x8140]  }
0x337: {  	v43 =	vld [tilespmem:s28+$0x4180]  }
0x338: {  	v44 =	vld [tilespmem:s28+$0x4190]  }
0x339: {  	v45 =	vld [tilespmem:s28+$0x41B0]  }
0x33a: {  	[tilespmem:$0x1FBA0] =	vst v0;
	v0 =	vld [tilespmem:s28+$0x4440]  }
0x33b: {  	v47 =	vld [tilespmem:s28+$0x41C0]  }
0x33c: {  	v46 =	vld [tilespmem:s28+$0x81C0]  }
0x33d: {  	v59 =	vld [tilespmem:s28+$0x4200]  }
0x33e: {  	v63 =	vld [tilespmem:s28+$0x4210]  }
0x33f: {  	[tilespmem:$0x1FBB0] =	vst v0;
	v0 =	vld [tilespmem:s28+$0x4480]  }
0x340: {  	v48 =	vld [tilespmem:s28+$0x4500]  }
0x341: {  	v49 =	vld [tilespmem:s28+$0x4510]  }
0x342: {  	v50 =	vld [tilespmem:s28+$0x4530]  }
0x343: {  	v51 =	vld [tilespmem:s28+$0x4540]  }
0x344: {  	[tilespmem:$0x1FBC0] =	vst v0;
	v0 =	vld [tilespmem:s28+$0x4490]  }
0x345: {  	v54 =	vld [tilespmem:s28+$0x4580]  }
0x346: {  	v55 =	vld [tilespmem:s28+$0x4590]  }
0x347: {  	v56 =	vld [tilespmem:s28+$0x45B0]  }
0x348: {  	v58 =	vld [tilespmem:s28+$0x45C0]  }
0x349: {  	[tilespmem:$0x1FBD0] =	vst v0;
	v0 =	vld [tilespmem:s28+$0x44B0]  }
0x34a: {  	v57 =	vld [tilespmem:s28+$0x85C0]  }
0x34b: {  	v60 =	vld [tilespmem:s28+$0x4600]  }
0x34c: {  	v61 =	vld [tilespmem:s28+$0x4610]  }
0x34d: {  	v62 =	vld [tilespmem:s28+$0x4630]  }
0x34e: {  	[tilespmem:$0x1FBE0] =	vst v0;
	v0 =	vld [tilespmem:s28+$0x44C0]  }
0x34f: {  	v1 =	vld [tilespmem:s28+$0x4640]  }
0x350: {  	v4 =	vld [tilespmem:s28+$0x4680]  }
0x351: {  	v6 =	vld [tilespmem:s28+$0x4690]  }
0x352: {  	v16 =	vld [tilespmem:s28+$0x46B0]  }
0x353: {  	[tilespmem:$0x1FBF0] =	vst v0;
	v0 =	vld [tilespmem:s28+$0x84C0]  }
0x354: {  	v9 =	vld [tilespmem:s28+$0x46C0]  }
0x355: {  	s30 =	simm.s32 $0x0;
	v5 =	vld [tilespmem:s28+$0x86C0]  }
0x356: {  	v52 =	vld [tilespmem:s30+$0x4000]  }
0x357: {  	v12 =	vld [tilespmem:s28+$0x4700]  }
0x358: {  	s29 =	simm.s32 $0x1;
	v14 =	vld [tilespmem:s28+$0x4710];
	[tilespmem:$0x1FC00] =	vst v0  }
.LBB2_2:
0x359: {  	[tilespmem:$0x1F370] =	vst v44  }
0x35a: {  	[tilespmem:$0x1F380] =	vst v43  }
0x35b: {  	[tilespmem:$0x1F390] =	vst v42  }
0x35c: {  	[tilespmem:$0x1F3A0] =	vst v41;
	v53 =	vld [tilespmem:s30+$0x4080]  }
0x35d: {  	[tilespmem:$0x1F3B0] =	vst v40;
	v24 =	vld [tilespmem:s28+$0x4730]  }
0x35e: {  	[tilespmem:$0x1F3C0] =	vst v39;
	v25 =	vld [tilespmem:s28+$0x4740]  }
0x35f: {  	[tilespmem:$0x1F3E0] =	vst v38;
	v28 =	vld [tilespmem:s28+$0x4780]  }
0x360: {  	[tilespmem:$0x1F3F0] =	vst v37;
	v30 =	vld [tilespmem:s28+$0x4790]  }
0x361: {  	[tilespmem:$0x1F3D0] =	vst v36;
	vm0 =	vmmov $0x7fff;
	v32 =	vld [tilespmem:s28+$0x47B0]  }
0x362: {  	v38 =	vld [tilespmem:s28+$0x47C0];
	[tilespmem:$0x1F320] =	vst v63;
	v2 =	vsel vm0, $0x0, v52  }
0x363: {  	vm15 =	vmmov $0x1;
	v39 =	vld [tilespmem:s28+$0x87C0];
	[tilespmem:$0x1F360] =	vst v45;
	(xrf2) =	vadd.scan.msk.f32 $0xffff, v2;
	v2 =	vsel vm0, $0x0, v53  }
0x364: {  	v7 =	vld [tilespmem:s28+$0x4810];
	v45 =	vsel vm13, $0x0, v52;
	v0 =	vsel vm14, $0x0, v52;
	v31 =	vsel vm10, $0x0, v52;
	(xrf2) =	vadd.scan.msk.f32 $0xffff, v2  }
0x365: {  	v40 =	vld [tilespmem:s28+$0x4820];
	v33 =	vsel vm11, $0x0, v52;
	v34 =	vsel vm12, $0x0, v52;
	v20 =	vsel vm7, $0x0, v52;
	(xrf2) =	vadd.scan.msk.f32 $0xffff, v0  }
0x366: {  	v41 =	vld [tilespmem:s28+$0x4840];
	[tilespmem:$0x1F350] =	vst v46;
	v23 =	vsel vm8, $0x0, v52;
	v27 =	vsel vm9, $0x0, v52;
	v17 =	vsel vm5, $0x0, v52  }
0x367: {  	v36 =	vld [tilespmem:s28+$0x48C0];
	[tilespmem:$0x1F330] =	vst v59;
	v19 =	vsel vm6, $0x0, v52;
	v13 =	vsel vm4, $0x0, v52;
	v8 =	vsel vm1, $0x0, v52  }
0x368: {  	v42 =	vld [tilespmem:s28+$0x88C0];
	v35 =	vsel vm13, $0x0, v53;
	v46 =	vsel vm14, $0x0, v53;
	[tilespmem:$0x1F2E0] =	vst v8;
	v8 =	vsel vm1, $0x0, v53  }
0x369: {  	v43 =	vld [tilespmem:s28+$0x48D0];
	v29 =	vsel vm10, $0x0, v53;
	[tilespmem:$0x1F2F0] =	vst v8;
	v8 =	vsel vm2, $0x0, v53;
	(xrf2) =	vadd.scan.msk.f32 $0xffff, v46  }
0x36a: {  	v44 =	vld [tilespmem:s28+$0x4850];
	v3 =	vsel vm11, $0x0, v53;
	v37 =	vsel vm12, $0x0, v53;
	v0 =	vsel vm2, $0x0, v52;
	[tilespmem:$0x1F2D0] =	vst v8  }
0x36b: {  	v10 =	vld [tilespmem:s28+$0x8850];
	v21 =	vsel vm7, $0x0, v53;
	v22 =	vsel vm8, $0x0, v53;
	v8 =	vnsel vm15, $0x0, v52;
	[tilespmem:$0x1F2C0] =	vst v0  }
0x36c: {  	v11 =	vld [tilespmem:s28+$0x4800];
	v26 =	vsel vm9, $0x0, v53;
	v18 =	vsel vm6, $0x0, v53;
	[tilespmem:$0x1F300] =	vst v8;
	v8 =	vnsel vm15, $0x0, v53  }
0x36d: {  	v15 =	vsel vm5, $0x0, v53;
	v2 =	vsel vm4, $0x0, v53;
	v0 =	vsel vm3, $0x0, v52;
	[tilespmem:$0x1F310] =	vst v8;
	v8 =	vld [tilespmem:s28+$0x48B0];
	v52, _, _ =	vpop (xrf2)  }
0x36e: {  	v59 =	vld [tilespmem:s28+$0x88D0];
	[tilespmem:$0x1F2A0] =	vst v0;
	v0 =	vsel vm3, $0x0, v53;
	(xrf2) =	vadd.scan.msk.f32 $0xffff, v45;
	v63, _, _ =	vpop (xrf2);
	v53 =	vbroadcast v52, $0xF  }
0x36f: {  	v46 =	vld [tilespmem:s28+$0x8830];
	(xrf2) =	vadd.scan.msk.f32 $0xffff, v35;
	v52 =	vbroadcast v63, $0xF;
	v45, _, _ =	vpop (xrf2)  }
0x370: {  	v63 =	vld [tilespmem:s28+$0x4830];
	v36 =	vmul.f32 v36, v53;
	v45 =	vbroadcast v45, $0xF  }
0x371: {  	[tilespmem:$0x1F2B0] =	vst v0;
	v0 =	vld [tilespmem:s28+$0x8820];
	v43 =	vmul.f32 v43, v53;
	v42 =	vmul.f32 v42, v52  }
0x372: {  	[tilespmem:$0x1F340] =	vst v47;
	v35 =	vld [tilespmem:s28+$0x8840];
	v8 =	vmul.f32 v8, v53;
	v41 =	vmul.f32 v41, v45  }
0x373: {  	(xrf2) =	vadd.scan.msk.f32 $0xffff, v34;
	v34 =	vld [tilespmem:s28+$0x8810];
	v47, _, _ =	vpop (xrf2);
	v44 =	vmul.f32 v44, v45;
	v36 =	vadd.f32 v42, v36;
	v42 =	vmul.f32 v59, v52  }
0x374: {  	(xrf2) =	vadd.scan.msk.f32 $0xffff, v37;
	v37 =	vld [tilespmem:s28+$0x88B0];
	v7 =	vmul.f32 v7, v45;
	v59 =	vbroadcast v47, $0xF  }
0x375: {  	v40 =	vmul.f32 v40, v45;
	v47 =	vld [tilespmem:s28+$0x87D0];
	v63 =	vmul.f32 v63, v45;
	v43 =	vadd.f32 v42, v43  }
0x376: {  	v11 =	vmul.f32 v11, v45;
	v42 =	vld [tilespmem:s28+$0x8800];
	v10 =	vmul.f32 v10, v59  }
0x377: {  	v35 =	vmul.f32 v35, v59;
	v46 =	vmul.f32 v46, v59;
	[tilespmem:s28+$0xC8D0] =	vst v43;
	v43 =	vld [tilespmem:s28+$0x47D0]  }
0x378: {  	[tilespmem:s28+$0xC8C0] =	vst v36;
	v34 =	vmul.f32 v34, v59;
	v36, _, _ =	vpop (xrf2);
	v10 =	vadd.f32 v10, v44;
	(xrf2) =	vadd.scan.msk.f32 $0xffff, v33;
	v33 =	vld [tilespmem:s28+$0x87B0]  }
0x379: {  	v0 =	vmul.f32 v0, v59;
	v35 =	vadd.f32 v35, v41;
	v45 =	vadd.f32 v46, v63;
	v44 =	vld [tilespmem:s28+$0x47A0];
	v63, _, _ =	vpop (xrf2)  }
0x37a: {  	v7 =	vadd.f32 v34, v7;
	v34 =	vld [tilespmem:s28+$0x87A0];
	v36 =	vbroadcast v36, $0xF;
	[tilespmem:s28+$0xC850] =	vst v10;
	v10 =	vbroadcast v63, $0xF  }
0x37b: {  	v0 =	vadd.f32 v0, v40;
	v41 =	vld [tilespmem:s28+$0x8780];
	v42 =	vmul.f32 v42, v59;
	v59 =	vmul.f32 v37, v52  }
0x37c: {  	(xrf2) =	vadd.scan.msk.f32 $0xffff, v3;
	v3 =	vld [tilespmem:s28+$0x8790];
	[tilespmem:s28+$0xC830] =	vst v45;
	v63 =	vmul.f32 v38, v36;
	v32 =	vmul.f32 v32, v36  }
0x37d: {  	[tilespmem:s28+$0xC810] =	vst v7;
	v7 =	vld [tilespmem:s28+$0x4750];
	v30 =	vmul.f32 v30, v36;
	v28 =	vmul.f32 v28, v36  }
0x37e: {  	[tilespmem:s28+$0xC820] =	vst v0;
	v45 =	vld [tilespmem:s28+$0x8750];
	v39 =	vmul.f32 v39, v10;
	v47 =	vmul.f32 v47, v10  }
0x37f: {  	v40, _, _ =	vpop (xrf2);
	(xrf2) =	vadd.scan.msk.f32 $0xffff, v31;
	v38 =	vmul.f32 v43, v36;
	v0 =	vadd.f32 v59, v8;
	v8 =	vld [tilespmem:s28+$0x8740];
	v33 =	vmul.f32 v33, v10  }
0x380: {  	v46 =	vadd.f32 v42, v11;
	v59 =	vmul.f32 v44, v36;
	v11, _, _ =	vpop (xrf2);
	(xrf2) =	vadd.scan.msk.f32 $0xffff, v29;
	v29 =	vbroadcast v40, $0xF;
	v42 =	vld [tilespmem:s28+$0x8700]  }
0x381: {  	v63 =	vadd.f32 v39, v63;
	v3 =	vmul.f32 v3, v10;
	v11 =	vbroadcast v11, $0xF;
	[tilespmem:s28+$0xC8B0] =	vst v0;
	v0 =	vld [tilespmem:s28+$0x8730]  }
0x382: {  	v44 =	vadd.f32 v47, v38;
	[tilespmem:s28+$0xC800] =	vst v46;
	v46 =	vmul.f32 v34, v10;
	v47 =	vld [tilespmem:s28+$0x4720];
	v10 =	vmul.f32 v41, v10  }
0x383: {  	v41 =	vld [tilespmem:s28+$0x8710];
	v25 =	vmul.f32 v25, v29;
	v7 =	vmul.f32 v7, v29  }
0x384: {  	v14 =	vmul.f32 v14, v29;
	v12 =	vmul.f32 v12, v29;
	[tilespmem:s28+$0xC7C0] =	vst v63;
	v63 =	vld [tilespmem:s28+$0x8720];
	v40 =	vadd.f32 v3, v30  }
0x385: {  	v36 =	vld [tilespmem:s28+$0x46A0];
	v43 =	vmul.f32 v45, v11;
	v45 =	vmul.f32 v24, v29;
	v31 =	vadd.f32 v46, v59;
	v59, _, _ =	vpop (xrf2)  }
0x386: {  	v39 =	vld [tilespmem:s28+$0x8680];
	v10 =	vadd.f32 v10, v28;
	v8 =	vmul.f32 v8, v11;
	v34 =	vbroadcast v59, $0xF  }
0x387: {  	[tilespmem:s28+$0xC7D0] =	vst v44;
	v44 =	vld [tilespmem:s28+$0x46D0];
	(xrf2) =	vadd.scan.msk.f32 $0xffff, v27;
	v3, _, _ =	vpop (xrf2);
	v0 =	vmul.f32 v0, v11;
	v46 =	vmul.f32 v47, v29  }
0x388: {  	v7 =	vadd.f32 v43, v7;
	[tilespmem:s28+$0xC780] =	vst v10;
	v10 =	vld [tilespmem:s28+$0x86D0];
	v37 =	vmul.f32 v41, v11;
	v3 =	vbroadcast v3, $0xF  }
0x389: {  	[tilespmem:s28+$0xC790] =	vst v40;
	v8 =	vadd.f32 v8, v25;
	v47 =	vld [tilespmem:s28+$0x86B0];
	v59 =	vmul.f32 v63, v11;
	v11 =	vmul.f32 v42, v11  }
0x38a: {  	(xrf2) =	vadd.scan.msk.f32 $0xffff, v26;
	[tilespmem:s28+$0xC750] =	vst v7;
	v7 =	vld [tilespmem:s28+$0x86A0];
	v9 =	vmul.f32 v9, v34;
	v40 =	vmul.f32 v16, v34  }
0x38b: {  	v41 =	vmul.f32 v36, v34;
	v6 =	vmul.f32 v6, v34;
	[tilespmem:s28+$0xC740] =	vst v8;
	v8 =	vld [tilespmem:s28+$0x8690]  }
0x38c: {  	v42 =	vld [tilespmem:s28+$0x8630];
	v4 =	vmul.f32 v4, v34;
	v14 =	vadd.f32 v37, v14;
	v5 =	vmul.f32 v5, v3  }
0x38d: {  	[tilespmem:s28+$0xC840] =	vst v35;
	v27 =	vmul.f32 v44, v34;
	v11 =	vadd.f32 v11, v12;
	v12 =	vld [tilespmem:s28+$0x8640];
	v10 =	vmul.f32 v10, v3  }
0x38e: {  	v35, _, _ =	vpop (xrf2);
	v63 =	vadd.f32 v0, v45;
	[tilespmem:s28+$0xC710] =	vst v14;
	v14 =	vld [tilespmem:s28+$0x4650];
	v5 =	vadd.f32 v5, v9;
	v25 =	vmul.f32 v47, v3  }
0x38f: {  	v0, _, _ =	vpop (xrf2);
	(xrf2) =	vadd.scan.msk.f32 $0xffff, v23;
	[tilespmem:s28+$0xC700] =	vst v11;
	v7 =	vmul.f32 v7, v3;
	v9 =	vadd.f32 v10, v27;
	v10 =	vld [tilespmem:s28+$0x8650]  }
0x390: {  	v44 =	vld [tilespmem:s28+$0x4620];
	v0 =	vbroadcast v0, $0xF;
	[tilespmem:s28+$0xC6C0] =	vst v5;
	v11 =	vadd.f32 v25, v40;
	v43 =	vmul.f32 v8, v3  }
0x391: {  	v47 =	vld [tilespmem:s28+$0x45A0];
	v3 =	vmul.f32 v39, v3;
	v7 =	vadd.f32 v7, v41;
	v16, _, _ =	vpop (xrf2);
	[tilespmem:s28+$0xC6D0] =	vst v9;
	v9 =	vbroadcast v35, $0xF  }
0x392: {  	v45 =	vmul.f32 v42, v0;
	(xrf2) =	vadd.scan.msk.f32 $0xffff, v22;
	v5 =	vbroadcast v16, $0xF;
	v16 =	vld [tilespmem:s28+$0x8620];
	[tilespmem:s28+$0xC6B0] =	vst v11  }
0x393: {  	v6 =	vadd.f32 v43, v6;
	v11 =	vld [tilespmem:s28+$0x8610];
	[tilespmem:s28+$0xC6A0] =	vst v7;
	v7 =	vmul.f32 v12, v0;
	v1 =	vmul.f32 v1, v9  }
0x394: {  	v8, _, _ =	vpop (xrf2);
	v3 =	vadd.f32 v3, v4;
	v4 =	vld [tilespmem:s28+$0x8600];
	(xrf2) =	vadd.scan.msk.f32 $0xffff, v20;
	v14 =	vmul.f32 v14, v9;
	v10 =	vmul.f32 v10, v0  }
0x395: {  	v12 =	vmul.f32 v62, v9;
	v22 =	vmul.f32 v44, v9;
	[tilespmem:s28+$0xC690] =	vst v6;
	v6 =	vld [tilespmem:s28+$0x45D0]  }
0x396: {  	[tilespmem:s28+$0xC680] =	vst v3;
	v3 =	vld [tilespmem:s28+$0x85D0];
	v1 =	vadd.f32 v7, v1;
	v7 =	vadd.f32 v10, v14;
	v14 =	vmul.f32 v61, v9  }
0x397: {  	(xrf2) =	vadd.scan.msk.f32 $0xffff, v21;
	v10 =	vld [tilespmem:s28+$0x85B0];
	v9 =	vmul.f32 v60, v9;
	v16 =	vmul.f32 v16, v0  }
0x398: {  	v38 =	vadd.f32 v59, v46;
	v62 =	vld [tilespmem:s28+$0x8530];
	v61 =	vmul.f32 v55, v5;
	v11 =	vmul.f32 v11, v0;
	[tilespmem:s28+$0xC640] =	vst v1  }
0x399: {  	v0 =	vmul.f32 v4, v0;
	v1 =	vld [tilespmem:s28+$0x8590];
	[tilespmem:s28+$0xC650] =	vst v7;
	v7 =	vbroadcast v8, $0xF;
	v4 =	vadd.f32 v16, v22  }
0x39a: {  	v8 =	vld [tilespmem:s28+$0x85A0];
	v16 =	vmul.f32 v58, v5;
	v6 =	vmul.f32 v6, v5;
	v11 =	vadd.f32 v11, v14  }
0x39b: {  	v14 =	vld [tilespmem:s28+$0x8580];
	v0 =	vadd.f32 v0, v9;
	v9 =	vmul.f32 v56, v5;
	v3 =	vmul.f32 v3, v7;
	[tilespmem:s28+$0xC620] =	vst v4  }
0x39c: {  	v23 =	vadd.f32 v45, v12;
	v46, _, _ =	vpop (xrf2);
	v59 =	vmul.f32 v57, v7;
	v4 =	vld [tilespmem:s28+$0x8540];
	v60 =	vmul.f32 v10, v7;
	[tilespmem:s28+$0xC610] =	vst v11  }
0x39d: {  	v12, _, _ =	vpop (xrf2);
	(xrf2) =	vadd.scan.msk.f32 $0xffff, v19;
	v11 =	vld [tilespmem:s28+$0x4550];
	v19 =	vmul.f32 v47, v5;
	[tilespmem:s28+$0xC600] =	vst v0;
	v3 =	vadd.f32 v3, v6  }
0x39e: {  	v0 =	vld [tilespmem:s28+$0x8550];
	v5 =	vmul.f32 v54, v5;
	v16 =	vadd.f32 v59, v16;
	v10, _, _ =	vpop (xrf2);
	v1 =	vmul.f32 v1, v7;
	(xrf2) =	vadd.scan.msk.f32 $0xffff, v18  }
0x39f: {  	v18 =	vld [tilespmem:s28+$0x4520];
	v12 =	vbroadcast v12, $0xF;
	v8 =	vmul.f32 v8, v7;
	v9 =	vadd.f32 v60, v9;
	[tilespmem:s28+$0xC5D0] =	vst v3  }
0x3a0: {  	v3 =	vbroadcast v46, $0xF;
	v7 =	vmul.f32 v14, v7;
	[tilespmem:s28+$0xC5C0] =	vst v16;
	v14 =	vld [tilespmem:s28+$0x8520];
	v1 =	vadd.f32 v1, v61  }
0x3a1: {  	v6, _, _ =	vpop (xrf2);
	(xrf2) =	vadd.scan.msk.f32 $0xffff, v17;
	v8 =	vadd.f32 v8, v19;
	[tilespmem:s28+$0xC5B0] =	vst v9;
	v9 =	vld [tilespmem:s28+$0x8510]  }
0x3a2: {  	v17 =	vmul.f32 v62, v12;
	v16 =	vmul.f32 v51, v3;
	v5 =	vadd.f32 v7, v5;
	v7 =	vld [tilespmem:s28+$0x8500];
	[tilespmem:s28+$0xC590] =	vst v1  }
0x3a3: {  	v11 =	vmul.f32 v11, v3;
	v0 =	vmul.f32 v0, v12;
	v1 =	vld [tilespmem:s28+$0x44D0];
	[tilespmem:s28+$0xC5A0] =	vst v8  }
0x3a4: {  	v4 =	vmul.f32 v4, v12;
	v8 =	vmul.f32 v50, v3;
	[tilespmem:s28+$0xC580] =	vst v5;
	v5 =	vld [tilespmem:s28+$0x84D0]  }
0x3a5: {  	v0 =	vadd.f32 v0, v11;
	v11 =	vld [tilespmem:s28+$0x84B0]  }
0x3a6: {  	v18 =	vmul.f32 v18, v3;
	v4 =	vadd.f32 v4, v16;
	v19 =	vadd.f32 v17, v8;
	v17 =	vld [tilespmem:s28+$0x44A0]  }
0x3a7: {  	v14 =	vmul.f32 v14, v12;
	[tilespmem:s28+$0xC550] =	vst v0;
	v0 =	vbroadcast v6, $0xF;
	v6 =	vld [tilespmem:s28+$0x84A0]  }
0x3a8: {  	v16 =	vmul.f32 v49, v3;
	[tilespmem:s28+$0xC540] =	vst v4;
	v4 =	vld [tilespmem:s28+$0x8490]  }
0x3a9: {  	v9 =	vmul.f32 v9, v12;
	v7 =	vmul.f32 v7, v12;
	v12 =	vadd.f32 v14, v18;
	v14 =	vld [tilespmem:$0x1FBF0]  }
0x3aa: {  	v3 =	vmul.f32 v48, v3;
	v18 =	vld [tilespmem:$0x1FC00]  }
0x3ab: {  	v9 =	vadd.f32 v9, v16;
	v16 =	vld [tilespmem:s28+$0x8480]  }
0x3ac: {  	v10 =	vbroadcast v10, $0xF;
	v3 =	vadd.f32 v7, v3;
	v7 =	vld [tilespmem:s28+$0x8440]  }
0x3ad: {  	[tilespmem:s28+$0xC520] =	vst v12;
	v12 =	vld [tilespmem:$0x1FBE0]  }
0x3ae: {  	(xrf2) =	vadd.scan.msk.f32 $0xffff, v15;
	v15, _, _ =	vpop (xrf2);
	v1 =	vmul.f32 v1, v10;
	[tilespmem:s28+$0xC510] =	vst v9;
	v9 =	vld [tilespmem:s28+$0x4450]  }
0x3af: {  	v8, _, _ =	vpop (xrf2);
	(xrf2) =	vadd.scan.msk.f32 $0xffff, v13;
	v5 =	vmul.f32 v5, v0;
	v13 =	vmul.f32 v17, v10;
	v17 =	vld [tilespmem:s28+$0x8430]  }
0x3b0: {  	v32 =	vadd.f32 v33, v32;
	[tilespmem:s28+$0xC500] =	vst v3;
	v3 =	vld [tilespmem:s28+$0x8450];
	v6 =	vmul.f32 v6, v0  }
0x3b1: {  	v11 =	vmul.f32 v11, v0;
	v1 =	vadd.f32 v5, v1;
	v5 =	vld [tilespmem:$0x1FBD0]  }
0x3b2: {  	[tilespmem:s28+$0xC7B0] =	vst v32;
	v14 =	vmul.f32 v14, v10;
	v18 =	vmul.f32 v18, v0;
	v6 =	vadd.f32 v6, v13;
	v13 =	vld [tilespmem:s28+$0x8420]  }
0x3b3: {  	v4 =	vmul.f32 v4, v0;
	v0 =	vmul.f32 v16, v0;
	v16 =	vld [tilespmem:s28+$0x43A0]  }
0x3b4: {  	[tilespmem:s28+$0xC530] =	vst v19;
	v14 =	vadd.f32 v18, v14;
	v18 =	vld [tilespmem:$0x1FBC0]  }
0x3b5: {  	v8 =	vbroadcast v8, $0xF;
	[tilespmem:s28+$0xC4D0] =	vst v1;
	v19 =	vmul.f32 v12, v10;
	v12, _, _ =	vpop (xrf2);
	(xrf2) =	vadd.scan.msk.f32 $0xffff, v2;
	v2 =	vld [tilespmem:s28+$0x4420]  }
0x3b6: {  	v1 =	vbroadcast v15, $0xF;
	[tilespmem:s28+$0xC4A0] =	vst v6;
	v6 =	vld [tilespmem:s28+$0x8400]  }
0x3b7: {  	[tilespmem:s28+$0xC730] =	vst v63;
	v15 =	vmul.f32 v17, v8;
	v17 =	vld [tilespmem:$0x1FB80];
	v63 =	vmul.f32 v5, v10;
	v11 =	vadd.f32 v11, v19  }
0x3b8: {  	v9 =	vmul.f32 v9, v1;
	[tilespmem:s28+$0xC4C0] =	vst v14;
	v14 =	vld [tilespmem:$0x1FBB0];
	v3 =	vmul.f32 v3, v8  }
0x3b9: {  	v4 =	vadd.f32 v4, v63;
	[tilespmem:s28+$0xC4B0] =	vst v11;
	v11 =	vld [tilespmem:s28+$0x8410]  }
0x3ba: {  	[tilespmem:s28+$0xC7A0] =	vst v31;
	v3 =	vadd.f32 v3, v9;
	v9 =	vld [tilespmem:s28+$0x83B0]  }
0x3bb: {  	v5, _, _ =	vpop (xrf2);
	v13 =	vmul.f32 v13, v8;
	v10 =	vmul.f32 v18, v10;
	[tilespmem:s28+$0xC490] =	vst v4;
	v4 =	vld [tilespmem:$0x1F2A0]  }
0x3bc: {  	v2 =	vmul.f32 v2, v1;
	[tilespmem:s28+$0xC450] =	vst v3;
	v3 =	vbroadcast v5, $0xF;
	v5 =	vld [tilespmem:s28+$0x83A0]  }
0x3bd: {  	v0 =	vadd.f32 v0, v10;
	v10 =	vld [tilespmem:$0x1FBA0]  }
0x3be: {  	v7 =	vmul.f32 v7, v8;
	v14 =	vmul.f32 v14, v1;
	v2 =	vadd.f32 v13, v2;
	v13 =	vld [tilespmem:s28+$0x8380]  }
0x3bf: {  	[tilespmem:s28+$0xC480] =	vst v0;
	v0 =	vld [tilespmem:s28+$0x83D0]  }
0x3c0: {  	v12 =	vbroadcast v12, $0xF;
	v7 =	vadd.f32 v7, v14;
	v14 =	vld [tilespmem:$0x1FB90]  }
0x3c1: {  	v6 =	vmul.f32 v6, v8;
	v11 =	vmul.f32 v11, v8;
	v8 =	vld [tilespmem:$0x1FB60]  }
0x3c2: {  	[tilespmem:s28+$0xC420] =	vst v2;
	v2 =	vld [tilespmem:s28+$0x8340]  }
0x3c3: {  	[tilespmem:s28+$0xC720] =	vst v38;
	v16 =	vmul.f32 v16, v12;
	(xrf2) =	vadd.scan.msk.f32 $0xffff, v4;
	v4 =	vld [tilespmem:s28+$0x43D0];
	v5 =	vmul.f32 v5, v3  }
0x3c4: {  	[tilespmem:s28+$0xC440] =	vst v7;
	v7 =	vld [tilespmem:s28+$0x8390];
	v10 =	vmul.f32 v10, v1  }
0x3c5: {  	v5 =	vadd.f32 v5, v16;
	v16 =	vld [tilespmem:s28+$0x42A0]  }
0x3c6: {  	v14 =	vmul.f32 v14, v1;
	v18 =	vadd.f32 v15, v10;
	v15 =	vld [tilespmem:$0x1F2B0]  }
0x3c7: {  	v1 =	vmul.f32 v17, v1;
	[tilespmem:s28+$0xC3A0] =	vst v5;
	v5 =	vld [tilespmem:s28+$0x8300]  }
0x3c8: {  	v11 =	vadd.f32 v11, v14;
	v14 =	vld [tilespmem:$0x1FB70]  }
0x3c9: {  	v0 =	vmul.f32 v0, v3;
	v4 =	vmul.f32 v4, v12;
	v1 =	vadd.f32 v6, v1;
	v6 =	vld [tilespmem:$0x1FB50]  }
0x3ca: {  	[tilespmem:s28+$0xC410] =	vst v11;
	v11 =	vld [tilespmem:$0x1F2C0]  }
0x3cb: {  	v0 =	vadd.f32 v0, v4;
	[tilespmem:s28+$0xC400] =	vst v1;
	v1 =	vld [tilespmem:s28+$0x8350]  }
0x3cc: {  	v8 =	vmul.f32 v8, v12;
	v4 =	vld [tilespmem:$0x1FB40]  }
0x3cd: {  	v17 =	vmul.f32 v9, v3;
	v7 =	vmul.f32 v7, v3;
	[tilespmem:s28+$0xC3D0] =	vst v0;
	v0 =	vld [tilespmem:$0x1F2D0]  }
0x3ce: {  	(xrf2) =	vadd.scan.msk.f32 $0xffff, v15;
	v15, _, _ =	vpop (xrf2);
	v14 =	vmul.f32 v14, v3;
	v3 =	vmul.f32 v13, v3;
	v13 =	vld [tilespmem:$0x1FB20]  }
0x3cf: {  	v10, _, _ =	vpop (xrf2);
	v6 =	vmul.f32 v6, v12;
	(xrf2) =	vadd.scan.msk.f32 $0xffff, v11;
	v11 =	vld [tilespmem:s28+$0x4350]  }
0x3d0: {  	v8 =	vadd.f32 v14, v8;
	v14 =	vld [tilespmem:s28+$0x8330]  }
0x3d1: {  	[tilespmem:s28+$0xC430] =	vst v18;
	v4 =	vmul.f32 v4, v12;
	v18 =	vadd.f32 v17, v6;
	v17 =	vld [tilespmem:$0x1FB30]  }
0x3d2: {  	v9, _, _ =	vpop (xrf2);
	(xrf2) =	vadd.scan.msk.f32 $0xffff, v0;
	v0 =	vbroadcast v15, $0xF;
	v15 =	vld [tilespmem:s28+$0x4320]  }
0x3d3: {  	[tilespmem:s28+$0xC3C0] =	vst v8;
	v8 =	vbroadcast v9, $0xF;
	v9 =	vbroadcast v10, $0xF;
	v10 =	vld [tilespmem:s28+$0x8320];
	v4 =	vadd.f32 v7, v4  }
0x3d4: {  	v7 =	vld [tilespmem:s28+$0x8310]  }
0x3d5: {  	v13 =	vmul.f32 v13, v0;
	v2 =	vmul.f32 v2, v9;
	[tilespmem:s28+$0xC390] =	vst v4;
	v4 =	vld [tilespmem:$0x1F2E0]  }
0x3d6: {  	v12 =	vmul.f32 v17, v12;
	v17 =	vld [tilespmem:$0x1FAF0]  }
0x3d7: {  	v1 =	vmul.f32 v1, v9;
	v11 =	vmul.f32 v11, v0;
	v2 =	vadd.f32 v2, v13;
	v13 =	vld [tilespmem:$0x1FB00]  }
0x3d8: {  	v3 =	vadd.f32 v3, v12;
	v12 =	vld [tilespmem:$0x1FB10]  }
0x3d9: {  	v1 =	vadd.f32 v1, v11;
	v11 =	vld [tilespmem:s28+$0x82B0]  }
0x3da: {  	[tilespmem:s28+$0xC340] =	vst v2;
	v2 =	vld [tilespmem:s28+$0x8290]  }
0x3db: {  	v6, _, _ =	vpop (xrf2);
	(xrf2) =	vadd.scan.msk.f32 $0xffff, v4;
	v4 =	vld [tilespmem:s28+$0x42D0]  }
0x3dc: {  	v15 =	vmul.f32 v15, v0;
	v10 =	vmul.f32 v10, v9;
	[tilespmem:s28+$0xC380] =	vst v3;
	v3 =	vld [tilespmem:s28+$0x82D0]  }
0x3dd: {  	v5 =	vmul.f32 v5, v9;
	[tilespmem:s28+$0xC350] =	vst v1;
	v1 =	vbroadcast v6, $0xF;
	v6 =	vld [tilespmem:s28+$0x82A0]  }
0x3de: {  	v14 =	vmul.f32 v14, v9;
	v7 =	vmul.f32 v7, v9;
	v9 =	vadd.f32 v10, v15;
	v10 =	vld [tilespmem:$0x1FAD0]  }
0x3df: {  	v15 =	vld [tilespmem:$0x1FAE0];
	v13 =	vmul.f32 v13, v0  }
0x3e0: {  	[tilespmem:s28+$0xC320] =	vst v9;
	v9 =	vld [tilespmem:$0x1FAC0];
	v12 =	vmul.f32 v12, v0  }
0x3e1: {  	[tilespmem:s28+$0xC630] =	vst v23;
	v0 =	vmul.f32 v17, v0;
	v7 =	vadd.f32 v7, v13;
	v13 =	vld [tilespmem:s28+$0x8280]  }
0x3e2: {  	[tilespmem:s28+$0xC3B0] =	vst v18;
	v18 =	vadd.f32 v14, v12;
	v14 =	vld [tilespmem:$0x1F2F0]  }
0x3e3: {  	v0 =	vadd.f32 v5, v0;
	v5 =	vld [tilespmem:s28+$0x8240]  }
0x3e4: {  	v4 =	vmul.f32 v4, v8;
	v3 =	vmul.f32 v3, v1;
	[tilespmem:s28+$0xC310] =	vst v7;
	v7 =	vld [tilespmem:$0x1F300]  }
0x3e5: {  	v10 =	vmul.f32 v10, v8;
	v15 =	vmul.f32 v15, v1;
	[tilespmem:s28+$0xC300] =	vst v0;
	v0 =	vld [tilespmem:s28+$0x8250]  }
0x3e6: {  	v17 =	vmul.f32 v11, v1;
	v9 =	vmul.f32 v9, v8;
	v3 =	vadd.f32 v3, v4;
	v4 =	vld [tilespmem:$0x1FAB0]  }
0x3e7: {  	v16 =	vmul.f32 v16, v8;
	v6 =	vmul.f32 v6, v1;
	v10 =	vadd.f32 v15, v10;
	v15 =	vld [tilespmem:s28+$0x8230]  }
0x3e8: {  	v9 =	vadd.f32 v17, v9;
	v17 =	vld [tilespmem:$0x1FAA0]  }
0x3e9: {  	v6 =	vadd.f32 v6, v16;
	[tilespmem:s28+$0xC2D0] =	vst v3;
	v3 =	vld [tilespmem:$0x1F310]  }
0x3ea: {  	v2 =	vmul.f32 v2, v1;
	v1 =	vmul.f32 v13, v1;
	v13 =	vld [tilespmem:$0x1FA90]  }
0x3eb: {  	[tilespmem:s28+$0xC2A0] =	vst v6;
	v6 =	vld [tilespmem:s28+$0x8200];
	(xrf2) =	vadd.scan.msk.f32 $0xffff, v14;
	v14, _, _ =	vpop (xrf2)  }
0x3ec: {  	[tilespmem:s28+$0xC330] =	vst v18;
	v12, _, _ =	vpop (xrf2);
	(xrf2) =	vadd.scan.msk.f32 $0xffff, v7;
	v7 =	vld [tilespmem:s28+$0x4250]  }
0x3ed: {  	[tilespmem:s28+$0xC2B0] =	vst v9;
	v9 =	vld [tilespmem:s28+$0x8210];
	v18 =	vmul.f32 v4, v8;
	v11, _, _ =	vpop (xrf2)  }
0x3ee: {  	[tilespmem:s28+$0xC2C0] =	vst v10;
	v10 =	vbroadcast v11, $0xF;
	v11 =	vbroadcast v12, $0xF;
	v12 =	vld [tilespmem:s28+$0x8220]  }
0x3ef: {  	v8 =	vmul.f32 v17, v8;
	(xrf2) =	vadd.scan.msk.f32 $0xffff, v3;
	v3 =	vbroadcast v14, $0xF;
	v14 =	vld [tilespmem:s28+$0x4220];
	v2 =	vadd.f32 v2, v18  }
0x3f0: {  	v17 =	vld [tilespmem:$0x1F330]  }
0x3f1: {  	v1 =	vadd.f32 v1, v8;
	[tilespmem:s28+$0xC290] =	vst v2;
	v2 =	vld [tilespmem:s28+$0x41D0]  }
0x3f2: {  	v5 =	vmul.f32 v5, v11;
	v13 =	vmul.f32 v13, v3;
	v8 =	vld [tilespmem:$0x1FA80]  }
0x3f3: {  	v0 =	vmul.f32 v0, v11;
	v7 =	vmul.f32 v7, v3;
	[tilespmem:s28+$0xC280] =	vst v1;
	v1 =	vld [tilespmem:s28+$0x81D0]  }
0x3f4: {  	v5 =	vadd.f32 v5, v13;
	v13 =	vld [tilespmem:$0x1F320];
	v12 =	vmul.f32 v12, v11;
	v14 =	vmul.f32 v14, v3  }
0x3f5: {  	v16 =	vmul.f32 v15, v11;
	v0 =	vadd.f32 v0, v7;
	v7 =	vld [tilespmem:s28+$0x81B0]  }
0x3f6: {  	v6 =	vmul.f32 v6, v11;
	v9 =	vmul.f32 v9, v11;
	v11 =	vadd.f32 v12, v14;
	v12 =	vld [tilespmem:$0x1F340]  }
0x3f7: {  	v4, _, _ =	vpop (xrf2);
	[tilespmem:s28+$0xC250] =	vst v0;
	v14 =	vld [tilespmem:$0x1F350]  }
0x3f8: {  	[tilespmem:s28+$0xC240] =	vst v5;
	v5 =	vld [tilespmem:s28+$0x8190];
	v8 =	vmul.f32 v8, v3;
	v0 =	vbroadcast v4, $0xF  }
0x3f9: {  	v4 =	vld [tilespmem:s28+$0x81A0];
	v13 =	vmul.f32 v13, v3;
	v3 =	vmul.f32 v17, v3  }
0x3fa: {  	v18 =	vadd.f32 v16, v8;
	v16 =	vld [tilespmem:s28+$0x41A0]  }
0x3fb: {  	v3 =	vadd.f32 v6, v3;
	v6 =	vld [tilespmem:$0x1F360]  }
0x3fc: {  	v9 =	vadd.f32 v9, v13;
	v13 =	vld [tilespmem:s28+$0x8180];
	v12 =	vmul.f32 v12, v10;
	v14 =	vmul.f32 v14, v0  }
0x3fd: {  	[tilespmem:s28+$0xC200] =	vst v3;
	v3 =	vld [tilespmem:$0x1F370]  }
0x3fe: {  	v12 =	vadd.f32 v14, v12;
	v14 =	vld [tilespmem:$0x1F380]  }
0x3ff: {  	v2 =	vmul.f32 v2, v10;
	v1 =	vmul.f32 v1, v0  }
0x400: {  	v7 =	vmul.f32 v7, v0;
	v6 =	vmul.f32 v6, v10  }
0x401: {  	v5 =	vmul.f32 v5, v0;
	v4 =	vmul.f32 v4, v0  }
0x402: {  	[tilespmem:s28+$0xC220] =	vst v11;
	v11 =	vld [tilespmem:s28+$0x4150];
	v16 =	vmul.f32 v16, v10;
	v0 =	vmul.f32 v13, v0;
	v6 =	vadd.f32 v7, v6  }
0x403: {  	[tilespmem:s28+$0xC210] =	vst v9;
	v9 =	vld [tilespmem:s28+$0x48A0];
	v3 =	vmul.f32 v3, v10;
	v10 =	vmul.f32 v14, v10  }
0x404: {  	[tilespmem:s28+$0xC1B0] =	vst v6;
	v6 =	vld [tilespmem:$0x1F390]  }
0x405: {  	v1 =	vadd.f32 v1, v2;
	v0 =	vadd.f32 v0, v10;
	v10 =	vld [tilespmem:$0x1F3A0]  }
0x406: {  	v15, _, _ =	vpop (xrf2);
	v14 =	vld [tilespmem:s28+$0x4120]  }
0x407: {  	v8, _, _ =	vpop (xrf2);
	[tilespmem:s28+$0xC1D0] =	vst v1;
	v1 =	vbroadcast v15, $0xF  }
0x408: {  	v2 =	vld [tilespmem:s28+$0x8150];
	v8 =	vbroadcast v8, $0xF  }
0x409: {  	[tilespmem:s28+$0xC1C0] =	vst v12;
	v12 =	vld [tilespmem:s28+$0x8120];
	v3 =	vadd.f32 v5, v3;
	v5 =	vmul.f32 v9, v53;
	v9 =	vmul.f32 v11, v1  }
0x40a: {  	v11 =	vld [tilespmem:$0x1F3B0];
	v6 =	vmul.f32 v6, v1;
	v10 =	vmul.f32 v10, v8  }
0x40b: {  	v4 =	vadd.f32 v4, v16;
	v13 =	vmul.f32 v14, v1;
	v14 =	vld [tilespmem:$0x1F3D0]  }
0x40c: {  	[tilespmem:s28+$0xC230] =	vst v18;
	v6 =	vadd.f32 v10, v6;
	v10 =	vld [tilespmem:$0x1F3C0]  }
0x40d: {  	v7 =	vld [tilespmem:s28+$0x8130];
	[tilespmem:s28+$0xC1A0] =	vst v4  }
0x40e: {  	v2 =	vmul.f32 v2, v8;
	v4 =	vld [tilespmem:s28+$0x4890];
	[tilespmem:s28+$0xC190] =	vst v3  }
0x40f: {  	s30 =	sshll.u32 s29, $0xB;
	v3 =	vld [tilespmem:s28+$0x88A0];
	[tilespmem:s28+$0xC180] =	vst v0  }
0x410: {  	v2 =	vadd.f32 v2, v9;
	v36 =	vld [tilespmem:s30+$0x4100];
	v11 =	vmul.f32 v11, v1  }
0x411: {  	v10 =	vmul.f32 v10, v1;
	v1 =	vmul.f32 v1, v14;
	v14 =	vld [tilespmem:$0x1F3E0]  }
0x412: {  	[tilespmem:s28+$0xC150] =	vst v2;
	v2 =	vld [tilespmem:$0x1F3F0]  }
0x413: {  	v9 =	vld [tilespmem:s28+$0x4880];
	v7 =	vmul.f32 v7, v8  }
0x414: {  	v0 =	vld [tilespmem:s28+$0x8890]  }
0x415: {  	v12 =	vmul.f32 v12, v8;
	v7 =	vadd.f32 v7, v11;
	v11 =	vld [tilespmem:s28+$0x8880]  }
0x416: {  	v14 =	vmul.f32 v14, v8  }
0x417: {  	v37 =	vld [tilespmem:s30+$0x8100];
	v2 =	vmul.f32 v8, v2;
	[tilespmem:s28+$0xC140] =	vst v6;
	v8 =	vadd.f32 v12, v13  }
0x418: {  	v3 =	vmul.f32 v3, v52;
	v39 =	vld [tilespmem:s30+$0x4110];
	[tilespmem:s28+$0xC130] =	vst v7;
	v6 =	vadd.f32 v14, v10  }
0x419: {  	v4 =	vmul.f32 v4, v53;
	v0 =	vmul.f32 v0, v52;
	v38 =	vld [tilespmem:s30+$0x8110];
	v1 =	vadd.f32 v2, v1;
	[tilespmem:s28+$0xC120] =	vst v8  }
0x41a: {  	v3 =	vadd.f32 v3, v5;
	v5 =	vmul.f32 v11, v52;
	v2 =	vmul.f32 v9, v53;
	v40 =	vld [tilespmem:s30+$0x4130];
	[tilespmem:s28+$0xC110] =	vst v6  }
0x41b: {  	v0 =	vadd.f32 v0, v4;
	v42 =	vld [tilespmem:s30+$0x4140];
	[tilespmem:s28+$0xC100] =	vst v1  }
0x41c: {  	v1 =	vadd.f32 v5, v2;
	v41 =	vld [tilespmem:s30+$0x8140];
	[tilespmem:s28+$0xC8A0] =	vst v3  }
0x41d: {  	v43 =	vld [tilespmem:s30+$0x4180];
	[tilespmem:s28+$0xC890] =	vst v0  }
0x41e: {  	v44 =	vld [tilespmem:s30+$0x4190];
	[tilespmem:s28+$0xC880] =	vst v1;
	s28 =	smov.u32 s30  }
0x41f: {  	v0 =	vld [tilespmem:s28+$0x4230];
	_ =	sdelay $0x4  }
0x420: {  	[tilespmem:$0x1FA80] =	vst v0;
	v0 =	vld [tilespmem:s28+$0x4240];
	_ =	sdelay $0x4  }
0x421: {  	[tilespmem:$0x1FA90] =	vst v0;
	v0 =	vld [tilespmem:s28+$0x4280];
	_ =	sdelay $0x4  }
0x422: {  	[tilespmem:$0x1FAA0] =	vst v0;
	v0 =	vld [tilespmem:s28+$0x4290];
	_ =	sdelay $0x4  }
0x423: {  	[tilespmem:$0x1FAB0] =	vst v0;
	v0 =	vld [tilespmem:s28+$0x42B0];
	_ =	sdelay $0x4  }
0x424: {  	[tilespmem:$0x1FAC0] =	vst v0;
	v0 =	vld [tilespmem:s28+$0x42C0];
	_ =	sdelay $0x4  }
0x425: {  	[tilespmem:$0x1FAD0] =	vst v0;
	v0 =	vld [tilespmem:s28+$0x82C0];
	_ =	sdelay $0x4  }
0x426: {  	[tilespmem:$0x1FAE0] =	vst v0;
	v0 =	vld [tilespmem:s28+$0x4300];
	_ =	sdelay $0x4  }
0x427: {  	[tilespmem:$0x1FAF0] =	vst v0;
	v0 =	vld [tilespmem:s28+$0x4310];
	_ =	sdelay $0x4  }
0x428: {  	[tilespmem:$0x1FB00] =	vst v0;
	v0 =	vld [tilespmem:s28+$0x4330];
	_ =	sdelay $0x4  }
0x429: {  	[tilespmem:$0x1FB10] =	vst v0;
	v0 =	vld [tilespmem:s28+$0x4340];
	_ =	sdelay $0x4  }
0x42a: {  	[tilespmem:$0x1FB20] =	vst v0;
	v0 =	vld [tilespmem:s28+$0x4380];
	_ =	sdelay $0x4  }
0x42b: {  	[tilespmem:$0x1FB30] =	vst v0;
	v0 =	vld [tilespmem:s28+$0x4390];
	_ =	sdelay $0x4  }
0x42c: {  	[tilespmem:$0x1FB40] =	vst v0;
	v0 =	vld [tilespmem:s28+$0x43B0];
	_ =	sdelay $0x4  }
0x42d: {  	[tilespmem:$0x1FB50] =	vst v0;
	v0 =	vld [tilespmem:s28+$0x43C0];
	_ =	sdelay $0x4  }
0x42e: {  	[tilespmem:$0x1FB60] =	vst v0;
	v0 =	vld [tilespmem:s28+$0x83C0];
	_ =	sdelay $0x4  }
0x42f: {  	[tilespmem:$0x1FB70] =	vst v0;
	v0 =	vld [tilespmem:s28+$0x4400];
	_ =	sdelay $0x4  }
0x430: {  	[tilespmem:$0x1FB80] =	vst v0;
	v0 =	vld [tilespmem:s28+$0x4410];
	_ =	sdelay $0x4  }
0x431: {  	[tilespmem:$0x1FB90] =	vst v0;
	v0 =	vld [tilespmem:s28+$0x4430];
	_ =	sdelay $0x3  }
0x432: {  	v45 =	vld [tilespmem:s28+$0x41B0]  }
0x433: {  	[tilespmem:$0x1FBA0] =	vst v0;
	v0 =	vld [tilespmem:s28+$0x4440]  }
0x434: {  	v47 =	vld [tilespmem:s28+$0x41C0]  }
0x435: {  	v46 =	vld [tilespmem:s28+$0x81C0]  }
0x436: {  	v59 =	vld [tilespmem:s28+$0x4200]  }
0x437: {  	v63 =	vld [tilespmem:s28+$0x4210]  }
0x438: {  	[tilespmem:$0x1FBB0] =	vst v0;
	v0 =	vld [tilespmem:s28+$0x4480]  }
0x439: {  	v48 =	vld [tilespmem:s28+$0x4500]  }
0x43a: {  	v49 =	vld [tilespmem:s28+$0x4510]  }
0x43b: {  	v50 =	vld [tilespmem:s28+$0x4530]  }
0x43c: {  	v51 =	vld [tilespmem:s28+$0x4540]  }
0x43d: {  	[tilespmem:$0x1FBC0] =	vst v0;
	v0 =	vld [tilespmem:s28+$0x4490]  }
0x43e: {  	v54 =	vld [tilespmem:s28+$0x4580]  }
0x43f: {  	v55 =	vld [tilespmem:s28+$0x4590]  }
0x440: {  	v56 =	vld [tilespmem:s28+$0x45B0]  }
0x441: {  	v58 =	vld [tilespmem:s28+$0x45C0]  }
0x442: {  	[tilespmem:$0x1FBD0] =	vst v0;
	v0 =	vld [tilespmem:s28+$0x44B0]  }
0x443: {  	v57 =	vld [tilespmem:s28+$0x85C0]  }
0x444: {  	v60 =	vld [tilespmem:s28+$0x4600]  }
0x445: {  	v61 =	vld [tilespmem:s28+$0x4610]  }
0x446: {  	v62 =	vld [tilespmem:s28+$0x4630]  }
0x447: {  	[tilespmem:$0x1FBE0] =	vst v0;
	v0 =	vld [tilespmem:s28+$0x44C0]  }
0x448: {  	v1 =	vld [tilespmem:s28+$0x4640]  }
0x449: {  	v4 =	vld [tilespmem:s28+$0x4680]  }
0x44a: {  	v6 =	vld [tilespmem:s28+$0x4690]  }
0x44b: {  	v16 =	vld [tilespmem:s28+$0x46B0]  }
0x44c: {  	p0 =	sne.s32 s29, $0x7;
	[tilespmem:$0x1FBF0] =	vst v0;
	v0 =	vld [tilespmem:s28+$0x84C0]  }
.Ltmp0:
0x44d: {  	v9 =	vld [tilespmem:s28+$0x46C0];
	(pc) =	sbr.rel @p0 .LBB2_2-.Ltmp0, $4  }
0x44e: {  	s30 =	sshll.u32 s29, $0x4;
	v5 =	vld [tilespmem:s28+$0x86C0]  }
0x44f: {  	v52 =	vld [tilespmem:s30+$0x4000]  }
0x450: {  	v12 =	vld [tilespmem:s28+$0x4700]  }
0x451: {  	s29 =	sadd.s32 $0x1, s29;
	v14 =	vld [tilespmem:s28+$0x4710];
	[tilespmem:$0x1FC00] =	vst v0  }
0x452: {  	v0 =	vld [tilespmem:s30+$0x4080];
	_ =	sdelay $0x3  }
0x453: {  	v3 =	vsel vm0, $0x0, v52  }
0x454: {  	(xrf2) =	vadd.scan.msk.f32 $0xffff, v3;
	v31 =	vsel vm0, $0x0, v0  }
0x455: {  	(xrf2) =	vadd.scan.msk.f32 $0xffff, v31;
	_ =	sdelay $0x6  }
0x456: {  	v22 =	vld [tilespmem:s28+$0x48C0]  }
0x457: {  	v23 =	vld [tilespmem:s28+$0x88C0];
	v32 =	vsel vm14, $0x0, v52  }
0x458: {  	v33 =	vsel vm14, $0x0, v0;
	(xrf2) =	vadd.scan.msk.f32 $0xffff, v32;
	v34, _, _ =	vpop (xrf2)  }
0x459: {  	(xrf2) =	vadd.scan.msk.f32 $0xffff, v33;
	v26, _, _ =	vpop (xrf2)  }
0x45a: {  	v25 =	vld [tilespmem:s28+$0x88D0];
	v3 =	vbroadcast v34, $0xF;
	v53 =	vbroadcast v26, $0xF;
	_ =	sdelay $0x1  }
0x45b: {  	v24 =	vld [tilespmem:s28+$0x48D0];
	v22 =	vmul.f32 v22, v3;
	v23 =	vmul.f32 v23, v53;
	_ =	sdelay $0x1  }
0x45c: {  	v22 =	vadd.f32 v23, v22  }
0x45d: {  	v17 =	vld [tilespmem:s28+$0x4810];
	v25 =	vmul.f32 v25, v53  }
0x45e: {  	v27 =	vld [tilespmem:s28+$0x4850]  }
0x45f: {  	v29 =	vld [tilespmem:s28+$0x8850];
	v24 =	vmul.f32 v24, v3  }
0x460: {  	v18 =	vld [tilespmem:s28+$0x4820];
	[tilespmem:s28+$0xC8C0] =	vst v22;
	v22, _, _ =	vpop (xrf2)  }
0x461: {  	v19 =	vld [tilespmem:s28+$0x8820];
	v24 =	vadd.f32 v25, v24;
	v25, _, _ =	vpop (xrf2)  }
0x462: {  	v20 =	vld [tilespmem:s28+$0x4840];
	v35 =	vsel vm13, $0x0, v52;
	v22 =	vbroadcast v22, $0xF;
	v25 =	vbroadcast v25, $0xF  }
0x463: {  	v30 =	vld [tilespmem:s28+$0x8830];
	(xrf2) =	vadd.scan.msk.f32 $0xffff, v35  }
0x464: {  	v31 =	vld [tilespmem:s28+$0x4800];
	[tilespmem:s28+$0xC8D0] =	vst v24;
	v24 =	vmul.f32 v27, v22;
	v27 =	vmul.f32 v29, v25;
	v29 =	vsel vm13, $0x0, v0  }
0x465: {  	v26 =	vld [tilespmem:s28+$0x4830];
	(xrf2) =	vadd.scan.msk.f32 $0xffff, v29  }
0x466: {  	v32 =	vld [tilespmem:s28+$0x8800]  }
0x467: {  	v23 =	vld [tilespmem:s28+$0x8810]  }
0x468: {  	v2 =	vld [tilespmem:s28+$0x4730];
	v20 =	vmul.f32 v20, v22;
	v18 =	vmul.f32 v18, v22;
	v24 =	vadd.f32 v27, v24  }
0x469: {  	v7 =	vld [tilespmem:s28+$0x4740];
	v17 =	vmul.f32 v17, v22;
	v30 =	vmul.f32 v30, v25  }
0x46a: {  	v28 =	vld [tilespmem:s28+$0x8840];
	v19 =	vmul.f32 v19, v25;
	[tilespmem:s28+$0xC850] =	vst v24;
	v24 =	vmul.f32 v26, v22  }
0x46b: {  	v33 =	vld [tilespmem:s28+$0x88B0];
	v22 =	vmul.f32 v31, v22;
	v31 =	vmul.f32 v32, v25  }
0x46c: {  	v34 =	vld [tilespmem:s28+$0x47D0];
	v24 =	vadd.f32 v30, v24;
	v30 =	vmul.f32 v23, v25  }
0x46d: {  	v29 =	vld [tilespmem:s28+$0x87D0];
	v18 =	vadd.f32 v19, v18  }
0x46e: {  	v10 =	vld [tilespmem:s28+$0x4790];
	v32, _, _ =	vpop (xrf2);
	v17 =	vadd.f32 v30, v17  }
0x46f: {  	v11 =	vld [tilespmem:s28+$0x47B0];
	[tilespmem:s28+$0xC820] =	vst v18;
	v19 =	vadd.f32 v31, v22;
	v31, _, _ =	vpop (xrf2)  }
0x470: {  	v13 =	vld [tilespmem:s28+$0x47C0];
	[tilespmem:s28+$0xC810] =	vst v17;
	v17 =	vbroadcast v32, $0xF;
	v18 =	vbroadcast v31, $0xF  }
0x471: {  	v15 =	vld [tilespmem:s28+$0x87C0];
	v27 =	vmul.f32 v28, v25;
	v30 =	vmul.f32 v33, v53;
	v32 =	vsel vm12, $0x0, v52  }
0x472: {  	v21 =	vld [tilespmem:s28+$0x48B0];
	(xrf2) =	vadd.scan.msk.f32 $0xffff, v32;
	v33 =	vmul.f32 v34, v17;
	v34 =	vmul.f32 v29, v18;
	v29 =	vsel vm12, $0x0, v0  }
0x473: {  	v35 =	vld [tilespmem:s28+$0x47A0];
	(xrf2) =	vadd.scan.msk.f32 $0xffff, v29  }
0x474: {  	v28 =	vld [tilespmem:s28+$0x87B0];
	v20 =	vadd.f32 v27, v20  }
0x475: {  	[tilespmem:s28+$0xC830] =	vst v24;
	v24 =	vld [tilespmem:s28+$0x8780]  }
0x476: {  	[tilespmem:s28+$0xC840] =	vst v20;
	v20 =	vld [tilespmem:s28+$0x8790]  }
0x477: {  	v21 =	vmul.f32 v21, v3;
	v27 =	vld [tilespmem:s28+$0x87A0];
	v13 =	vmul.f32 v13, v17  }
0x478: {  	v8 =	vld [tilespmem:s28+$0x4780];
	v11 =	vmul.f32 v11, v17;
	v32 =	vmul.f32 v35, v17  }
0x479: {  	v25 =	vld [tilespmem:s28+$0x8740];
	v21 =	vadd.f32 v30, v21;
	v10 =	vmul.f32 v10, v17;
	v15 =	vmul.f32 v15, v18  }
0x47a: {  	v22 =	vld [tilespmem:s28+$0x4750];
	[tilespmem:s28+$0xC800] =	vst v19;
	v31 =	vmul.f32 v28, v18;
	v35 =	vmul.f32 v24, v18  }
0x47b: {  	v23 =	vld [tilespmem:s28+$0x8720];
	[tilespmem:s28+$0xC8B0] =	vst v21;
	v24 =	vsel vm11, $0x0, v52;
	v19 =	vadd.f32 v34, v33;
	v34 =	vmul.f32 v20, v18  }
0x47c: {  	v30 =	vld [tilespmem:s28+$0x8750];
	v13 =	vadd.f32 v15, v13;
	v33 =	vmul.f32 v27, v18;
	v27 =	vsel vm11, $0x0, v0;
	v18, _, _ =	vpop (xrf2);
	(xrf2) =	vadd.scan.msk.f32 $0xffff, v24  }
0x47d: {  	v21 =	vld [tilespmem:s28+$0x8730];
	[tilespmem:s28+$0xC7D0] =	vst v19;
	v10 =	vadd.f32 v34, v10;
	v20, _, _ =	vpop (xrf2);
	(xrf2) =	vadd.scan.msk.f32 $0xffff, v27  }
0x47e: {  	v11 =	vadd.f32 v31, v11;
	v19 =	vld [tilespmem:s28+$0x4720];
	[tilespmem:s28+$0xC7C0] =	vst v13  }
0x47f: {  	v8 =	vmul.f32 v8, v17;
	v17 =	vld [tilespmem:s28+$0x8710];
	v13 =	vadd.f32 v33, v32;
	[tilespmem:s28+$0xC790] =	vst v10;
	v10 =	vbroadcast v18, $0xF  }
0x480: {  	v15 =	vld [tilespmem:s28+$0x8700];
	[tilespmem:s28+$0xC7B0] =	vst v11  }
0x481: {  	[tilespmem:s28+$0xC7A0] =	vst v13;
	v13 =	vld [tilespmem:s28+$0x86A0];
	v28 =	vmul.f32 v22, v10;
	v11 =	vbroadcast v20, $0xF  }
0x482: {  	v24 =	vld [tilespmem:s28+$0x46A0];
	v7 =	vmul.f32 v7, v10;
	v2 =	vmul.f32 v2, v10  }
0x483: {  	v8 =	vadd.f32 v35, v8;
	v18 =	vld [tilespmem:s28+$0x46D0];
	v33 =	vmul.f32 v19, v10;
	v29 =	vmul.f32 v30, v11  }
0x484: {  	v22 =	vld [tilespmem:s28+$0x86B0];
	v35 =	vmul.f32 v14, v10;
	v31 =	vmul.f32 v25, v11  }
0x485: {  	[tilespmem:s28+$0xC780] =	vst v8;
	v19 =	vld [tilespmem:s28+$0x8690];
	v10 =	vmul.f32 v12, v10;
	v8 =	vadd.f32 v29, v28;
	v28 =	vsel vm10, $0x0, v52  }
0x486: {  	v12 =	vld [tilespmem:s28+$0x8640];
	v34 =	vmul.f32 v23, v11;
	v7 =	vadd.f32 v31, v7;
	v31 =	vsel vm10, $0x0, v0;
	v23, _, _ =	vpop (xrf2);
	(xrf2) =	vadd.scan.msk.f32 $0xffff, v28  }
0x487: {  	v14 =	vld [tilespmem:s28+$0x4620];
	v26, _, _ =	vpop (xrf2);
	(xrf2) =	vadd.scan.msk.f32 $0xffff, v31  }
0x488: {  	v30 =	vld [tilespmem:s28+$0x86D0];
	v27 =	vbroadcast v23, $0xF  }
0x489: {  	v20 =	vld [tilespmem:s28+$0x8620];
	v32 =	vmul.f32 v21, v11;
	v21 =	vmul.f32 v17, v11;
	[tilespmem:s28+$0xC740] =	vst v7;
	v7 =	vadd.f32 v34, v33  }
0x48a: {  	v25 =	vld [tilespmem:s28+$0x8680];
	v11 =	vmul.f32 v15, v11;
	v29 =	vmul.f32 v18, v27  }
0x48b: {  	v15 =	vld [tilespmem:s28+$0x45A0];
	v2 =	vadd.f32 v32, v2;
	[tilespmem:s28+$0xC720] =	vst v7;
	v9 =	vmul.f32 v9, v27;
	v7 =	vbroadcast v26, $0xF  }
0x48c: {  	v10 =	vadd.f32 v11, v10;
	v32 =	vld [tilespmem:s28+$0x4650];
	v34 =	vmul.f32 v16, v27;
	v16 =	vmul.f32 v24, v27  }
0x48d: {  	v11 =	vld [tilespmem:s28+$0x8630];
	[tilespmem:s28+$0xC730] =	vst v2;
	v2 =	vadd.f32 v21, v35;
	v4 =	vmul.f32 v4, v27;
	v30 =	vmul.f32 v30, v7  }
0x48e: {  	v33 =	vld [tilespmem:s28+$0x8650];
	v5 =	vmul.f32 v5, v7;
	v35 =	vmul.f32 v22, v7  }
0x48f: {  	v23 =	vld [tilespmem:s28+$0x8610];
	[tilespmem:s28+$0xC710] =	vst v2;
	v18 =	vmul.f32 v13, v7;
	v2 =	vadd.f32 v30, v29;
	v29 =	vsel vm9, $0x0, v52  }
0x490: {  	v31 =	vld [tilespmem:s28+$0x45D0];
	v22 =	vmul.f32 v19, v7;
	v7 =	vmul.f32 v25, v7;
	v30 =	vsel vm9, $0x0, v0;
	v24, _, _ =	vpop (xrf2);
	(xrf2) =	vadd.scan.msk.f32 $0xffff, v29  }
0x491: {  	v21 =	vmul.f32 v6, v27;
	v26 =	vld [tilespmem:s28+$0x8600];
	v5 =	vadd.f32 v5, v9;
	v25, _, _ =	vpop (xrf2);
	(xrf2) =	vadd.scan.msk.f32 $0xffff, v30  }
0x492: {  	v4 =	vadd.f32 v7, v4;
	v7 =	vld [tilespmem:s28+$0x8540];
	[tilespmem:s28+$0xC6D0] =	vst v2;
	v2 =	vadd.f32 v35, v34;
	v27 =	vbroadcast v24, $0xF  }
0x493: {  	[tilespmem:s28+$0xC6C0] =	vst v5;
	v34 =	vld [tilespmem:s28+$0x85D0]  }
0x494: {  	v5 =	vadd.f32 v18, v16;
	v18 =	vld [tilespmem:s28+$0x85A0];
	[tilespmem:s28+$0xC6B0] =	vst v2;
	v2 =	vadd.f32 v22, v21;
	v32 =	vmul.f32 v32, v27  }
0x495: {  	v1 =	vmul.f32 v1, v27;
	v21 =	vld [tilespmem:s28+$0x8590];
	v28 =	vbroadcast v25, $0xF  }
0x496: {  	v16 =	vmul.f32 v62, v27;
	v62 =	vld [tilespmem:s28+$0x8520];
	[tilespmem:s28+$0xC690] =	vst v2;
	v2 =	vmul.f32 v60, v27  }
0x497: {  	v25 =	vld [tilespmem:s28+$0x8580];
	v33 =	vmul.f32 v33, v28;
	v35 =	vmul.f32 v12, v28  }
0x498: {  	v60 =	vld [tilespmem:s28+$0x4520];
	v17 =	vmul.f32 v11, v28;
	v20 =	vmul.f32 v20, v28  }
0x499: {  	[tilespmem:s28+$0xC6A0] =	vst v5;
	v12 =	vld [tilespmem:s28+$0x85B0];
	v23 =	vmul.f32 v23, v28;
	v5 =	vmul.f32 v26, v28;
	v28 =	vsel vm8, $0x0, v52  }
0x49a: {  	v29 =	vsel vm8, $0x0, v0;
	[tilespmem:s28+$0xC680] =	vst v4;
	v4 =	vadd.f32 v33, v32;
	v32 =	vld [tilespmem:s28+$0x4550];
	v24, _, _ =	vpop (xrf2);
	(xrf2) =	vadd.scan.msk.f32 $0xffff, v28  }
0x49b: {  	v19 =	vmul.f32 v14, v27;
	v1 =	vadd.f32 v35, v1;
	v35 =	vld [tilespmem:s28+$0x8550];
	v26, _, _ =	vpop (xrf2);
	(xrf2) =	vadd.scan.msk.f32 $0xffff, v29  }
0x49c: {  	v22 =	vmul.f32 v61, v27;
	v28 =	vld [tilespmem:s28+$0x84B0];
	v27 =	vbroadcast v24, $0xF  }
0x49d: {  	[tilespmem:s28+$0xC640] =	vst v1;
	v1 =	vadd.f32 v20, v19;
	v24 =	vld [tilespmem:s28+$0x44D0]  }
0x49e: {  	v6 =	vmul.f32 v54, v27;
	v54 =	vld [tilespmem:s28+$0x8440]  }
0x49f: {  	[tilespmem:s28+$0xC620] =	vst v1;
	v29 =	vld [tilespmem:s28+$0x44A0];
	v1 =	vbroadcast v26, $0xF  }
0x4a0: {  	[tilespmem:s28+$0xC650] =	vst v4;
	v4 =	vadd.f32 v17, v16;
	v30 =	vmul.f32 v31, v27;
	v33 =	vmul.f32 v58, v27;
	v26 =	vld [tilespmem:s28+$0x84D0]  }
0x4a1: {  	v2 =	vadd.f32 v5, v2;
	v31 =	vmul.f32 v34, v1;
	v34 =	vmul.f32 v57, v1;
	v57 =	vld [tilespmem:s28+$0x8530]  }
0x4a2: {  	[tilespmem:s28+$0xC630] =	vst v4;
	v4 =	vadd.f32 v23, v22;
	v58 =	vmul.f32 v56, v27;
	v11 =	vmul.f32 v18, v1;
	v18 =	vld [tilespmem:s28+$0x8510]  }
0x4a3: {  	v22 =	vsel vm7, $0x0, v52;
	v12 =	vmul.f32 v12, v1;
	v17 =	vmul.f32 v21, v1;
	v21 =	vld [tilespmem:s28+$0x8500]  }
0x4a4: {  	v61 =	vmul.f32 v15, v27;
	v23 =	vsel vm7, $0x0, v0;
	v5 =	vadd.f32 v31, v30;
	v31 =	vld [tilespmem:s28+$0x84A0];
	v19, _, _ =	vpop (xrf2);
	(xrf2) =	vadd.scan.msk.f32 $0xffff, v22  }
0x4a5: {  	[tilespmem:s28+$0xC610] =	vst v4;
	v4 =	vadd.f32 v12, v58;
	v58 =	vld [tilespmem:$0x1FBF0];
	v20, _, _ =	vpop (xrf2);
	(xrf2) =	vadd.scan.msk.f32 $0xffff, v23  }
0x4a6: {  	v11 =	vadd.f32 v11, v61;
	v61 =	vld [tilespmem:s28+$0x8450];
	v14 =	vbroadcast v19, $0xF  }
0x4a7: {  	v16 =	vmul.f32 v55, v27;
	v22 =	vld [tilespmem:$0x1FBD0]  }
0x4a8: {  	v1 =	vmul.f32 v25, v1;
	v19 =	vld [tilespmem:s28+$0x4420];
	v25 =	vmul.f32 v32, v14  }
0x4a9: {  	[tilespmem:s28+$0xC600] =	vst v2;
	v27 =	vmul.f32 v51, v14;
	v30 =	vmul.f32 v50, v14;
	v32 =	vld [tilespmem:s28+$0x8490]  }
0x4aa: {  	v2 =	vadd.f32 v34, v33;
	[tilespmem:s28+$0xC5D0] =	vst v5;
	v5 =	vmul.f32 v60, v14;
	v33 =	vmul.f32 v49, v14;
	v60 =	vld [tilespmem:$0x1FC00]  }
0x4ab: {  	[tilespmem:s28+$0xC5A0] =	vst v11;
	v14 =	vmul.f32 v48, v14;
	v48 =	vld [tilespmem:$0x1FBA0];
	v11 =	vbroadcast v20, $0xF  }
0x4ac: {  	v23 =	vld [tilespmem:$0x1FBC0]  }
0x4ad: {  	[tilespmem:s28+$0xC750] =	vst v8;
	v55 =	vsel vm6, $0x0, v52;
	v8 =	vmul.f32 v35, v11;
	v35 =	vld [tilespmem:s28+$0x8480]  }
0x4ae: {  	[tilespmem:s28+$0xC700] =	vst v10;
	v56 =	vsel vm6, $0x0, v0;
	v10 =	vmul.f32 v57, v11;
	v57 =	vld [tilespmem:s28+$0x4450];
	v34, _, _ =	vpop (xrf2);
	(xrf2) =	vadd.scan.msk.f32 $0xffff, v55  }
0x4af: {  	[tilespmem:s28+$0xC5C0] =	vst v2;
	v2 =	vmul.f32 v62, v11;
	v62 =	vld [tilespmem:s28+$0x8430];
	v49, _, _ =	vpop (xrf2);
	(xrf2) =	vadd.scan.msk.f32 $0xffff, v56  }
0x4b0: {  	v7 =	vmul.f32 v7, v11;
	v13 =	vmul.f32 v18, v11;
	v18 =	vld [tilespmem:$0x1FBE0]  }
0x4b1: {  	v1 =	vadd.f32 v1, v6;
	v6 =	vmul.f32 v21, v11;
	v21 =	vld [tilespmem:s28+$0x8420]  }
0x4b2: {  	v7 =	vadd.f32 v7, v27;
	v27 =	vld [tilespmem:s28+$0x8400]  }
0x4b3: {  	v9 =	vadd.f32 v10, v30;
	v30 =	vld [tilespmem:s28+$0x43D0]  }
0x4b4: {  	[tilespmem:s28+$0xC5B0] =	vst v4;
	v4 =	vadd.f32 v17, v16;
	v10 =	vadd.f32 v13, v33;
	v33 =	vld [tilespmem:$0x1FBB0]  }
0x4b5: {  	[tilespmem:s28+$0xC580] =	vst v1;
	v2 =	vadd.f32 v2, v5;
	v55 =	vld [tilespmem:s28+$0x8380];
	v50 =	vbroadcast v34, $0xF;
	v51 =	vbroadcast v49, $0xF  }
0x4b6: {  	[tilespmem:s28+$0xC590] =	vst v4;
	v4 =	vadd.f32 v8, v25;
	v6 =	vadd.f32 v6, v14;
	v34 =	vld [tilespmem:s28+$0x83B0]  }
0x4b7: {  	[tilespmem:s28+$0xC520] =	vst v2;
	v12 =	vmul.f32 v24, v50;
	v24 =	vld [tilespmem:s28+$0x8410];
	v8 =	vmul.f32 v28, v51;
	v28 =	vsel vm5, $0x0, v52  }
0x4b8: {  	v20 =	vmul.f32 v29, v50;
	v2 =	vmul.f32 v23, v50;
	v29 =	vsel vm5, $0x0, v0;
	v23 =	vld [tilespmem:$0x1FB50];
	v25, _, _ =	vpop (xrf2);
	(xrf2) =	vadd.scan.msk.f32 $0xffff, v28  }
0x4b9: {  	[tilespmem:s28+$0xC540] =	vst v7;
	v56 =	vld [tilespmem:$0x1FB80];
	v1 =	vmul.f32 v26, v51;
	v26, _, _ =	vpop (xrf2);
	(xrf2) =	vadd.scan.msk.f32 $0xffff, v29  }
0x4ba: {  	[tilespmem:s28+$0xC500] =	vst v6;
	v6 =	vmul.f32 v58, v50;
	v49 =	vld [tilespmem:s28+$0x83A0]  }
0x4bb: {  	[tilespmem:s28+$0xC510] =	vst v10;
	v10 =	vmul.f32 v60, v51;
	v7 =	vmul.f32 v32, v51;
	v32 =	vld [tilespmem:s28+$0x83D0]  }
0x4bc: {  	[tilespmem:s28+$0xC550] =	vst v4;
	v4 =	vmul.f32 v31, v51;
	v5 =	vmul.f32 v35, v51;
	v35 =	vld [tilespmem:s28+$0x43A0]  }
0x4bd: {  	v51 =	vld [tilespmem:$0x1FB90];
	v6 =	vadd.f32 v10, v6;
	v10 =	vmul.f32 v18, v50  }
0x4be: {  	v4 =	vadd.f32 v4, v20;
	v18 =	vld [tilespmem:s28+$0x4350]  }
0x4bf: {  	v20 =	vld [tilespmem:$0x1FB70];
	v8 =	vadd.f32 v8, v10  }
0x4c0: {  	v1 =	vadd.f32 v1, v12;
	v28 =	vld [tilespmem:$0x1FB30];
	[tilespmem:s28+$0xC4A0] =	vst v4;
	v10 =	vbroadcast v25, $0xF;
	v4 =	vbroadcast v26, $0xF  }
0x4c1: {  	v16 =	vsel vm4, $0x0, v52;
	v17 =	vsel vm4, $0x0, v0;
	[tilespmem:s28+$0xC4B0] =	vst v8;
	v8 =	vmul.f32 v22, v50;
	v50 =	vld [tilespmem:s28+$0x8390]  }
0x4c2: {  	[tilespmem:s28+$0xC4D0] =	vst v1;
	v1 =	vmul.f32 v19, v10;
	v19 =	vld [tilespmem:$0x1FB60];
	v11 =	vmul.f32 v54, v4;
	v54, _, _ =	vpop (xrf2);
	(xrf2) =	vadd.scan.msk.f32 $0xffff, v16  }
0x4c3: {  	v22 =	vld [tilespmem:s28+$0x8330];
	v58, _, _ =	vpop (xrf2);
	(xrf2) =	vadd.scan.msk.f32 $0xffff, v17  }
0x4c4: {  	v31 =	vmul.f32 v57, v10;
	v29 =	vld [tilespmem:s28+$0x8310]  }
0x4c5: {  	v13 =	vmul.f32 v33, v10;
	v26 =	vld [tilespmem:s28+$0x8320];
	v12 =	vmul.f32 v61, v4  }
0x4c6: {  	[tilespmem:s28+$0xC4C0] =	vst v6;
	v7 =	vadd.f32 v7, v8;
	v14 =	vmul.f32 v62, v4;
	v6 =	vmul.f32 v21, v4;
	v62 =	vld [tilespmem:s28+$0x8340]  }
0x4c7: {  	[tilespmem:s28+$0xC530] =	vst v9;
	v9 =	vmul.f32 v24, v4;
	v21 =	vld [tilespmem:s28+$0x8350];
	v11 =	vadd.f32 v11, v13;
	v13 =	vmul.f32 v48, v10  }
0x4c8: {  	[tilespmem:s28+$0xC490] =	vst v7;
	v4 =	vmul.f32 v27, v4;
	v24 =	vld [tilespmem:s28+$0x4320];
	v7 =	vadd.f32 v12, v31;
	v1 =	vadd.f32 v6, v1  }
0x4c9: {  	v27 =	vld [tilespmem:$0x1FB40];
	v13 =	vadd.f32 v14, v13;
	v14 =	vmul.f32 v51, v10;
	v10 =	vmul.f32 v56, v10  }
0x4ca: {  	[tilespmem:s28+$0xC450] =	vst v7;
	v60 =	vbroadcast v54, $0xF;
	v51 =	vld [tilespmem:s28+$0x82B0];
	v61 =	vbroadcast v58, $0xF  }
0x4cb: {  	v33 =	vsel vm3, $0x0, v52;
	[tilespmem:s28+$0xC420] =	vst v1;
	v54 =	vld [tilespmem:s28+$0x42A0];
	v4 =	vadd.f32 v4, v10  }
0x4cc: {  	v56 =	vld [tilespmem:s28+$0x82A0];
	v8 =	vmul.f32 v30, v60;
	v12 =	vmul.f32 v34, v61;
	v34 =	vsel vm3, $0x0, v0;
	v30, _, _ =	vpop (xrf2);
	(xrf2) =	vadd.scan.msk.f32 $0xffff, v33  }
0x4cd: {  	v57 =	vadd.f32 v9, v14;
	v25 =	vmul.f32 v35, v60;
	v1 =	vmul.f32 v28, v60;
	v35 =	vld [tilespmem:s28+$0x42D0];
	v31, _, _ =	vpop (xrf2);
	(xrf2) =	vadd.scan.msk.f32 $0xffff, v34  }
0x4ce: {  	v2 =	vadd.f32 v5, v2;
	v28 =	vld [tilespmem:$0x1FAC0];
	[tilespmem:s28+$0xC400] =	vst v4;
	v4 =	vmul.f32 v19, v60;
	v5 =	vmul.f32 v20, v61  }
0x4cf: {  	[tilespmem:s28+$0xC410] =	vst v57;
	v57 =	vld [tilespmem:s28+$0x8290];
	v7 =	vmul.f32 v49, v61  }
0x4d0: {  	[tilespmem:s28+$0xC480] =	vst v2;
	v58 =	vld [tilespmem:$0x1FB00];
	v4 =	vadd.f32 v5, v4;
	v5 =	vmul.f32 v23, v60  }
0x4d1: {  	[tilespmem:s28+$0xC440] =	vst v11;
	v11 =	vmul.f32 v50, v61;
	v50 =	vld [tilespmem:$0x1FB20];
	v7 =	vadd.f32 v7, v25  }
0x4d2: {  	[tilespmem:s28+$0xC430] =	vst v13;
	v2 =	vmul.f32 v32, v61;
	v32 =	vld [tilespmem:s28+$0x8300];
	v5 =	vadd.f32 v12, v5  }
0x4d3: {  	v6 =	vmul.f32 v55, v61;
	v55 =	vld [tilespmem:$0x1FB10];
	[tilespmem:s28+$0xC3A0] =	vst v7;
	v7 =	vbroadcast v31, $0xF  }
0x4d4: {  	v49 =	vld [tilespmem:s28+$0x82D0];
	v2 =	vadd.f32 v2, v8;
	v13 =	vbroadcast v30, $0xF;
	[tilespmem:s28+$0xC3B0] =	vst v5;
	v5 =	vmul.f32 v27, v60  }
0x4d5: {  	v8 =	vmul.f32 v21, v7;
	v9 =	vmul.f32 v62, v7;
	v62 =	vld [tilespmem:$0x1FAF0];
	v21 =	vsel vm2, $0x0, v52  }
0x4d6: {  	v61 =	vld [tilespmem:s28+$0x8280];
	v10 =	vmul.f32 v50, v13;
	v14 =	vmul.f32 v22, v7;
	v22 =	vsel vm2, $0x0, v0;
	v60, _, _ =	vpop (xrf2);
	(xrf2) =	vadd.scan.msk.f32 $0xffff, v21  }
0x4d7: {  	v20 =	vld [tilespmem:s28+$0x8240];
	v17, _, _ =	vpop (xrf2);
	(xrf2) =	vadd.scan.msk.f32 $0xffff, v22  }
0x4d8: {  	v23 =	vld [tilespmem:s28+$0x4250];
	v48 =	vmul.f32 v18, v13;
	v9 =	vadd.f32 v9, v10;
	v10 =	vmul.f32 v55, v13  }
0x4d9: {  	v1 =	vadd.f32 v6, v1;
	[tilespmem:s28+$0xC3D0] =	vst v2;
	v2 =	vmul.f32 v24, v13;
	v24 =	vld [tilespmem:$0x1FAD0];
	v6 =	vmul.f32 v32, v7  }
0x4da: {  	v25 =	vld [tilespmem:$0x1FAE0];
	v10 =	vadd.f32 v14, v10;
	v14 =	vmul.f32 v58, v13;
	v13 =	vmul.f32 v62, v13  }
0x4db: {  	v27 =	vld [tilespmem:s28+$0x8230];
	v5 =	vadd.f32 v11, v5  }
0x4dc: {  	[tilespmem:s28+$0xC3C0] =	vst v4;
	v50 =	vld [tilespmem:s28+$0x8200];
	v4 =	vmul.f32 v26, v7;
	v18 =	vbroadcast v60, $0xF;
	v6 =	vadd.f32 v6, v13  }
0x4dd: {  	v34 =	vld [tilespmem:$0x1FAA0];
	[tilespmem:s28+$0xC390] =	vst v5;
	v12 =	vmul.f32 v29, v7;
	v19 =	vbroadcast v17, $0xF  }
0x4de: {  	v31 =	vld [tilespmem:s28+$0x8220];
	v5 =	vadd.f32 v8, v48;
	v2 =	vadd.f32 v4, v2;
	[tilespmem:s28+$0xC300] =	vst v6;
	v6 =	vmul.f32 v24, v18  }
0x4df: {  	[tilespmem:s28+$0xC380] =	vst v1;
	v26 =	vld [tilespmem:s28+$0x8250];
	v7 =	vmul.f32 v25, v19;
	v8 =	vmul.f32 v51, v19;
	v51 =	vsel vm1, $0x0, v52  }
0x4e0: {  	v32 =	vld [tilespmem:$0x1FAB0];
	[tilespmem:s28+$0xC350] =	vst v5;
	v30 =	vmul.f32 v54, v18;
	v54 =	vsel vm1, $0x0, v0;
	v48, _, _ =	vpop (xrf2);
	(xrf2) =	vadd.scan.msk.f32 $0xffff, v51  }
0x4e1: {  	v29 =	vld [tilespmem:s28+$0x4220];
	v1 =	vmul.f32 v49, v19;
	v6 =	vadd.f32 v7, v6;
	v7 =	vmul.f32 v28, v18;
	v49, _, _ =	vpop (xrf2);
	(xrf2) =	vadd.scan.msk.f32 $0xffff, v54  }
0x4e2: {  	[tilespmem:s28+$0xC340] =	vst v9;
	v58 =	vld [tilespmem:$0x1FA90];
	v5 =	vmul.f32 v56, v19  }
0x4e3: {  	v55 =	vld [tilespmem:s28+$0x41D0];
	[tilespmem:s28+$0xC320] =	vst v2;
	v11 =	vmul.f32 v35, v18;
	v2 =	vmul.f32 v34, v18;
	v7 =	vadd.f32 v8, v7  }
0x4e4: {  	v60 =	vld [tilespmem:s28+$0x81B0];
	[tilespmem:s28+$0xC330] =	vst v10;
	v33 =	vmul.f32 v57, v19;
	v5 =	vadd.f32 v5, v30;
	v10 =	vbroadcast v48, $0xF  }
0x4e5: {  	v35 =	vld [tilespmem:s28+$0x8210];
	v4 =	vmul.f32 v61, v19;
	v1 =	vadd.f32 v1, v11;
	[tilespmem:s28+$0xC2B0] =	vst v7;
	v7 =	vmul.f32 v32, v18  }
0x4e6: {  	v62 =	vld [tilespmem:$0x1FA80];
	v16 =	vadd.f32 v12, v14;
	[tilespmem:s28+$0xC2A0] =	vst v5;
	v56 =	vmul.f32 v23, v10;
	v5 =	vbroadcast v49, $0xF  }
0x4e7: {  	v0 =	vnsel vm15, $0x0, v0;
	[tilespmem:s28+$0xC2D0] =	vst v1;
	v13 =	vmul.f32 v58, v10;
	v1 =	vmul.f32 v29, v10;
	v23 =	vld [tilespmem:s28+$0x48A0]  }
0x4e8: {  	v22 =	vnsel vm15, $0x0, v52;
	[tilespmem:s28+$0xC310] =	vst v16;
	v16 =	vld [tilespmem:s28+$0x81A0];
	v17 =	vmul.f32 v63, v10;
	v11 =	vmul.f32 v26, v5  }
0x4e9: {  	v57 =	vld [tilespmem:s28+$0x81D0];
	v2 =	vadd.f32 v4, v2;
	[tilespmem:s28+$0xC2C0] =	vst v6;
	v12 =	vmul.f32 v20, v5;
	v6 =	vmul.f32 v31, v5  }
0x4ea: {  	v61 =	vld [tilespmem:s28+$0x41A0];
	v7 =	vadd.f32 v33, v7;
	v14 =	vmul.f32 v27, v5;
	v9 =	vmul.f32 v35, v5;
	v19, _, _ =	vpop (xrf2);
	(xrf2) =	vadd.scan.msk.f32 $0xffff, v22  }
0x4eb: {  	v52 =	vld [tilespmem:s28+$0x4880];
	v4 =	vmul.f32 v50, v5;
	v1 =	vadd.f32 v6, v1;
	v6 =	vbroadcast v19, $0xF;
	v21, _, _ =	vpop (xrf2);
	(xrf2) =	vadd.scan.msk.f32 $0xffff, v0  }
0x4ec: {  	[tilespmem:s28+$0xC280] =	vst v2;
	v18 =	vld [tilespmem:s28+$0x8190];
	v58 =	vmul.f32 v23, v3;
	v12 =	vadd.f32 v12, v13;
	v13 =	vmul.f32 v62, v10  }
0x4ed: {  	v54 =	vld [tilespmem:s28+$0x8880];
	[tilespmem:s28+$0xC290] =	vst v7;
	v7 =	vadd.f32 v11, v56;
	v10 =	vmul.f32 v59, v10;
	v24 =	vmul.f32 v55, v6  }
0x4ee: {  	v20 =	vld [tilespmem:s28+$0x8180];
	[tilespmem:s28+$0xC220] =	vst v1;
	v26 =	vmul.f32 v47, v6;
	v1 =	vbroadcast v21, $0xF  }
0x4ef: {  	v50 =	vld [tilespmem:s28+$0x8890];
	v9 =	vadd.f32 v9, v17;
	[tilespmem:s28+$0xC250] =	vst v7;
	v30 =	vmul.f32 v45, v6;
	v31 =	vmul.f32 v61, v6  }
0x4f0: {  	v13 =	vadd.f32 v14, v13;
	[tilespmem:s28+$0xC240] =	vst v12;
	v33 =	vmul.f32 v44, v6;
	v45 =	vld [tilespmem:s28+$0x4890];
	v2 =	vmul.f32 v57, v1  }
0x4f1: {  	[tilespmem:s28+$0xC210] =	vst v9;
	v4 =	vadd.f32 v4, v10;
	v6 =	vmul.f32 v43, v6;
	v27 =	vmul.f32 v46, v1  }
0x4f2: {  	v25 =	vld [tilespmem:s28+$0x4150];
	[tilespmem:s28+$0xC230] =	vst v13;
	v61 =	vmul.f32 v54, v53;
	v7 =	vmul.f32 v16, v1;
	v0 =	vadd.f32 v2, v24  }
0x4f3: {  	v28 =	vld [tilespmem:s28+$0x8150];
	[tilespmem:s28+$0xC200] =	vst v4;
	v11 =	vmul.f32 v60, v1;
	v34 =	vmul.f32 v18, v1;
	v4 =	vadd.f32 v27, v26  }
0x4f4: {  	v29 =	vld [tilespmem:s28+$0x8130];
	v1 =	vmul.f32 v20, v1;
	v60 =	vmul.f32 v50, v53;
	v43, _, _ =	vpop (xrf2);
	[tilespmem:s28+$0xC1D0] =	vst v0;
	v0 =	vadd.f32 v7, v31  }
0x4f5: {  	v32 =	vld [tilespmem:s28+$0x4120];
	v59 =	vmul.f32 v45, v3;
	v3 =	vmul.f32 v52, v3;
	v9 =	vadd.f32 v11, v30;
	[tilespmem:s28+$0xC1C0] =	vst v4;
	v44, _, _ =	vpop (xrf2)  }
0x4f6: {  	v35 =	vld [tilespmem:s28+$0x8120];
	v1 =	vadd.f32 v1, v6;
	v46 =	vbroadcast v43, $0xF;
	[tilespmem:s28+$0xC1A0] =	vst v0;
	v0 =	vbroadcast v44, $0xF  }
0x4f7: {  	v62 =	vadd.f32 v60, v59;
	[tilespmem:s28+$0xC1B0] =	vst v9  }
0x4f8: {  	v63 =	vadd.f32 v61, v3;
	[tilespmem:s28+$0xC180] =	vst v1;
	v8 =	vmul.f32 v25, v46;
	v2 =	vmul.f32 v28, v0  }
0x4f9: {  	v47 =	vld [tilespmem:s28+$0x88A0];
	v4 =	vadd.f32 v34, v33;
	[tilespmem:s28+$0xC890] =	vst v62;
	v48 =	vmul.f32 v42, v46;
	v49 =	vmul.f32 v41, v0  }
0x4fa: {  	[tilespmem:s28+$0xC880] =	vst v63;
	v51 =	vmul.f32 v40, v46;
	v10 =	vmul.f32 v29, v0;
	v2 =	vadd.f32 v2, v8  }
0x4fb: {  	[tilespmem:s28+$0xC190] =	vst v4;
	v13 =	vmul.f32 v32, v46;
	v7 =	vmul.f32 v35, v0;
	v1 =	vadd.f32 v49, v48  }
0x4fc: {  	v55 =	vmul.f32 v39, v46;
	v56 =	vmul.f32 v38, v0;
	v10 =	vadd.f32 v10, v51;
	[tilespmem:s28+$0xC150] =	vst v2  }
0x4fd: {  	v6 =	vmul.f32 v46, v36;
	v0 =	vmul.f32 v0, v37;
	v7 =	vadd.f32 v7, v13;
	[tilespmem:s28+$0xC140] =	vst v1  }
0x4fe: {  	v4 =	vmul.f32 v47, v53;
	v57 =	vadd.f32 v56, v55;
	[tilespmem:s28+$0xC130] =	vst v10  }
0x4ff: {  	v0 =	vadd.f32 v0, v6;
	[tilespmem:s28+$0xC120] =	vst v7  }
0x500: {  	s26 =	sadd.s32 $0x1, s26;
	v2 =	vadd.f32 v4, v58;
	[tilespmem:s28+$0xC110] =	vst v57  }
0x501: {  	p0 =	sne.s32 s26, s6;
	[tilespmem:s28+$0xC100] =	vst v0  }
.Ltmp1:
0x502: {  	[tilespmem:s28+$0xC8A0] =	vst v2;
	(pc) =	sbr.rel @p0 .LBB2_1-.Ltmp1, $4  }
0x503: {  	[hbm4b:s5+s2] =	stream.linear.scatter [tilespmem:s25], [sflag:$0x2], $0x4000, $0x38;
	[tilespmem:$0x10100] =	vst v63  }
0x504: {  	_ =	swait.ge [sflag:s7], $0x4000  }
0x505: {  	[sflag:s7] =	ssyncset.done $0x0  }
0x506: {  	[sflag:s7] =	ssyncadd.s32 $0xFFFFC000  }
0x507: {  	_ =	sfence.sel $0x180000  }
0x508: {  	[bflag:$0x0] =	sbarrier.arrive $0xFFFF  }
0x509: {  	p0 =	sne.s32 s0, $0x0;
	_ =	strace $0x90000047  }
0x50a: {  	s0 =	sadd.s32 @!p0 $0x100000, s1;
	[bflag:$0x2] =	sbarrier.arrive $0xFFFF  }
0x50b: {  	[sflag:s0] =	ssyncadd.tile.s32 @!p0 $0x1;
	_ =	shalt  }
.Lfunc_end2:
_tile_overlayer_lowered:
.L_overlay_start_2:
0x50c: {  	(tag) =	ssettag $0x2  }
0x50d: {  	s0 =	rddreg [dreg:$0x0];
	s2 =	stileid.u32  }
0x50e: {  	s1 =	rddreg [dreg:$0x1];
	p0 =	sne.s32 s2, $0x0  }
0x50f: {  	s3 =	rddreg [dreg:$0x2];
	[bflag:$0x3] =	sbarrier.arrive $0xFFFF;
	s2 =	simm.s32 @!p0 $0x1C02  }
0x510: {  	[timem:s3], [sflag:s2] =	dma.local @!p0 [hbm:s0], s1  }
0x511: {  	s0 =	simm.s32 @!p0 $0x2  }
0x512: {  	_ =	swait.ge @!p0 [sflag:s0], s1  }
0x513: {  	s1 =	ssub.s32 @!p0 $0x0, s1;
	[sflag:s0] =	ssyncset.done @!p0 $0x0  }
0x514: {  	[sflag:s0] =	ssyncadd.s32 @!p0 s1  }
0x515: {  	[bflag:$0x3] =	sbarrier.arrive $0xFFFF  }
0x516: {  	_ =	shalt  }

</sc_bundles>
